<compile_context>
chip_gen: v7x
topology: tpu7x:2x2x1
jax: 0.10.2.dev20260603
libtpu: 0.0.44.dev20260713+nightly
codegen_flags: <defaults>
</compile_context>

<pallas_src>
import math

import jax
import jax.numpy as jnp
from jax import lax
from jax.experimental import pallas as pl
from jax.experimental.pallas import tpu as pltpu
from jax.experimental.pallas import tpu_sc as plsc

DIM = 64
SCALE = 1.0 / math.sqrt(DIM)
LANES = 16
NUM_CORES = 2
NUM_SUBCORES = 16
VOCAB = 1000000
S = 200
NB = 4096
F_PER_CORE = DIM // NUM_CORES
S_MAX = 13
NRING = 3


def _emb_kernel(xT_hbm, tableT_hbm, out_hbm, *refs):
    idx_bufs = refs[:S_MAX]
    dat_bufs = refs[S_MAX:S_MAX + NRING]
    row_sp, sem_g, sem_w, sem_s = refs[S_MAX + NRING:]
    c = lax.axis_index("c")
    t = lax.axis_index("s")
    s0 = jnp.where(t < 8, t * 13, 104 + (t - 8) * 12)

    for k in range(S_MAX - 1):
        pltpu.sync_copy(xT_hbm.at[s0 + k], idx_bufs[k])

    @pl.when(t < 8)
    def _():
        pltpu.sync_copy(xT_hbm.at[s0 + (S_MAX - 1)], idx_bufs[S_MAX - 1])

    def stage_row(f):
        @pl.when(t == 0)
        def _():
            pltpu.async_copy(tableT_hbm.at[f], row_sp, sem_s)

    def wait_stage():
        @pl.when(t == 0)
        def _():
            pltpu.make_async_copy(tableT_hbm.at[0], row_sp, sem_s).wait()

    def scale_buf(buf):
        def scale_blk(v, c2):
            for u in range(8):
                sl = pl.ds((v * 8 + u) * LANES, LANES)
                buf[sl] = buf[sl] * SCALE
            return c2

        lax.fori_loop(0, NB // (8 * LANES), scale_blk, 0)

    stage_row(c * F_PER_CORE)
    wait_stage()
    plsc.subcore_barrier()

    def fire_gather(k):
        pltpu.async_copy(row_sp.at[idx_bufs[k]], dat_bufs[k % NRING], sem_g)

    def wait_gather(k):
        pltpu.make_async_copy(
            row_sp.at[idx_bufs[k]], dat_bufs[k % NRING], sem_g
        ).wait()

    def fire_write(k, f):
        pltpu.async_copy(dat_bufs[k % NRING], out_hbm.at[s0 + k, f], sem_w)

    def wait_write(k):
        pltpu.make_async_copy(
            dat_bufs[k % NRING], out_hbm.at[0, 0], sem_w
        ).wait()

    def feat_body(j, carry):
        f = c * F_PER_CORE + j

        fire_gather(0)
        fire_gather(1)

        for k in range(S_MAX):
            if k == 9:
                wait_gather(k)

                @pl.when(t < 8)
                def _():
                    scale_buf(dat_bufs[k % NRING])
                    fire_write(k, f)
            elif k in (10, 11):
                wait_gather(k)
            elif k == S_MAX - 1:
                @pl.when(t < 8)
                def _():
                    wait_gather(S_MAX - 1)
            else:
                wait_gather(k)
                scale_buf(dat_bufs[k % NRING])
                fire_write(k, f)

            nk = k + 2
            if nk == S_MAX - 1:
                @pl.when(t < 8)
                def _():
                    wait_write(k - 1)
                    fire_gather(S_MAX - 1)
            elif nk < S_MAX - 1:
                if k >= 1:
                    wait_write(k - 1)
                fire_gather(nk)

        plsc.subcore_barrier()

        @pl.when(j + 1 < F_PER_CORE)
        def _():
            stage_row(f + 1)

        @pl.when(t < 8)
        def _():
            for k in (10, 11, 12):
                scale_buf(dat_bufs[k % NRING])
                fire_write(k, f)

        @pl.when(t >= 8)
        def _():
            for k in (9, 10, 11):
                scale_buf(dat_bufs[k % NRING])
                fire_write(k, f)

        for k in range(NRING):
            wait_write(k)

        @pl.when(j + 1 < F_PER_CORE)
        def _():
            wait_stage()

        plsc.subcore_barrier()
        return carry

    lax.fori_loop(0, F_PER_CORE, feat_body, 0)


@jax.jit
def kernel(x, table):
    xT = x.T.astype(jnp.int32)
    tableT = table.T
    mesh = plsc.VectorSubcoreMesh(core_axis_name="c", subcore_axis_name="s")
    out_phys = pl.kernel(
        _emb_kernel,
        mesh=mesh,
        out_type=jax.ShapeDtypeStruct((S, DIM, NB), jnp.float32),
        scratch_types=(
            [pltpu.VMEM((NB,), jnp.int32) for _ in range(S_MAX)]
            + [pltpu.VMEM((NB,), jnp.float32) for _ in range(NRING)]
            + [
                pltpu.VMEM_SHARED((VOCAB,), jnp.float32),
                pltpu.SemaphoreType.DMA,
                pltpu.SemaphoreType.DMA,
                pltpu.SemaphoreType.DMA,
            ]
        ),
    )(xT, tableT)
    return out_phys.transpose(2, 0, 1)

# --- scband reference (transcript-rebuilt; emitter-appended) ---
"""Pipeline reference for scband-embedding-45320494907968 (READ-ONLY COPY).

The authoritative reference and input builder live on the scoring server;
editing this copy changes nothing except your own understanding.
"""

import math
import jax, jax.numpy as jnp
import numpy as np

VOCAB = 1000000
DIM = 64
PAD_IDX = 0

def setup_inputs(seed: int = 0) -> dict:
    key = jax.random.key(seed)
    k_idx, k_tbl = jax.random.split(key)
    x = jax.random.randint(k_idx, (4096, 200), 0, VOCAB, dtype=jnp.int64) if jax.config.jax_enable_x64 else jax.random.randint(k_idx, (4096, 200), 0, VOCAB, dtype=jnp.int32)
    table = jax.random.normal(k_tbl, (VOCAB, DIM), dtype=jnp.float32)
    # emulate nn.Embedding padding_idx: padding row is zero
    table = table.at[PAD_IDX].set(0.0)
    return {"x": x, "table": table}

def reference(x, table):
    # embedding lookup (gather) followed by scale, matching Embedding.forward
    embedding = jnp.take(table, x, axis=0)
    return embedding / math.sqrt(DIM)

if __name__ == "__main__":
    import jax
    _d = setup_inputs()
    print(jax.jit(kernel)(*tuple(_d.values())))

</pallas_src>

<mosaic_0001>
#map = affine_map<(d0, d1) -> (0, 0)>
#map1 = affine_map<(d0, d1) -> (0, 0, 0)>
module attributes {stable_mosaic.version = 14 : i64} {
  func.func @_emb_kernel(%arg0: i32, %arg1: i32, %arg2: memref<200x4096xi32, #tpu.memory_space<hbm>>, %arg3: memref<64x1000000xf32, #tpu.memory_space<hbm>>, %arg4: memref<200x64x4096xf32, #tpu.memory_space<hbm>>, %arg5: memref<4096xi32, #tpu.memory_space<vmem>>, %arg6: memref<4096xi32, #tpu.memory_space<vmem>>, %arg7: memref<4096xi32, #tpu.memory_space<vmem>>, %arg8: memref<4096xi32, #tpu.memory_space<vmem>>, %arg9: memref<4096xi32, #tpu.memory_space<vmem>>, %arg10: memref<4096xi32, #tpu.memory_space<vmem>>, %arg11: memref<4096xi32, #tpu.memory_space<vmem>>, %arg12: memref<4096xi32, #tpu.memory_space<vmem>>, %arg13: memref<4096xi32, #tpu.memory_space<vmem>>, %arg14: memref<4096xi32, #tpu.memory_space<vmem>>, %arg15: memref<4096xi32, #tpu.memory_space<vmem>>, %arg16: memref<4096xi32, #tpu.memory_space<vmem>>, %arg17: memref<4096xi32, #tpu.memory_space<vmem>>, %arg18: memref<4096xf32, #tpu.memory_space<vmem>>, %arg19: memref<4096xf32, #tpu.memory_space<vmem>>, %arg20: memref<4096xf32, #tpu.memory_space<vmem>>, %arg21: memref<1000000xf32, #tpu.memory_space<vmem_shared>>, %arg22: memref<!tpu.dma_semaphore, #tpu.memory_space<semaphore_mem>>, %arg23: memref<!tpu.dma_semaphore, #tpu.memory_space<semaphore_mem>>, %arg24: memref<!tpu.dma_semaphore, #tpu.memory_space<semaphore_mem>>) attributes {dimension_semantics = [#tpu.dimension_semantics<core_parallel>, #tpu.dimension_semantics<subcore_parallel>], iteration_bounds = array<i64: 2, 16>, scalar_prefetch = 0 : i64, scratch_operands = 20 : i64, tpu.core_type = #tpu.core_type<sc_vector_subcore>, window_params = [{transform_indices = #map}, {transform_indices = #map}, {transform_indices = #map1}]} {
    %lt3A = arith.constant 8 : i32
    %lt3A_0 = arith.cmpi slt, %arg1, %lt3A : i32
    %mul3A = arith.constant 13 : i32
    %mul3A_1 = arith.muli %arg1, %mul3A : i32
    %sub3A = arith.constant 8 : i32
    %sub3A_2 = arith.subi %arg1, %sub3A : i32
    %mul3A_3 = arith.constant 12 : i32
    %mul3A_4 = arith.muli %sub3A_2, %mul3A_3 : i32
    %add3A = arith.constant 104 : i32
    %add3A_5 = arith.addi %add3A, %mul3A_4 : i32
    %select_n3A = arith.select %lt3A_0, %mul3A_1, %add3A_5 : i32
    %add3A_6 = arith.constant 0 : i32
    %add3A_7 = arith.addi %select_n3A, %add3A_6 : i32
    "tpu.region"() ({
      %run_scoped3A = tpu.sem_alloc : memref<!tpu.dma_semaphore, #tpu.memory_space<semaphore_mem>>
      %dma_start3A = arith.constant 0 : i32
      %dma_start3A_49 = tpu.memref_slice %arg2[%add3A_7, %dma_start3A] : memref<200x4096xi32, #tpu.memory_space<hbm>> -> memref<1x4096xi32, #tpu.memory_space<hbm>>
      %dma_start3A_50 = tpu.memref_squeeze %dma_start3A_49 : memref<1x4096xi32, #tpu.memory_space<hbm>> -> memref<4096xi32, #tpu.memory_space<hbm>>
      %dma_start3A_51 = arith.constant 0 : i32
      %dma_start3A_52 = tpu.memref_slice %arg2[%add3A_7, %dma_start3A_51] : memref<200x4096xi32, #tpu.memory_space<hbm>> -> memref<1x4096xi32, #tpu.memory_space<hbm>>
      %dma_start3A_53 = tpu.memref_squeeze %dma_start3A_52 : memref<1x4096xi32, #tpu.memory_space<hbm>> -> memref<4096xi32, #tpu.memory_space<hbm>>
      tpu.enqueue_dma source(%dma_start3A_53 : memref<4096xi32, #tpu.memory_space<hbm>>) target(%arg5 : memref<4096xi32, #tpu.memory_space<vmem>>) target_semaphore(%run_scoped3A : memref<!tpu.dma_semaphore, #tpu.memory_space<semaphore_mem>>)
      %dma_wait3A = arith.constant 0 : i32
      %dma_wait3A_54 = tpu.memref_slice %arg2[%add3A_7, %dma_wait3A] : memref<200x4096xi32, #tpu.memory_space<hbm>> -> memref<1x4096xi32, #tpu.memory_space<hbm>>
      %dma_wait3A_55 = tpu.memref_squeeze %dma_wait3A_54 : memref<1x4096xi32, #tpu.memory_space<hbm>> -> memref<4096xi32, #tpu.memory_space<hbm>>
      %dma_wait3A_56 = arith.constant 0 : i32
      %dma_wait3A_57 = tpu.memref_slice %arg2[%add3A_7, %dma_wait3A_56] : memref<200x4096xi32, #tpu.memory_space<hbm>> -> memref<1x4096xi32, #tpu.memory_space<hbm>>
      %dma_wait3A_58 = tpu.memref_squeeze %dma_wait3A_57 : memref<1x4096xi32, #tpu.memory_space<hbm>> -> memref<4096xi32, #tpu.memory_space<hbm>>
      tpu.wait_dma2 semaphore(%run_scoped3A : memref<!tpu.dma_semaphore, #tpu.memory_space<semaphore_mem>>) src(%dma_wait3A_58 : memref<4096xi32, #tpu.memory_space<hbm>>) dst(%arg5 : memref<4096xi32, #tpu.memory_space<vmem>>)
      tpu.yield
    }) : () -> ()
    %add3A_8 = arith.constant 1 : i32
    %add3A_9 = arith.addi %select_n3A, %add3A_8 : i32
    "tpu.region"() ({
      %run_scoped3A = tpu.sem_alloc : memref<!tpu.dma_semaphore, #tpu.memory_space<semaphore_mem>>
      %dma_start3A = arith.constant 0 : i32
      %dma_start3A_49 = tpu.memref_slice %arg2[%add3A_9, %dma_start3A] : memref<200x4096xi32, #tpu.memory_space<hbm>> -> memref<1x4096xi32, #tpu.memory_space<hbm>>
      %dma_start3A_50 = tpu.memref_squeeze %dma_start3A_49 : memref<1x4096xi32, #tpu.memory_space<hbm>> -> memref<4096xi32, #tpu.memory_space<hbm>>
      %dma_start3A_51 = arith.constant 0 : i32
      %dma_start3A_52 = tpu.memref_slice %arg2[%add3A_9, %dma_start3A_51] : memref<200x4096xi32, #tpu.memory_space<hbm>> -> memref<1x4096xi32, #tpu.memory_space<hbm>>
      %dma_start3A_53 = tpu.memref_squeeze %dma_start3A_52 : memref<1x4096xi32, #tpu.memory_space<hbm>> -> memref<4096xi32, #tpu.memory_space<hbm>>
      tpu.enqueue_dma source(%dma_start3A_53 : memref<4096xi32, #tpu.memory_space<hbm>>) target(%arg6 : memref<4096xi32, #tpu.memory_space<vmem>>) target_semaphore(%run_scoped3A : memref<!tpu.dma_semaphore, #tpu.memory_space<semaphore_mem>>)
      %dma_wait3A = arith.constant 0 : i32
      %dma_wait3A_54 = tpu.memref_slice %arg2[%add3A_9, %dma_wait3A] : memref<200x4096xi32, #tpu.memory_space<hbm>> -> memref<1x4096xi32, #tpu.memory_space<hbm>>
      %dma_wait3A_55 = tpu.memref_squeeze %dma_wait3A_54 : memref<1x4096xi32, #tpu.memory_space<hbm>> -> memref<4096xi32, #tpu.memory_space<hbm>>
      %dma_wait3A_56 = arith.constant 0 : i32
      %dma_wait3A_57 = tpu.memref_slice %arg2[%add3A_9, %dma_wait3A_56] : memref<200x4096xi32, #tpu.memory_space<hbm>> -> memref<1x4096xi32, #tpu.memory_space<hbm>>
      %dma_wait3A_58 = tpu.memref_squeeze %dma_wait3A_57 : memref<1x4096xi32, #tpu.memory_space<hbm>> -> memref<4096xi32, #tpu.memory_space<hbm>>
      tpu.wait_dma2 semaphore(%run_scoped3A : memref<!tpu.dma_semaphore, #tpu.memory_space<semaphore_mem>>) src(%dma_wait3A_58 : memref<4096xi32, #tpu.memory_space<hbm>>) dst(%arg6 : memref<4096xi32, #tpu.memory_space<vmem>>)
      tpu.yield
    }) : () -> ()
    %add3A_10 = arith.constant 2 : i32
    %add3A_11 = arith.addi %select_n3A, %add3A_10 : i32
    "tpu.region"() ({
      %run_scoped3A = tpu.sem_alloc : memref<!tpu.dma_semaphore, #tpu.memory_space<semaphore_mem>>
      %dma_start3A = arith.constant 0 : i32
      %dma_start3A_49 = tpu.memref_slice %arg2[%add3A_11, %dma_start3A] : memref<200x4096xi32, #tpu.memory_space<hbm>> -> memref<1x4096xi32, #tpu.memory_space<hbm>>
      %dma_start3A_50 = tpu.memref_squeeze %dma_start3A_49 : memref<1x4096xi32, #tpu.memory_space<hbm>> -> memref<4096xi32, #tpu.memory_space<hbm>>
      %dma_start3A_51 = arith.constant 0 : i32
      %dma_start3A_52 = tpu.memref_slice %arg2[%add3A_11, %dma_start3A_51] : memref<200x4096xi32, #tpu.memory_space<hbm>> -> memref<1x4096xi32, #tpu.memory_space<hbm>>
      %dma_start3A_53 = tpu.memref_squeeze %dma_start3A_52 : memref<1x4096xi32, #tpu.memory_space<hbm>> -> memref<4096xi32, #tpu.memory_space<hbm>>
      tpu.enqueue_dma source(%dma_start3A_53 : memref<4096xi32, #tpu.memory_space<hbm>>) target(%arg7 : memref<4096xi32, #tpu.memory_space<vmem>>) target_semaphore(%run_scoped3A : memref<!tpu.dma_semaphore, #tpu.memory_space<semaphore_mem>>)
      %dma_wait3A = arith.constant 0 : i32
      %dma_wait3A_54 = tpu.memref_slice %arg2[%add3A_11, %dma_wait3A] : memref<200x4096xi32, #tpu.memory_space<hbm>> -> memref<1x4096xi32, #tpu.memory_space<hbm>>
      %dma_wait3A_55 = tpu.memref_squeeze %dma_wait3A_54 : memref<1x4096xi32, #tpu.memory_space<hbm>> -> memref<4096xi32, #tpu.memory_space<hbm>>
      %dma_wait3A_56 = arith.constant 0 : i32
      %dma_wait3A_57 = tpu.memref_slice %arg2[%add3A_11, %dma_wait3A_56] : memref<200x4096xi32, #tpu.memory_space<hbm>> -> memref<1x4096xi32, #tpu.memory_space<hbm>>
      %dma_wait3A_58 = tpu.memref_squeeze %dma_wait3A_57 : memref<1x4096xi32, #tpu.memory_space<hbm>> -> memref<4096xi32, #tpu.memory_space<hbm>>
      tpu.wait_dma2 semaphore(%run_scoped3A : memref<!tpu.dma_semaphore, #tpu.memory_space<semaphore_mem>>) src(%dma_wait3A_58 : memref<4096xi32, #tpu.memory_space<hbm>>) dst(%arg7 : memref<4096xi32, #tpu.memory_space<vmem>>)
      tpu.yield
    }) : () -> ()
    %add3A_12 = arith.constant 3 : i32
    %add3A_13 = arith.addi %select_n3A, %add3A_12 : i32
    "tpu.region"() ({
      %run_scoped3A = tpu.sem_alloc : memref<!tpu.dma_semaphore, #tpu.memory_space<semaphore_mem>>
      %dma_start3A = arith.constant 0 : i32
      %dma_start3A_49 = tpu.memref_slice %arg2[%add3A_13, %dma_start3A] : memref<200x4096xi32, #tpu.memory_space<hbm>> -> memref<1x4096xi32, #tpu.memory_space<hbm>>
      %dma_start3A_50 = tpu.memref_squeeze %dma_start3A_49 : memref<1x4096xi32, #tpu.memory_space<hbm>> -> memref<4096xi32, #tpu.memory_space<hbm>>
      %dma_start3A_51 = arith.constant 0 : i32
      %dma_start3A_52 = tpu.memref_slice %arg2[%add3A_13, %dma_start3A_51] : memref<200x4096xi32, #tpu.memory_space<hbm>> -> memref<1x4096xi32, #tpu.memory_space<hbm>>
      %dma_start3A_53 = tpu.memref_squeeze %dma_start3A_52 : memref<1x4096xi32, #tpu.memory_space<hbm>> -> memref<4096xi32, #tpu.memory_space<hbm>>
      tpu.enqueue_dma source(%dma_start3A_53 : memref<4096xi32, #tpu.memory_space<hbm>>) target(%arg8 : memref<4096xi32, #tpu.memory_space<vmem>>) target_semaphore(%run_scoped3A : memref<!tpu.dma_semaphore, #tpu.memory_space<semaphore_mem>>)
      %dma_wait3A = arith.constant 0 : i32
      %dma_wait3A_54 = tpu.memref_slice %arg2[%add3A_13, %dma_wait3A] : memref<200x4096xi32, #tpu.memory_space<hbm>> -> memref<1x4096xi32, #tpu.memory_space<hbm>>
      %dma_wait3A_55 = tpu.memref_squeeze %dma_wait3A_54 : memref<1x4096xi32, #tpu.memory_space<hbm>> -> memref<4096xi32, #tpu.memory_space<hbm>>
      %dma_wait3A_56 = arith.constant 0 : i32
      %dma_wait3A_57 = tpu.memref_slice %arg2[%add3A_13, %dma_wait3A_56] : memref<200x4096xi32, #tpu.memory_space<hbm>> -> memref<1x4096xi32, #tpu.memory_space<hbm>>
      %dma_wait3A_58 = tpu.memref_squeeze %dma_wait3A_57 : memref<1x4096xi32, #tpu.memory_space<hbm>> -> memref<4096xi32, #tpu.memory_space<hbm>>
      tpu.wait_dma2 semaphore(%run_scoped3A : memref<!tpu.dma_semaphore, #tpu.memory_space<semaphore_mem>>) src(%dma_wait3A_58 : memref<4096xi32, #tpu.memory_space<hbm>>) dst(%arg8 : memref<4096xi32, #tpu.memory_space<vmem>>)
      tpu.yield
    }) : () -> ()
    %add3A_14 = arith.constant 4 : i32
    %add3A_15 = arith.addi %select_n3A, %add3A_14 : i32
    "tpu.region"() ({
      %run_scoped3A = tpu.sem_alloc : memref<!tpu.dma_semaphore, #tpu.memory_space<semaphore_mem>>
      %dma_start3A = arith.constant 0 : i32
      %dma_start3A_49 = tpu.memref_slice %arg2[%add3A_15, %dma_start3A] : memref<200x4096xi32, #tpu.memory_space<hbm>> -> memref<1x4096xi32, #tpu.memory_space<hbm>>
      %dma_start3A_50 = tpu.memref_squeeze %dma_start3A_49 : memref<1x4096xi32, #tpu.memory_space<hbm>> -> memref<4096xi32, #tpu.memory_space<hbm>>
      %dma_start3A_51 = arith.constant 0 : i32
      %dma_start3A_52 = tpu.memref_slice %arg2[%add3A_15, %dma_start3A_51] : memref<200x4096xi32, #tpu.memory_space<hbm>> -> memref<1x4096xi32, #tpu.memory_space<hbm>>
      %dma_start3A_53 = tpu.memref_squeeze %dma_start3A_52 : memref<1x4096xi32, #tpu.memory_space<hbm>> -> memref<4096xi32, #tpu.memory_space<hbm>>
      tpu.enqueue_dma source(%dma_start3A_53 : memref<4096xi32, #tpu.memory_space<hbm>>) target(%arg9 : memref<4096xi32, #tpu.memory_space<vmem>>) target_semaphore(%run_scoped3A : memref<!tpu.dma_semaphore, #tpu.memory_space<semaphore_mem>>)
      %dma_wait3A = arith.constant 0 : i32
      %dma_wait3A_54 = tpu.memref_slice %arg2[%add3A_15, %dma_wait3A] : memref<200x4096xi32, #tpu.memory_space<hbm>> -> memref<1x4096xi32, #tpu.memory_space<hbm>>
      %dma_wait3A_55 = tpu.memref_squeeze %dma_wait3A_54 : memref<1x4096xi32, #tpu.memory_space<hbm>> -> memref<4096xi32, #tpu.memory_space<hbm>>
      %dma_wait3A_56 = arith.constant 0 : i32
      %dma_wait3A_57 = tpu.memref_slice %arg2[%add3A_15, %dma_wait3A_56] : memref<200x4096xi32, #tpu.memory_space<hbm>> -> memref<1x4096xi32, #tpu.memory_space<hbm>>
      %dma_wait3A_58 = tpu.memref_squeeze %dma_wait3A_57 : memref<1x4096xi32, #tpu.memory_space<hbm>> -> memref<4096xi32, #tpu.memory_space<hbm>>
      tpu.wait_dma2 semaphore(%run_scoped3A : memref<!tpu.dma_semaphore, #tpu.memory_space<semaphore_mem>>) src(%dma_wait3A_58 : memref<4096xi32, #tpu.memory_space<hbm>>) dst(%arg9 : memref<4096xi32, #tpu.memory_space<vmem>>)
      tpu.yield
    }) : () -> ()
    %add3A_16 = arith.constant 5 : i32
    %add3A_17 = arith.addi %select_n3A, %add3A_16 : i32
    "tpu.region"() ({
      %run_scoped3A = tpu.sem_alloc : memref<!tpu.dma_semaphore, #tpu.memory_space<semaphore_mem>>
      %dma_start3A = arith.constant 0 : i32
      %dma_start3A_49 = tpu.memref_slice %arg2[%add3A_17, %dma_start3A] : memref<200x4096xi32, #tpu.memory_space<hbm>> -> memref<1x4096xi32, #tpu.memory_space<hbm>>
      %dma_start3A_50 = tpu.memref_squeeze %dma_start3A_49 : memref<1x4096xi32, #tpu.memory_space<hbm>> -> memref<4096xi32, #tpu.memory_space<hbm>>
      %dma_start3A_51 = arith.constant 0 : i32
      %dma_start3A_52 = tpu.memref_slice %arg2[%add3A_17, %dma_start3A_51] : memref<200x4096xi32, #tpu.memory_space<hbm>> -> memref<1x4096xi32, #tpu.memory_space<hbm>>
      %dma_start3A_53 = tpu.memref_squeeze %dma_start3A_52 : memref<1x4096xi32, #tpu.memory_space<hbm>> -> memref<4096xi32, #tpu.memory_space<hbm>>
      tpu.enqueue_dma source(%dma_start3A_53 : memref<4096xi32, #tpu.memory_space<hbm>>) target(%arg10 : memref<4096xi32, #tpu.memory_space<vmem>>) target_semaphore(%run_scoped3A : memref<!tpu.dma_semaphore, #tpu.memory_space<semaphore_mem>>)
      %dma_wait3A = arith.constant 0 : i32
      %dma_wait3A_54 = tpu.memref_slice %arg2[%add3A_17, %dma_wait3A] : memref<200x4096xi32, #tpu.memory_space<hbm>> -> memref<1x4096xi32, #tpu.memory_space<hbm>>
      %dma_wait3A_55 = tpu.memref_squeeze %dma_wait3A_54 : memref<1x4096xi32, #tpu.memory_space<hbm>> -> memref<4096xi32, #tpu.memory_space<hbm>>
      %dma_wait3A_56 = arith.constant 0 : i32
      %dma_wait3A_57 = tpu.memref_slice %arg2[%add3A_17, %dma_wait3A_56] : memref<200x4096xi32, #tpu.memory_space<hbm>> -> memref<1x4096xi32, #tpu.memory_space<hbm>>
      %dma_wait3A_58 = tpu.memref_squeeze %dma_wait3A_57 : memref<1x4096xi32, #tpu.memory_space<hbm>> -> memref<4096xi32, #tpu.memory_space<hbm>>
      tpu.wait_dma2 semaphore(%run_scoped3A : memref<!tpu.dma_semaphore, #tpu.memory_space<semaphore_mem>>) src(%dma_wait3A_58 : memref<4096xi32, #tpu.memory_space<hbm>>) dst(%arg10 : memref<4096xi32, #tpu.memory_space<vmem>>)
      tpu.yield
    }) : () -> ()
    %add3A_18 = arith.constant 6 : i32
    %add3A_19 = arith.addi %select_n3A, %add3A_18 : i32
    "tpu.region"() ({
      %run_scoped3A = tpu.sem_alloc : memref<!tpu.dma_semaphore, #tpu.memory_space<semaphore_mem>>
      %dma_start3A = arith.constant 0 : i32
      %dma_start3A_49 = tpu.memref_slice %arg2[%add3A_19, %dma_start3A] : memref<200x4096xi32, #tpu.memory_space<hbm>> -> memref<1x4096xi32, #tpu.memory_space<hbm>>
      %dma_start3A_50 = tpu.memref_squeeze %dma_start3A_49 : memref<1x4096xi32, #tpu.memory_space<hbm>> -> memref<4096xi32, #tpu.memory_space<hbm>>
      %dma_start3A_51 = arith.constant 0 : i32
      %dma_start3A_52 = tpu.memref_slice %arg2[%add3A_19, %dma_start3A_51] : memref<200x4096xi32, #tpu.memory_space<hbm>> -> memref<1x4096xi32, #tpu.memory_space<hbm>>
      %dma_start3A_53 = tpu.memref_squeeze %dma_start3A_52 : memref<1x4096xi32, #tpu.memory_space<hbm>> -> memref<4096xi32, #tpu.memory_space<hbm>>
      tpu.enqueue_dma source(%dma_start3A_53 : memref<4096xi32, #tpu.memory_space<hbm>>) target(%arg11 : memref<4096xi32, #tpu.memory_space<vmem>>) target_semaphore(%run_scoped3A : memref<!tpu.dma_semaphore, #tpu.memory_space<semaphore_mem>>)
      %dma_wait3A = arith.constant 0 : i32
      %dma_wait3A_54 = tpu.memref_slice %arg2[%add3A_19, %dma_wait3A] : memref<200x4096xi32, #tpu.memory_space<hbm>> -> memref<1x4096xi32, #tpu.memory_space<hbm>>
      %dma_wait3A_55 = tpu.memref_squeeze %dma_wait3A_54 : memref<1x4096xi32, #tpu.memory_space<hbm>> -> memref<4096xi32, #tpu.memory_space<hbm>>
      %dma_wait3A_56 = arith.constant 0 : i32
      %dma_wait3A_57 = tpu.memref_slice %arg2[%add3A_19, %dma_wait3A_56] : memref<200x4096xi32, #tpu.memory_space<hbm>> -> memref<1x4096xi32, #tpu.memory_space<hbm>>
      %dma_wait3A_58 = tpu.memref_squeeze %dma_wait3A_57 : memref<1x4096xi32, #tpu.memory_space<hbm>> -> memref<4096xi32, #tpu.memory_space<hbm>>
      tpu.wait_dma2 semaphore(%run_scoped3A : memref<!tpu.dma_semaphore, #tpu.memory_space<semaphore_mem>>) src(%dma_wait3A_58 : memref<4096xi32, #tpu.memory_space<hbm>>) dst(%arg11 : memref<4096xi32, #tpu.memory_space<vmem>>)
      tpu.yield
    }) : () -> ()
    %add3A_20 = arith.constant 7 : i32
    %add3A_21 = arith.addi %select_n3A, %add3A_20 : i32
    "tpu.region"() ({
      %run_scoped3A = tpu.sem_alloc : memref<!tpu.dma_semaphore, #tpu.memory_space<semaphore_mem>>
      %dma_start3A = arith.constant 0 : i32
      %dma_start3A_49 = tpu.memref_slice %arg2[%add3A_21, %dma_start3A] : memref<200x4096xi32, #tpu.memory_space<hbm>> -> memref<1x4096xi32, #tpu.memory_space<hbm>>
      %dma_start3A_50 = tpu.memref_squeeze %dma_start3A_49 : memref<1x4096xi32, #tpu.memory_space<hbm>> -> memref<4096xi32, #tpu.memory_space<hbm>>
      %dma_start3A_51 = arith.constant 0 : i32
      %dma_start3A_52 = tpu.memref_slice %arg2[%add3A_21, %dma_start3A_51] : memref<200x4096xi32, #tpu.memory_space<hbm>> -> memref<1x4096xi32, #tpu.memory_space<hbm>>
      %dma_start3A_53 = tpu.memref_squeeze %dma_start3A_52 : memref<1x4096xi32, #tpu.memory_space<hbm>> -> memref<4096xi32, #tpu.memory_space<hbm>>
      tpu.enqueue_dma source(%dma_start3A_53 : memref<4096xi32, #tpu.memory_space<hbm>>) target(%arg12 : memref<4096xi32, #tpu.memory_space<vmem>>) target_semaphore(%run_scoped3A : memref<!tpu.dma_semaphore, #tpu.memory_space<semaphore_mem>>)
      %dma_wait3A = arith.constant 0 : i32
      %dma_wait3A_54 = tpu.memref_slice %arg2[%add3A_21, %dma_wait3A] : memref<200x4096xi32, #tpu.memory_space<hbm>> -> memref<1x4096xi32, #tpu.memory_space<hbm>>
      %dma_wait3A_55 = tpu.memref_squeeze %dma_wait3A_54 : memref<1x4096xi32, #tpu.memory_space<hbm>> -> memref<4096xi32, #tpu.memory_space<hbm>>
      %dma_wait3A_56 = arith.constant 0 : i32
      %dma_wait3A_57 = tpu.memref_slice %arg2[%add3A_21, %dma_wait3A_56] : memref<200x4096xi32, #tpu.memory_space<hbm>> -> memref<1x4096xi32, #tpu.memory_space<hbm>>
      %dma_wait3A_58 = tpu.memref_squeeze %dma_wait3A_57 : memref<1x4096xi32, #tpu.memory_space<hbm>> -> memref<4096xi32, #tpu.memory_space<hbm>>
      tpu.wait_dma2 semaphore(%run_scoped3A : memref<!tpu.dma_semaphore, #tpu.memory_space<semaphore_mem>>) src(%dma_wait3A_58 : memref<4096xi32, #tpu.memory_space<hbm>>) dst(%arg12 : memref<4096xi32, #tpu.memory_space<vmem>>)
      tpu.yield
    }) : () -> ()
    %add3A_22 = arith.constant 8 : i32
    %add3A_23 = arith.addi %select_n3A, %add3A_22 : i32
    "tpu.region"() ({
      %run_scoped3A = tpu.sem_alloc : memref<!tpu.dma_semaphore, #tpu.memory_space<semaphore_mem>>
      %dma_start3A = arith.constant 0 : i32
      %dma_start3A_49 = tpu.memref_slice %arg2[%add3A_23, %dma_start3A] : memref<200x4096xi32, #tpu.memory_space<hbm>> -> memref<1x4096xi32, #tpu.memory_space<hbm>>
      %dma_start3A_50 = tpu.memref_squeeze %dma_start3A_49 : memref<1x4096xi32, #tpu.memory_space<hbm>> -> memref<4096xi32, #tpu.memory_space<hbm>>
      %dma_start3A_51 = arith.constant 0 : i32
      %dma_start3A_52 = tpu.memref_slice %arg2[%add3A_23, %dma_start3A_51] : memref<200x4096xi32, #tpu.memory_space<hbm>> -> memref<1x4096xi32, #tpu.memory_space<hbm>>
      %dma_start3A_53 = tpu.memref_squeeze %dma_start3A_52 : memref<1x4096xi32, #tpu.memory_space<hbm>> -> memref<4096xi32, #tpu.memory_space<hbm>>
      tpu.enqueue_dma source(%dma_start3A_53 : memref<4096xi32, #tpu.memory_space<hbm>>) target(%arg13 : memref<4096xi32, #tpu.memory_space<vmem>>) target_semaphore(%run_scoped3A : memref<!tpu.dma_semaphore, #tpu.memory_space<semaphore_mem>>)
      %dma_wait3A = arith.constant 0 : i32
      %dma_wait3A_54 = tpu.memref_slice %arg2[%add3A_23, %dma_wait3A] : memref<200x4096xi32, #tpu.memory_space<hbm>> -> memref<1x4096xi32, #tpu.memory_space<hbm>>
      %dma_wait3A_55 = tpu.memref_squeeze %dma_wait3A_54 : memref<1x4096xi32, #tpu.memory_space<hbm>> -> memref<4096xi32, #tpu.memory_space<hbm>>
      %dma_wait3A_56 = arith.constant 0 : i32
      %dma_wait3A_57 = tpu.memref_slice %arg2[%add3A_23, %dma_wait3A_56] : memref<200x4096xi32, #tpu.memory_space<hbm>> -> memref<1x4096xi32, #tpu.memory_space<hbm>>
      %dma_wait3A_58 = tpu.memref_squeeze %dma_wait3A_57 : memref<1x4096xi32, #tpu.memory_space<hbm>> -> memref<4096xi32, #tpu.memory_space<hbm>>
      tpu.wait_dma2 semaphore(%run_scoped3A : memref<!tpu.dma_semaphore, #tpu.memory_space<semaphore_mem>>) src(%dma_wait3A_58 : memref<4096xi32, #tpu.memory_space<hbm>>) dst(%arg13 : memref<4096xi32, #tpu.memory_space<vmem>>)
      tpu.yield
    }) : () -> ()
    %add3A_24 = arith.constant 9 : i32
    %add3A_25 = arith.addi %select_n3A, %add3A_24 : i32
    "tpu.region"() ({
      %run_scoped3A = tpu.sem_alloc : memref<!tpu.dma_semaphore, #tpu.memory_space<semaphore_mem>>
      %dma_start3A = arith.constant 0 : i32
      %dma_start3A_49 = tpu.memref_slice %arg2[%add3A_25, %dma_start3A] : memref<200x4096xi32, #tpu.memory_space<hbm>> -> memref<1x4096xi32, #tpu.memory_space<hbm>>
      %dma_start3A_50 = tpu.memref_squeeze %dma_start3A_49 : memref<1x4096xi32, #tpu.memory_space<hbm>> -> memref<4096xi32, #tpu.memory_space<hbm>>
      %dma_start3A_51 = arith.constant 0 : i32
      %dma_start3A_52 = tpu.memref_slice %arg2[%add3A_25, %dma_start3A_51] : memref<200x4096xi32, #tpu.memory_space<hbm>> -> memref<1x4096xi32, #tpu.memory_space<hbm>>
      %dma_start3A_53 = tpu.memref_squeeze %dma_start3A_52 : memref<1x4096xi32, #tpu.memory_space<hbm>> -> memref<4096xi32, #tpu.memory_space<hbm>>
      tpu.enqueue_dma source(%dma_start3A_53 : memref<4096xi32, #tpu.memory_space<hbm>>) target(%arg14 : memref<4096xi32, #tpu.memory_space<vmem>>) target_semaphore(%run_scoped3A : memref<!tpu.dma_semaphore, #tpu.memory_space<semaphore_mem>>)
      %dma_wait3A = arith.constant 0 : i32
      %dma_wait3A_54 = tpu.memref_slice %arg2[%add3A_25, %dma_wait3A] : memref<200x4096xi32, #tpu.memory_space<hbm>> -> memref<1x4096xi32, #tpu.memory_space<hbm>>
      %dma_wait3A_55 = tpu.memref_squeeze %dma_wait3A_54 : memref<1x4096xi32, #tpu.memory_space<hbm>> -> memref<4096xi32, #tpu.memory_space<hbm>>
      %dma_wait3A_56 = arith.constant 0 : i32
      %dma_wait3A_57 = tpu.memref_slice %arg2[%add3A_25, %dma_wait3A_56] : memref<200x4096xi32, #tpu.memory_space<hbm>> -> memref<1x4096xi32, #tpu.memory_space<hbm>>
      %dma_wait3A_58 = tpu.memref_squeeze %dma_wait3A_57 : memref<1x4096xi32, #tpu.memory_space<hbm>> -> memref<4096xi32, #tpu.memory_space<hbm>>
      tpu.wait_dma2 semaphore(%run_scoped3A : memref<!tpu.dma_semaphore, #tpu.memory_space<semaphore_mem>>) src(%dma_wait3A_58 : memref<4096xi32, #tpu.memory_space<hbm>>) dst(%arg14 : memref<4096xi32, #tpu.memory_space<vmem>>)
      tpu.yield
    }) : () -> ()
    %add3A_26 = arith.constant 10 : i32
    %add3A_27 = arith.addi %select_n3A, %add3A_26 : i32
    "tpu.region"() ({
      %run_scoped3A = tpu.sem_alloc : memref<!tpu.dma_semaphore, #tpu.memory_space<semaphore_mem>>
      %dma_start3A = arith.constant 0 : i32
      %dma_start3A_49 = tpu.memref_slice %arg2[%add3A_27, %dma_start3A] : memref<200x4096xi32, #tpu.memory_space<hbm>> -> memref<1x4096xi32, #tpu.memory_space<hbm>>
      %dma_start3A_50 = tpu.memref_squeeze %dma_start3A_49 : memref<1x4096xi32, #tpu.memory_space<hbm>> -> memref<4096xi32, #tpu.memory_space<hbm>>
      %dma_start3A_51 = arith.constant 0 : i32
      %dma_start3A_52 = tpu.memref_slice %arg2[%add3A_27, %dma_start3A_51] : memref<200x4096xi32, #tpu.memory_space<hbm>> -> memref<1x4096xi32, #tpu.memory_space<hbm>>
      %dma_start3A_53 = tpu.memref_squeeze %dma_start3A_52 : memref<1x4096xi32, #tpu.memory_space<hbm>> -> memref<4096xi32, #tpu.memory_space<hbm>>
      tpu.enqueue_dma source(%dma_start3A_53 : memref<4096xi32, #tpu.memory_space<hbm>>) target(%arg15 : memref<4096xi32, #tpu.memory_space<vmem>>) target_semaphore(%run_scoped3A : memref<!tpu.dma_semaphore, #tpu.memory_space<semaphore_mem>>)
      %dma_wait3A = arith.constant 0 : i32
      %dma_wait3A_54 = tpu.memref_slice %arg2[%add3A_27, %dma_wait3A] : memref<200x4096xi32, #tpu.memory_space<hbm>> -> memref<1x4096xi32, #tpu.memory_space<hbm>>
      %dma_wait3A_55 = tpu.memref_squeeze %dma_wait3A_54 : memref<1x4096xi32, #tpu.memory_space<hbm>> -> memref<4096xi32, #tpu.memory_space<hbm>>
      %dma_wait3A_56 = arith.constant 0 : i32
      %dma_wait3A_57 = tpu.memref_slice %arg2[%add3A_27, %dma_wait3A_56] : memref<200x4096xi32, #tpu.memory_space<hbm>> -> memref<1x4096xi32, #tpu.memory_space<hbm>>
      %dma_wait3A_58 = tpu.memref_squeeze %dma_wait3A_57 : memref<1x4096xi32, #tpu.memory_space<hbm>> -> memref<4096xi32, #tpu.memory_space<hbm>>
      tpu.wait_dma2 semaphore(%run_scoped3A : memref<!tpu.dma_semaphore, #tpu.memory_space<semaphore_mem>>) src(%dma_wait3A_58 : memref<4096xi32, #tpu.memory_space<hbm>>) dst(%arg15 : memref<4096xi32, #tpu.memory_space<vmem>>)
      tpu.yield
    }) : () -> ()
    %add3A_28 = arith.constant 11 : i32
    %add3A_29 = arith.addi %select_n3A, %add3A_28 : i32
    "tpu.region"() ({
      %run_scoped3A = tpu.sem_alloc : memref<!tpu.dma_semaphore, #tpu.memory_space<semaphore_mem>>
      %dma_start3A = arith.constant 0 : i32
      %dma_start3A_49 = tpu.memref_slice %arg2[%add3A_29, %dma_start3A] : memref<200x4096xi32, #tpu.memory_space<hbm>> -> memref<1x4096xi32, #tpu.memory_space<hbm>>
      %dma_start3A_50 = tpu.memref_squeeze %dma_start3A_49 : memref<1x4096xi32, #tpu.memory_space<hbm>> -> memref<4096xi32, #tpu.memory_space<hbm>>
      %dma_start3A_51 = arith.constant 0 : i32
      %dma_start3A_52 = tpu.memref_slice %arg2[%add3A_29, %dma_start3A_51] : memref<200x4096xi32, #tpu.memory_space<hbm>> -> memref<1x4096xi32, #tpu.memory_space<hbm>>
      %dma_start3A_53 = tpu.memref_squeeze %dma_start3A_52 : memref<1x4096xi32, #tpu.memory_space<hbm>> -> memref<4096xi32, #tpu.memory_space<hbm>>
      tpu.enqueue_dma source(%dma_start3A_53 : memref<4096xi32, #tpu.memory_space<hbm>>) target(%arg16 : memref<4096xi32, #tpu.memory_space<vmem>>) target_semaphore(%run_scoped3A : memref<!tpu.dma_semaphore, #tpu.memory_space<semaphore_mem>>)
      %dma_wait3A = arith.constant 0 : i32
      %dma_wait3A_54 = tpu.memref_slice %arg2[%add3A_29, %dma_wait3A] : memref<200x4096xi32, #tpu.memory_space<hbm>> -> memref<1x4096xi32, #tpu.memory_space<hbm>>
      %dma_wait3A_55 = tpu.memref_squeeze %dma_wait3A_54 : memref<1x4096xi32, #tpu.memory_space<hbm>> -> memref<4096xi32, #tpu.memory_space<hbm>>
      %dma_wait3A_56 = arith.constant 0 : i32
      %dma_wait3A_57 = tpu.memref_slice %arg2[%add3A_29, %dma_wait3A_56] : memref<200x4096xi32, #tpu.memory_space<hbm>> -> memref<1x4096xi32, #tpu.memory_space<hbm>>
      %dma_wait3A_58 = tpu.memref_squeeze %dma_wait3A_57 : memref<1x4096xi32, #tpu.memory_space<hbm>> -> memref<4096xi32, #tpu.memory_space<hbm>>
      tpu.wait_dma2 semaphore(%run_scoped3A : memref<!tpu.dma_semaphore, #tpu.memory_space<semaphore_mem>>) src(%dma_wait3A_58 : memref<4096xi32, #tpu.memory_space<hbm>>) dst(%arg16 : memref<4096xi32, #tpu.memory_space<vmem>>)
      tpu.yield
    }) : () -> ()
    %lt3A_30 = arith.constant 8 : i32
    %lt3A_31 = arith.cmpi slt, %arg1, %lt3A_30 : i32
    %convert_element_type3A = arith.extui %lt3A_31 : i1 to i32
    %cond3A = arith.constant 0 : i32
    %cond3A_32 = arith.cmpi ne, %convert_element_type3A, %cond3A : i32
    scf.if %cond3A_32 {
      %add3A_49 = arith.constant 12 : i32
      %add3A_50 = arith.addi %select_n3A, %add3A_49 : i32
      "tpu.region"() ({
        %run_scoped3A = tpu.sem_alloc : memref<!tpu.dma_semaphore, #tpu.memory_space<semaphore_mem>>
        %dma_start3A = arith.constant 0 : i32
        %dma_start3A_51 = tpu.memref_slice %arg2[%add3A_50, %dma_start3A] : memref<200x4096xi32, #tpu.memory_space<hbm>> -> memref<1x4096xi32, #tpu.memory_space<hbm>>
        %dma_start3A_52 = tpu.memref_squeeze %dma_start3A_51 : memref<1x4096xi32, #tpu.memory_space<hbm>> -> memref<4096xi32, #tpu.memory_space<hbm>>
        %dma_start3A_53 = arith.constant 0 : i32
        %dma_start3A_54 = tpu.memref_slice %arg2[%add3A_50, %dma_start3A_53] : memref<200x4096xi32, #tpu.memory_space<hbm>> -> memref<1x4096xi32, #tpu.memory_space<hbm>>
        %dma_start3A_55 = tpu.memref_squeeze %dma_start3A_54 : memref<1x4096xi32, #tpu.memory_space<hbm>> -> memref<4096xi32, #tpu.memory_space<hbm>>
        tpu.enqueue_dma source(%dma_start3A_55 : memref<4096xi32, #tpu.memory_space<hbm>>) target(%arg17 : memref<4096xi32, #tpu.memory_space<vmem>>) target_semaphore(%run_scoped3A : memref<!tpu.dma_semaphore, #tpu.memory_space<semaphore_mem>>)
        %dma_wait3A = arith.constant 0 : i32
        %dma_wait3A_56 = tpu.memref_slice %arg2[%add3A_50, %dma_wait3A] : memref<200x4096xi32, #tpu.memory_space<hbm>> -> memref<1x4096xi32, #tpu.memory_space<hbm>>
        %dma_wait3A_57 = tpu.memref_squeeze %dma_wait3A_56 : memref<1x4096xi32, #tpu.memory_space<hbm>> -> memref<4096xi32, #tpu.memory_space<hbm>>
        %dma_wait3A_58 = arith.constant 0 : i32
        %dma_wait3A_59 = tpu.memref_slice %arg2[%add3A_50, %dma_wait3A_58] : memref<200x4096xi32, #tpu.memory_space<hbm>> -> memref<1x4096xi32, #tpu.memory_space<hbm>>
        %dma_wait3A_60 = tpu.memref_squeeze %dma_wait3A_59 : memref<1x4096xi32, #tpu.memory_space<hbm>> -> memref<4096xi32, #tpu.memory_space<hbm>>
        tpu.wait_dma2 semaphore(%run_scoped3A : memref<!tpu.dma_semaphore, #tpu.memory_space<semaphore_mem>>) src(%dma_wait3A_60 : memref<4096xi32, #tpu.memory_space<hbm>>) dst(%arg17 : memref<4096xi32, #tpu.memory_space<vmem>>)
        tpu.yield
      }) : () -> ()
    } else {
    }
    %mul3A_33 = arith.constant 32 : i32
    %mul3A_34 = arith.muli %arg0, %mul3A_33 : i32
    %eq3A = arith.constant 0 : i32
    %eq3A_35 = arith.cmpi eq, %arg1, %eq3A : i32
    %convert_element_type3A_36 = arith.extui %eq3A_35 : i1 to i32
    %cond3A_37 = arith.constant 0 : i32
    %cond3A_38 = arith.cmpi ne, %convert_element_type3A_36, %cond3A_37 : i32
    scf.if %cond3A_38 {
      %dma_start3A = arith.constant 0 : i32
      %dma_start3A_49 = tpu.memref_slice %arg3[%mul3A_34, %dma_start3A] : memref<64x1000000xf32, #tpu.memory_space<hbm>> -> memref<1x1000000xf32, #tpu.memory_space<hbm>>
      %dma_start3A_50 = tpu.memref_squeeze %dma_start3A_49 : memref<1x1000000xf32, #tpu.memory_space<hbm>> -> memref<1000000xf32, #tpu.memory_space<hbm>>
      tpu.enqueue_dma source(%dma_start3A_50 : memref<1000000xf32, #tpu.memory_space<hbm>>) target(%arg21 : memref<1000000xf32, #tpu.memory_space<vmem_shared>>) target_semaphore(%arg24 : memref<!tpu.dma_semaphore, #tpu.memory_space<semaphore_mem>>)
    } else {
    }
    %eq3A_39 = arith.constant 0 : i32
    %eq3A_40 = arith.cmpi eq, %arg1, %eq3A_39 : i32
    %convert_element_type3A_41 = arith.extui %eq3A_40 : i1 to i32
    %cond3A_42 = arith.constant 0 : i32
    %cond3A_43 = arith.cmpi ne, %convert_element_type3A_41, %cond3A_42 : i32
    scf.if %cond3A_43 {
      %dma_wait3A = arith.constant 0 : i32
      %dma_wait3A_49 = arith.constant 0 : i32
      %dma_wait3A_50 = tpu.memref_slice %arg3[%dma_wait3A, %dma_wait3A_49] : memref<64x1000000xf32, #tpu.memory_space<hbm>> -> memref<1x1000000xf32, #tpu.memory_space<hbm>>
      %dma_wait3A_51 = tpu.memref_squeeze %dma_wait3A_50 : memref<1x1000000xf32, #tpu.memory_space<hbm>> -> memref<1000000xf32, #tpu.memory_space<hbm>>
      tpu.wait_dma2 semaphore(%arg24 : memref<!tpu.dma_semaphore, #tpu.memory_space<semaphore_mem>>) src(%dma_wait3A_51 : memref<1000000xf32, #tpu.memory_space<hbm>>) dst(%arg21 : memref<1000000xf32, #tpu.memory_space<vmem_shared>>)
    } else {
    }
    %barrier3A = arith.constant 0 : index
    tpu.barrier barrier_id(%barrier3A)
    %scan3A = arith.constant 0 : i32
    %scan3A_44 = arith.constant 0 : i32
    %scan3A_45 = arith.constant 32 : i32
    %scan3A_46 = arith.addi %scan3A_44, %scan3A_45 : i32
    %scan3A_47 = arith.constant 1 : i32
    scf.for %scan3A_49 = %scan3A_44 to %scan3A_46 step %scan3A_47  : i32 {
      %mul3A_50 = arith.constant 32 : i32
      %mul3A_51 = arith.muli %arg0, %mul3A_50 : i32
      %add3A_52 = arith.addi %mul3A_51, %scan3A_49 : i32
      %dma_start3A = arith.constant 0 : i32
      %dma_start3A_53 = tpu.memref_slice %arg21[%dma_start3A] : memref<1000000xf32, #tpu.memory_space<vmem_shared>> -> memref<1000000xf32, #tpu.memory_space<vmem_shared>>
      tpu.enqueue_indirect_dma source(%dma_start3A_53 : memref<1000000xf32, #tpu.memory_space<vmem_shared>>) target(%arg18 : memref<4096xf32, #tpu.memory_space<vmem>>) offsets(%arg5 : memref<4096xi32, #tpu.memory_space<vmem>>) semaphore(%arg22 : memref<!tpu.dma_semaphore, #tpu.memory_space<semaphore_mem>>)
      %dma_start3A_54 = arith.constant 0 : i32
      %dma_start3A_55 = tpu.memref_slice %arg21[%dma_start3A_54] : memref<1000000xf32, #tpu.memory_space<vmem_shared>> -> memref<1000000xf32, #tpu.memory_space<vmem_shared>>
      tpu.enqueue_indirect_dma source(%dma_start3A_55 : memref<1000000xf32, #tpu.memory_space<vmem_shared>>) target(%arg19 : memref<4096xf32, #tpu.memory_space<vmem>>) offsets(%arg6 : memref<4096xi32, #tpu.memory_space<vmem>>) semaphore(%arg22 : memref<!tpu.dma_semaphore, #tpu.memory_space<semaphore_mem>>)
      %dma_wait3A = arith.constant 0 : i32
      %dma_wait3A_56 = tpu.memref_slice %arg21[%dma_wait3A] : memref<1000000xf32, #tpu.memory_space<vmem_shared>> -> memref<1000000xf32, #tpu.memory_space<vmem_shared>>
      tpu.wait_indirect_dma semaphore(%arg22 : memref<!tpu.dma_semaphore, #tpu.memory_space<semaphore_mem>>) src(%dma_wait3A_56 : memref<1000000xf32, #tpu.memory_space<vmem_shared>>) dst(%arg18 : memref<4096xf32, #tpu.memory_space<vmem>>)
      %scan3A_57 = arith.constant 0 : i32
      %scan3A_58 = arith.constant 0 : i32
      %scan3A_59 = arith.constant 32 : i32
      %scan3A_60 = arith.addi %scan3A_58, %scan3A_59 : i32
      %scan3A_61 = arith.constant 1 : i32
      scf.for %scan3A_361 = %scan3A_58 to %scan3A_60 step %scan3A_61  : i32 {
        %mul3A_362 = arith.constant 8 : i32
        %mul3A_363 = arith.muli %scan3A_361, %mul3A_362 : i32
        %add3A_364 = arith.constant 0 : i32
        %add3A_365 = arith.addi %mul3A_363, %add3A_364 : i32
        %mul3A_366 = arith.constant 16 : i32
        %mul3A_367 = arith.muli %add3A_365, %mul3A_366 : i32
        %get3A = arith.index_cast %mul3A_367 : i32 to index
        %get3A_368 = tpu.vector_load %arg18[%get3A] {strides = array<i32>} : memref<4096xf32, #tpu.memory_space<vmem>>, vector<16xf32>,
        %get3A_369 = vector.shape_cast %get3A_368 : vector<16xf32> to vector<16xf32>
        %mul3A_370 = arith.constant 1.250000e-01 : f32
        %mul3A_371 = vector.broadcast %mul3A_370 : f32 to vector<16xf32>
        %mul3A_372 = arith.mulf %get3A_369, %mul3A_371 : vector<16xf32>
        %swap3A = arith.index_cast %mul3A_367 : i32 to index
        %swap3A_373 = tpu.vector_load %arg18[%swap3A] {strides = array<i32>} : memref<4096xf32, #tpu.memory_space<vmem>>, vector<16xf32>,
        %swap3A_374 = vector.shape_cast %swap3A_373 : vector<16xf32> to vector<16xf32>
        %swap3A_375 = vector.shape_cast %mul3A_372 : vector<16xf32> to vector<16xf32>
        tpu.vector_store %arg18[%swap3A], %swap3A_375 {strides = array<i32>} : memref<4096xf32, #tpu.memory_space<vmem>>, vector<16xf32>,
        %mul3A_376 = arith.constant 8 : i32
        %mul3A_377 = arith.muli %scan3A_361, %mul3A_376 : i32
        %add3A_378 = arith.constant 1 : i32
        %add3A_379 = arith.addi %mul3A_377, %add3A_378 : i32
        %mul3A_380 = arith.constant 16 : i32
        %mul3A_381 = arith.muli %add3A_379, %mul3A_380 : i32
        %get3A_382 = arith.index_cast %mul3A_381 : i32 to index
        %get3A_383 = tpu.vector_load %arg18[%get3A_382] {strides = array<i32>} : memref<4096xf32, #tpu.memory_space<vmem>>, vector<16xf32>,
        %get3A_384 = vector.shape_cast %get3A_383 : vector<16xf32> to vector<16xf32>
        %mul3A_385 = arith.constant 1.250000e-01 : f32
        %mul3A_386 = vector.broadcast %mul3A_385 : f32 to vector<16xf32>
        %mul3A_387 = arith.mulf %get3A_384, %mul3A_386 : vector<16xf32>
        %swap3A_388 = arith.index_cast %mul3A_381 : i32 to index
        %swap3A_389 = tpu.vector_load %arg18[%swap3A_388] {strides = array<i32>} : memref<4096xf32, #tpu.memory_space<vmem>>, vector<16xf32>,
        %swap3A_390 = vector.shape_cast %swap3A_389 : vector<16xf32> to vector<16xf32>
        %swap3A_391 = vector.shape_cast %mul3A_387 : vector<16xf32> to vector<16xf32>
        tpu.vector_store %arg18[%swap3A_388], %swap3A_391 {strides = array<i32>} : memref<4096xf32, #tpu.memory_space<vmem>>, vector<16xf32>,
        %mul3A_392 = arith.constant 8 : i32
        %mul3A_393 = arith.muli %scan3A_361, %mul3A_392 : i32
        %add3A_394 = arith.constant 2 : i32
        %add3A_395 = arith.addi %mul3A_393, %add3A_394 : i32
        %mul3A_396 = arith.constant 16 : i32
        %mul3A_397 = arith.muli %add3A_395, %mul3A_396 : i32
        %get3A_398 = arith.index_cast %mul3A_397 : i32 to index
        %get3A_399 = tpu.vector_load %arg18[%get3A_398] {strides = array<i32>} : memref<4096xf32, #tpu.memory_space<vmem>>, vector<16xf32>,
        %get3A_400 = vector.shape_cast %get3A_399 : vector<16xf32> to vector<16xf32>
        %mul3A_401 = arith.constant 1.250000e-01 : f32
        %mul3A_402 = vector.broadcast %mul3A_401 : f32 to vector<16xf32>
        %mul3A_403 = arith.mulf %get3A_400, %mul3A_402 : vector<16xf32>
        %swap3A_404 = arith.index_cast %mul3A_397 : i32 to index
        %swap3A_405 = tpu.vector_load %arg18[%swap3A_404] {strides = array<i32>} : memref<4096xf32, #tpu.memory_space<vmem>>, vector<16xf32>,
        %swap3A_406 = vector.shape_cast %swap3A_405 : vector<16xf32> to vector<16xf32>
        %swap3A_407 = vector.shape_cast %mul3A_403 : vector<16xf32> to vector<16xf32>
        tpu.vector_store %arg18[%swap3A_404], %swap3A_407 {strides = array<i32>} : memref<4096xf32, #tpu.memory_space<vmem>>, vector<16xf32>,
        %mul3A_408 = arith.constant 8 : i32
        %mul3A_409 = arith.muli %scan3A_361, %mul3A_408 : i32
        %add3A_410 = arith.constant 3 : i32
        %add3A_411 = arith.addi %mul3A_409, %add3A_410 : i32
        %mul3A_412 = arith.constant 16 : i32
        %mul3A_413 = arith.muli %add3A_411, %mul3A_412 : i32
        %get3A_414 = arith.index_cast %mul3A_413 : i32 to index
        %get3A_415 = tpu.vector_load %arg18[%get3A_414] {strides = array<i32>} : memref<4096xf32, #tpu.memory_space<vmem>>, vector<16xf32>,
        %get3A_416 = vector.shape_cast %get3A_415 : vector<16xf32> to vector<16xf32>
        %mul3A_417 = arith.constant 1.250000e-01 : f32
        %mul3A_418 = vector.broadcast %mul3A_417 : f32 to vector<16xf32>
        %mul3A_419 = arith.mulf %get3A_416, %mul3A_418 : vector<16xf32>
        %swap3A_420 = arith.index_cast %mul3A_413 : i32 to index
        %swap3A_421 = tpu.vector_load %arg18[%swap3A_420] {strides = array<i32>} : memref<4096xf32, #tpu.memory_space<vmem>>, vector<16xf32>,
        %swap3A_422 = vector.shape_cast %swap3A_421 : vector<16xf32> to vector<16xf32>
        %swap3A_423 = vector.shape_cast %mul3A_419 : vector<16xf32> to vector<16xf32>
        tpu.vector_store %arg18[%swap3A_420], %swap3A_423 {strides = array<i32>} : memref<4096xf32, #tpu.memory_space<vmem>>, vector<16xf32>,
        %mul3A_424 = arith.constant 8 : i32
        %mul3A_425 = arith.muli %scan3A_361, %mul3A_424 : i32
        %add3A_426 = arith.constant 4 : i32
        %add3A_427 = arith.addi %mul3A_425, %add3A_426 : i32
        %mul3A_428 = arith.constant 16 : i32
        %mul3A_429 = arith.muli %add3A_427, %mul3A_428 : i32
        %get3A_430 = arith.index_cast %mul3A_429 : i32 to index
        %get3A_431 = tpu.vector_load %arg18[%get3A_430] {strides = array<i32>} : memref<4096xf32, #tpu.memory_space<vmem>>, vector<16xf32>,
        %get3A_432 = vector.shape_cast %get3A_431 : vector<16xf32> to vector<16xf32>
        %mul3A_433 = arith.constant 1.250000e-01 : f32
        %mul3A_434 = vector.broadcast %mul3A_433 : f32 to vector<16xf32>
        %mul3A_435 = arith.mulf %get3A_432, %mul3A_434 : vector<16xf32>
        %swap3A_436 = arith.index_cast %mul3A_429 : i32 to index
        %swap3A_437 = tpu.vector_load %arg18[%swap3A_436] {strides = array<i32>} : memref<4096xf32, #tpu.memory_space<vmem>>, vector<16xf32>,
        %swap3A_438 = vector.shape_cast %swap3A_437 : vector<16xf32> to vector<16xf32>
        %swap3A_439 = vector.shape_cast %mul3A_435 : vector<16xf32> to vector<16xf32>
        tpu.vector_store %arg18[%swap3A_436], %swap3A_439 {strides = array<i32>} : memref<4096xf32, #tpu.memory_space<vmem>>, vector<16xf32>,
        %mul3A_440 = arith.constant 8 : i32
        %mul3A_441 = arith.muli %scan3A_361, %mul3A_440 : i32
        %add3A_442 = arith.constant 5 : i32
        %add3A_443 = arith.addi %mul3A_441, %add3A_442 : i32
        %mul3A_444 = arith.constant 16 : i32
        %mul3A_445 = arith.muli %add3A_443, %mul3A_444 : i32
        %get3A_446 = arith.index_cast %mul3A_445 : i32 to index
        %get3A_447 = tpu.vector_load %arg18[%get3A_446] {strides = array<i32>} : memref<4096xf32, #tpu.memory_space<vmem>>, vector<16xf32>,
        %get3A_448 = vector.shape_cast %get3A_447 : vector<16xf32> to vector<16xf32>
        %mul3A_449 = arith.constant 1.250000e-01 : f32
        %mul3A_450 = vector.broadcast %mul3A_449 : f32 to vector<16xf32>
        %mul3A_451 = arith.mulf %get3A_448, %mul3A_450 : vector<16xf32>
        %swap3A_452 = arith.index_cast %mul3A_445 : i32 to index
        %swap3A_453 = tpu.vector_load %arg18[%swap3A_452] {strides = array<i32>} : memref<4096xf32, #tpu.memory_space<vmem>>, vector<16xf32>,
        %swap3A_454 = vector.shape_cast %swap3A_453 : vector<16xf32> to vector<16xf32>
        %swap3A_455 = vector.shape_cast %mul3A_451 : vector<16xf32> to vector<16xf32>
        tpu.vector_store %arg18[%swap3A_452], %swap3A_455 {strides = array<i32>} : memref<4096xf32, #tpu.memory_space<vmem>>, vector<16xf32>,
        %mul3A_456 = arith.constant 8 : i32
        %mul3A_457 = arith.muli %scan3A_361, %mul3A_456 : i32
        %add3A_458 = arith.constant 6 : i32
        %add3A_459 = arith.addi %mul3A_457, %add3A_458 : i32
        %mul3A_460 = arith.constant 16 : i32
        %mul3A_461 = arith.muli %add3A_459, %mul3A_460 : i32
        %get3A_462 = arith.index_cast %mul3A_461 : i32 to index
        %get3A_463 = tpu.vector_load %arg18[%get3A_462] {strides = array<i32>} : memref<4096xf32, #tpu.memory_space<vmem>>, vector<16xf32>,
        %get3A_464 = vector.shape_cast %get3A_463 : vector<16xf32> to vector<16xf32>
        %mul3A_465 = arith.constant 1.250000e-01 : f32
        %mul3A_466 = vector.broadcast %mul3A_465 : f32 to vector<16xf32>
        %mul3A_467 = arith.mulf %get3A_464, %mul3A_466 : vector<16xf32>
        %swap3A_468 = arith.index_cast %mul3A_461 : i32 to index
        %swap3A_469 = tpu.vector_load %arg18[%swap3A_468] {strides = array<i32>} : memref<4096xf32, #tpu.memory_space<vmem>>, vector<16xf32>,
        %swap3A_470 = vector.shape_cast %swap3A_469 : vector<16xf32> to vector<16xf32>
        %swap3A_471 = vector.shape_cast %mul3A_467 : vector<16xf32> to vector<16xf32>
        tpu.vector_store %arg18[%swap3A_468], %swap3A_471 {strides = array<i32>} : memref<4096xf32, #tpu.memory_space<vmem>>, vector<16xf32>,
        %mul3A_472 = arith.constant 8 : i32
        %mul3A_473 = arith.muli %scan3A_361, %mul3A_472 : i32
        %add3A_474 = arith.constant 7 : i32
        %add3A_475 = arith.addi %mul3A_473, %add3A_474 : i32
        %mul3A_476 = arith.constant 16 : i32
        %mul3A_477 = arith.muli %add3A_475, %mul3A_476 : i32
        %get3A_478 = arith.index_cast %mul3A_477 : i32 to index
        %get3A_479 = tpu.vector_load %arg18[%get3A_478] {strides = array<i32>} : memref<4096xf32, #tpu.memory_space<vmem>>, vector<16xf32>,
        %get3A_480 = vector.shape_cast %get3A_479 : vector<16xf32> to vector<16xf32>
        %mul3A_481 = arith.constant 1.250000e-01 : f32
        %mul3A_482 = vector.broadcast %mul3A_481 : f32 to vector<16xf32>
        %mul3A_483 = arith.mulf %get3A_480, %mul3A_482 : vector<16xf32>
        %swap3A_484 = arith.index_cast %mul3A_477 : i32 to index
        %swap3A_485 = tpu.vector_load %arg18[%swap3A_484] {strides = array<i32>} : memref<4096xf32, #tpu.memory_space<vmem>>, vector<16xf32>,
        %swap3A_486 = vector.shape_cast %swap3A_485 : vector<16xf32> to vector<16xf32>
        %swap3A_487 = vector.shape_cast %mul3A_483 : vector<16xf32> to vector<16xf32>
        tpu.vector_store %arg18[%swap3A_484], %swap3A_487 {strides = array<i32>} : memref<4096xf32, #tpu.memory_space<vmem>>, vector<16xf32>,
      }
      %scan3A_62 = arith.constant 32 : i32
      %add3A_63 = arith.constant 0 : i32
      %add3A_64 = arith.addi %select_n3A, %add3A_63 : i32
      %dma_start3A_65 = arith.constant 0 : i32
      %dma_start3A_66 = tpu.memref_slice %arg4[%add3A_64, %add3A_52, %dma_start3A_65] : memref<200x64x4096xf32, #tpu.memory_space<hbm>> -> memref<1x1x4096xf32, #tpu.memory_space<hbm>>
      %dma_start3A_67 = tpu.memref_squeeze %dma_start3A_66 : memref<1x1x4096xf32, #tpu.memory_space<hbm>> -> memref<4096xf32, #tpu.memory_space<hbm>>
      %dma_start3A_68 = arith.constant 0 : i32
      %dma_start3A_69 = tpu.memref_slice %arg4[%add3A_64, %add3A_52, %dma_start3A_68] : memref<200x64x4096xf32, #tpu.memory_space<hbm>> -> memref<1x1x4096xf32, #tpu.memory_space<hbm>>
      %dma_start3A_70 = tpu.memref_squeeze %dma_start3A_69 : memref<1x1x4096xf32, #tpu.memory_space<hbm>> -> memref<4096xf32, #tpu.memory_space<hbm>>
      tpu.enqueue_dma source(%arg18 : memref<4096xf32, #tpu.memory_space<vmem>>) target(%dma_start3A_70 : memref<4096xf32, #tpu.memory_space<hbm>>) target_semaphore(%arg23 : memref<!tpu.dma_semaphore, #tpu.memory_space<semaphore_mem>>)
      %dma_start3A_71 = arith.constant 0 : i32
      %dma_start3A_72 = tpu.memref_slice %arg21[%dma_start3A_71] : memref<1000000xf32, #tpu.memory_space<vmem_shared>> -> memref<1000000xf32, #tpu.memory_space<vmem_shared>>
      tpu.enqueue_indirect_dma source(%dma_start3A_72 : memref<1000000xf32, #tpu.memory_space<vmem_shared>>) target(%arg20 : memref<4096xf32, #tpu.memory_space<vmem>>) offsets(%arg7 : memref<4096xi32, #tpu.memory_space<vmem>>) semaphore(%arg22 : memref<!tpu.dma_semaphore, #tpu.memory_space<semaphore_mem>>)
      %dma_wait3A_73 = arith.constant 0 : i32
      %dma_wait3A_74 = tpu.memref_slice %arg21[%dma_wait3A_73] : memref<1000000xf32, #tpu.memory_space<vmem_shared>> -> memref<1000000xf32, #tpu.memory_space<vmem_shared>>
      tpu.wait_indirect_dma semaphore(%arg22 : memref<!tpu.dma_semaphore, #tpu.memory_space<semaphore_mem>>) src(%dma_wait3A_74 : memref<1000000xf32, #tpu.memory_space<vmem_shared>>) dst(%arg19 : memref<4096xf32, #tpu.memory_space<vmem>>)
      %scan3A_75 = arith.constant 0 : i32
      %scan3A_76 = arith.constant 0 : i32
      %scan3A_77 = arith.constant 32 : i32
      %scan3A_78 = arith.addi %scan3A_76, %scan3A_77 : i32
      %scan3A_79 = arith.constant 1 : i32
      scf.for %scan3A_361 = %scan3A_76 to %scan3A_78 step %scan3A_79  : i32 {
        %mul3A_362 = arith.constant 8 : i32
        %mul3A_363 = arith.muli %scan3A_361, %mul3A_362 : i32
        %add3A_364 = arith.constant 0 : i32
        %add3A_365 = arith.addi %mul3A_363, %add3A_364 : i32
        %mul3A_366 = arith.constant 16 : i32
        %mul3A_367 = arith.muli %add3A_365, %mul3A_366 : i32
        %get3A = arith.index_cast %mul3A_367 : i32 to index
        %get3A_368 = tpu.vector_load %arg19[%get3A] {strides = array<i32>} : memref<4096xf32, #tpu.memory_space<vmem>>, vector<16xf32>,
        %get3A_369 = vector.shape_cast %get3A_368 : vector<16xf32> to vector<16xf32>
        %mul3A_370 = arith.constant 1.250000e-01 : f32
        %mul3A_371 = vector.broadcast %mul3A_370 : f32 to vector<16xf32>
        %mul3A_372 = arith.mulf %get3A_369, %mul3A_371 : vector<16xf32>
        %swap3A = arith.index_cast %mul3A_367 : i32 to index
        %swap3A_373 = tpu.vector_load %arg19[%swap3A] {strides = array<i32>} : memref<4096xf32, #tpu.memory_space<vmem>>, vector<16xf32>,
        %swap3A_374 = vector.shape_cast %swap3A_373 : vector<16xf32> to vector<16xf32>
        %swap3A_375 = vector.shape_cast %mul3A_372 : vector<16xf32> to vector<16xf32>
        tpu.vector_store %arg19[%swap3A], %swap3A_375 {strides = array<i32>} : memref<4096xf32, #tpu.memory_space<vmem>>, vector<16xf32>,
        %mul3A_376 = arith.constant 8 : i32
        %mul3A_377 = arith.muli %scan3A_361, %mul3A_376 : i32
        %add3A_378 = arith.constant 1 : i32
        %add3A_379 = arith.addi %mul3A_377, %add3A_378 : i32
        %mul3A_380 = arith.constant 16 : i32
        %mul3A_381 = arith.muli %add3A_379, %mul3A_380 : i32
        %get3A_382 = arith.index_cast %mul3A_381 : i32 to index
        %get3A_383 = tpu.vector_load %arg19[%get3A_382] {strides = array<i32>} : memref<4096xf32, #tpu.memory_space<vmem>>, vector<16xf32>,
        %get3A_384 = vector.shape_cast %get3A_383 : vector<16xf32> to vector<16xf32>
        %mul3A_385 = arith.constant 1.250000e-01 : f32
        %mul3A_386 = vector.broadcast %mul3A_385 : f32 to vector<16xf32>
        %mul3A_387 = arith.mulf %get3A_384, %mul3A_386 : vector<16xf32>
        %swap3A_388 = arith.index_cast %mul3A_381 : i32 to index
        %swap3A_389 = tpu.vector_load %arg19[%swap3A_388] {strides = array<i32>} : memref<4096xf32, #tpu.memory_space<vmem>>, vector<16xf32>,
        %swap3A_390 = vector.shape_cast %swap3A_389 : vector<16xf32> to vector<16xf32>
        %swap3A_391 = vector.shape_cast %mul3A_387 : vector<16xf32> to vector<16xf32>
        tpu.vector_store %arg19[%swap3A_388], %swap3A_391 {strides = array<i32>} : memref<4096xf32, #tpu.memory_space<vmem>>, vector<16xf32>,
        %mul3A_392 = arith.constant 8 : i32
        %mul3A_393 = arith.muli %scan3A_361, %mul3A_392 : i32
        %add3A_394 = arith.constant 2 : i32
        %add3A_395 = arith.addi %mul3A_393, %add3A_394 : i32
        %mul3A_396 = arith.constant 16 : i32
        %mul3A_397 = arith.muli %add3A_395, %mul3A_396 : i32
        %get3A_398 = arith.index_cast %mul3A_397 : i32 to index
        %get3A_399 = tpu.vector_load %arg19[%get3A_398] {strides = array<i32>} : memref<4096xf32, #tpu.memory_space<vmem>>, vector<16xf32>,
        %get3A_400 = vector.shape_cast %get3A_399 : vector<16xf32> to vector<16xf32>
        %mul3A_401 = arith.constant 1.250000e-01 : f32
        %mul3A_402 = vector.broadcast %mul3A_401 : f32 to vector<16xf32>
        %mul3A_403 = arith.mulf %get3A_400, %mul3A_402 : vector<16xf32>
        %swap3A_404 = arith.index_cast %mul3A_397 : i32 to index
        %swap3A_405 = tpu.vector_load %arg19[%swap3A_404] {strides = array<i32>} : memref<4096xf32, #tpu.memory_space<vmem>>, vector<16xf32>,
        %swap3A_406 = vector.shape_cast %swap3A_405 : vector<16xf32> to vector<16xf32>
        %swap3A_407 = vector.shape_cast %mul3A_403 : vector<16xf32> to vector<16xf32>
        tpu.vector_store %arg19[%swap3A_404], %swap3A_407 {strides = array<i32>} : memref<4096xf32, #tpu.memory_space<vmem>>, vector<16xf32>,
        %mul3A_408 = arith.constant 8 : i32
        %mul3A_409 = arith.muli %scan3A_361, %mul3A_408 : i32
        %add3A_410 = arith.constant 3 : i32
        %add3A_411 = arith.addi %mul3A_409, %add3A_410 : i32
        %mul3A_412 = arith.constant 16 : i32
        %mul3A_413 = arith.muli %add3A_411, %mul3A_412 : i32
        %get3A_414 = arith.index_cast %mul3A_413 : i32 to index
        %get3A_415 = tpu.vector_load %arg19[%get3A_414] {strides = array<i32>} : memref<4096xf32, #tpu.memory_space<vmem>>, vector<16xf32>,
        %get3A_416 = vector.shape_cast %get3A_415 : vector<16xf32> to vector<16xf32>
        %mul3A_417 = arith.constant 1.250000e-01 : f32
        %mul3A_418 = vector.broadcast %mul3A_417 : f32 to vector<16xf32>
        %mul3A_419 = arith.mulf %get3A_416, %mul3A_418 : vector<16xf32>
        %swap3A_420 = arith.index_cast %mul3A_413 : i32 to index
        %swap3A_421 = tpu.vector_load %arg19[%swap3A_420] {strides = array<i32>} : memref<4096xf32, #tpu.memory_space<vmem>>, vector<16xf32>,
        %swap3A_422 = vector.shape_cast %swap3A_421 : vector<16xf32> to vector<16xf32>
        %swap3A_423 = vector.shape_cast %mul3A_419 : vector<16xf32> to vector<16xf32>
        tpu.vector_store %arg19[%swap3A_420], %swap3A_423 {strides = array<i32>} : memref<4096xf32, #tpu.memory_space<vmem>>, vector<16xf32>,
        %mul3A_424 = arith.constant 8 : i32
        %mul3A_425 = arith.muli %scan3A_361, %mul3A_424 : i32
        %add3A_426 = arith.constant 4 : i32
        %add3A_427 = arith.addi %mul3A_425, %add3A_426 : i32
        %mul3A_428 = arith.constant 16 : i32
        %mul3A_429 = arith.muli %add3A_427, %mul3A_428 : i32
        %get3A_430 = arith.index_cast %mul3A_429 : i32 to index
        %get3A_431 = tpu.vector_load %arg19[%get3A_430] {strides = array<i32>} : memref<4096xf32, #tpu.memory_space<vmem>>, vector<16xf32>,
        %get3A_432 = vector.shape_cast %get3A_431 : vector<16xf32> to vector<16xf32>
        %mul3A_433 = arith.constant 1.250000e-01 : f32
        %mul3A_434 = vector.broadcast %mul3A_433 : f32 to vector<16xf32>
        %mul3A_435 = arith.mulf %get3A_432, %mul3A_434 : vector<16xf32>
        %swap3A_436 = arith.index_cast %mul3A_429 : i32 to index
        %swap3A_437 = tpu.vector_load %arg19[%swap3A_436] {strides = array<i32>} : memref<4096xf32, #tpu.memory_space<vmem>>, vector<16xf32>,
        %swap3A_438 = vector.shape_cast %swap3A_437 : vector<16xf32> to vector<16xf32>
        %swap3A_439 = vector.shape_cast %mul3A_435 : vector<16xf32> to vector<16xf32>
        tpu.vector_store %arg19[%swap3A_436], %swap3A_439 {strides = array<i32>} : memref<4096xf32, #tpu.memory_space<vmem>>, vector<16xf32>,
        %mul3A_440 = arith.constant 8 : i32
        %mul3A_441 = arith.muli %scan3A_361, %mul3A_440 : i32
        %add3A_442 = arith.constant 5 : i32
        %add3A_443 = arith.addi %mul3A_441, %add3A_442 : i32
        %mul3A_444 = arith.constant 16 : i32
        %mul3A_445 = arith.muli %add3A_443, %mul3A_444 : i32
        %get3A_446 = arith.index_cast %mul3A_445 : i32 to index
        %get3A_447 = tpu.vector_load %arg19[%get3A_446] {strides = array<i32>} : memref<4096xf32, #tpu.memory_space<vmem>>, vector<16xf32>,
        %get3A_448 = vector.shape_cast %get3A_447 : vector<16xf32> to vector<16xf32>
        %mul3A_449 = arith.constant 1.250000e-01 : f32
        %mul3A_450 = vector.broadcast %mul3A_449 : f32 to vector<16xf32>
        %mul3A_451 = arith.mulf %get3A_448, %mul3A_450 : vector<16xf32>
        %swap3A_452 = arith.index_cast %mul3A_445 : i32 to index
        %swap3A_453 = tpu.vector_load %arg19[%swap3A_452] {strides = array<i32>} : memref<4096xf32, #tpu.memory_space<vmem>>, vector<16xf32>,
        %swap3A_454 = vector.shape_cast %swap3A_453 : vector<16xf32> to vector<16xf32>
        %swap3A_455 = vector.shape_cast %mul3A_451 : vector<16xf32> to vector<16xf32>
        tpu.vector_store %arg19[%swap3A_452], %swap3A_455 {strides = array<i32>} : memref<4096xf32, #tpu.memory_space<vmem>>, vector<16xf32>,
        %mul3A_456 = arith.constant 8 : i32
        %mul3A_457 = arith.muli %scan3A_361, %mul3A_456 : i32
        %add3A_458 = arith.constant 6 : i32
        %add3A_459 = arith.addi %mul3A_457, %add3A_458 : i32
        %mul3A_460 = arith.constant 16 : i32
        %mul3A_461 = arith.muli %add3A_459, %mul3A_460 : i32
        %get3A_462 = arith.index_cast %mul3A_461 : i32 to index
        %get3A_463 = tpu.vector_load %arg19[%get3A_462] {strides = array<i32>} : memref<4096xf32, #tpu.memory_space<vmem>>, vector<16xf32>,
        %get3A_464 = vector.shape_cast %get3A_463 : vector<16xf32> to vector<16xf32>
        %mul3A_465 = arith.constant 1.250000e-01 : f32
        %mul3A_466 = vector.broadcast %mul3A_465 : f32 to vector<16xf32>
        %mul3A_467 = arith.mulf %get3A_464, %mul3A_466 : vector<16xf32>
        %swap3A_468 = arith.index_cast %mul3A_461 : i32 to index
        %swap3A_469 = tpu.vector_load %arg19[%swap3A_468] {strides = array<i32>} : memref<4096xf32, #tpu.memory_space<vmem>>, vector<16xf32>,
        %swap3A_470 = vector.shape_cast %swap3A_469 : vector<16xf32> to vector<16xf32>
        %swap3A_471 = vector.shape_cast %mul3A_467 : vector<16xf32> to vector<16xf32>
        tpu.vector_store %arg19[%swap3A_468], %swap3A_471 {strides = array<i32>} : memref<4096xf32, #tpu.memory_space<vmem>>, vector<16xf32>,
        %mul3A_472 = arith.constant 8 : i32
        %mul3A_473 = arith.muli %scan3A_361, %mul3A_472 : i32
        %add3A_474 = arith.constant 7 : i32
        %add3A_475 = arith.addi %mul3A_473, %add3A_474 : i32
        %mul3A_476 = arith.constant 16 : i32
        %mul3A_477 = arith.muli %add3A_475, %mul3A_476 : i32
        %get3A_478 = arith.index_cast %mul3A_477 : i32 to index
        %get3A_479 = tpu.vector_load %arg19[%get3A_478] {strides = array<i32>} : memref<4096xf32, #tpu.memory_space<vmem>>, vector<16xf32>,
        %get3A_480 = vector.shape_cast %get3A_479 : vector<16xf32> to vector<16xf32>
        %mul3A_481 = arith.constant 1.250000e-01 : f32
        %mul3A_482 = vector.broadcast %mul3A_481 : f32 to vector<16xf32>
        %mul3A_483 = arith.mulf %get3A_480, %mul3A_482 : vector<16xf32>
        %swap3A_484 = arith.index_cast %mul3A_477 : i32 to index
        %swap3A_485 = tpu.vector_load %arg19[%swap3A_484] {strides = array<i32>} : memref<4096xf32, #tpu.memory_space<vmem>>, vector<16xf32>,
        %swap3A_486 = vector.shape_cast %swap3A_485 : vector<16xf32> to vector<16xf32>
        %swap3A_487 = vector.shape_cast %mul3A_483 : vector<16xf32> to vector<16xf32>
        tpu.vector_store %arg19[%swap3A_484], %swap3A_487 {strides = array<i32>} : memref<4096xf32, #tpu.memory_space<vmem>>, vector<16xf32>,
      }
      %scan3A_80 = arith.constant 32 : i32
      %add3A_81 = arith.constant 1 : i32
      %add3A_82 = arith.addi %select_n3A, %add3A_81 : i32
      %dma_start3A_83 = arith.constant 0 : i32
      %dma_start3A_84 = tpu.memref_slice %arg4[%add3A_82, %add3A_52, %dma_start3A_83] : memref<200x64x4096xf32, #tpu.memory_space<hbm>> -> memref<1x1x4096xf32, #tpu.memory_space<hbm>>
      %dma_start3A_85 = tpu.memref_squeeze %dma_start3A_84 : memref<1x1x4096xf32, #tpu.memory_space<hbm>> -> memref<4096xf32, #tpu.memory_space<hbm>>
      %dma_start3A_86 = arith.constant 0 : i32
      %dma_start3A_87 = tpu.memref_slice %arg4[%add3A_82, %add3A_52, %dma_start3A_86] : memref<200x64x4096xf32, #tpu.memory_space<hbm>> -> memref<1x1x4096xf32, #tpu.memory_space<hbm>>
      %dma_start3A_88 = tpu.memref_squeeze %dma_start3A_87 : memref<1x1x4096xf32, #tpu.memory_space<hbm>> -> memref<4096xf32, #tpu.memory_space<hbm>>
      tpu.enqueue_dma source(%arg19 : memref<4096xf32, #tpu.memory_space<vmem>>) target(%dma_start3A_88 : memref<4096xf32, #tpu.memory_space<hbm>>) target_semaphore(%arg23 : memref<!tpu.dma_semaphore, #tpu.memory_space<semaphore_mem>>)
      %dma_wait3A_89 = arith.constant 0 : i32
      %dma_wait3A_90 = arith.constant 0 : i32
      %dma_wait3A_91 = arith.constant 0 : i32
      %dma_wait3A_92 = tpu.memref_slice %arg4[%dma_wait3A_89, %dma_wait3A_90, %dma_wait3A_91] : memref<200x64x4096xf32, #tpu.memory_space<hbm>> -> memref<1x1x4096xf32, #tpu.memory_space<hbm>>
      %dma_wait3A_93 = tpu.memref_squeeze %dma_wait3A_92 : memref<1x1x4096xf32, #tpu.memory_space<hbm>> -> memref<4096xf32, #tpu.memory_space<hbm>>
      %dma_wait3A_94 = arith.constant 0 : i32
      %dma_wait3A_95 = tpu.memref_slice %arg4[%dma_wait3A_89, %dma_wait3A_90, %dma_wait3A_94] : memref<200x64x4096xf32, #tpu.memory_space<hbm>> -> memref<1x1x4096xf32, #tpu.memory_space<hbm>>
      %dma_wait3A_96 = tpu.memref_squeeze %dma_wait3A_95 : memref<1x1x4096xf32, #tpu.memory_space<hbm>> -> memref<4096xf32, #tpu.memory_space<hbm>>
      tpu.wait_dma2 semaphore(%arg23 : memref<!tpu.dma_semaphore, #tpu.memory_space<semaphore_mem>>) src(%arg18 : memref<4096xf32, #tpu.memory_space<vmem>>) dst(%dma_wait3A_96 : memref<4096xf32, #tpu.memory_space<hbm>>)
      %dma_start3A_97 = arith.constant 0 : i32
      %dma_start3A_98 = tpu.memref_slice %arg21[%dma_start3A_97] : memref<1000000xf32, #tpu.memory_space<vmem_shared>> -> memref<1000000xf32, #tpu.memory_space<vmem_shared>>
      tpu.enqueue_indirect_dma source(%dma_start3A_98 : memref<1000000xf32, #tpu.memory_space<vmem_shared>>) target(%arg18 : memref<4096xf32, #tpu.memory_space<vmem>>) offsets(%arg8 : memref<4096xi32, #tpu.memory_space<vmem>>) semaphore(%arg22 : memref<!tpu.dma_semaphore, #tpu.memory_space<semaphore_mem>>)
      %dma_wait3A_99 = arith.constant 0 : i32
      %dma_wait3A_100 = tpu.memref_slice %arg21[%dma_wait3A_99] : memref<1000000xf32, #tpu.memory_space<vmem_shared>> -> memref<1000000xf32, #tpu.memory_space<vmem_shared>>
      tpu.wait_indirect_dma semaphore(%arg22 : memref<!tpu.dma_semaphore, #tpu.memory_space<semaphore_mem>>) src(%dma_wait3A_100 : memref<1000000xf32, #tpu.memory_space<vmem_shared>>) dst(%arg20 : memref<4096xf32, #tpu.memory_space<vmem>>)
      %scan3A_101 = arith.constant 0 : i32
      %scan3A_102 = arith.constant 0 : i32
      %scan3A_103 = arith.constant 32 : i32
      %scan3A_104 = arith.addi %scan3A_102, %scan3A_103 : i32
      %scan3A_105 = arith.constant 1 : i32
      scf.for %scan3A_361 = %scan3A_102 to %scan3A_104 step %scan3A_105  : i32 {
        %mul3A_362 = arith.constant 8 : i32
        %mul3A_363 = arith.muli %scan3A_361, %mul3A_362 : i32
        %add3A_364 = arith.constant 0 : i32
        %add3A_365 = arith.addi %mul3A_363, %add3A_364 : i32
        %mul3A_366 = arith.constant 16 : i32
        %mul3A_367 = arith.muli %add3A_365, %mul3A_366 : i32
        %get3A = arith.index_cast %mul3A_367 : i32 to index
        %get3A_368 = tpu.vector_load %arg20[%get3A] {strides = array<i32>} : memref<4096xf32, #tpu.memory_space<vmem>>, vector<16xf32>,
        %get3A_369 = vector.shape_cast %get3A_368 : vector<16xf32> to vector<16xf32>
        %mul3A_370 = arith.constant 1.250000e-01 : f32
        %mul3A_371 = vector.broadcast %mul3A_370 : f32 to vector<16xf32>
        %mul3A_372 = arith.mulf %get3A_369, %mul3A_371 : vector<16xf32>
        %swap3A = arith.index_cast %mul3A_367 : i32 to index
        %swap3A_373 = tpu.vector_load %arg20[%swap3A] {strides = array<i32>} : memref<4096xf32, #tpu.memory_space<vmem>>, vector<16xf32>,
        %swap3A_374 = vector.shape_cast %swap3A_373 : vector<16xf32> to vector<16xf32>
        %swap3A_375 = vector.shape_cast %mul3A_372 : vector<16xf32> to vector<16xf32>
        tpu.vector_store %arg20[%swap3A], %swap3A_375 {strides = array<i32>} : memref<4096xf32, #tpu.memory_space<vmem>>, vector<16xf32>,
        %mul3A_376 = arith.constant 8 : i32
        %mul3A_377 = arith.muli %scan3A_361, %mul3A_376 : i32
        %add3A_378 = arith.constant 1 : i32
        %add3A_379 = arith.addi %mul3A_377, %add3A_378 : i32
        %mul3A_380 = arith.constant 16 : i32
        %mul3A_381 = arith.muli %add3A_379, %mul3A_380 : i32
        %get3A_382 = arith.index_cast %mul3A_381 : i32 to index
        %get3A_383 = tpu.vector_load %arg20[%get3A_382] {strides = array<i32>} : memref<4096xf32, #tpu.memory_space<vmem>>, vector<16xf32>,
        %get3A_384 = vector.shape_cast %get3A_383 : vector<16xf32> to vector<16xf32>
        %mul3A_385 = arith.constant 1.250000e-01 : f32
        %mul3A_386 = vector.broadcast %mul3A_385 : f32 to vector<16xf32>
        %mul3A_387 = arith.mulf %get3A_384, %mul3A_386 : vector<16xf32>
        %swap3A_388 = arith.index_cast %mul3A_381 : i32 to index
        %swap3A_389 = tpu.vector_load %arg20[%swap3A_388] {strides = array<i32>} : memref<4096xf32, #tpu.memory_space<vmem>>, vector<16xf32>,
        %swap3A_390 = vector.shape_cast %swap3A_389 : vector<16xf32> to vector<16xf32>
        %swap3A_391 = vector.shape_cast %mul3A_387 : vector<16xf32> to vector<16xf32>
        tpu.vector_store %arg20[%swap3A_388], %swap3A_391 {strides = array<i32>} : memref<4096xf32, #tpu.memory_space<vmem>>, vector<16xf32>,
        %mul3A_392 = arith.constant 8 : i32
        %mul3A_393 = arith.muli %scan3A_361, %mul3A_392 : i32
        %add3A_394 = arith.constant 2 : i32
        %add3A_395 = arith.addi %mul3A_393, %add3A_394 : i32
        %mul3A_396 = arith.constant 16 : i32
        %mul3A_397 = arith.muli %add3A_395, %mul3A_396 : i32
        %get3A_398 = arith.index_cast %mul3A_397 : i32 to index
        %get3A_399 = tpu.vector_load %arg20[%get3A_398] {strides = array<i32>} : memref<4096xf32, #tpu.memory_space<vmem>>, vector<16xf32>,
        %get3A_400 = vector.shape_cast %get3A_399 : vector<16xf32> to vector<16xf32>
        %mul3A_401 = arith.constant 1.250000e-01 : f32
        %mul3A_402 = vector.broadcast %mul3A_401 : f32 to vector<16xf32>
        %mul3A_403 = arith.mulf %get3A_400, %mul3A_402 : vector<16xf32>
        %swap3A_404 = arith.index_cast %mul3A_397 : i32 to index
        %swap3A_405 = tpu.vector_load %arg20[%swap3A_404] {strides = array<i32>} : memref<4096xf32, #tpu.memory_space<vmem>>, vector<16xf32>,
        %swap3A_406 = vector.shape_cast %swap3A_405 : vector<16xf32> to vector<16xf32>
        %swap3A_407 = vector.shape_cast %mul3A_403 : vector<16xf32> to vector<16xf32>
        tpu.vector_store %arg20[%swap3A_404], %swap3A_407 {strides = array<i32>} : memref<4096xf32, #tpu.memory_space<vmem>>, vector<16xf32>,
        %mul3A_408 = arith.constant 8 : i32
        %mul3A_409 = arith.muli %scan3A_361, %mul3A_408 : i32
        %add3A_410 = arith.constant 3 : i32
        %add3A_411 = arith.addi %mul3A_409, %add3A_410 : i32
        %mul3A_412 = arith.constant 16 : i32
        %mul3A_413 = arith.muli %add3A_411, %mul3A_412 : i32
        %get3A_414 = arith.index_cast %mul3A_413 : i32 to index
        %get3A_415 = tpu.vector_load %arg20[%get3A_414] {strides = array<i32>} : memref<4096xf32, #tpu.memory_space<vmem>>, vector<16xf32>,
        %get3A_416 = vector.shape_cast %get3A_415 : vector<16xf32> to vector<16xf32>
        %mul3A_417 = arith.constant 1.250000e-01 : f32
        %mul3A_418 = vector.broadcast %mul3A_417 : f32 to vector<16xf32>
        %mul3A_419 = arith.mulf %get3A_416, %mul3A_418 : vector<16xf32>
        %swap3A_420 = arith.index_cast %mul3A_413 : i32 to index
        %swap3A_421 = tpu.vector_load %arg20[%swap3A_420] {strides = array<i32>} : memref<4096xf32, #tpu.memory_space<vmem>>, vector<16xf32>,
        %swap3A_422 = vector.shape_cast %swap3A_421 : vector<16xf32> to vector<16xf32>
        %swap3A_423 = vector.shape_cast %mul3A_419 : vector<16xf32> to vector<16xf32>
        tpu.vector_store %arg20[%swap3A_420], %swap3A_423 {strides = array<i32>} : memref<4096xf32, #tpu.memory_space<vmem>>, vector<16xf32>,
        %mul3A_424 = arith.constant 8 : i32
        %mul3A_425 = arith.muli %scan3A_361, %mul3A_424 : i32
        %add3A_426 = arith.constant 4 : i32
        %add3A_427 = arith.addi %mul3A_425, %add3A_426 : i32
        %mul3A_428 = arith.constant 16 : i32
        %mul3A_429 = arith.muli %add3A_427, %mul3A_428 : i32
        %get3A_430 = arith.index_cast %mul3A_429 : i32 to index
        %get3A_431 = tpu.vector_load %arg20[%get3A_430] {strides = array<i32>} : memref<4096xf32, #tpu.memory_space<vmem>>, vector<16xf32>,
        %get3A_432 = vector.shape_cast %get3A_431 : vector<16xf32> to vector<16xf32>
        %mul3A_433 = arith.constant 1.250000e-01 : f32
        %mul3A_434 = vector.broadcast %mul3A_433 : f32 to vector<16xf32>
        %mul3A_435 = arith.mulf %get3A_432, %mul3A_434 : vector<16xf32>
        %swap3A_436 = arith.index_cast %mul3A_429 : i32 to index
        %swap3A_437 = tpu.vector_load %arg20[%swap3A_436] {strides = array<i32>} : memref<4096xf32, #tpu.memory_space<vmem>>, vector<16xf32>,
        %swap3A_438 = vector.shape_cast %swap3A_437 : vector<16xf32> to vector<16xf32>
        %swap3A_439 = vector.shape_cast %mul3A_435 : vector<16xf32> to vector<16xf32>
        tpu.vector_store %arg20[%swap3A_436], %swap3A_439 {strides = array<i32>} : memref<4096xf32, #tpu.memory_space<vmem>>, vector<16xf32>,
        %mul3A_440 = arith.constant 8 : i32
        %mul3A_441 = arith.muli %scan3A_361, %mul3A_440 : i32
        %add3A_442 = arith.constant 5 : i32
        %add3A_443 = arith.addi %mul3A_441, %add3A_442 : i32
        %mul3A_444 = arith.constant 16 : i32
        %mul3A_445 = arith.muli %add3A_443, %mul3A_444 : i32
        %get3A_446 = arith.index_cast %mul3A_445 : i32 to index
        %get3A_447 = tpu.vector_load %arg20[%get3A_446] {strides = array<i32>} : memref<4096xf32, #tpu.memory_space<vmem>>, vector<16xf32>,
        %get3A_448 = vector.shape_cast %get3A_447 : vector<16xf32> to vector<16xf32>
        %mul3A_449 = arith.constant 1.250000e-01 : f32
        %mul3A_450 = vector.broadcast %mul3A_449 : f32 to vector<16xf32>
        %mul3A_451 = arith.mulf %get3A_448, %mul3A_450 : vector<16xf32>
        %swap3A_452 = arith.index_cast %mul3A_445 : i32 to index
        %swap3A_453 = tpu.vector_load %arg20[%swap3A_452] {strides = array<i32>} : memref<4096xf32, #tpu.memory_space<vmem>>, vector<16xf32>,
        %swap3A_454 = vector.shape_cast %swap3A_453 : vector<16xf32> to vector<16xf32>
        %swap3A_455 = vector.shape_cast %mul3A_451 : vector<16xf32> to vector<16xf32>
        tpu.vector_store %arg20[%swap3A_452], %swap3A_455 {strides = array<i32>} : memref<4096xf32, #tpu.memory_space<vmem>>, vector<16xf32>,
        %mul3A_456 = arith.constant 8 : i32
        %mul3A_457 = arith.muli %scan3A_361, %mul3A_456 : i32
        %add3A_458 = arith.constant 6 : i32
        %add3A_459 = arith.addi %mul3A_457, %add3A_458 : i32
        %mul3A_460 = arith.constant 16 : i32
        %mul3A_461 = arith.muli %add3A_459, %mul3A_460 : i32
        %get3A_462 = arith.index_cast %mul3A_461 : i32 to index
        %get3A_463 = tpu.vector_load %arg20[%get3A_462] {strides = array<i32>} : memref<4096xf32, #tpu.memory_space<vmem>>, vector<16xf32>,
        %get3A_464 = vector.shape_cast %get3A_463 : vector<16xf32> to vector<16xf32>
        %mul3A_465 = arith.constant 1.250000e-01 : f32
        %mul3A_466 = vector.broadcast %mul3A_465 : f32 to vector<16xf32>
        %mul3A_467 = arith.mulf %get3A_464, %mul3A_466 : vector<16xf32>
        %swap3A_468 = arith.index_cast %mul3A_461 : i32 to index
        %swap3A_469 = tpu.vector_load %arg20[%swap3A_468] {strides = array<i32>} : memref<4096xf32, #tpu.memory_space<vmem>>, vector<16xf32>,
        %swap3A_470 = vector.shape_cast %swap3A_469 : vector<16xf32> to vector<16xf32>
        %swap3A_471 = vector.shape_cast %mul3A_467 : vector<16xf32> to vector<16xf32>
        tpu.vector_store %arg20[%swap3A_468], %swap3A_471 {strides = array<i32>} : memref<4096xf32, #tpu.memory_space<vmem>>, vector<16xf32>,
        %mul3A_472 = arith.constant 8 : i32
        %mul3A_473 = arith.muli %scan3A_361, %mul3A_472 : i32
        %add3A_474 = arith.constant 7 : i32
        %add3A_475 = arith.addi %mul3A_473, %add3A_474 : i32
        %mul3A_476 = arith.constant 16 : i32
        %mul3A_477 = arith.muli %add3A_475, %mul3A_476 : i32
        %get3A_478 = arith.index_cast %mul3A_477 : i32 to index
        %get3A_479 = tpu.vector_load %arg20[%get3A_478] {strides = array<i32>} : memref<4096xf32, #tpu.memory_space<vmem>>, vector<16xf32>,
        %get3A_480 = vector.shape_cast %get3A_479 : vector<16xf32> to vector<16xf32>
        %mul3A_481 = arith.constant 1.250000e-01 : f32
        %mul3A_482 = vector.broadcast %mul3A_481 : f32 to vector<16xf32>
        %mul3A_483 = arith.mulf %get3A_480, %mul3A_482 : vector<16xf32>
        %swap3A_484 = arith.index_cast %mul3A_477 : i32 to index
        %swap3A_485 = tpu.vector_load %arg20[%swap3A_484] {strides = array<i32>} : memref<4096xf32, #tpu.memory_space<vmem>>, vector<16xf32>,
        %swap3A_486 = vector.shape_cast %swap3A_485 : vector<16xf32> to vector<16xf32>
        %swap3A_487 = vector.shape_cast %mul3A_483 : vector<16xf32> to vector<16xf32>
        tpu.vector_store %arg20[%swap3A_484], %swap3A_487 {strides = array<i32>} : memref<4096xf32, #tpu.memory_space<vmem>>, vector<16xf32>,
      }
      %scan3A_106 = arith.constant 32 : i32
      %add3A_107 = arith.constant 2 : i32
      %add3A_108 = arith.addi %select_n3A, %add3A_107 : i32
      %dma_start3A_109 = arith.constant 0 : i32
      %dma_start3A_110 = tpu.memref_slice %arg4[%add3A_108, %add3A_52, %dma_start3A_109] : memref<200x64x4096xf32, #tpu.memory_space<hbm>> -> memref<1x1x4096xf32, #tpu.memory_space<hbm>>
      %dma_start3A_111 = tpu.memref_squeeze %dma_start3A_110 : memref<1x1x4096xf32, #tpu.memory_space<hbm>> -> memref<4096xf32, #tpu.memory_space<hbm>>
      %dma_start3A_112 = arith.constant 0 : i32
      %dma_start3A_113 = tpu.memref_slice %arg4[%add3A_108, %add3A_52, %dma_start3A_112] : memref<200x64x4096xf32, #tpu.memory_space<hbm>> -> memref<1x1x4096xf32, #tpu.memory_space<hbm>>
      %dma_start3A_114 = tpu.memref_squeeze %dma_start3A_113 : memref<1x1x4096xf32, #tpu.memory_space<hbm>> -> memref<4096xf32, #tpu.memory_space<hbm>>
      tpu.enqueue_dma source(%arg20 : memref<4096xf32, #tpu.memory_space<vmem>>) target(%dma_start3A_114 : memref<4096xf32, #tpu.memory_space<hbm>>) target_semaphore(%arg23 : memref<!tpu.dma_semaphore, #tpu.memory_space<semaphore_mem>>)
      %dma_wait3A_115 = arith.constant 0 : i32
      %dma_wait3A_116 = arith.constant 0 : i32
      %dma_wait3A_117 = arith.constant 0 : i32
      %dma_wait3A_118 = tpu.memref_slice %arg4[%dma_wait3A_115, %dma_wait3A_116, %dma_wait3A_117] : memref<200x64x4096xf32, #tpu.memory_space<hbm>> -> memref<1x1x4096xf32, #tpu.memory_space<hbm>>
      %dma_wait3A_119 = tpu.memref_squeeze %dma_wait3A_118 : memref<1x1x4096xf32, #tpu.memory_space<hbm>> -> memref<4096xf32, #tpu.memory_space<hbm>>
      %dma_wait3A_120 = arith.constant 0 : i32
      %dma_wait3A_121 = tpu.memref_slice %arg4[%dma_wait3A_115, %dma_wait3A_116, %dma_wait3A_120] : memref<200x64x4096xf32, #tpu.memory_space<hbm>> -> memref<1x1x4096xf32, #tpu.memory_space<hbm>>
      %dma_wait3A_122 = tpu.memref_squeeze %dma_wait3A_121 : memref<1x1x4096xf32, #tpu.memory_space<hbm>> -> memref<4096xf32, #tpu.memory_space<hbm>>
      tpu.wait_dma2 semaphore(%arg23 : memref<!tpu.dma_semaphore, #tpu.memory_space<semaphore_mem>>) src(%arg19 : memref<4096xf32, #tpu.memory_space<vmem>>) dst(%dma_wait3A_122 : memref<4096xf32, #tpu.memory_space<hbm>>)
      %dma_start3A_123 = arith.constant 0 : i32
      %dma_start3A_124 = tpu.memref_slice %arg21[%dma_start3A_123] : memref<1000000xf32, #tpu.memory_space<vmem_shared>> -> memref<1000000xf32, #tpu.memory_space<vmem_shared>>
      tpu.enqueue_indirect_dma source(%dma_start3A_124 : memref<1000000xf32, #tpu.memory_space<vmem_shared>>) target(%arg19 : memref<4096xf32, #tpu.memory_space<vmem>>) offsets(%arg9 : memref<4096xi32, #tpu.memory_space<vmem>>) semaphore(%arg22 : memref<!tpu.dma_semaphore, #tpu.memory_space<semaphore_mem>>)
      %dma_wait3A_125 = arith.constant 0 : i32
      %dma_wait3A_126 = tpu.memref_slice %arg21[%dma_wait3A_125] : memref<1000000xf32, #tpu.memory_space<vmem_shared>> -> memref<1000000xf32, #tpu.memory_space<vmem_shared>>
      tpu.wait_indirect_dma semaphore(%arg22 : memref<!tpu.dma_semaphore, #tpu.memory_space<semaphore_mem>>) src(%dma_wait3A_126 : memref<1000000xf32, #tpu.memory_space<vmem_shared>>) dst(%arg18 : memref<4096xf32, #tpu.memory_space<vmem>>)
      %scan3A_127 = arith.constant 0 : i32
      %scan3A_128 = arith.constant 0 : i32
      %scan3A_129 = arith.constant 32 : i32
      %scan3A_130 = arith.addi %scan3A_128, %scan3A_129 : i32
      %scan3A_131 = arith.constant 1 : i32
      scf.for %scan3A_361 = %scan3A_128 to %scan3A_130 step %scan3A_131  : i32 {
        %mul3A_362 = arith.constant 8 : i32
        %mul3A_363 = arith.muli %scan3A_361, %mul3A_362 : i32
        %add3A_364 = arith.constant 0 : i32
        %add3A_365 = arith.addi %mul3A_363, %add3A_364 : i32
        %mul3A_366 = arith.constant 16 : i32
        %mul3A_367 = arith.muli %add3A_365, %mul3A_366 : i32
        %get3A = arith.index_cast %mul3A_367 : i32 to index
        %get3A_368 = tpu.vector_load %arg18[%get3A] {strides = array<i32>} : memref<4096xf32, #tpu.memory_space<vmem>>, vector<16xf32>,
        %get3A_369 = vector.shape_cast %get3A_368 : vector<16xf32> to vector<16xf32>
        %mul3A_370 = arith.constant 1.250000e-01 : f32
        %mul3A_371 = vector.broadcast %mul3A_370 : f32 to vector<16xf32>
        %mul3A_372 = arith.mulf %get3A_369, %mul3A_371 : vector<16xf32>
        %swap3A = arith.index_cast %mul3A_367 : i32 to index
        %swap3A_373 = tpu.vector_load %arg18[%swap3A] {strides = array<i32>} : memref<4096xf32, #tpu.memory_space<vmem>>, vector<16xf32>,
        %swap3A_374 = vector.shape_cast %swap3A_373 : vector<16xf32> to vector<16xf32>
        %swap3A_375 = vector.shape_cast %mul3A_372 : vector<16xf32> to vector<16xf32>
        tpu.vector_store %arg18[%swap3A], %swap3A_375 {strides = array<i32>} : memref<4096xf32, #tpu.memory_space<vmem>>, vector<16xf32>,
        %mul3A_376 = arith.constant 8 : i32
        %mul3A_377 = arith.muli %scan3A_361, %mul3A_376 : i32
        %add3A_378 = arith.constant 1 : i32
        %add3A_379 = arith.addi %mul3A_377, %add3A_378 : i32
        %mul3A_380 = arith.constant 16 : i32
        %mul3A_381 = arith.muli %add3A_379, %mul3A_380 : i32
        %get3A_382 = arith.index_cast %mul3A_381 : i32 to index
        %get3A_383 = tpu.vector_load %arg18[%get3A_382] {strides = array<i32>} : memref<4096xf32, #tpu.memory_space<vmem>>, vector<16xf32>,
        %get3A_384 = vector.shape_cast %get3A_383 : vector<16xf32> to vector<16xf32>
        %mul3A_385 = arith.constant 1.250000e-01 : f32
        %mul3A_386 = vector.broadcast %mul3A_385 : f32 to vector<16xf32>
        %mul3A_387 = arith.mulf %get3A_384, %mul3A_386 : vector<16xf32>
        %swap3A_388 = arith.index_cast %mul3A_381 : i32 to index
        %swap3A_389 = tpu.vector_load %arg18[%swap3A_388] {strides = array<i32>} : memref<4096xf32, #tpu.memory_space<vmem>>, vector<16xf32>,
        %swap3A_390 = vector.shape_cast %swap3A_389 : vector<16xf32> to vector<16xf32>
        %swap3A_391 = vector.shape_cast %mul3A_387 : vector<16xf32> to vector<16xf32>
        tpu.vector_store %arg18[%swap3A_388], %swap3A_391 {strides = array<i32>} : memref<4096xf32, #tpu.memory_space<vmem>>, vector<16xf32>,
        %mul3A_392 = arith.constant 8 : i32
        %mul3A_393 = arith.muli %scan3A_361, %mul3A_392 : i32
        %add3A_394 = arith.constant 2 : i32
        %add3A_395 = arith.addi %mul3A_393, %add3A_394 : i32
        %mul3A_396 = arith.constant 16 : i32
        %mul3A_397 = arith.muli %add3A_395, %mul3A_396 : i32
        %get3A_398 = arith.index_cast %mul3A_397 : i32 to index
        %get3A_399 = tpu.vector_load %arg18[%get3A_398] {strides = array<i32>} : memref<4096xf32, #tpu.memory_space<vmem>>, vector<16xf32>,
        %get3A_400 = vector.shape_cast %get3A_399 : vector<16xf32> to vector<16xf32>
        %mul3A_401 = arith.constant 1.250000e-01 : f32
        %mul3A_402 = vector.broadcast %mul3A_401 : f32 to vector<16xf32>
        %mul3A_403 = arith.mulf %get3A_400, %mul3A_402 : vector<16xf32>
        %swap3A_404 = arith.index_cast %mul3A_397 : i32 to index
        %swap3A_405 = tpu.vector_load %arg18[%swap3A_404] {strides = array<i32>} : memref<4096xf32, #tpu.memory_space<vmem>>, vector<16xf32>,
        %swap3A_406 = vector.shape_cast %swap3A_405 : vector<16xf32> to vector<16xf32>
        %swap3A_407 = vector.shape_cast %mul3A_403 : vector<16xf32> to vector<16xf32>
        tpu.vector_store %arg18[%swap3A_404], %swap3A_407 {strides = array<i32>} : memref<4096xf32, #tpu.memory_space<vmem>>, vector<16xf32>,
        %mul3A_408 = arith.constant 8 : i32
        %mul3A_409 = arith.muli %scan3A_361, %mul3A_408 : i32
        %add3A_410 = arith.constant 3 : i32
        %add3A_411 = arith.addi %mul3A_409, %add3A_410 : i32
        %mul3A_412 = arith.constant 16 : i32
        %mul3A_413 = arith.muli %add3A_411, %mul3A_412 : i32
        %get3A_414 = arith.index_cast %mul3A_413 : i32 to index
        %get3A_415 = tpu.vector_load %arg18[%get3A_414] {strides = array<i32>} : memref<4096xf32, #tpu.memory_space<vmem>>, vector<16xf32>,
        %get3A_416 = vector.shape_cast %get3A_415 : vector<16xf32> to vector<16xf32>
        %mul3A_417 = arith.constant 1.250000e-01 : f32
        %mul3A_418 = vector.broadcast %mul3A_417 : f32 to vector<16xf32>
        %mul3A_419 = arith.mulf %get3A_416, %mul3A_418 : vector<16xf32>
        %swap3A_420 = arith.index_cast %mul3A_413 : i32 to index
        %swap3A_421 = tpu.vector_load %arg18[%swap3A_420] {strides = array<i32>} : memref<4096xf32, #tpu.memory_space<vmem>>, vector<16xf32>,
        %swap3A_422 = vector.shape_cast %swap3A_421 : vector<16xf32> to vector<16xf32>
        %swap3A_423 = vector.shape_cast %mul3A_419 : vector<16xf32> to vector<16xf32>
        tpu.vector_store %arg18[%swap3A_420], %swap3A_423 {strides = array<i32>} : memref<4096xf32, #tpu.memory_space<vmem>>, vector<16xf32>,
        %mul3A_424 = arith.constant 8 : i32
        %mul3A_425 = arith.muli %scan3A_361, %mul3A_424 : i32
        %add3A_426 = arith.constant 4 : i32
        %add3A_427 = arith.addi %mul3A_425, %add3A_426 : i32
        %mul3A_428 = arith.constant 16 : i32
        %mul3A_429 = arith.muli %add3A_427, %mul3A_428 : i32
        %get3A_430 = arith.index_cast %mul3A_429 : i32 to index
        %get3A_431 = tpu.vector_load %arg18[%get3A_430] {strides = array<i32>} : memref<4096xf32, #tpu.memory_space<vmem>>, vector<16xf32>,
        %get3A_432 = vector.shape_cast %get3A_431 : vector<16xf32> to vector<16xf32>
        %mul3A_433 = arith.constant 1.250000e-01 : f32
        %mul3A_434 = vector.broadcast %mul3A_433 : f32 to vector<16xf32>
        %mul3A_435 = arith.mulf %get3A_432, %mul3A_434 : vector<16xf32>
        %swap3A_436 = arith.index_cast %mul3A_429 : i32 to index
        %swap3A_437 = tpu.vector_load %arg18[%swap3A_436] {strides = array<i32>} : memref<4096xf32, #tpu.memory_space<vmem>>, vector<16xf32>,
        %swap3A_438 = vector.shape_cast %swap3A_437 : vector<16xf32> to vector<16xf32>
        %swap3A_439 = vector.shape_cast %mul3A_435 : vector<16xf32> to vector<16xf32>
        tpu.vector_store %arg18[%swap3A_436], %swap3A_439 {strides = array<i32>} : memref<4096xf32, #tpu.memory_space<vmem>>, vector<16xf32>,
        %mul3A_440 = arith.constant 8 : i32
        %mul3A_441 = arith.muli %scan3A_361, %mul3A_440 : i32
        %add3A_442 = arith.constant 5 : i32
        %add3A_443 = arith.addi %mul3A_441, %add3A_442 : i32
        %mul3A_444 = arith.constant 16 : i32
        %mul3A_445 = arith.muli %add3A_443, %mul3A_444 : i32
        %get3A_446 = arith.index_cast %mul3A_445 : i32 to index
        %get3A_447 = tpu.vector_load %arg18[%get3A_446] {strides = array<i32>} : memref<4096xf32, #tpu.memory_space<vmem>>, vector<16xf32>,
        %get3A_448 = vector.shape_cast %get3A_447 : vector<16xf32> to vector<16xf32>
        %mul3A_449 = arith.constant 1.250000e-01 : f32
        %mul3A_450 = vector.broadcast %mul3A_449 : f32 to vector<16xf32>
        %mul3A_451 = arith.mulf %get3A_448, %mul3A_450 : vector<16xf32>
        %swap3A_452 = arith.index_cast %mul3A_445 : i32 to index
        %swap3A_453 = tpu.vector_load %arg18[%swap3A_452] {strides = array<i32>} : memref<4096xf32, #tpu.memory_space<vmem>>, vector<16xf32>,
        %swap3A_454 = vector.shape_cast %swap3A_453 : vector<16xf32> to vector<16xf32>
        %swap3A_455 = vector.shape_cast %mul3A_451 : vector<16xf32> to vector<16xf32>
        tpu.vector_store %arg18[%swap3A_452], %swap3A_455 {strides = array<i32>} : memref<4096xf32, #tpu.memory_space<vmem>>, vector<16xf32>,
        %mul3A_456 = arith.constant 8 : i32
        %mul3A_457 = arith.muli %scan3A_361, %mul3A_456 : i32
        %add3A_458 = arith.constant 6 : i32
        %add3A_459 = arith.addi %mul3A_457, %add3A_458 : i32
        %mul3A_460 = arith.constant 16 : i32
        %mul3A_461 = arith.muli %add3A_459, %mul3A_460 : i32
        %get3A_462 = arith.index_cast %mul3A_461 : i32 to index
        %get3A_463 = tpu.vector_load %arg18[%get3A_462] {strides = array<i32>} : memref<4096xf32, #tpu.memory_space<vmem>>, vector<16xf32>,
        %get3A_464 = vector.shape_cast %get3A_463 : vector<16xf32> to vector<16xf32>
        %mul3A_465 = arith.constant 1.250000e-01 : f32
        %mul3A_466 = vector.broadcast %mul3A_465 : f32 to vector<16xf32>
        %mul3A_467 = arith.mulf %get3A_464, %mul3A_466 : vector<16xf32>
        %swap3A_468 = arith.index_cast %mul3A_461 : i32 to index
        %swap3A_469 = tpu.vector_load %arg18[%swap3A_468] {strides = array<i32>} : memref<4096xf32, #tpu.memory_space<vmem>>, vector<16xf32>,
        %swap3A_470 = vector.shape_cast %swap3A_469 : vector<16xf32> to vector<16xf32>
        %swap3A_471 = vector.shape_cast %mul3A_467 : vector<16xf32> to vector<16xf32>
        tpu.vector_store %arg18[%swap3A_468], %swap3A_471 {strides = array<i32>} : memref<4096xf32, #tpu.memory_space<vmem>>, vector<16xf32>,
        %mul3A_472 = arith.constant 8 : i32
        %mul3A_473 = arith.muli %scan3A_361, %mul3A_472 : i32
        %add3A_474 = arith.constant 7 : i32
        %add3A_475 = arith.addi %mul3A_473, %add3A_474 : i32
        %mul3A_476 = arith.constant 16 : i32
        %mul3A_477 = arith.muli %add3A_475, %mul3A_476 : i32
        %get3A_478 = arith.index_cast %mul3A_477 : i32 to index
        %get3A_479 = tpu.vector_load %arg18[%get3A_478] {strides = array<i32>} : memref<4096xf32, #tpu.memory_space<vmem>>, vector<16xf32>,
        %get3A_480 = vector.shape_cast %get3A_479 : vector<16xf32> to vector<16xf32>
        %mul3A_481 = arith.constant 1.250000e-01 : f32
        %mul3A_482 = vector.broadcast %mul3A_481 : f32 to vector<16xf32>
        %mul3A_483 = arith.mulf %get3A_480, %mul3A_482 : vector<16xf32>
        %swap3A_484 = arith.index_cast %mul3A_477 : i32 to index
        %swap3A_485 = tpu.vector_load %arg18[%swap3A_484] {strides = array<i32>} : memref<4096xf32, #tpu.memory_space<vmem>>, vector<16xf32>,
        %swap3A_486 = vector.shape_cast %swap3A_485 : vector<16xf32> to vector<16xf32>
        %swap3A_487 = vector.shape_cast %mul3A_483 : vector<16xf32> to vector<16xf32>
        tpu.vector_store %arg18[%swap3A_484], %swap3A_487 {strides = array<i32>} : memref<4096xf32, #tpu.memory_space<vmem>>, vector<16xf32>,
      }
      %scan3A_132 = arith.constant 32 : i32
      %add3A_133 = arith.constant 3 : i32
      %add3A_134 = arith.addi %select_n3A, %add3A_133 : i32
      %dma_start3A_135 = arith.constant 0 : i32
      %dma_start3A_136 = tpu.memref_slice %arg4[%add3A_134, %add3A_52, %dma_start3A_135] : memref<200x64x4096xf32, #tpu.memory_space<hbm>> -> memref<1x1x4096xf32, #tpu.memory_space<hbm>>
      %dma_start3A_137 = tpu.memref_squeeze %dma_start3A_136 : memref<1x1x4096xf32, #tpu.memory_space<hbm>> -> memref<4096xf32, #tpu.memory_space<hbm>>
      %dma_start3A_138 = arith.constant 0 : i32
      %dma_start3A_139 = tpu.memref_slice %arg4[%add3A_134, %add3A_52, %dma_start3A_138] : memref<200x64x4096xf32, #tpu.memory_space<hbm>> -> memref<1x1x4096xf32, #tpu.memory_space<hbm>>
      %dma_start3A_140 = tpu.memref_squeeze %dma_start3A_139 : memref<1x1x4096xf32, #tpu.memory_space<hbm>> -> memref<4096xf32, #tpu.memory_space<hbm>>
      tpu.enqueue_dma source(%arg18 : memref<4096xf32, #tpu.memory_space<vmem>>) target(%dma_start3A_140 : memref<4096xf32, #tpu.memory_space<hbm>>) target_semaphore(%arg23 : memref<!tpu.dma_semaphore, #tpu.memory_space<semaphore_mem>>)
      %dma_wait3A_141 = arith.constant 0 : i32
      %dma_wait3A_142 = arith.constant 0 : i32
      %dma_wait3A_143 = arith.constant 0 : i32
      %dma_wait3A_144 = tpu.memref_slice %arg4[%dma_wait3A_141, %dma_wait3A_142, %dma_wait3A_143] : memref<200x64x4096xf32, #tpu.memory_space<hbm>> -> memref<1x1x4096xf32, #tpu.memory_space<hbm>>
      %dma_wait3A_145 = tpu.memref_squeeze %dma_wait3A_144 : memref<1x1x4096xf32, #tpu.memory_space<hbm>> -> memref<4096xf32, #tpu.memory_space<hbm>>
      %dma_wait3A_146 = arith.constant 0 : i32
      %dma_wait3A_147 = tpu.memref_slice %arg4[%dma_wait3A_141, %dma_wait3A_142, %dma_wait3A_146] : memref<200x64x4096xf32, #tpu.memory_space<hbm>> -> memref<1x1x4096xf32, #tpu.memory_space<hbm>>
      %dma_wait3A_148 = tpu.memref_squeeze %dma_wait3A_147 : memref<1x1x4096xf32, #tpu.memory_space<hbm>> -> memref<4096xf32, #tpu.memory_space<hbm>>
      tpu.wait_dma2 semaphore(%arg23 : memref<!tpu.dma_semaphore, #tpu.memory_space<semaphore_mem>>) src(%arg20 : memref<4096xf32, #tpu.memory_space<vmem>>) dst(%dma_wait3A_148 : memref<4096xf32, #tpu.memory_space<hbm>>)
      %dma_start3A_149 = arith.constant 0 : i32
      %dma_start3A_150 = tpu.memref_slice %arg21[%dma_start3A_149] : memref<1000000xf32, #tpu.memory_space<vmem_shared>> -> memref<1000000xf32, #tpu.memory_space<vmem_shared>>
      tpu.enqueue_indirect_dma source(%dma_start3A_150 : memref<1000000xf32, #tpu.memory_space<vmem_shared>>) target(%arg20 : memref<4096xf32, #tpu.memory_space<vmem>>) offsets(%arg10 : memref<4096xi32, #tpu.memory_space<vmem>>) semaphore(%arg22 : memref<!tpu.dma_semaphore, #tpu.memory_space<semaphore_mem>>)
      %dma_wait3A_151 = arith.constant 0 : i32
      %dma_wait3A_152 = tpu.memref_slice %arg21[%dma_wait3A_151] : memref<1000000xf32, #tpu.memory_space<vmem_shared>> -> memref<1000000xf32, #tpu.memory_space<vmem_shared>>
      tpu.wait_indirect_dma semaphore(%arg22 : memref<!tpu.dma_semaphore, #tpu.memory_space<semaphore_mem>>) src(%dma_wait3A_152 : memref<1000000xf32, #tpu.memory_space<vmem_shared>>) dst(%arg19 : memref<4096xf32, #tpu.memory_space<vmem>>)
      %scan3A_153 = arith.constant 0 : i32
      %scan3A_154 = arith.constant 0 : i32
      %scan3A_155 = arith.constant 32 : i32
      %scan3A_156 = arith.addi %scan3A_154, %scan3A_155 : i32
      %scan3A_157 = arith.constant 1 : i32
      scf.for %scan3A_361 = %scan3A_154 to %scan3A_156 step %scan3A_157  : i32 {
        %mul3A_362 = arith.constant 8 : i32
        %mul3A_363 = arith.muli %scan3A_361, %mul3A_362 : i32
        %add3A_364 = arith.constant 0 : i32
        %add3A_365 = arith.addi %mul3A_363, %add3A_364 : i32
        %mul3A_366 = arith.constant 16 : i32
        %mul3A_367 = arith.muli %add3A_365, %mul3A_366 : i32
        %get3A = arith.index_cast %mul3A_367 : i32 to index
        %get3A_368 = tpu.vector_load %arg19[%get3A] {strides = array<i32>} : memref<4096xf32, #tpu.memory_space<vmem>>, vector<16xf32>,
        %get3A_369 = vector.shape_cast %get3A_368 : vector<16xf32> to vector<16xf32>
        %mul3A_370 = arith.constant 1.250000e-01 : f32
        %mul3A_371 = vector.broadcast %mul3A_370 : f32 to vector<16xf32>
        %mul3A_372 = arith.mulf %get3A_369, %mul3A_371 : vector<16xf32>
        %swap3A = arith.index_cast %mul3A_367 : i32 to index
        %swap3A_373 = tpu.vector_load %arg19[%swap3A] {strides = array<i32>} : memref<4096xf32, #tpu.memory_space<vmem>>, vector<16xf32>,
        %swap3A_374 = vector.shape_cast %swap3A_373 : vector<16xf32> to vector<16xf32>
        %swap3A_375 = vector.shape_cast %mul3A_372 : vector<16xf32> to vector<16xf32>
        tpu.vector_store %arg19[%swap3A], %swap3A_375 {strides = array<i32>} : memref<4096xf32, #tpu.memory_space<vmem>>, vector<16xf32>,
        %mul3A_376 = arith.constant 8 : i32
        %mul3A_377 = arith.muli %scan3A_361, %mul3A_376 : i32
        %add3A_378 = arith.constant 1 : i32
        %add3A_379 = arith.addi %mul3A_377, %add3A_378 : i32
        %mul3A_380 = arith.constant 16 : i32
        %mul3A_381 = arith.muli %add3A_379, %mul3A_380 : i32
        %get3A_382 = arith.index_cast %mul3A_381 : i32 to index
        %get3A_383 = tpu.vector_load %arg19[%get3A_382] {strides = array<i32>} : memref<4096xf32, #tpu.memory_space<vmem>>, vector<16xf32>,
        %get3A_384 = vector.shape_cast %get3A_383 : vector<16xf32> to vector<16xf32>
        %mul3A_385 = arith.constant 1.250000e-01 : f32
        %mul3A_386 = vector.broadcast %mul3A_385 : f32 to vector<16xf32>
        %mul3A_387 = arith.mulf %get3A_384, %mul3A_386 : vector<16xf32>
        %swap3A_388 = arith.index_cast %mul3A_381 : i32 to index
        %swap3A_389 = tpu.vector_load %arg19[%swap3A_388] {strides = array<i32>} : memref<4096xf32, #tpu.memory_space<vmem>>, vector<16xf32>,
        %swap3A_390 = vector.shape_cast %swap3A_389 : vector<16xf32> to vector<16xf32>
        %swap3A_391 = vector.shape_cast %mul3A_387 : vector<16xf32> to vector<16xf32>
        tpu.vector_store %arg19[%swap3A_388], %swap3A_391 {strides = array<i32>} : memref<4096xf32, #tpu.memory_space<vmem>>, vector<16xf32>,
        %mul3A_392 = arith.constant 8 : i32
        %mul3A_393 = arith.muli %scan3A_361, %mul3A_392 : i32
        %add3A_394 = arith.constant 2 : i32
        %add3A_395 = arith.addi %mul3A_393, %add3A_394 : i32
        %mul3A_396 = arith.constant 16 : i32
        %mul3A_397 = arith.muli %add3A_395, %mul3A_396 : i32
        %get3A_398 = arith.index_cast %mul3A_397 : i32 to index
        %get3A_399 = tpu.vector_load %arg19[%get3A_398] {strides = array<i32>} : memref<4096xf32, #tpu.memory_space<vmem>>, vector<16xf32>,
        %get3A_400 = vector.shape_cast %get3A_399 : vector<16xf32> to vector<16xf32>
        %mul3A_401 = arith.constant 1.250000e-01 : f32
        %mul3A_402 = vector.broadcast %mul3A_401 : f32 to vector<16xf32>
        %mul3A_403 = arith.mulf %get3A_400, %mul3A_402 : vector<16xf32>
        %swap3A_404 = arith.index_cast %mul3A_397 : i32 to index
        %swap3A_405 = tpu.vector_load %arg19[%swap3A_404] {strides = array<i32>} : memref<4096xf32, #tpu.memory_space<vmem>>, vector<16xf32>,
        %swap3A_406 = vector.shape_cast %swap3A_405 : vector<16xf32> to vector<16xf32>
        %swap3A_407 = vector.shape_cast %mul3A_403 : vector<16xf32> to vector<16xf32>
        tpu.vector_store %arg19[%swap3A_404], %swap3A_407 {strides = array<i32>} : memref<4096xf32, #tpu.memory_space<vmem>>, vector<16xf32>,
        %mul3A_408 = arith.constant 8 : i32
        %mul3A_409 = arith.muli %scan3A_361, %mul3A_408 : i32
        %add3A_410 = arith.constant 3 : i32
        %add3A_411 = arith.addi %mul3A_409, %add3A_410 : i32
        %mul3A_412 = arith.constant 16 : i32
        %mul3A_413 = arith.muli %add3A_411, %mul3A_412 : i32
        %get3A_414 = arith.index_cast %mul3A_413 : i32 to index
        %get3A_415 = tpu.vector_load %arg19[%get3A_414] {strides = array<i32>} : memref<4096xf32, #tpu.memory_space<vmem>>, vector<16xf32>,
        %get3A_416 = vector.shape_cast %get3A_415 : vector<16xf32> to vector<16xf32>
        %mul3A_417 = arith.constant 1.250000e-01 : f32
        %mul3A_418 = vector.broadcast %mul3A_417 : f32 to vector<16xf32>
        %mul3A_419 = arith.mulf %get3A_416, %mul3A_418 : vector<16xf32>
        %swap3A_420 = arith.index_cast %mul3A_413 : i32 to index
        %swap3A_421 = tpu.vector_load %arg19[%swap3A_420] {strides = array<i32>} : memref<4096xf32, #tpu.memory_space<vmem>>, vector<16xf32>,
        %swap3A_422 = vector.shape_cast %swap3A_421 : vector<16xf32> to vector<16xf32>
        %swap3A_423 = vector.shape_cast %mul3A_419 : vector<16xf32> to vector<16xf32>
        tpu.vector_store %arg19[%swap3A_420], %swap3A_423 {strides = array<i32>} : memref<4096xf32, #tpu.memory_space<vmem>>, vector<16xf32>,
        %mul3A_424 = arith.constant 8 : i32
        %mul3A_425 = arith.muli %scan3A_361, %mul3A_424 : i32
        %add3A_426 = arith.constant 4 : i32
        %add3A_427 = arith.addi %mul3A_425, %add3A_426 : i32
        %mul3A_428 = arith.constant 16 : i32
        %mul3A_429 = arith.muli %add3A_427, %mul3A_428 : i32
        %get3A_430 = arith.index_cast %mul3A_429 : i32 to index
        %get3A_431 = tpu.vector_load %arg19[%get3A_430] {strides = array<i32>} : memref<4096xf32, #tpu.memory_space<vmem>>, vector<16xf32>,
        %get3A_432 = vector.shape_cast %get3A_431 : vector<16xf32> to vector<16xf32>
        %mul3A_433 = arith.constant 1.250000e-01 : f32
        %mul3A_434 = vector.broadcast %mul3A_433 : f32 to vector<16xf32>
        %mul3A_435 = arith.mulf %get3A_432, %mul3A_434 : vector<16xf32>
        %swap3A_436 = arith.index_cast %mul3A_429 : i32 to index
        %swap3A_437 = tpu.vector_load %arg19[%swap3A_436] {strides = array<i32>} : memref<4096xf32, #tpu.memory_space<vmem>>, vector<16xf32>,
        %swap3A_438 = vector.shape_cast %swap3A_437 : vector<16xf32> to vector<16xf32>
        %swap3A_439 = vector.shape_cast %mul3A_435 : vector<16xf32> to vector<16xf32>
        tpu.vector_store %arg19[%swap3A_436], %swap3A_439 {strides = array<i32>} : memref<4096xf32, #tpu.memory_space<vmem>>, vector<16xf32>,
        %mul3A_440 = arith.constant 8 : i32
        %mul3A_441 = arith.muli %scan3A_361, %mul3A_440 : i32
        %add3A_442 = arith.constant 5 : i32
        %add3A_443 = arith.addi %mul3A_441, %add3A_442 : i32
        %mul3A_444 = arith.constant 16 : i32
        %mul3A_445 = arith.muli %add3A_443, %mul3A_444 : i32
        %get3A_446 = arith.index_cast %mul3A_445 : i32 to index
        %get3A_447 = tpu.vector_load %arg19[%get3A_446] {strides = array<i32>} : memref<4096xf32, #tpu.memory_space<vmem>>, vector<16xf32>,
        %get3A_448 = vector.shape_cast %get3A_447 : vector<16xf32> to vector<16xf32>
        %mul3A_449 = arith.constant 1.250000e-01 : f32
        %mul3A_450 = vector.broadcast %mul3A_449 : f32 to vector<16xf32>
        %mul3A_451 = arith.mulf %get3A_448, %mul3A_450 : vector<16xf32>
        %swap3A_452 = arith.index_cast %mul3A_445 : i32 to index
        %swap3A_453 = tpu.vector_load %arg19[%swap3A_452] {strides = array<i32>} : memref<4096xf32, #tpu.memory_space<vmem>>, vector<16xf32>,
        %swap3A_454 = vector.shape_cast %swap3A_453 : vector<16xf32> to vector<16xf32>
        %swap3A_455 = vector.shape_cast %mul3A_451 : vector<16xf32> to vector<16xf32>
        tpu.vector_store %arg19[%swap3A_452], %swap3A_455 {strides = array<i32>} : memref<4096xf32, #tpu.memory_space<vmem>>, vector<16xf32>,
        %mul3A_456 = arith.constant 8 : i32
        %mul3A_457 = arith.muli %scan3A_361, %mul3A_456 : i32
        %add3A_458 = arith.constant 6 : i32
        %add3A_459 = arith.addi %mul3A_457, %add3A_458 : i32
        %mul3A_460 = arith.constant 16 : i32
        %mul3A_461 = arith.muli %add3A_459, %mul3A_460 : i32
        %get3A_462 = arith.index_cast %mul3A_461 : i32 to index
        %get3A_463 = tpu.vector_load %arg19[%get3A_462] {strides = array<i32>} : memref<4096xf32, #tpu.memory_space<vmem>>, vector<16xf32>,
        %get3A_464 = vector.shape_cast %get3A_463 : vector<16xf32> to vector<16xf32>
        %mul3A_465 = arith.constant 1.250000e-01 : f32
        %mul3A_466 = vector.broadcast %mul3A_465 : f32 to vector<16xf32>
        %mul3A_467 = arith.mulf %get3A_464, %mul3A_466 : vector<16xf32>
        %swap3A_468 = arith.index_cast %mul3A_461 : i32 to index
        %swap3A_469 = tpu.vector_load %arg19[%swap3A_468] {strides = array<i32>} : memref<4096xf32, #tpu.memory_space<vmem>>, vector<16xf32>,
        %swap3A_470 = vector.shape_cast %swap3A_469 : vector<16xf32> to vector<16xf32>
        %swap3A_471 = vector.shape_cast %mul3A_467 : vector<16xf32> to vector<16xf32>
        tpu.vector_store %arg19[%swap3A_468], %swap3A_471 {strides = array<i32>} : memref<4096xf32, #tpu.memory_space<vmem>>, vector<16xf32>,
        %mul3A_472 = arith.constant 8 : i32
        %mul3A_473 = arith.muli %scan3A_361, %mul3A_472 : i32
        %add3A_474 = arith.constant 7 : i32
        %add3A_475 = arith.addi %mul3A_473, %add3A_474 : i32
        %mul3A_476 = arith.constant 16 : i32
        %mul3A_477 = arith.muli %add3A_475, %mul3A_476 : i32
        %get3A_478 = arith.index_cast %mul3A_477 : i32 to index
        %get3A_479 = tpu.vector_load %arg19[%get3A_478] {strides = array<i32>} : memref<4096xf32, #tpu.memory_space<vmem>>, vector<16xf32>,
        %get3A_480 = vector.shape_cast %get3A_479 : vector<16xf32> to vector<16xf32>
        %mul3A_481 = arith.constant 1.250000e-01 : f32
        %mul3A_482 = vector.broadcast %mul3A_481 : f32 to vector<16xf32>
        %mul3A_483 = arith.mulf %get3A_480, %mul3A_482 : vector<16xf32>
        %swap3A_484 = arith.index_cast %mul3A_477 : i32 to index
        %swap3A_485 = tpu.vector_load %arg19[%swap3A_484] {strides = array<i32>} : memref<4096xf32, #tpu.memory_space<vmem>>, vector<16xf32>,
        %swap3A_486 = vector.shape_cast %swap3A_485 : vector<16xf32> to vector<16xf32>
        %swap3A_487 = vector.shape_cast %mul3A_483 : vector<16xf32> to vector<16xf32>
        tpu.vector_store %arg19[%swap3A_484], %swap3A_487 {strides = array<i32>} : memref<4096xf32, #tpu.memory_space<vmem>>, vector<16xf32>,
      }
      %scan3A_158 = arith.constant 32 : i32
      %add3A_159 = arith.constant 4 : i32
      %add3A_160 = arith.addi %select_n3A, %add3A_159 : i32
      %dma_start3A_161 = arith.constant 0 : i32
      %dma_start3A_162 = tpu.memref_slice %arg4[%add3A_160, %add3A_52, %dma_start3A_161] : memref<200x64x4096xf32, #tpu.memory_space<hbm>> -> memref<1x1x4096xf32, #tpu.memory_space<hbm>>
      %dma_start3A_163 = tpu.memref_squeeze %dma_start3A_162 : memref<1x1x4096xf32, #tpu.memory_space<hbm>> -> memref<4096xf32, #tpu.memory_space<hbm>>
      %dma_start3A_164 = arith.constant 0 : i32
      %dma_start3A_165 = tpu.memref_slice %arg4[%add3A_160, %add3A_52, %dma_start3A_164] : memref<200x64x4096xf32, #tpu.memory_space<hbm>> -> memref<1x1x4096xf32, #tpu.memory_space<hbm>>
      %dma_start3A_166 = tpu.memref_squeeze %dma_start3A_165 : memref<1x1x4096xf32, #tpu.memory_space<hbm>> -> memref<4096xf32, #tpu.memory_space<hbm>>
      tpu.enqueue_dma source(%arg19 : memref<4096xf32, #tpu.memory_space<vmem>>) target(%dma_start3A_166 : memref<4096xf32, #tpu.memory_space<hbm>>) target_semaphore(%arg23 : memref<!tpu.dma_semaphore, #tpu.memory_space<semaphore_mem>>)
      %dma_wait3A_167 = arith.constant 0 : i32
      %dma_wait3A_168 = arith.constant 0 : i32
      %dma_wait3A_169 = arith.constant 0 : i32
      %dma_wait3A_170 = tpu.memref_slice %arg4[%dma_wait3A_167, %dma_wait3A_168, %dma_wait3A_169] : memref<200x64x4096xf32, #tpu.memory_space<hbm>> -> memref<1x1x4096xf32, #tpu.memory_space<hbm>>
      %dma_wait3A_171 = tpu.memref_squeeze %dma_wait3A_170 : memref<1x1x4096xf32, #tpu.memory_space<hbm>> -> memref<4096xf32, #tpu.memory_space<hbm>>
      %dma_wait3A_172 = arith.constant 0 : i32
      %dma_wait3A_173 = tpu.memref_slice %arg4[%dma_wait3A_167, %dma_wait3A_168, %dma_wait3A_172] : memref<200x64x4096xf32, #tpu.memory_space<hbm>> -> memref<1x1x4096xf32, #tpu.memory_space<hbm>>
      %dma_wait3A_174 = tpu.memref_squeeze %dma_wait3A_173 : memref<1x1x4096xf32, #tpu.memory_space<hbm>> -> memref<4096xf32, #tpu.memory_space<hbm>>
      tpu.wait_dma2 semaphore(%arg23 : memref<!tpu.dma_semaphore, #tpu.memory_space<semaphore_mem>>) src(%arg18 : memref<4096xf32, #tpu.memory_space<vmem>>) dst(%dma_wait3A_174 : memref<4096xf32, #tpu.memory_space<hbm>>)
      %dma_start3A_175 = arith.constant 0 : i32
      %dma_start3A_176 = tpu.memref_slice %arg21[%dma_start3A_175] : memref<1000000xf32, #tpu.memory_space<vmem_shared>> -> memref<1000000xf32, #tpu.memory_space<vmem_shared>>
      tpu.enqueue_indirect_dma source(%dma_start3A_176 : memref<1000000xf32, #tpu.memory_space<vmem_shared>>) target(%arg18 : memref<4096xf32, #tpu.memory_space<vmem>>) offsets(%arg11 : memref<4096xi32, #tpu.memory_space<vmem>>) semaphore(%arg22 : memref<!tpu.dma_semaphore, #tpu.memory_space<semaphore_mem>>)
      %dma_wait3A_177 = arith.constant 0 : i32
      %dma_wait3A_178 = tpu.memref_slice %arg21[%dma_wait3A_177] : memref<1000000xf32, #tpu.memory_space<vmem_shared>> -> memref<1000000xf32, #tpu.memory_space<vmem_shared>>
      tpu.wait_indirect_dma semaphore(%arg22 : memref<!tpu.dma_semaphore, #tpu.memory_space<semaphore_mem>>) src(%dma_wait3A_178 : memref<1000000xf32, #tpu.memory_space<vmem_shared>>) dst(%arg20 : memref<4096xf32, #tpu.memory_space<vmem>>)
      %scan3A_179 = arith.constant 0 : i32
      %scan3A_180 = arith.constant 0 : i32
      %scan3A_181 = arith.constant 32 : i32
      %scan3A_182 = arith.addi %scan3A_180, %scan3A_181 : i32
      %scan3A_183 = arith.constant 1 : i32
      scf.for %scan3A_361 = %scan3A_180 to %scan3A_182 step %scan3A_183  : i32 {
        %mul3A_362 = arith.constant 8 : i32
        %mul3A_363 = arith.muli %scan3A_361, %mul3A_362 : i32
        %add3A_364 = arith.constant 0 : i32
        %add3A_365 = arith.addi %mul3A_363, %add3A_364 : i32
        %mul3A_366 = arith.constant 16 : i32
        %mul3A_367 = arith.muli %add3A_365, %mul3A_366 : i32
        %get3A = arith.index_cast %mul3A_367 : i32 to index
        %get3A_368 = tpu.vector_load %arg20[%get3A] {strides = array<i32>} : memref<4096xf32, #tpu.memory_space<vmem>>, vector<16xf32>,
        %get3A_369 = vector.shape_cast %get3A_368 : vector<16xf32> to vector<16xf32>
        %mul3A_370 = arith.constant 1.250000e-01 : f32
        %mul3A_371 = vector.broadcast %mul3A_370 : f32 to vector<16xf32>
        %mul3A_372 = arith.mulf %get3A_369, %mul3A_371 : vector<16xf32>
        %swap3A = arith.index_cast %mul3A_367 : i32 to index
        %swap3A_373 = tpu.vector_load %arg20[%swap3A] {strides = array<i32>} : memref<4096xf32, #tpu.memory_space<vmem>>, vector<16xf32>,
        %swap3A_374 = vector.shape_cast %swap3A_373 : vector<16xf32> to vector<16xf32>
        %swap3A_375 = vector.shape_cast %mul3A_372 : vector<16xf32> to vector<16xf32>
        tpu.vector_store %arg20[%swap3A], %swap3A_375 {strides = array<i32>} : memref<4096xf32, #tpu.memory_space<vmem>>, vector<16xf32>,
        %mul3A_376 = arith.constant 8 : i32
        %mul3A_377 = arith.muli %scan3A_361, %mul3A_376 : i32
        %add3A_378 = arith.constant 1 : i32
        %add3A_379 = arith.addi %mul3A_377, %add3A_378 : i32
        %mul3A_380 = arith.constant 16 : i32
        %mul3A_381 = arith.muli %add3A_379, %mul3A_380 : i32
        %get3A_382 = arith.index_cast %mul3A_381 : i32 to index
        %get3A_383 = tpu.vector_load %arg20[%get3A_382] {strides = array<i32>} : memref<4096xf32, #tpu.memory_space<vmem>>, vector<16xf32>,
        %get3A_384 = vector.shape_cast %get3A_383 : vector<16xf32> to vector<16xf32>
        %mul3A_385 = arith.constant 1.250000e-01 : f32
        %mul3A_386 = vector.broadcast %mul3A_385 : f32 to vector<16xf32>
        %mul3A_387 = arith.mulf %get3A_384, %mul3A_386 : vector<16xf32>
        %swap3A_388 = arith.index_cast %mul3A_381 : i32 to index
        %swap3A_389 = tpu.vector_load %arg20[%swap3A_388] {strides = array<i32>} : memref<4096xf32, #tpu.memory_space<vmem>>, vector<16xf32>,
        %swap3A_390 = vector.shape_cast %swap3A_389 : vector<16xf32> to vector<16xf32>
        %swap3A_391 = vector.shape_cast %mul3A_387 : vector<16xf32> to vector<16xf32>
        tpu.vector_store %arg20[%swap3A_388], %swap3A_391 {strides = array<i32>} : memref<4096xf32, #tpu.memory_space<vmem>>, vector<16xf32>,
        %mul3A_392 = arith.constant 8 : i32
        %mul3A_393 = arith.muli %scan3A_361, %mul3A_392 : i32
        %add3A_394 = arith.constant 2 : i32
        %add3A_395 = arith.addi %mul3A_393, %add3A_394 : i32
        %mul3A_396 = arith.constant 16 : i32
        %mul3A_397 = arith.muli %add3A_395, %mul3A_396 : i32
        %get3A_398 = arith.index_cast %mul3A_397 : i32 to index
        %get3A_399 = tpu.vector_load %arg20[%get3A_398] {strides = array<i32>} : memref<4096xf32, #tpu.memory_space<vmem>>, vector<16xf32>,
        %get3A_400 = vector.shape_cast %get3A_399 : vector<16xf32> to vector<16xf32>
        %mul3A_401 = arith.constant 1.250000e-01 : f32
        %mul3A_402 = vector.broadcast %mul3A_401 : f32 to vector<16xf32>
        %mul3A_403 = arith.mulf %get3A_400, %mul3A_402 : vector<16xf32>
        %swap3A_404 = arith.index_cast %mul3A_397 : i32 to index
        %swap3A_405 = tpu.vector_load %arg20[%swap3A_404] {strides = array<i32>} : memref<4096xf32, #tpu.memory_space<vmem>>, vector<16xf32>,
        %swap3A_406 = vector.shape_cast %swap3A_405 : vector<16xf32> to vector<16xf32>
        %swap3A_407 = vector.shape_cast %mul3A_403 : vector<16xf32> to vector<16xf32>
        tpu.vector_store %arg20[%swap3A_404], %swap3A_407 {strides = array<i32>} : memref<4096xf32, #tpu.memory_space<vmem>>, vector<16xf32>,
        %mul3A_408 = arith.constant 8 : i32
        %mul3A_409 = arith.muli %scan3A_361, %mul3A_408 : i32
        %add3A_410 = arith.constant 3 : i32
        %add3A_411 = arith.addi %mul3A_409, %add3A_410 : i32
        %mul3A_412 = arith.constant 16 : i32
        %mul3A_413 = arith.muli %add3A_411, %mul3A_412 : i32
        %get3A_414 = arith.index_cast %mul3A_413 : i32 to index
        %get3A_415 = tpu.vector_load %arg20[%get3A_414] {strides = array<i32>} : memref<4096xf32, #tpu.memory_space<vmem>>, vector<16xf32>,
        %get3A_416 = vector.shape_cast %get3A_415 : vector<16xf32> to vector<16xf32>
        %mul3A_417 = arith.constant 1.250000e-01 : f32
        %mul3A_418 = vector.broadcast %mul3A_417 : f32 to vector<16xf32>
        %mul3A_419 = arith.mulf %get3A_416, %mul3A_418 : vector<16xf32>
        %swap3A_420 = arith.index_cast %mul3A_413 : i32 to index
        %swap3A_421 = tpu.vector_load %arg20[%swap3A_420] {strides = array<i32>} : memref<4096xf32, #tpu.memory_space<vmem>>, vector<16xf32>,
        %swap3A_422 = vector.shape_cast %swap3A_421 : vector<16xf32> to vector<16xf32>
        %swap3A_423 = vector.shape_cast %mul3A_419 : vector<16xf32> to vector<16xf32>
        tpu.vector_store %arg20[%swap3A_420], %swap3A_423 {strides = array<i32>} : memref<4096xf32, #tpu.memory_space<vmem>>, vector<16xf32>,
        %mul3A_424 = arith.constant 8 : i32
        %mul3A_425 = arith.muli %scan3A_361, %mul3A_424 : i32
        %add3A_426 = arith.constant 4 : i32
        %add3A_427 = arith.addi %mul3A_425, %add3A_426 : i32
        %mul3A_428 = arith.constant 16 : i32
        %mul3A_429 = arith.muli %add3A_427, %mul3A_428 : i32
        %get3A_430 = arith.index_cast %mul3A_429 : i32 to index
        %get3A_431 = tpu.vector_load %arg20[%get3A_430] {strides = array<i32>} : memref<4096xf32, #tpu.memory_space<vmem>>, vector<16xf32>,
        %get3A_432 = vector.shape_cast %get3A_431 : vector<16xf32> to vector<16xf32>
        %mul3A_433 = arith.constant 1.250000e-01 : f32
        %mul3A_434 = vector.broadcast %mul3A_433 : f32 to vector<16xf32>
        %mul3A_435 = arith.mulf %get3A_432, %mul3A_434 : vector<16xf32>
        %swap3A_436 = arith.index_cast %mul3A_429 : i32 to index
        %swap3A_437 = tpu.vector_load %arg20[%swap3A_436] {strides = array<i32>} : memref<4096xf32, #tpu.memory_space<vmem>>, vector<16xf32>,
        %swap3A_438 = vector.shape_cast %swap3A_437 : vector<16xf32> to vector<16xf32>
        %swap3A_439 = vector.shape_cast %mul3A_435 : vector<16xf32> to vector<16xf32>
        tpu.vector_store %arg20[%swap3A_436], %swap3A_439 {strides = array<i32>} : memref<4096xf32, #tpu.memory_space<vmem>>, vector<16xf32>,
        %mul3A_440 = arith.constant 8 : i32
        %mul3A_441 = arith.muli %scan3A_361, %mul3A_440 : i32
        %add3A_442 = arith.constant 5 : i32
        %add3A_443 = arith.addi %mul3A_441, %add3A_442 : i32
        %mul3A_444 = arith.constant 16 : i32
        %mul3A_445 = arith.muli %add3A_443, %mul3A_444 : i32
        %get3A_446 = arith.index_cast %mul3A_445 : i32 to index
        %get3A_447 = tpu.vector_load %arg20[%get3A_446] {strides = array<i32>} : memref<4096xf32, #tpu.memory_space<vmem>>, vector<16xf32>,
        %get3A_448 = vector.shape_cast %get3A_447 : vector<16xf32> to vector<16xf32>
        %mul3A_449 = arith.constant 1.250000e-01 : f32
        %mul3A_450 = vector.broadcast %mul3A_449 : f32 to vector<16xf32>
        %mul3A_451 = arith.mulf %get3A_448, %mul3A_450 : vector<16xf32>
        %swap3A_452 = arith.index_cast %mul3A_445 : i32 to index
        %swap3A_453 = tpu.vector_load %arg20[%swap3A_452] {strides = array<i32>} : memref<4096xf32, #tpu.memory_space<vmem>>, vector<16xf32>,
        %swap3A_454 = vector.shape_cast %swap3A_453 : vector<16xf32> to vector<16xf32>
        %swap3A_455 = vector.shape_cast %mul3A_451 : vector<16xf32> to vector<16xf32>
        tpu.vector_store %arg20[%swap3A_452], %swap3A_455 {strides = array<i32>} : memref<4096xf32, #tpu.memory_space<vmem>>, vector<16xf32>,
        %mul3A_456 = arith.constant 8 : i32
        %mul3A_457 = arith.muli %scan3A_361, %mul3A_456 : i32
        %add3A_458 = arith.constant 6 : i32
        %add3A_459 = arith.addi %mul3A_457, %add3A_458 : i32
        %mul3A_460 = arith.constant 16 : i32
        %mul3A_461 = arith.muli %add3A_459, %mul3A_460 : i32
        %get3A_462 = arith.index_cast %mul3A_461 : i32 to index
        %get3A_463 = tpu.vector_load %arg20[%get3A_462] {strides = array<i32>} : memref<4096xf32, #tpu.memory_space<vmem>>, vector<16xf32>,
        %get3A_464 = vector.shape_cast %get3A_463 : vector<16xf32> to vector<16xf32>
        %mul3A_465 = arith.constant 1.250000e-01 : f32
        %mul3A_466 = vector.broadcast %mul3A_465 : f32 to vector<16xf32>
        %mul3A_467 = arith.mulf %get3A_464, %mul3A_466 : vector<16xf32>
        %swap3A_468 = arith.index_cast %mul3A_461 : i32 to index
        %swap3A_469 = tpu.vector_load %arg20[%swap3A_468] {strides = array<i32>} : memref<4096xf32, #tpu.memory_space<vmem>>, vector<16xf32>,
        %swap3A_470 = vector.shape_cast %swap3A_469 : vector<16xf32> to vector<16xf32>
        %swap3A_471 = vector.shape_cast %mul3A_467 : vector<16xf32> to vector<16xf32>
        tpu.vector_store %arg20[%swap3A_468], %swap3A_471 {strides = array<i32>} : memref<4096xf32, #tpu.memory_space<vmem>>, vector<16xf32>,
        %mul3A_472 = arith.constant 8 : i32
        %mul3A_473 = arith.muli %scan3A_361, %mul3A_472 : i32
        %add3A_474 = arith.constant 7 : i32
        %add3A_475 = arith.addi %mul3A_473, %add3A_474 : i32
        %mul3A_476 = arith.constant 16 : i32
        %mul3A_477 = arith.muli %add3A_475, %mul3A_476 : i32
        %get3A_478 = arith.index_cast %mul3A_477 : i32 to index
        %get3A_479 = tpu.vector_load %arg20[%get3A_478] {strides = array<i32>} : memref<4096xf32, #tpu.memory_space<vmem>>, vector<16xf32>,
        %get3A_480 = vector.shape_cast %get3A_479 : vector<16xf32> to vector<16xf32>
        %mul3A_481 = arith.constant 1.250000e-01 : f32
        %mul3A_482 = vector.broadcast %mul3A_481 : f32 to vector<16xf32>
        %mul3A_483 = arith.mulf %get3A_480, %mul3A_482 : vector<16xf32>
        %swap3A_484 = arith.index_cast %mul3A_477 : i32 to index
        %swap3A_485 = tpu.vector_load %arg20[%swap3A_484] {strides = array<i32>} : memref<4096xf32, #tpu.memory_space<vmem>>, vector<16xf32>,
        %swap3A_486 = vector.shape_cast %swap3A_485 : vector<16xf32> to vector<16xf32>
        %swap3A_487 = vector.shape_cast %mul3A_483 : vector<16xf32> to vector<16xf32>
        tpu.vector_store %arg20[%swap3A_484], %swap3A_487 {strides = array<i32>} : memref<4096xf32, #tpu.memory_space<vmem>>, vector<16xf32>,
      }
      %scan3A_184 = arith.constant 32 : i32
      %add3A_185 = arith.constant 5 : i32
      %add3A_186 = arith.addi %select_n3A, %add3A_185 : i32
      %dma_start3A_187 = arith.constant 0 : i32
      %dma_start3A_188 = tpu.memref_slice %arg4[%add3A_186, %add3A_52, %dma_start3A_187] : memref<200x64x4096xf32, #tpu.memory_space<hbm>> -> memref<1x1x4096xf32, #tpu.memory_space<hbm>>
      %dma_start3A_189 = tpu.memref_squeeze %dma_start3A_188 : memref<1x1x4096xf32, #tpu.memory_space<hbm>> -> memref<4096xf32, #tpu.memory_space<hbm>>
      %dma_start3A_190 = arith.constant 0 : i32
      %dma_start3A_191 = tpu.memref_slice %arg4[%add3A_186, %add3A_52, %dma_start3A_190] : memref<200x64x4096xf32, #tpu.memory_space<hbm>> -> memref<1x1x4096xf32, #tpu.memory_space<hbm>>
      %dma_start3A_192 = tpu.memref_squeeze %dma_start3A_191 : memref<1x1x4096xf32, #tpu.memory_space<hbm>> -> memref<4096xf32, #tpu.memory_space<hbm>>
      tpu.enqueue_dma source(%arg20 : memref<4096xf32, #tpu.memory_space<vmem>>) target(%dma_start3A_192 : memref<4096xf32, #tpu.memory_space<hbm>>) target_semaphore(%arg23 : memref<!tpu.dma_semaphore, #tpu.memory_space<semaphore_mem>>)
      %dma_wait3A_193 = arith.constant 0 : i32
      %dma_wait3A_194 = arith.constant 0 : i32
      %dma_wait3A_195 = arith.constant 0 : i32
      %dma_wait3A_196 = tpu.memref_slice %arg4[%dma_wait3A_193, %dma_wait3A_194, %dma_wait3A_195] : memref<200x64x4096xf32, #tpu.memory_space<hbm>> -> memref<1x1x4096xf32, #tpu.memory_space<hbm>>
      %dma_wait3A_197 = tpu.memref_squeeze %dma_wait3A_196 : memref<1x1x4096xf32, #tpu.memory_space<hbm>> -> memref<4096xf32, #tpu.memory_space<hbm>>
      %dma_wait3A_198 = arith.constant 0 : i32
      %dma_wait3A_199 = tpu.memref_slice %arg4[%dma_wait3A_193, %dma_wait3A_194, %dma_wait3A_198] : memref<200x64x4096xf32, #tpu.memory_space<hbm>> -> memref<1x1x4096xf32, #tpu.memory_space<hbm>>
      %dma_wait3A_200 = tpu.memref_squeeze %dma_wait3A_199 : memref<1x1x4096xf32, #tpu.memory_space<hbm>> -> memref<4096xf32, #tpu.memory_space<hbm>>
      tpu.wait_dma2 semaphore(%arg23 : memref<!tpu.dma_semaphore, #tpu.memory_space<semaphore_mem>>) src(%arg19 : memref<4096xf32, #tpu.memory_space<vmem>>) dst(%dma_wait3A_200 : memref<4096xf32, #tpu.memory_space<hbm>>)
      %dma_start3A_201 = arith.constant 0 : i32
      %dma_start3A_202 = tpu.memref_slice %arg21[%dma_start3A_201] : memref<1000000xf32, #tpu.memory_space<vmem_shared>> -> memref<1000000xf32, #tpu.memory_space<vmem_shared>>
      tpu.enqueue_indirect_dma source(%dma_start3A_202 : memref<1000000xf32, #tpu.memory_space<vmem_shared>>) target(%arg19 : memref<4096xf32, #tpu.memory_space<vmem>>) offsets(%arg12 : memref<4096xi32, #tpu.memory_space<vmem>>) semaphore(%arg22 : memref<!tpu.dma_semaphore, #tpu.memory_space<semaphore_mem>>)
      %dma_wait3A_203 = arith.constant 0 : i32
      %dma_wait3A_204 = tpu.memref_slice %arg21[%dma_wait3A_203] : memref<1000000xf32, #tpu.memory_space<vmem_shared>> -> memref<1000000xf32, #tpu.memory_space<vmem_shared>>
      tpu.wait_indirect_dma semaphore(%arg22 : memref<!tpu.dma_semaphore, #tpu.memory_space<semaphore_mem>>) src(%dma_wait3A_204 : memref<1000000xf32, #tpu.memory_space<vmem_shared>>) dst(%arg18 : memref<4096xf32, #tpu.memory_space<vmem>>)
      %scan3A_205 = arith.constant 0 : i32
      %scan3A_206 = arith.constant 0 : i32
      %scan3A_207 = arith.constant 32 : i32
      %scan3A_208 = arith.addi %scan3A_206, %scan3A_207 : i32
      %scan3A_209 = arith.constant 1 : i32
      scf.for %scan3A_361 = %scan3A_206 to %scan3A_208 step %scan3A_209  : i32 {
        %mul3A_362 = arith.constant 8 : i32
        %mul3A_363 = arith.muli %scan3A_361, %mul3A_362 : i32
        %add3A_364 = arith.constant 0 : i32
        %add3A_365 = arith.addi %mul3A_363, %add3A_364 : i32
        %mul3A_366 = arith.constant 16 : i32
        %mul3A_367 = arith.muli %add3A_365, %mul3A_366 : i32
        %get3A = arith.index_cast %mul3A_367 : i32 to index
        %get3A_368 = tpu.vector_load %arg18[%get3A] {strides = array<i32>} : memref<4096xf32, #tpu.memory_space<vmem>>, vector<16xf32>,
        %get3A_369 = vector.shape_cast %get3A_368 : vector<16xf32> to vector<16xf32>
        %mul3A_370 = arith.constant 1.250000e-01 : f32
        %mul3A_371 = vector.broadcast %mul3A_370 : f32 to vector<16xf32>
        %mul3A_372 = arith.mulf %get3A_369, %mul3A_371 : vector<16xf32>
        %swap3A = arith.index_cast %mul3A_367 : i32 to index
        %swap3A_373 = tpu.vector_load %arg18[%swap3A] {strides = array<i32>} : memref<4096xf32, #tpu.memory_space<vmem>>, vector<16xf32>,
        %swap3A_374 = vector.shape_cast %swap3A_373 : vector<16xf32> to vector<16xf32>
        %swap3A_375 = vector.shape_cast %mul3A_372 : vector<16xf32> to vector<16xf32>
        tpu.vector_store %arg18[%swap3A], %swap3A_375 {strides = array<i32>} : memref<4096xf32, #tpu.memory_space<vmem>>, vector<16xf32>,
        %mul3A_376 = arith.constant 8 : i32
        %mul3A_377 = arith.muli %scan3A_361, %mul3A_376 : i32
        %add3A_378 = arith.constant 1 : i32
        %add3A_379 = arith.addi %mul3A_377, %add3A_378 : i32
        %mul3A_380 = arith.constant 16 : i32
        %mul3A_381 = arith.muli %add3A_379, %mul3A_380 : i32
        %get3A_382 = arith.index_cast %mul3A_381 : i32 to index
        %get3A_383 = tpu.vector_load %arg18[%get3A_382] {strides = array<i32>} : memref<4096xf32, #tpu.memory_space<vmem>>, vector<16xf32>,
        %get3A_384 = vector.shape_cast %get3A_383 : vector<16xf32> to vector<16xf32>
        %mul3A_385 = arith.constant 1.250000e-01 : f32
        %mul3A_386 = vector.broadcast %mul3A_385 : f32 to vector<16xf32>
        %mul3A_387 = arith.mulf %get3A_384, %mul3A_386 : vector<16xf32>
        %swap3A_388 = arith.index_cast %mul3A_381 : i32 to index
        %swap3A_389 = tpu.vector_load %arg18[%swap3A_388] {strides = array<i32>} : memref<4096xf32, #tpu.memory_space<vmem>>, vector<16xf32>,
        %swap3A_390 = vector.shape_cast %swap3A_389 : vector<16xf32> to vector<16xf32>
        %swap3A_391 = vector.shape_cast %mul3A_387 : vector<16xf32> to vector<16xf32>
        tpu.vector_store %arg18[%swap3A_388], %swap3A_391 {strides = array<i32>} : memref<4096xf32, #tpu.memory_space<vmem>>, vector<16xf32>,
        %mul3A_392 = arith.constant 8 : i32
        %mul3A_393 = arith.muli %scan3A_361, %mul3A_392 : i32
        %add3A_394 = arith.constant 2 : i32
        %add3A_395 = arith.addi %mul3A_393, %add3A_394 : i32
        %mul3A_396 = arith.constant 16 : i32
        %mul3A_397 = arith.muli %add3A_395, %mul3A_396 : i32
        %get3A_398 = arith.index_cast %mul3A_397 : i32 to index
        %get3A_399 = tpu.vector_load %arg18[%get3A_398] {strides = array<i32>} : memref<4096xf32, #tpu.memory_space<vmem>>, vector<16xf32>,
        %get3A_400 = vector.shape_cast %get3A_399 : vector<16xf32> to vector<16xf32>
        %mul3A_401 = arith.constant 1.250000e-01 : f32
        %mul3A_402 = vector.broadcast %mul3A_401 : f32 to vector<16xf32>
        %mul3A_403 = arith.mulf %get3A_400, %mul3A_402 : vector<16xf32>
        %swap3A_404 = arith.index_cast %mul3A_397 : i32 to index
        %swap3A_405 = tpu.vector_load %arg18[%swap3A_404] {strides = array<i32>} : memref<4096xf32, #tpu.memory_space<vmem>>, vector<16xf32>,
        %swap3A_406 = vector.shape_cast %swap3A_405 : vector<16xf32> to vector<16xf32>
        %swap3A_407 = vector.shape_cast %mul3A_403 : vector<16xf32> to vector<16xf32>
        tpu.vector_store %arg18[%swap3A_404], %swap3A_407 {strides = array<i32>} : memref<4096xf32, #tpu.memory_space<vmem>>, vector<16xf32>,
        %mul3A_408 = arith.constant 8 : i32
        %mul3A_409 = arith.muli %scan3A_361, %mul3A_408 : i32
        %add3A_410 = arith.constant 3 : i32
        %add3A_411 = arith.addi %mul3A_409, %add3A_410 : i32
        %mul3A_412 = arith.constant 16 : i32
        %mul3A_413 = arith.muli %add3A_411, %mul3A_412 : i32
        %get3A_414 = arith.index_cast %mul3A_413 : i32 to index
        %get3A_415 = tpu.vector_load %arg18[%get3A_414] {strides = array<i32>} : memref<4096xf32, #tpu.memory_space<vmem>>, vector<16xf32>,
        %get3A_416 = vector.shape_cast %get3A_415 : vector<16xf32> to vector<16xf32>
        %mul3A_417 = arith.constant 1.250000e-01 : f32
        %mul3A_418 = vector.broadcast %mul3A_417 : f32 to vector<16xf32>
        %mul3A_419 = arith.mulf %get3A_416, %mul3A_418 : vector<16xf32>
        %swap3A_420 = arith.index_cast %mul3A_413 : i32 to index
        %swap3A_421 = tpu.vector_load %arg18[%swap3A_420] {strides = array<i32>} : memref<4096xf32, #tpu.memory_space<vmem>>, vector<16xf32>,
        %swap3A_422 = vector.shape_cast %swap3A_421 : vector<16xf32> to vector<16xf32>
        %swap3A_423 = vector.shape_cast %mul3A_419 : vector<16xf32> to vector<16xf32>
        tpu.vector_store %arg18[%swap3A_420], %swap3A_423 {strides = array<i32>} : memref<4096xf32, #tpu.memory_space<vmem>>, vector<16xf32>,
        %mul3A_424 = arith.constant 8 : i32
        %mul3A_425 = arith.muli %scan3A_361, %mul3A_424 : i32
        %add3A_426 = arith.constant 4 : i32
        %add3A_427 = arith.addi %mul3A_425, %add3A_426 : i32
        %mul3A_428 = arith.constant 16 : i32
        %mul3A_429 = arith.muli %add3A_427, %mul3A_428 : i32
        %get3A_430 = arith.index_cast %mul3A_429 : i32 to index
        %get3A_431 = tpu.vector_load %arg18[%get3A_430] {strides = array<i32>} : memref<4096xf32, #tpu.memory_space<vmem>>, vector<16xf32>,
        %get3A_432 = vector.shape_cast %get3A_431 : vector<16xf32> to vector<16xf32>
        %mul3A_433 = arith.constant 1.250000e-01 : f32
        %mul3A_434 = vector.broadcast %mul3A_433 : f32 to vector<16xf32>
        %mul3A_435 = arith.mulf %get3A_432, %mul3A_434 : vector<16xf32>
        %swap3A_436 = arith.index_cast %mul3A_429 : i32 to index
        %swap3A_437 = tpu.vector_load %arg18[%swap3A_436] {strides = array<i32>} : memref<4096xf32, #tpu.memory_space<vmem>>, vector<16xf32>,
        %swap3A_438 = vector.shape_cast %swap3A_437 : vector<16xf32> to vector<16xf32>
        %swap3A_439 = vector.shape_cast %mul3A_435 : vector<16xf32> to vector<16xf32>
        tpu.vector_store %arg18[%swap3A_436], %swap3A_439 {strides = array<i32>} : memref<4096xf32, #tpu.memory_space<vmem>>, vector<16xf32>,
        %mul3A_440 = arith.constant 8 : i32
        %mul3A_441 = arith.muli %scan3A_361, %mul3A_440 : i32
        %add3A_442 = arith.constant 5 : i32
        %add3A_443 = arith.addi %mul3A_441, %add3A_442 : i32
        %mul3A_444 = arith.constant 16 : i32
        %mul3A_445 = arith.muli %add3A_443, %mul3A_444 : i32
        %get3A_446 = arith.index_cast %mul3A_445 : i32 to index
        %get3A_447 = tpu.vector_load %arg18[%get3A_446] {strides = array<i32>} : memref<4096xf32, #tpu.memory_space<vmem>>, vector<16xf32>,
        %get3A_448 = vector.shape_cast %get3A_447 : vector<16xf32> to vector<16xf32>
        %mul3A_449 = arith.constant 1.250000e-01 : f32
        %mul3A_450 = vector.broadcast %mul3A_449 : f32 to vector<16xf32>
        %mul3A_451 = arith.mulf %get3A_448, %mul3A_450 : vector<16xf32>
        %swap3A_452 = arith.index_cast %mul3A_445 : i32 to index
        %swap3A_453 = tpu.vector_load %arg18[%swap3A_452] {strides = array<i32>} : memref<4096xf32, #tpu.memory_space<vmem>>, vector<16xf32>,
        %swap3A_454 = vector.shape_cast %swap3A_453 : vector<16xf32> to vector<16xf32>
        %swap3A_455 = vector.shape_cast %mul3A_451 : vector<16xf32> to vector<16xf32>
        tpu.vector_store %arg18[%swap3A_452], %swap3A_455 {strides = array<i32>} : memref<4096xf32, #tpu.memory_space<vmem>>, vector<16xf32>,
        %mul3A_456 = arith.constant 8 : i32
        %mul3A_457 = arith.muli %scan3A_361, %mul3A_456 : i32
        %add3A_458 = arith.constant 6 : i32
        %add3A_459 = arith.addi %mul3A_457, %add3A_458 : i32
        %mul3A_460 = arith.constant 16 : i32
        %mul3A_461 = arith.muli %add3A_459, %mul3A_460 : i32
        %get3A_462 = arith.index_cast %mul3A_461 : i32 to index
        %get3A_463 = tpu.vector_load %arg18[%get3A_462] {strides = array<i32>} : memref<4096xf32, #tpu.memory_space<vmem>>, vector<16xf32>,
        %get3A_464 = vector.shape_cast %get3A_463 : vector<16xf32> to vector<16xf32>
        %mul3A_465 = arith.constant 1.250000e-01 : f32
        %mul3A_466 = vector.broadcast %mul3A_465 : f32 to vector<16xf32>
        %mul3A_467 = arith.mulf %get3A_464, %mul3A_466 : vector<16xf32>
        %swap3A_468 = arith.index_cast %mul3A_461 : i32 to index
        %swap3A_469 = tpu.vector_load %arg18[%swap3A_468] {strides = array<i32>} : memref<4096xf32, #tpu.memory_space<vmem>>, vector<16xf32>,
        %swap3A_470 = vector.shape_cast %swap3A_469 : vector<16xf32> to vector<16xf32>
        %swap3A_471 = vector.shape_cast %mul3A_467 : vector<16xf32> to vector<16xf32>
        tpu.vector_store %arg18[%swap3A_468], %swap3A_471 {strides = array<i32>} : memref<4096xf32, #tpu.memory_space<vmem>>, vector<16xf32>,
        %mul3A_472 = arith.constant 8 : i32
        %mul3A_473 = arith.muli %scan3A_361, %mul3A_472 : i32
        %add3A_474 = arith.constant 7 : i32
        %add3A_475 = arith.addi %mul3A_473, %add3A_474 : i32
        %mul3A_476 = arith.constant 16 : i32
        %mul3A_477 = arith.muli %add3A_475, %mul3A_476 : i32
        %get3A_478 = arith.index_cast %mul3A_477 : i32 to index
        %get3A_479 = tpu.vector_load %arg18[%get3A_478] {strides = array<i32>} : memref<4096xf32, #tpu.memory_space<vmem>>, vector<16xf32>,
        %get3A_480 = vector.shape_cast %get3A_479 : vector<16xf32> to vector<16xf32>
        %mul3A_481 = arith.constant 1.250000e-01 : f32
        %mul3A_482 = vector.broadcast %mul3A_481 : f32 to vector<16xf32>
        %mul3A_483 = arith.mulf %get3A_480, %mul3A_482 : vector<16xf32>
        %swap3A_484 = arith.index_cast %mul3A_477 : i32 to index
        %swap3A_485 = tpu.vector_load %arg18[%swap3A_484] {strides = array<i32>} : memref<4096xf32, #tpu.memory_space<vmem>>, vector<16xf32>,
        %swap3A_486 = vector.shape_cast %swap3A_485 : vector<16xf32> to vector<16xf32>
        %swap3A_487 = vector.shape_cast %mul3A_483 : vector<16xf32> to vector<16xf32>
        tpu.vector_store %arg18[%swap3A_484], %swap3A_487 {strides = array<i32>} : memref<4096xf32, #tpu.memory_space<vmem>>, vector<16xf32>,
      }
      %scan3A_210 = arith.constant 32 : i32
      %add3A_211 = arith.constant 6 : i32
      %add3A_212 = arith.addi %select_n3A, %add3A_211 : i32
      %dma_start3A_213 = arith.constant 0 : i32
      %dma_start3A_214 = tpu.memref_slice %arg4[%add3A_212, %add3A_52, %dma_start3A_213] : memref<200x64x4096xf32, #tpu.memory_space<hbm>> -> memref<1x1x4096xf32, #tpu.memory_space<hbm>>
      %dma_start3A_215 = tpu.memref_squeeze %dma_start3A_214 : memref<1x1x4096xf32, #tpu.memory_space<hbm>> -> memref<4096xf32, #tpu.memory_space<hbm>>
      %dma_start3A_216 = arith.constant 0 : i32
      %dma_start3A_217 = tpu.memref_slice %arg4[%add3A_212, %add3A_52, %dma_start3A_216] : memref<200x64x4096xf32, #tpu.memory_space<hbm>> -> memref<1x1x4096xf32, #tpu.memory_space<hbm>>
      %dma_start3A_218 = tpu.memref_squeeze %dma_start3A_217 : memref<1x1x4096xf32, #tpu.memory_space<hbm>> -> memref<4096xf32, #tpu.memory_space<hbm>>
      tpu.enqueue_dma source(%arg18 : memref<4096xf32, #tpu.memory_space<vmem>>) target(%dma_start3A_218 : memref<4096xf32, #tpu.memory_space<hbm>>) target_semaphore(%arg23 : memref<!tpu.dma_semaphore, #tpu.memory_space<semaphore_mem>>)
      %dma_wait3A_219 = arith.constant 0 : i32
      %dma_wait3A_220 = arith.constant 0 : i32
      %dma_wait3A_221 = arith.constant 0 : i32
      %dma_wait3A_222 = tpu.memref_slice %arg4[%dma_wait3A_219, %dma_wait3A_220, %dma_wait3A_221] : memref<200x64x4096xf32, #tpu.memory_space<hbm>> -> memref<1x1x4096xf32, #tpu.memory_space<hbm>>
      %dma_wait3A_223 = tpu.memref_squeeze %dma_wait3A_222 : memref<1x1x4096xf32, #tpu.memory_space<hbm>> -> memref<4096xf32, #tpu.memory_space<hbm>>
      %dma_wait3A_224 = arith.constant 0 : i32
      %dma_wait3A_225 = tpu.memref_slice %arg4[%dma_wait3A_219, %dma_wait3A_220, %dma_wait3A_224] : memref<200x64x4096xf32, #tpu.memory_space<hbm>> -> memref<1x1x4096xf32, #tpu.memory_space<hbm>>
      %dma_wait3A_226 = tpu.memref_squeeze %dma_wait3A_225 : memref<1x1x4096xf32, #tpu.memory_space<hbm>> -> memref<4096xf32, #tpu.memory_space<hbm>>
      tpu.wait_dma2 semaphore(%arg23 : memref<!tpu.dma_semaphore, #tpu.memory_space<semaphore_mem>>) src(%arg20 : memref<4096xf32, #tpu.memory_space<vmem>>) dst(%dma_wait3A_226 : memref<4096xf32, #tpu.memory_space<hbm>>)
      %dma_start3A_227 = arith.constant 0 : i32
      %dma_start3A_228 = tpu.memref_slice %arg21[%dma_start3A_227] : memref<1000000xf32, #tpu.memory_space<vmem_shared>> -> memref<1000000xf32, #tpu.memory_space<vmem_shared>>
      tpu.enqueue_indirect_dma source(%dma_start3A_228 : memref<1000000xf32, #tpu.memory_space<vmem_shared>>) target(%arg20 : memref<4096xf32, #tpu.memory_space<vmem>>) offsets(%arg13 : memref<4096xi32, #tpu.memory_space<vmem>>) semaphore(%arg22 : memref<!tpu.dma_semaphore, #tpu.memory_space<semaphore_mem>>)
      %dma_wait3A_229 = arith.constant 0 : i32
      %dma_wait3A_230 = tpu.memref_slice %arg21[%dma_wait3A_229] : memref<1000000xf32, #tpu.memory_space<vmem_shared>> -> memref<1000000xf32, #tpu.memory_space<vmem_shared>>
      tpu.wait_indirect_dma semaphore(%arg22 : memref<!tpu.dma_semaphore, #tpu.memory_space<semaphore_mem>>) src(%dma_wait3A_230 : memref<1000000xf32, #tpu.memory_space<vmem_shared>>) dst(%arg19 : memref<4096xf32, #tpu.memory_space<vmem>>)
      %scan3A_231 = arith.constant 0 : i32
      %scan3A_232 = arith.constant 0 : i32
      %scan3A_233 = arith.constant 32 : i32
      %scan3A_234 = arith.addi %scan3A_232, %scan3A_233 : i32
      %scan3A_235 = arith.constant 1 : i32
      scf.for %scan3A_361 = %scan3A_232 to %scan3A_234 step %scan3A_235  : i32 {
        %mul3A_362 = arith.constant 8 : i32
        %mul3A_363 = arith.muli %scan3A_361, %mul3A_362 : i32
        %add3A_364 = arith.constant 0 : i32
        %add3A_365 = arith.addi %mul3A_363, %add3A_364 : i32
        %mul3A_366 = arith.constant 16 : i32
        %mul3A_367 = arith.muli %add3A_365, %mul3A_366 : i32
        %get3A = arith.index_cast %mul3A_367 : i32 to index
        %get3A_368 = tpu.vector_load %arg19[%get3A] {strides = array<i32>} : memref<4096xf32, #tpu.memory_space<vmem>>, vector<16xf32>,
        %get3A_369 = vector.shape_cast %get3A_368 : vector<16xf32> to vector<16xf32>
        %mul3A_370 = arith.constant 1.250000e-01 : f32
        %mul3A_371 = vector.broadcast %mul3A_370 : f32 to vector<16xf32>
        %mul3A_372 = arith.mulf %get3A_369, %mul3A_371 : vector<16xf32>
        %swap3A = arith.index_cast %mul3A_367 : i32 to index
        %swap3A_373 = tpu.vector_load %arg19[%swap3A] {strides = array<i32>} : memref<4096xf32, #tpu.memory_space<vmem>>, vector<16xf32>,
        %swap3A_374 = vector.shape_cast %swap3A_373 : vector<16xf32> to vector<16xf32>
        %swap3A_375 = vector.shape_cast %mul3A_372 : vector<16xf32> to vector<16xf32>
        tpu.vector_store %arg19[%swap3A], %swap3A_375 {strides = array<i32>} : memref<4096xf32, #tpu.memory_space<vmem>>, vector<16xf32>,
        %mul3A_376 = arith.constant 8 : i32
        %mul3A_377 = arith.muli %scan3A_361, %mul3A_376 : i32
        %add3A_378 = arith.constant 1 : i32
        %add3A_379 = arith.addi %mul3A_377, %add3A_378 : i32
        %mul3A_380 = arith.constant 16 : i32
        %mul3A_381 = arith.muli %add3A_379, %mul3A_380 : i32
        %get3A_382 = arith.index_cast %mul3A_381 : i32 to index
        %get3A_383 = tpu.vector_load %arg19[%get3A_382] {strides = array<i32>} : memref<4096xf32, #tpu.memory_space<vmem>>, vector<16xf32>,
        %get3A_384 = vector.shape_cast %get3A_383 : vector<16xf32> to vector<16xf32>
        %mul3A_385 = arith.constant 1.250000e-01 : f32
        %mul3A_386 = vector.broadcast %mul3A_385 : f32 to vector<16xf32>
        %mul3A_387 = arith.mulf %get3A_384, %mul3A_386 : vector<16xf32>
        %swap3A_388 = arith.index_cast %mul3A_381 : i32 to index
        %swap3A_389 = tpu.vector_load %arg19[%swap3A_388] {strides = array<i32>} : memref<4096xf32, #tpu.memory_space<vmem>>, vector<16xf32>,
        %swap3A_390 = vector.shape_cast %swap3A_389 : vector<16xf32> to vector<16xf32>
        %swap3A_391 = vector.shape_cast %mul3A_387 : vector<16xf32> to vector<16xf32>
        tpu.vector_store %arg19[%swap3A_388], %swap3A_391 {strides = array<i32>} : memref<4096xf32, #tpu.memory_space<vmem>>, vector<16xf32>,
        %mul3A_392 = arith.constant 8 : i32
        %mul3A_393 = arith.muli %scan3A_361, %mul3A_392 : i32
        %add3A_394 = arith.constant 2 : i32
        %add3A_395 = arith.addi %mul3A_393, %add3A_394 : i32
        %mul3A_396 = arith.constant 16 : i32
        %mul3A_397 = arith.muli %add3A_395, %mul3A_396 : i32
        %get3A_398 = arith.index_cast %mul3A_397 : i32 to index
        %get3A_399 = tpu.vector_load %arg19[%get3A_398] {strides = array<i32>} : memref<4096xf32, #tpu.memory_space<vmem>>, vector<16xf32>,
        %get3A_400 = vector.shape_cast %get3A_399 : vector<16xf32> to vector<16xf32>
        %mul3A_401 = arith.constant 1.250000e-01 : f32
        %mul3A_402 = vector.broadcast %mul3A_401 : f32 to vector<16xf32>
        %mul3A_403 = arith.mulf %get3A_400, %mul3A_402 : vector<16xf32>
        %swap3A_404 = arith.index_cast %mul3A_397 : i32 to index
        %swap3A_405 = tpu.vector_load %arg19[%swap3A_404] {strides = array<i32>} : memref<4096xf32, #tpu.memory_space<vmem>>, vector<16xf32>,
        %swap3A_406 = vector.shape_cast %swap3A_405 : vector<16xf32> to vector<16xf32>
        %swap3A_407 = vector.shape_cast %mul3A_403 : vector<16xf32> to vector<16xf32>
        tpu.vector_store %arg19[%swap3A_404], %swap3A_407 {strides = array<i32>} : memref<4096xf32, #tpu.memory_space<vmem>>, vector<16xf32>,
        %mul3A_408 = arith.constant 8 : i32
        %mul3A_409 = arith.muli %scan3A_361, %mul3A_408 : i32
        %add3A_410 = arith.constant 3 : i32
        %add3A_411 = arith.addi %mul3A_409, %add3A_410 : i32
        %mul3A_412 = arith.constant 16 : i32
        %mul3A_413 = arith.muli %add3A_411, %mul3A_412 : i32
        %get3A_414 = arith.index_cast %mul3A_413 : i32 to index
        %get3A_415 = tpu.vector_load %arg19[%get3A_414] {strides = array<i32>} : memref<4096xf32, #tpu.memory_space<vmem>>, vector<16xf32>,
        %get3A_416 = vector.shape_cast %get3A_415 : vector<16xf32> to vector<16xf32>
        %mul3A_417 = arith.constant 1.250000e-01 : f32
        %mul3A_418 = vector.broadcast %mul3A_417 : f32 to vector<16xf32>
        %mul3A_419 = arith.mulf %get3A_416, %mul3A_418 : vector<16xf32>
        %swap3A_420 = arith.index_cast %mul3A_413 : i32 to index
        %swap3A_421 = tpu.vector_load %arg19[%swap3A_420] {strides = array<i32>} : memref<4096xf32, #tpu.memory_space<vmem>>, vector<16xf32>,
        %swap3A_422 = vector.shape_cast %swap3A_421 : vector<16xf32> to vector<16xf32>
        %swap3A_423 = vector.shape_cast %mul3A_419 : vector<16xf32> to vector<16xf32>
        tpu.vector_store %arg19[%swap3A_420], %swap3A_423 {strides = array<i32>} : memref<4096xf32, #tpu.memory_space<vmem>>, vector<16xf32>,
        %mul3A_424 = arith.constant 8 : i32
        %mul3A_425 = arith.muli %scan3A_361, %mul3A_424 : i32
        %add3A_426 = arith.constant 4 : i32
        %add3A_427 = arith.addi %mul3A_425, %add3A_426 : i32
        %mul3A_428 = arith.constant 16 : i32
        %mul3A_429 = arith.muli %add3A_427, %mul3A_428 : i32
        %get3A_430 = arith.index_cast %mul3A_429 : i32 to index
        %get3A_431 = tpu.vector_load %arg19[%get3A_430] {strides = array<i32>} : memref<4096xf32, #tpu.memory_space<vmem>>, vector<16xf32>,
        %get3A_432 = vector.shape_cast %get3A_431 : vector<16xf32> to vector<16xf32>
        %mul3A_433 = arith.constant 1.250000e-01 : f32
        %mul3A_434 = vector.broadcast %mul3A_433 : f32 to vector<16xf32>
        %mul3A_435 = arith.mulf %get3A_432, %mul3A_434 : vector<16xf32>
        %swap3A_436 = arith.index_cast %mul3A_429 : i32 to index
        %swap3A_437 = tpu.vector_load %arg19[%swap3A_436] {strides = array<i32>} : memref<4096xf32, #tpu.memory_space<vmem>>, vector<16xf32>,
        %swap3A_438 = vector.shape_cast %swap3A_437 : vector<16xf32> to vector<16xf32>
        %swap3A_439 = vector.shape_cast %mul3A_435 : vector<16xf32> to vector<16xf32>
        tpu.vector_store %arg19[%swap3A_436], %swap3A_439 {strides = array<i32>} : memref<4096xf32, #tpu.memory_space<vmem>>, vector<16xf32>,
        %mul3A_440 = arith.constant 8 : i32
        %mul3A_441 = arith.muli %scan3A_361, %mul3A_440 : i32
        %add3A_442 = arith.constant 5 : i32
        %add3A_443 = arith.addi %mul3A_441, %add3A_442 : i32
        %mul3A_444 = arith.constant 16 : i32
        %mul3A_445 = arith.muli %add3A_443, %mul3A_444 : i32
        %get3A_446 = arith.index_cast %mul3A_445 : i32 to index
        %get3A_447 = tpu.vector_load %arg19[%get3A_446] {strides = array<i32>} : memref<4096xf32, #tpu.memory_space<vmem>>, vector<16xf32>,
        %get3A_448 = vector.shape_cast %get3A_447 : vector<16xf32> to vector<16xf32>
        %mul3A_449 = arith.constant 1.250000e-01 : f32
        %mul3A_450 = vector.broadcast %mul3A_449 : f32 to vector<16xf32>
        %mul3A_451 = arith.mulf %get3A_448, %mul3A_450 : vector<16xf32>
        %swap3A_452 = arith.index_cast %mul3A_445 : i32 to index
        %swap3A_453 = tpu.vector_load %arg19[%swap3A_452] {strides = array<i32>} : memref<4096xf32, #tpu.memory_space<vmem>>, vector<16xf32>,
        %swap3A_454 = vector.shape_cast %swap3A_453 : vector<16xf32> to vector<16xf32>
        %swap3A_455 = vector.shape_cast %mul3A_451 : vector<16xf32> to vector<16xf32>
        tpu.vector_store %arg19[%swap3A_452], %swap3A_455 {strides = array<i32>} : memref<4096xf32, #tpu.memory_space<vmem>>, vector<16xf32>,
        %mul3A_456 = arith.constant 8 : i32
        %mul3A_457 = arith.muli %scan3A_361, %mul3A_456 : i32
        %add3A_458 = arith.constant 6 : i32
        %add3A_459 = arith.addi %mul3A_457, %add3A_458 : i32
        %mul3A_460 = arith.constant 16 : i32
        %mul3A_461 = arith.muli %add3A_459, %mul3A_460 : i32
        %get3A_462 = arith.index_cast %mul3A_461 : i32 to index
        %get3A_463 = tpu.vector_load %arg19[%get3A_462] {strides = array<i32>} : memref<4096xf32, #tpu.memory_space<vmem>>, vector<16xf32>,
        %get3A_464 = vector.shape_cast %get3A_463 : vector<16xf32> to vector<16xf32>
        %mul3A_465 = arith.constant 1.250000e-01 : f32
        %mul3A_466 = vector.broadcast %mul3A_465 : f32 to vector<16xf32>
        %mul3A_467 = arith.mulf %get3A_464, %mul3A_466 : vector<16xf32>
        %swap3A_468 = arith.index_cast %mul3A_461 : i32 to index
        %swap3A_469 = tpu.vector_load %arg19[%swap3A_468] {strides = array<i32>} : memref<4096xf32, #tpu.memory_space<vmem>>, vector<16xf32>,
        %swap3A_470 = vector.shape_cast %swap3A_469 : vector<16xf32> to vector<16xf32>
        %swap3A_471 = vector.shape_cast %mul3A_467 : vector<16xf32> to vector<16xf32>
        tpu.vector_store %arg19[%swap3A_468], %swap3A_471 {strides = array<i32>} : memref<4096xf32, #tpu.memory_space<vmem>>, vector<16xf32>,
        %mul3A_472 = arith.constant 8 : i32
        %mul3A_473 = arith.muli %scan3A_361, %mul3A_472 : i32
        %add3A_474 = arith.constant 7 : i32
        %add3A_475 = arith.addi %mul3A_473, %add3A_474 : i32
        %mul3A_476 = arith.constant 16 : i32
        %mul3A_477 = arith.muli %add3A_475, %mul3A_476 : i32
        %get3A_478 = arith.index_cast %mul3A_477 : i32 to index
        %get3A_479 = tpu.vector_load %arg19[%get3A_478] {strides = array<i32>} : memref<4096xf32, #tpu.memory_space<vmem>>, vector<16xf32>,
        %get3A_480 = vector.shape_cast %get3A_479 : vector<16xf32> to vector<16xf32>
        %mul3A_481 = arith.constant 1.250000e-01 : f32
        %mul3A_482 = vector.broadcast %mul3A_481 : f32 to vector<16xf32>
        %mul3A_483 = arith.mulf %get3A_480, %mul3A_482 : vector<16xf32>
        %swap3A_484 = arith.index_cast %mul3A_477 : i32 to index
        %swap3A_485 = tpu.vector_load %arg19[%swap3A_484] {strides = array<i32>} : memref<4096xf32, #tpu.memory_space<vmem>>, vector<16xf32>,
        %swap3A_486 = vector.shape_cast %swap3A_485 : vector<16xf32> to vector<16xf32>
        %swap3A_487 = vector.shape_cast %mul3A_483 : vector<16xf32> to vector<16xf32>
        tpu.vector_store %arg19[%swap3A_484], %swap3A_487 {strides = array<i32>} : memref<4096xf32, #tpu.memory_space<vmem>>, vector<16xf32>,
      }
      %scan3A_236 = arith.constant 32 : i32
      %add3A_237 = arith.constant 7 : i32
      %add3A_238 = arith.addi %select_n3A, %add3A_237 : i32
      %dma_start3A_239 = arith.constant 0 : i32
      %dma_start3A_240 = tpu.memref_slice %arg4[%add3A_238, %add3A_52, %dma_start3A_239] : memref<200x64x4096xf32, #tpu.memory_space<hbm>> -> memref<1x1x4096xf32, #tpu.memory_space<hbm>>
      %dma_start3A_241 = tpu.memref_squeeze %dma_start3A_240 : memref<1x1x4096xf32, #tpu.memory_space<hbm>> -> memref<4096xf32, #tpu.memory_space<hbm>>
      %dma_start3A_242 = arith.constant 0 : i32
      %dma_start3A_243 = tpu.memref_slice %arg4[%add3A_238, %add3A_52, %dma_start3A_242] : memref<200x64x4096xf32, #tpu.memory_space<hbm>> -> memref<1x1x4096xf32, #tpu.memory_space<hbm>>
      %dma_start3A_244 = tpu.memref_squeeze %dma_start3A_243 : memref<1x1x4096xf32, #tpu.memory_space<hbm>> -> memref<4096xf32, #tpu.memory_space<hbm>>
      tpu.enqueue_dma source(%arg19 : memref<4096xf32, #tpu.memory_space<vmem>>) target(%dma_start3A_244 : memref<4096xf32, #tpu.memory_space<hbm>>) target_semaphore(%arg23 : memref<!tpu.dma_semaphore, #tpu.memory_space<semaphore_mem>>)
      %dma_wait3A_245 = arith.constant 0 : i32
      %dma_wait3A_246 = arith.constant 0 : i32
      %dma_wait3A_247 = arith.constant 0 : i32
      %dma_wait3A_248 = tpu.memref_slice %arg4[%dma_wait3A_245, %dma_wait3A_246, %dma_wait3A_247] : memref<200x64x4096xf32, #tpu.memory_space<hbm>> -> memref<1x1x4096xf32, #tpu.memory_space<hbm>>
      %dma_wait3A_249 = tpu.memref_squeeze %dma_wait3A_248 : memref<1x1x4096xf32, #tpu.memory_space<hbm>> -> memref<4096xf32, #tpu.memory_space<hbm>>
      %dma_wait3A_250 = arith.constant 0 : i32
      %dma_wait3A_251 = tpu.memref_slice %arg4[%dma_wait3A_245, %dma_wait3A_246, %dma_wait3A_250] : memref<200x64x4096xf32, #tpu.memory_space<hbm>> -> memref<1x1x4096xf32, #tpu.memory_space<hbm>>
      %dma_wait3A_252 = tpu.memref_squeeze %dma_wait3A_251 : memref<1x1x4096xf32, #tpu.memory_space<hbm>> -> memref<4096xf32, #tpu.memory_space<hbm>>
      tpu.wait_dma2 semaphore(%arg23 : memref<!tpu.dma_semaphore, #tpu.memory_space<semaphore_mem>>) src(%arg18 : memref<4096xf32, #tpu.memory_space<vmem>>) dst(%dma_wait3A_252 : memref<4096xf32, #tpu.memory_space<hbm>>)
      %dma_start3A_253 = arith.constant 0 : i32
      %dma_start3A_254 = tpu.memref_slice %arg21[%dma_start3A_253] : memref<1000000xf32, #tpu.memory_space<vmem_shared>> -> memref<1000000xf32, #tpu.memory_space<vmem_shared>>
      tpu.enqueue_indirect_dma source(%dma_start3A_254 : memref<1000000xf32, #tpu.memory_space<vmem_shared>>) target(%arg18 : memref<4096xf32, #tpu.memory_space<vmem>>) offsets(%arg14 : memref<4096xi32, #tpu.memory_space<vmem>>) semaphore(%arg22 : memref<!tpu.dma_semaphore, #tpu.memory_space<semaphore_mem>>)
      %dma_wait3A_255 = arith.constant 0 : i32
      %dma_wait3A_256 = tpu.memref_slice %arg21[%dma_wait3A_255] : memref<1000000xf32, #tpu.memory_space<vmem_shared>> -> memref<1000000xf32, #tpu.memory_space<vmem_shared>>
      tpu.wait_indirect_dma semaphore(%arg22 : memref<!tpu.dma_semaphore, #tpu.memory_space<semaphore_mem>>) src(%dma_wait3A_256 : memref<1000000xf32, #tpu.memory_space<vmem_shared>>) dst(%arg20 : memref<4096xf32, #tpu.memory_space<vmem>>)
      %scan3A_257 = arith.constant 0 : i32
      %scan3A_258 = arith.constant 0 : i32
      %scan3A_259 = arith.constant 32 : i32
      %scan3A_260 = arith.addi %scan3A_258, %scan3A_259 : i32
      %scan3A_261 = arith.constant 1 : i32
      scf.for %scan3A_361 = %scan3A_258 to %scan3A_260 step %scan3A_261  : i32 {
        %mul3A_362 = arith.constant 8 : i32
        %mul3A_363 = arith.muli %scan3A_361, %mul3A_362 : i32
        %add3A_364 = arith.constant 0 : i32
        %add3A_365 = arith.addi %mul3A_363, %add3A_364 : i32
        %mul3A_366 = arith.constant 16 : i32
        %mul3A_367 = arith.muli %add3A_365, %mul3A_366 : i32
        %get3A = arith.index_cast %mul3A_367 : i32 to index
        %get3A_368 = tpu.vector_load %arg20[%get3A] {strides = array<i32>} : memref<4096xf32, #tpu.memory_space<vmem>>, vector<16xf32>,
        %get3A_369 = vector.shape_cast %get3A_368 : vector<16xf32> to vector<16xf32>
        %mul3A_370 = arith.constant 1.250000e-01 : f32
        %mul3A_371 = vector.broadcast %mul3A_370 : f32 to vector<16xf32>
        %mul3A_372 = arith.mulf %get3A_369, %mul3A_371 : vector<16xf32>
        %swap3A = arith.index_cast %mul3A_367 : i32 to index
        %swap3A_373 = tpu.vector_load %arg20[%swap3A] {strides = array<i32>} : memref<4096xf32, #tpu.memory_space<vmem>>, vector<16xf32>,
        %swap3A_374 = vector.shape_cast %swap3A_373 : vector<16xf32> to vector<16xf32>
        %swap3A_375 = vector.shape_cast %mul3A_372 : vector<16xf32> to vector<16xf32>
        tpu.vector_store %arg20[%swap3A], %swap3A_375 {strides = array<i32>} : memref<4096xf32, #tpu.memory_space<vmem>>, vector<16xf32>,
        %mul3A_376 = arith.constant 8 : i32
        %mul3A_377 = arith.muli %scan3A_361, %mul3A_376 : i32
        %add3A_378 = arith.constant 1 : i32
        %add3A_379 = arith.addi %mul3A_377, %add3A_378 : i32
        %mul3A_380 = arith.constant 16 : i32
        %mul3A_381 = arith.muli %add3A_379, %mul3A_380 : i32
        %get3A_382 = arith.index_cast %mul3A_381 : i32 to index
        %get3A_383 = tpu.vector_load %arg20[%get3A_382] {strides = array<i32>} : memref<4096xf32, #tpu.memory_space<vmem>>, vector<16xf32>,
        %get3A_384 = vector.shape_cast %get3A_383 : vector<16xf32> to vector<16xf32>
        %mul3A_385 = arith.constant 1.250000e-01 : f32
        %mul3A_386 = vector.broadcast %mul3A_385 : f32 to vector<16xf32>
        %mul3A_387 = arith.mulf %get3A_384, %mul3A_386 : vector<16xf32>
        %swap3A_388 = arith.index_cast %mul3A_381 : i32 to index
        %swap3A_389 = tpu.vector_load %arg20[%swap3A_388] {strides = array<i32>} : memref<4096xf32, #tpu.memory_space<vmem>>, vector<16xf32>,
        %swap3A_390 = vector.shape_cast %swap3A_389 : vector<16xf32> to vector<16xf32>
        %swap3A_391 = vector.shape_cast %mul3A_387 : vector<16xf32> to vector<16xf32>
        tpu.vector_store %arg20[%swap3A_388], %swap3A_391 {strides = array<i32>} : memref<4096xf32, #tpu.memory_space<vmem>>, vector<16xf32>,
        %mul3A_392 = arith.constant 8 : i32
        %mul3A_393 = arith.muli %scan3A_361, %mul3A_392 : i32
        %add3A_394 = arith.constant 2 : i32
        %add3A_395 = arith.addi %mul3A_393, %add3A_394 : i32
        %mul3A_396 = arith.constant 16 : i32
        %mul3A_397 = arith.muli %add3A_395, %mul3A_396 : i32
        %get3A_398 = arith.index_cast %mul3A_397 : i32 to index
        %get3A_399 = tpu.vector_load %arg20[%get3A_398] {strides = array<i32>} : memref<4096xf32, #tpu.memory_space<vmem>>, vector<16xf32>,
        %get3A_400 = vector.shape_cast %get3A_399 : vector<16xf32> to vector<16xf32>
        %mul3A_401 = arith.constant 1.250000e-01 : f32
        %mul3A_402 = vector.broadcast %mul3A_401 : f32 to vector<16xf32>
        %mul3A_403 = arith.mulf %get3A_400, %mul3A_402 : vector<16xf32>
        %swap3A_404 = arith.index_cast %mul3A_397 : i32 to index
        %swap3A_405 = tpu.vector_load %arg20[%swap3A_404] {strides = array<i32>} : memref<4096xf32, #tpu.memory_space<vmem>>, vector<16xf32>,
        %swap3A_406 = vector.shape_cast %swap3A_405 : vector<16xf32> to vector<16xf32>
        %swap3A_407 = vector.shape_cast %mul3A_403 : vector<16xf32> to vector<16xf32>
        tpu.vector_store %arg20[%swap3A_404], %swap3A_407 {strides = array<i32>} : memref<4096xf32, #tpu.memory_space<vmem>>, vector<16xf32>,
        %mul3A_408 = arith.constant 8 : i32
        %mul3A_409 = arith.muli %scan3A_361, %mul3A_408 : i32
        %add3A_410 = arith.constant 3 : i32
        %add3A_411 = arith.addi %mul3A_409, %add3A_410 : i32
        %mul3A_412 = arith.constant 16 : i32
        %mul3A_413 = arith.muli %add3A_411, %mul3A_412 : i32
        %get3A_414 = arith.index_cast %mul3A_413 : i32 to index
        %get3A_415 = tpu.vector_load %arg20[%get3A_414] {strides = array<i32>} : memref<4096xf32, #tpu.memory_space<vmem>>, vector<16xf32>,
        %get3A_416 = vector.shape_cast %get3A_415 : vector<16xf32> to vector<16xf32>
        %mul3A_417 = arith.constant 1.250000e-01 : f32
        %mul3A_418 = vector.broadcast %mul3A_417 : f32 to vector<16xf32>
        %mul3A_419 = arith.mulf %get3A_416, %mul3A_418 : vector<16xf32>
        %swap3A_420 = arith.index_cast %mul3A_413 : i32 to index
        %swap3A_421 = tpu.vector_load %arg20[%swap3A_420] {strides = array<i32>} : memref<4096xf32, #tpu.memory_space<vmem>>, vector<16xf32>,
        %swap3A_422 = vector.shape_cast %swap3A_421 : vector<16xf32> to vector<16xf32>
        %swap3A_423 = vector.shape_cast %mul3A_419 : vector<16xf32> to vector<16xf32>
        tpu.vector_store %arg20[%swap3A_420], %swap3A_423 {strides = array<i32>} : memref<4096xf32, #tpu.memory_space<vmem>>, vector<16xf32>,
        %mul3A_424 = arith.constant 8 : i32
        %mul3A_425 = arith.muli %scan3A_361, %mul3A_424 : i32
        %add3A_426 = arith.constant 4 : i32
        %add3A_427 = arith.addi %mul3A_425, %add3A_426 : i32
        %mul3A_428 = arith.constant 16 : i32
        %mul3A_429 = arith.muli %add3A_427, %mul3A_428 : i32
        %get3A_430 = arith.index_cast %mul3A_429 : i32 to index
        %get3A_431 = tpu.vector_load %arg20[%get3A_430] {strides = array<i32>} : memref<4096xf32, #tpu.memory_space<vmem>>, vector<16xf32>,
        %get3A_432 = vector.shape_cast %get3A_431 : vector<16xf32> to vector<16xf32>
        %mul3A_433 = arith.constant 1.250000e-01 : f32
        %mul3A_434 = vector.broadcast %mul3A_433 : f32 to vector<16xf32>
        %mul3A_435 = arith.mulf %get3A_432, %mul3A_434 : vector<16xf32>
        %swap3A_436 = arith.index_cast %mul3A_429 : i32 to index
        %swap3A_437 = tpu.vector_load %arg20[%swap3A_436] {strides = array<i32>} : memref<4096xf32, #tpu.memory_space<vmem>>, vector<16xf32>,
        %swap3A_438 = vector.shape_cast %swap3A_437 : vector<16xf32> to vector<16xf32>
        %swap3A_439 = vector.shape_cast %mul3A_435 : vector<16xf32> to vector<16xf32>
        tpu.vector_store %arg20[%swap3A_436], %swap3A_439 {strides = array<i32>} : memref<4096xf32, #tpu.memory_space<vmem>>, vector<16xf32>,
        %mul3A_440 = arith.constant 8 : i32
        %mul3A_441 = arith.muli %scan3A_361, %mul3A_440 : i32
        %add3A_442 = arith.constant 5 : i32
        %add3A_443 = arith.addi %mul3A_441, %add3A_442 : i32
        %mul3A_444 = arith.constant 16 : i32
        %mul3A_445 = arith.muli %add3A_443, %mul3A_444 : i32
        %get3A_446 = arith.index_cast %mul3A_445 : i32 to index
        %get3A_447 = tpu.vector_load %arg20[%get3A_446] {strides = array<i32>} : memref<4096xf32, #tpu.memory_space<vmem>>, vector<16xf32>,
        %get3A_448 = vector.shape_cast %get3A_447 : vector<16xf32> to vector<16xf32>
        %mul3A_449 = arith.constant 1.250000e-01 : f32
        %mul3A_450 = vector.broadcast %mul3A_449 : f32 to vector<16xf32>
        %mul3A_451 = arith.mulf %get3A_448, %mul3A_450 : vector<16xf32>
        %swap3A_452 = arith.index_cast %mul3A_445 : i32 to index
        %swap3A_453 = tpu.vector_load %arg20[%swap3A_452] {strides = array<i32>} : memref<4096xf32, #tpu.memory_space<vmem>>, vector<16xf32>,
        %swap3A_454 = vector.shape_cast %swap3A_453 : vector<16xf32> to vector<16xf32>
        %swap3A_455 = vector.shape_cast %mul3A_451 : vector<16xf32> to vector<16xf32>
        tpu.vector_store %arg20[%swap3A_452], %swap3A_455 {strides = array<i32>} : memref<4096xf32, #tpu.memory_space<vmem>>, vector<16xf32>,
        %mul3A_456 = arith.constant 8 : i32
        %mul3A_457 = arith.muli %scan3A_361, %mul3A_456 : i32
        %add3A_458 = arith.constant 6 : i32
        %add3A_459 = arith.addi %mul3A_457, %add3A_458 : i32
        %mul3A_460 = arith.constant 16 : i32
        %mul3A_461 = arith.muli %add3A_459, %mul3A_460 : i32
        %get3A_462 = arith.index_cast %mul3A_461 : i32 to index
        %get3A_463 = tpu.vector_load %arg20[%get3A_462] {strides = array<i32>} : memref<4096xf32, #tpu.memory_space<vmem>>, vector<16xf32>,
        %get3A_464 = vector.shape_cast %get3A_463 : vector<16xf32> to vector<16xf32>
        %mul3A_465 = arith.constant 1.250000e-01 : f32
        %mul3A_466 = vector.broadcast %mul3A_465 : f32 to vector<16xf32>
        %mul3A_467 = arith.mulf %get3A_464, %mul3A_466 : vector<16xf32>
        %swap3A_468 = arith.index_cast %mul3A_461 : i32 to index
        %swap3A_469 = tpu.vector_load %arg20[%swap3A_468] {strides = array<i32>} : memref<4096xf32, #tpu.memory_space<vmem>>, vector<16xf32>,
        %swap3A_470 = vector.shape_cast %swap3A_469 : vector<16xf32> to vector<16xf32>
        %swap3A_471 = vector.shape_cast %mul3A_467 : vector<16xf32> to vector<16xf32>
        tpu.vector_store %arg20[%swap3A_468], %swap3A_471 {strides = array<i32>} : memref<4096xf32, #tpu.memory_space<vmem>>, vector<16xf32>,
        %mul3A_472 = arith.constant 8 : i32
        %mul3A_473 = arith.muli %scan3A_361, %mul3A_472 : i32
        %add3A_474 = arith.constant 7 : i32
        %add3A_475 = arith.addi %mul3A_473, %add3A_474 : i32
        %mul3A_476 = arith.constant 16 : i32
        %mul3A_477 = arith.muli %add3A_475, %mul3A_476 : i32
        %get3A_478 = arith.index_cast %mul3A_477 : i32 to index
        %get3A_479 = tpu.vector_load %arg20[%get3A_478] {strides = array<i32>} : memref<4096xf32, #tpu.memory_space<vmem>>, vector<16xf32>,
        %get3A_480 = vector.shape_cast %get3A_479 : vector<16xf32> to vector<16xf32>
        %mul3A_481 = arith.constant 1.250000e-01 : f32
        %mul3A_482 = vector.broadcast %mul3A_481 : f32 to vector<16xf32>
        %mul3A_483 = arith.mulf %get3A_480, %mul3A_482 : vector<16xf32>
        %swap3A_484 = arith.index_cast %mul3A_477 : i32 to index
        %swap3A_485 = tpu.vector_load %arg20[%swap3A_484] {strides = array<i32>} : memref<4096xf32, #tpu.memory_space<vmem>>, vector<16xf32>,
        %swap3A_486 = vector.shape_cast %swap3A_485 : vector<16xf32> to vector<16xf32>
        %swap3A_487 = vector.shape_cast %mul3A_483 : vector<16xf32> to vector<16xf32>
        tpu.vector_store %arg20[%swap3A_484], %swap3A_487 {strides = array<i32>} : memref<4096xf32, #tpu.memory_space<vmem>>, vector<16xf32>,
      }
      %scan3A_262 = arith.constant 32 : i32
      %add3A_263 = arith.constant 8 : i32
      %add3A_264 = arith.addi %select_n3A, %add3A_263 : i32
      %dma_start3A_265 = arith.constant 0 : i32
      %dma_start3A_266 = tpu.memref_slice %arg4[%add3A_264, %add3A_52, %dma_start3A_265] : memref<200x64x4096xf32, #tpu.memory_space<hbm>> -> memref<1x1x4096xf32, #tpu.memory_space<hbm>>
      %dma_start3A_267 = tpu.memref_squeeze %dma_start3A_266 : memref<1x1x4096xf32, #tpu.memory_space<hbm>> -> memref<4096xf32, #tpu.memory_space<hbm>>
      %dma_start3A_268 = arith.constant 0 : i32
      %dma_start3A_269 = tpu.memref_slice %arg4[%add3A_264, %add3A_52, %dma_start3A_268] : memref<200x64x4096xf32, #tpu.memory_space<hbm>> -> memref<1x1x4096xf32, #tpu.memory_space<hbm>>
      %dma_start3A_270 = tpu.memref_squeeze %dma_start3A_269 : memref<1x1x4096xf32, #tpu.memory_space<hbm>> -> memref<4096xf32, #tpu.memory_space<hbm>>
      tpu.enqueue_dma source(%arg20 : memref<4096xf32, #tpu.memory_space<vmem>>) target(%dma_start3A_270 : memref<4096xf32, #tpu.memory_space<hbm>>) target_semaphore(%arg23 : memref<!tpu.dma_semaphore, #tpu.memory_space<semaphore_mem>>)
      %dma_wait3A_271 = arith.constant 0 : i32
      %dma_wait3A_272 = arith.constant 0 : i32
      %dma_wait3A_273 = arith.constant 0 : i32
      %dma_wait3A_274 = tpu.memref_slice %arg4[%dma_wait3A_271, %dma_wait3A_272, %dma_wait3A_273] : memref<200x64x4096xf32, #tpu.memory_space<hbm>> -> memref<1x1x4096xf32, #tpu.memory_space<hbm>>
      %dma_wait3A_275 = tpu.memref_squeeze %dma_wait3A_274 : memref<1x1x4096xf32, #tpu.memory_space<hbm>> -> memref<4096xf32, #tpu.memory_space<hbm>>
      %dma_wait3A_276 = arith.constant 0 : i32
      %dma_wait3A_277 = tpu.memref_slice %arg4[%dma_wait3A_271, %dma_wait3A_272, %dma_wait3A_276] : memref<200x64x4096xf32, #tpu.memory_space<hbm>> -> memref<1x1x4096xf32, #tpu.memory_space<hbm>>
      %dma_wait3A_278 = tpu.memref_squeeze %dma_wait3A_277 : memref<1x1x4096xf32, #tpu.memory_space<hbm>> -> memref<4096xf32, #tpu.memory_space<hbm>>
      tpu.wait_dma2 semaphore(%arg23 : memref<!tpu.dma_semaphore, #tpu.memory_space<semaphore_mem>>) src(%arg19 : memref<4096xf32, #tpu.memory_space<vmem>>) dst(%dma_wait3A_278 : memref<4096xf32, #tpu.memory_space<hbm>>)
      %dma_start3A_279 = arith.constant 0 : i32
      %dma_start3A_280 = tpu.memref_slice %arg21[%dma_start3A_279] : memref<1000000xf32, #tpu.memory_space<vmem_shared>> -> memref<1000000xf32, #tpu.memory_space<vmem_shared>>
      tpu.enqueue_indirect_dma source(%dma_start3A_280 : memref<1000000xf32, #tpu.memory_space<vmem_shared>>) target(%arg19 : memref<4096xf32, #tpu.memory_space<vmem>>) offsets(%arg15 : memref<4096xi32, #tpu.memory_space<vmem>>) semaphore(%arg22 : memref<!tpu.dma_semaphore, #tpu.memory_space<semaphore_mem>>)
      %dma_wait3A_281 = arith.constant 0 : i32
      %dma_wait3A_282 = tpu.memref_slice %arg21[%dma_wait3A_281] : memref<1000000xf32, #tpu.memory_space<vmem_shared>> -> memref<1000000xf32, #tpu.memory_space<vmem_shared>>
      tpu.wait_indirect_dma semaphore(%arg22 : memref<!tpu.dma_semaphore, #tpu.memory_space<semaphore_mem>>) src(%dma_wait3A_282 : memref<1000000xf32, #tpu.memory_space<vmem_shared>>) dst(%arg18 : memref<4096xf32, #tpu.memory_space<vmem>>)
      %lt3A_283 = arith.constant 8 : i32
      %lt3A_284 = arith.cmpi slt, %arg1, %lt3A_283 : i32
      %convert_element_type3A_285 = arith.extui %lt3A_284 : i1 to i32
      %cond3A_286 = arith.constant 0 : i32
      %cond3A_287 = arith.cmpi ne, %convert_element_type3A_285, %cond3A_286 : i32
      scf.if %cond3A_287 {
        %scan3A_361 = arith.constant 0 : i32
        %scan3A_362 = arith.constant 0 : i32
        %scan3A_363 = arith.constant 32 : i32
        %scan3A_364 = arith.addi %scan3A_362, %scan3A_363 : i32
        %scan3A_365 = arith.constant 1 : i32
        scf.for %scan3A_375 = %scan3A_362 to %scan3A_364 step %scan3A_365  : i32 {
          %mul3A_376 = arith.constant 8 : i32
          %mul3A_377 = arith.muli %scan3A_375, %mul3A_376 : i32
          %add3A_378 = arith.constant 0 : i32
          %add3A_379 = arith.addi %mul3A_377, %add3A_378 : i32
          %mul3A_380 = arith.constant 16 : i32
          %mul3A_381 = arith.muli %add3A_379, %mul3A_380 : i32
          %get3A = arith.index_cast %mul3A_381 : i32 to index
          %get3A_382 = tpu.vector_load %arg18[%get3A] {strides = array<i32>} : memref<4096xf32, #tpu.memory_space<vmem>>, vector<16xf32>,
          %get3A_383 = vector.shape_cast %get3A_382 : vector<16xf32> to vector<16xf32>
          %mul3A_384 = arith.constant 1.250000e-01 : f32
          %mul3A_385 = vector.broadcast %mul3A_384 : f32 to vector<16xf32>
          %mul3A_386 = arith.mulf %get3A_383, %mul3A_385 : vector<16xf32>
          %swap3A = arith.index_cast %mul3A_381 : i32 to index
          %swap3A_387 = tpu.vector_load %arg18[%swap3A] {strides = array<i32>} : memref<4096xf32, #tpu.memory_space<vmem>>, vector<16xf32>,
          %swap3A_388 = vector.shape_cast %swap3A_387 : vector<16xf32> to vector<16xf32>
          %swap3A_389 = vector.shape_cast %mul3A_386 : vector<16xf32> to vector<16xf32>
          tpu.vector_store %arg18[%swap3A], %swap3A_389 {strides = array<i32>} : memref<4096xf32, #tpu.memory_space<vmem>>, vector<16xf32>,
          %mul3A_390 = arith.constant 8 : i32
          %mul3A_391 = arith.muli %scan3A_375, %mul3A_390 : i32
          %add3A_392 = arith.constant 1 : i32
          %add3A_393 = arith.addi %mul3A_391, %add3A_392 : i32
          %mul3A_394 = arith.constant 16 : i32
          %mul3A_395 = arith.muli %add3A_393, %mul3A_394 : i32
          %get3A_396 = arith.index_cast %mul3A_395 : i32 to index
          %get3A_397 = tpu.vector_load %arg18[%get3A_396] {strides = array<i32>} : memref<4096xf32, #tpu.memory_space<vmem>>, vector<16xf32>,
          %get3A_398 = vector.shape_cast %get3A_397 : vector<16xf32> to vector<16xf32>
          %mul3A_399 = arith.constant 1.250000e-01 : f32
          %mul3A_400 = vector.broadcast %mul3A_399 : f32 to vector<16xf32>
          %mul3A_401 = arith.mulf %get3A_398, %mul3A_400 : vector<16xf32>
          %swap3A_402 = arith.index_cast %mul3A_395 : i32 to index
          %swap3A_403 = tpu.vector_load %arg18[%swap3A_402] {strides = array<i32>} : memref<4096xf32, #tpu.memory_space<vmem>>, vector<16xf32>,
          %swap3A_404 = vector.shape_cast %swap3A_403 : vector<16xf32> to vector<16xf32>
          %swap3A_405 = vector.shape_cast %mul3A_401 : vector<16xf32> to vector<16xf32>
          tpu.vector_store %arg18[%swap3A_402], %swap3A_405 {strides = array<i32>} : memref<4096xf32, #tpu.memory_space<vmem>>, vector<16xf32>,
          %mul3A_406 = arith.constant 8 : i32
          %mul3A_407 = arith.muli %scan3A_375, %mul3A_406 : i32
          %add3A_408 = arith.constant 2 : i32
          %add3A_409 = arith.addi %mul3A_407, %add3A_408 : i32
          %mul3A_410 = arith.constant 16 : i32
          %mul3A_411 = arith.muli %add3A_409, %mul3A_410 : i32
          %get3A_412 = arith.index_cast %mul3A_411 : i32 to index
          %get3A_413 = tpu.vector_load %arg18[%get3A_412] {strides = array<i32>} : memref<4096xf32, #tpu.memory_space<vmem>>, vector<16xf32>,
          %get3A_414 = vector.shape_cast %get3A_413 : vector<16xf32> to vector<16xf32>
          %mul3A_415 = arith.constant 1.250000e-01 : f32
          %mul3A_416 = vector.broadcast %mul3A_415 : f32 to vector<16xf32>
          %mul3A_417 = arith.mulf %get3A_414, %mul3A_416 : vector<16xf32>
          %swap3A_418 = arith.index_cast %mul3A_411 : i32 to index
          %swap3A_419 = tpu.vector_load %arg18[%swap3A_418] {strides = array<i32>} : memref<4096xf32, #tpu.memory_space<vmem>>, vector<16xf32>,
          %swap3A_420 = vector.shape_cast %swap3A_419 : vector<16xf32> to vector<16xf32>
          %swap3A_421 = vector.shape_cast %mul3A_417 : vector<16xf32> to vector<16xf32>
          tpu.vector_store %arg18[%swap3A_418], %swap3A_421 {strides = array<i32>} : memref<4096xf32, #tpu.memory_space<vmem>>, vector<16xf32>,
          %mul3A_422 = arith.constant 8 : i32
          %mul3A_423 = arith.muli %scan3A_375, %mul3A_422 : i32
          %add3A_424 = arith.constant 3 : i32
          %add3A_425 = arith.addi %mul3A_423, %add3A_424 : i32
          %mul3A_426 = arith.constant 16 : i32
          %mul3A_427 = arith.muli %add3A_425, %mul3A_426 : i32
          %get3A_428 = arith.index_cast %mul3A_427 : i32 to index
          %get3A_429 = tpu.vector_load %arg18[%get3A_428] {strides = array<i32>} : memref<4096xf32, #tpu.memory_space<vmem>>, vector<16xf32>,
          %get3A_430 = vector.shape_cast %get3A_429 : vector<16xf32> to vector<16xf32>
          %mul3A_431 = arith.constant 1.250000e-01 : f32
          %mul3A_432 = vector.broadcast %mul3A_431 : f32 to vector<16xf32>
          %mul3A_433 = arith.mulf %get3A_430, %mul3A_432 : vector<16xf32>
          %swap3A_434 = arith.index_cast %mul3A_427 : i32 to index
          %swap3A_435 = tpu.vector_load %arg18[%swap3A_434] {strides = array<i32>} : memref<4096xf32, #tpu.memory_space<vmem>>, vector<16xf32>,
          %swap3A_436 = vector.shape_cast %swap3A_435 : vector<16xf32> to vector<16xf32>
          %swap3A_437 = vector.shape_cast %mul3A_433 : vector<16xf32> to vector<16xf32>
          tpu.vector_store %arg18[%swap3A_434], %swap3A_437 {strides = array<i32>} : memref<4096xf32, #tpu.memory_space<vmem>>, vector<16xf32>,
          %mul3A_438 = arith.constant 8 : i32
          %mul3A_439 = arith.muli %scan3A_375, %mul3A_438 : i32
          %add3A_440 = arith.constant 4 : i32
          %add3A_441 = arith.addi %mul3A_439, %add3A_440 : i32
          %mul3A_442 = arith.constant 16 : i32
          %mul3A_443 = arith.muli %add3A_441, %mul3A_442 : i32
          %get3A_444 = arith.index_cast %mul3A_443 : i32 to index
          %get3A_445 = tpu.vector_load %arg18[%get3A_444] {strides = array<i32>} : memref<4096xf32, #tpu.memory_space<vmem>>, vector<16xf32>,
          %get3A_446 = vector.shape_cast %get3A_445 : vector<16xf32> to vector<16xf32>
          %mul3A_447 = arith.constant 1.250000e-01 : f32
          %mul3A_448 = vector.broadcast %mul3A_447 : f32 to vector<16xf32>
          %mul3A_449 = arith.mulf %get3A_446, %mul3A_448 : vector<16xf32>
          %swap3A_450 = arith.index_cast %mul3A_443 : i32 to index
          %swap3A_451 = tpu.vector_load %arg18[%swap3A_450] {strides = array<i32>} : memref<4096xf32, #tpu.memory_space<vmem>>, vector<16xf32>,
          %swap3A_452 = vector.shape_cast %swap3A_451 : vector<16xf32> to vector<16xf32>
          %swap3A_453 = vector.shape_cast %mul3A_449 : vector<16xf32> to vector<16xf32>
          tpu.vector_store %arg18[%swap3A_450], %swap3A_453 {strides = array<i32>} : memref<4096xf32, #tpu.memory_space<vmem>>, vector<16xf32>,
          %mul3A_454 = arith.constant 8 : i32
          %mul3A_455 = arith.muli %scan3A_375, %mul3A_454 : i32
          %add3A_456 = arith.constant 5 : i32
          %add3A_457 = arith.addi %mul3A_455, %add3A_456 : i32
          %mul3A_458 = arith.constant 16 : i32
          %mul3A_459 = arith.muli %add3A_457, %mul3A_458 : i32
          %get3A_460 = arith.index_cast %mul3A_459 : i32 to index
          %get3A_461 = tpu.vector_load %arg18[%get3A_460] {strides = array<i32>} : memref<4096xf32, #tpu.memory_space<vmem>>, vector<16xf32>,
          %get3A_462 = vector.shape_cast %get3A_461 : vector<16xf32> to vector<16xf32>
          %mul3A_463 = arith.constant 1.250000e-01 : f32
          %mul3A_464 = vector.broadcast %mul3A_463 : f32 to vector<16xf32>
          %mul3A_465 = arith.mulf %get3A_462, %mul3A_464 : vector<16xf32>
          %swap3A_466 = arith.index_cast %mul3A_459 : i32 to index
          %swap3A_467 = tpu.vector_load %arg18[%swap3A_466] {strides = array<i32>} : memref<4096xf32, #tpu.memory_space<vmem>>, vector<16xf32>,
          %swap3A_468 = vector.shape_cast %swap3A_467 : vector<16xf32> to vector<16xf32>
          %swap3A_469 = vector.shape_cast %mul3A_465 : vector<16xf32> to vector<16xf32>
          tpu.vector_store %arg18[%swap3A_466], %swap3A_469 {strides = array<i32>} : memref<4096xf32, #tpu.memory_space<vmem>>, vector<16xf32>,
          %mul3A_470 = arith.constant 8 : i32
          %mul3A_471 = arith.muli %scan3A_375, %mul3A_470 : i32
          %add3A_472 = arith.constant 6 : i32
          %add3A_473 = arith.addi %mul3A_471, %add3A_472 : i32
          %mul3A_474 = arith.constant 16 : i32
          %mul3A_475 = arith.muli %add3A_473, %mul3A_474 : i32
          %get3A_476 = arith.index_cast %mul3A_475 : i32 to index
          %get3A_477 = tpu.vector_load %arg18[%get3A_476] {strides = array<i32>} : memref<4096xf32, #tpu.memory_space<vmem>>, vector<16xf32>,
          %get3A_478 = vector.shape_cast %get3A_477 : vector<16xf32> to vector<16xf32>
          %mul3A_479 = arith.constant 1.250000e-01 : f32
          %mul3A_480 = vector.broadcast %mul3A_479 : f32 to vector<16xf32>
          %mul3A_481 = arith.mulf %get3A_478, %mul3A_480 : vector<16xf32>
          %swap3A_482 = arith.index_cast %mul3A_475 : i32 to index
          %swap3A_483 = tpu.vector_load %arg18[%swap3A_482] {strides = array<i32>} : memref<4096xf32, #tpu.memory_space<vmem>>, vector<16xf32>,
          %swap3A_484 = vector.shape_cast %swap3A_483 : vector<16xf32> to vector<16xf32>
          %swap3A_485 = vector.shape_cast %mul3A_481 : vector<16xf32> to vector<16xf32>
          tpu.vector_store %arg18[%swap3A_482], %swap3A_485 {strides = array<i32>} : memref<4096xf32, #tpu.memory_space<vmem>>, vector<16xf32>,
          %mul3A_486 = arith.constant 8 : i32
          %mul3A_487 = arith.muli %scan3A_375, %mul3A_486 : i32
          %add3A_488 = arith.constant 7 : i32
          %add3A_489 = arith.addi %mul3A_487, %add3A_488 : i32
          %mul3A_490 = arith.constant 16 : i32
          %mul3A_491 = arith.muli %add3A_489, %mul3A_490 : i32
          %get3A_492 = arith.index_cast %mul3A_491 : i32 to index
          %get3A_493 = tpu.vector_load %arg18[%get3A_492] {strides = array<i32>} : memref<4096xf32, #tpu.memory_space<vmem>>, vector<16xf32>,
          %get3A_494 = vector.shape_cast %get3A_493 : vector<16xf32> to vector<16xf32>
          %mul3A_495 = arith.constant 1.250000e-01 : f32
          %mul3A_496 = vector.broadcast %mul3A_495 : f32 to vector<16xf32>
          %mul3A_497 = arith.mulf %get3A_494, %mul3A_496 : vector<16xf32>
          %swap3A_498 = arith.index_cast %mul3A_491 : i32 to index
          %swap3A_499 = tpu.vector_load %arg18[%swap3A_498] {strides = array<i32>} : memref<4096xf32, #tpu.memory_space<vmem>>, vector<16xf32>,
          %swap3A_500 = vector.shape_cast %swap3A_499 : vector<16xf32> to vector<16xf32>
          %swap3A_501 = vector.shape_cast %mul3A_497 : vector<16xf32> to vector<16xf32>
          tpu.vector_store %arg18[%swap3A_498], %swap3A_501 {strides = array<i32>} : memref<4096xf32, #tpu.memory_space<vmem>>, vector<16xf32>,
        }
        %scan3A_366 = arith.constant 32 : i32
        %add3A_367 = arith.constant 9 : i32
        %add3A_368 = arith.addi %select_n3A, %add3A_367 : i32
        %dma_start3A_369 = arith.constant 0 : i32
        %dma_start3A_370 = tpu.memref_slice %arg4[%add3A_368, %add3A_52, %dma_start3A_369] : memref<200x64x4096xf32, #tpu.memory_space<hbm>> -> memref<1x1x4096xf32, #tpu.memory_space<hbm>>
        %dma_start3A_371 = tpu.memref_squeeze %dma_start3A_370 : memref<1x1x4096xf32, #tpu.memory_space<hbm>> -> memref<4096xf32, #tpu.memory_space<hbm>>
        %dma_start3A_372 = arith.constant 0 : i32
        %dma_start3A_373 = tpu.memref_slice %arg4[%add3A_368, %add3A_52, %dma_start3A_372] : memref<200x64x4096xf32, #tpu.memory_space<hbm>> -> memref<1x1x4096xf32, #tpu.memory_space<hbm>>
        %dma_start3A_374 = tpu.memref_squeeze %dma_start3A_373 : memref<1x1x4096xf32, #tpu.memory_space<hbm>> -> memref<4096xf32, #tpu.memory_space<hbm>>
        tpu.enqueue_dma source(%arg18 : memref<4096xf32, #tpu.memory_space<vmem>>) target(%dma_start3A_374 : memref<4096xf32, #tpu.memory_space<hbm>>) target_semaphore(%arg23 : memref<!tpu.dma_semaphore, #tpu.memory_space<semaphore_mem>>)
      } else {
      }
      %dma_wait3A_288 = arith.constant 0 : i32
      %dma_wait3A_289 = arith.constant 0 : i32
      %dma_wait3A_290 = arith.constant 0 : i32
      %dma_wait3A_291 = tpu.memref_slice %arg4[%dma_wait3A_288, %dma_wait3A_289, %dma_wait3A_290] : memref<200x64x4096xf32, #tpu.memory_space<hbm>> -> memref<1x1x4096xf32, #tpu.memory_space<hbm>>
      %dma_wait3A_292 = tpu.memref_squeeze %dma_wait3A_291 : memref<1x1x4096xf32, #tpu.memory_space<hbm>> -> memref<4096xf32, #tpu.memory_space<hbm>>
      %dma_wait3A_293 = arith.constant 0 : i32
      %dma_wait3A_294 = tpu.memref_slice %arg4[%dma_wait3A_288, %dma_wait3A_289, %dma_wait3A_293] : memref<200x64x4096xf32, #tpu.memory_space<hbm>> -> memref<1x1x4096xf32, #tpu.memory_space<hbm>>
      %dma_wait3A_295 = tpu.memref_squeeze %dma_wait3A_294 : memref<1x1x4096xf32, #tpu.memory_space<hbm>> -> memref<4096xf32, #tpu.memory_space<hbm>>
      tpu.wait_dma2 semaphore(%arg23 : memref<!tpu.dma_semaphore, #tpu.memory_space<semaphore_mem>>) src(%arg20 : memref<4096xf32, #tpu.memory_space<vmem>>) dst(%dma_wait3A_295 : memref<4096xf32, #tpu.memory_space<hbm>>)
      %dma_start3A_296 = arith.constant 0 : i32
      %dma_start3A_297 = tpu.memref_slice %arg21[%dma_start3A_296] : memref<1000000xf32, #tpu.memory_space<vmem_shared>> -> memref<1000000xf32, #tpu.memory_space<vmem_shared>>
      tpu.enqueue_indirect_dma source(%dma_start3A_297 : memref<1000000xf32, #tpu.memory_space<vmem_shared>>) target(%arg20 : memref<4096xf32, #tpu.memory_space<vmem>>) offsets(%arg16 : memref<4096xi32, #tpu.memory_space<vmem>>) semaphore(%arg22 : memref<!tpu.dma_semaphore, #tpu.memory_space<semaphore_mem>>)
      %dma_wait3A_298 = arith.constant 0 : i32
      %dma_wait3A_299 = tpu.memref_slice %arg21[%dma_wait3A_298] : memref<1000000xf32, #tpu.memory_space<vmem_shared>> -> memref<1000000xf32, #tpu.memory_space<vmem_shared>>
      tpu.wait_indirect_dma semaphore(%arg22 : memref<!tpu.dma_semaphore, #tpu.memory_space<semaphore_mem>>) src(%dma_wait3A_299 : memref<1000000xf32, #tpu.memory_space<vmem_shared>>) dst(%arg19 : memref<4096xf32, #tpu.memory_space<vmem>>)
      %lt3A_300 = arith.constant 8 : i32
      %lt3A_301 = arith.cmpi slt, %arg1, %lt3A_300 : i32
      %convert_element_type3A_302 = arith.extui %lt3A_301 : i1 to i32
      %cond3A_303 = arith.constant 0 : i32
      %cond3A_304 = arith.cmpi ne, %convert_element_type3A_302, %cond3A_303 : i32
      scf.if %cond3A_304 {
        %dma_wait3A_361 = arith.constant 0 : i32
        %dma_wait3A_362 = arith.constant 0 : i32
        %dma_wait3A_363 = arith.constant 0 : i32
        %dma_wait3A_364 = tpu.memref_slice %arg4[%dma_wait3A_361, %dma_wait3A_362, %dma_wait3A_363] : memref<200x64x4096xf32, #tpu.memory_space<hbm>> -> memref<1x1x4096xf32, #tpu.memory_space<hbm>>
        %dma_wait3A_365 = tpu.memref_squeeze %dma_wait3A_364 : memref<1x1x4096xf32, #tpu.memory_space<hbm>> -> memref<4096xf32, #tpu.memory_space<hbm>>
        %dma_wait3A_366 = arith.constant 0 : i32
        %dma_wait3A_367 = tpu.memref_slice %arg4[%dma_wait3A_361, %dma_wait3A_362, %dma_wait3A_366] : memref<200x64x4096xf32, #tpu.memory_space<hbm>> -> memref<1x1x4096xf32, #tpu.memory_space<hbm>>
        %dma_wait3A_368 = tpu.memref_squeeze %dma_wait3A_367 : memref<1x1x4096xf32, #tpu.memory_space<hbm>> -> memref<4096xf32, #tpu.memory_space<hbm>>
        tpu.wait_dma2 semaphore(%arg23 : memref<!tpu.dma_semaphore, #tpu.memory_space<semaphore_mem>>) src(%arg18 : memref<4096xf32, #tpu.memory_space<vmem>>) dst(%dma_wait3A_368 : memref<4096xf32, #tpu.memory_space<hbm>>)
        %dma_start3A_369 = arith.constant 0 : i32
        %dma_start3A_370 = tpu.memref_slice %arg21[%dma_start3A_369] : memref<1000000xf32, #tpu.memory_space<vmem_shared>> -> memref<1000000xf32, #tpu.memory_space<vmem_shared>>
        tpu.enqueue_indirect_dma source(%dma_start3A_370 : memref<1000000xf32, #tpu.memory_space<vmem_shared>>) target(%arg18 : memref<4096xf32, #tpu.memory_space<vmem>>) offsets(%arg17 : memref<4096xi32, #tpu.memory_space<vmem>>) semaphore(%arg22 : memref<!tpu.dma_semaphore, #tpu.memory_space<semaphore_mem>>)
      } else {
      }
      %dma_wait3A_305 = arith.constant 0 : i32
      %dma_wait3A_306 = tpu.memref_slice %arg21[%dma_wait3A_305] : memref<1000000xf32, #tpu.memory_space<vmem_shared>> -> memref<1000000xf32, #tpu.memory_space<vmem_shared>>
      tpu.wait_indirect_dma semaphore(%arg22 : memref<!tpu.dma_semaphore, #tpu.memory_space<semaphore_mem>>) src(%dma_wait3A_306 : memref<1000000xf32, #tpu.memory_space<vmem_shared>>) dst(%arg20 : memref<4096xf32, #tpu.memory_space<vmem>>)
      %lt3A_307 = arith.constant 8 : i32
      %lt3A_308 = arith.cmpi slt, %arg1, %lt3A_307 : i32
      %convert_element_type3A_309 = arith.extui %lt3A_308 : i1 to i32
      %cond3A_310 = arith.constant 0 : i32
      %cond3A_311 = arith.cmpi ne, %convert_element_type3A_309, %cond3A_310 : i32
      scf.if %cond3A_311 {
        %dma_wait3A_361 = arith.constant 0 : i32
        %dma_wait3A_362 = tpu.memref_slice %arg21[%dma_wait3A_361] : memref<1000000xf32, #tpu.memory_space<vmem_shared>> -> memref<1000000xf32, #tpu.memory_space<vmem_shared>>
        tpu.wait_indirect_dma semaphore(%arg22 : memref<!tpu.dma_semaphore, #tpu.memory_space<semaphore_mem>>) src(%dma_wait3A_362 : memref<1000000xf32, #tpu.memory_space<vmem_shared>>) dst(%arg18 : memref<4096xf32, #tpu.memory_space<vmem>>)
      } else {
      }
      %barrier3A_312 = arith.constant 0 : index
      tpu.barrier barrier_id(%barrier3A_312)
      %add3A_313 = arith.constant 1 : i32
      %add3A_314 = arith.addi %scan3A_49, %add3A_313 : i32
      %lt3A_315 = arith.constant 32 : i32
      %lt3A_316 = arith.cmpi slt, %add3A_314, %lt3A_315 : i32
      %convert_element_type3A_317 = arith.extui %lt3A_316 : i1 to i32
      %cond3A_318 = arith.constant 0 : i32
      %cond3A_319 = arith.cmpi ne, %convert_element_type3A_317, %cond3A_318 : i32
      scf.if %cond3A_319 {
        %add3A_361 = arith.constant 1 : i32
        %add3A_362 = arith.addi %add3A_52, %add3A_361 : i32
        %eq3A_363 = arith.constant 0 : i32
        %eq3A_364 = arith.cmpi eq, %arg1, %eq3A_363 : i32
        %convert_element_type3A_365 = arith.extui %eq3A_364 : i1 to i32
        %cond3A_366 = arith.constant 0 : i32
        %cond3A_367 = arith.cmpi ne, %convert_element_type3A_365, %cond3A_366 : i32
        scf.if %cond3A_367 {
          %dma_start3A_368 = arith.constant 0 : i32
          %dma_start3A_369 = tpu.memref_slice %arg3[%add3A_362, %dma_start3A_368] : memref<64x1000000xf32, #tpu.memory_space<hbm>> -> memref<1x1000000xf32, #tpu.memory_space<hbm>>
          %dma_start3A_370 = tpu.memref_squeeze %dma_start3A_369 : memref<1x1000000xf32, #tpu.memory_space<hbm>> -> memref<1000000xf32, #tpu.memory_space<hbm>>
          tpu.enqueue_dma source(%dma_start3A_370 : memref<1000000xf32, #tpu.memory_space<hbm>>) target(%arg21 : memref<1000000xf32, #tpu.memory_space<vmem_shared>>) target_semaphore(%arg24 : memref<!tpu.dma_semaphore, #tpu.memory_space<semaphore_mem>>)
        } else {
        }
      } else {
      }
      %lt3A_320 = arith.constant 8 : i32
      %lt3A_321 = arith.cmpi slt, %arg1, %lt3A_320 : i32
      %convert_element_type3A_322 = arith.extui %lt3A_321 : i1 to i32
      %cond3A_323 = arith.constant 0 : i32
      %cond3A_324 = arith.cmpi ne, %convert_element_type3A_322, %cond3A_323 : i32
      scf.if %cond3A_324 {
        %scan3A_361 = arith.constant 0 : i32
        %scan3A_362 = arith.constant 0 : i32
        %scan3A_363 = arith.constant 32 : i32
        %scan3A_364 = arith.addi %scan3A_362, %scan3A_363 : i32
        %scan3A_365 = arith.constant 1 : i32
        scf.for %scan3A_403 = %scan3A_362 to %scan3A_364 step %scan3A_365  : i32 {
          %mul3A_404 = arith.constant 8 : i32
          %mul3A_405 = arith.muli %scan3A_403, %mul3A_404 : i32
          %add3A_406 = arith.constant 0 : i32
          %add3A_407 = arith.addi %mul3A_405, %add3A_406 : i32
          %mul3A_408 = arith.constant 16 : i32
          %mul3A_409 = arith.muli %add3A_407, %mul3A_408 : i32
          %get3A = arith.index_cast %mul3A_409 : i32 to index
          %get3A_410 = tpu.vector_load %arg19[%get3A] {strides = array<i32>} : memref<4096xf32, #tpu.memory_space<vmem>>, vector<16xf32>,
          %get3A_411 = vector.shape_cast %get3A_410 : vector<16xf32> to vector<16xf32>
          %mul3A_412 = arith.constant 1.250000e-01 : f32
          %mul3A_413 = vector.broadcast %mul3A_412 : f32 to vector<16xf32>
          %mul3A_414 = arith.mulf %get3A_411, %mul3A_413 : vector<16xf32>
          %swap3A = arith.index_cast %mul3A_409 : i32 to index
          %swap3A_415 = tpu.vector_load %arg19[%swap3A] {strides = array<i32>} : memref<4096xf32, #tpu.memory_space<vmem>>, vector<16xf32>,
          %swap3A_416 = vector.shape_cast %swap3A_415 : vector<16xf32> to vector<16xf32>
          %swap3A_417 = vector.shape_cast %mul3A_414 : vector<16xf32> to vector<16xf32>
          tpu.vector_store %arg19[%swap3A], %swap3A_417 {strides = array<i32>} : memref<4096xf32, #tpu.memory_space<vmem>>, vector<16xf32>,
          %mul3A_418 = arith.constant 8 : i32
          %mul3A_419 = arith.muli %scan3A_403, %mul3A_418 : i32
          %add3A_420 = arith.constant 1 : i32
          %add3A_421 = arith.addi %mul3A_419, %add3A_420 : i32
          %mul3A_422 = arith.constant 16 : i32
          %mul3A_423 = arith.muli %add3A_421, %mul3A_422 : i32
          %get3A_424 = arith.index_cast %mul3A_423 : i32 to index
          %get3A_425 = tpu.vector_load %arg19[%get3A_424] {strides = array<i32>} : memref<4096xf32, #tpu.memory_space<vmem>>, vector<16xf32>,
          %get3A_426 = vector.shape_cast %get3A_425 : vector<16xf32> to vector<16xf32>
          %mul3A_427 = arith.constant 1.250000e-01 : f32
          %mul3A_428 = vector.broadcast %mul3A_427 : f32 to vector<16xf32>
          %mul3A_429 = arith.mulf %get3A_426, %mul3A_428 : vector<16xf32>
          %swap3A_430 = arith.index_cast %mul3A_423 : i32 to index
          %swap3A_431 = tpu.vector_load %arg19[%swap3A_430] {strides = array<i32>} : memref<4096xf32, #tpu.memory_space<vmem>>, vector<16xf32>,
          %swap3A_432 = vector.shape_cast %swap3A_431 : vector<16xf32> to vector<16xf32>
          %swap3A_433 = vector.shape_cast %mul3A_429 : vector<16xf32> to vector<16xf32>
          tpu.vector_store %arg19[%swap3A_430], %swap3A_433 {strides = array<i32>} : memref<4096xf32, #tpu.memory_space<vmem>>, vector<16xf32>,
          %mul3A_434 = arith.constant 8 : i32
          %mul3A_435 = arith.muli %scan3A_403, %mul3A_434 : i32
          %add3A_436 = arith.constant 2 : i32
          %add3A_437 = arith.addi %mul3A_435, %add3A_436 : i32
          %mul3A_438 = arith.constant 16 : i32
          %mul3A_439 = arith.muli %add3A_437, %mul3A_438 : i32
          %get3A_440 = arith.index_cast %mul3A_439 : i32 to index
          %get3A_441 = tpu.vector_load %arg19[%get3A_440] {strides = array<i32>} : memref<4096xf32, #tpu.memory_space<vmem>>, vector<16xf32>,
          %get3A_442 = vector.shape_cast %get3A_441 : vector<16xf32> to vector<16xf32>
          %mul3A_443 = arith.constant 1.250000e-01 : f32
          %mul3A_444 = vector.broadcast %mul3A_443 : f32 to vector<16xf32>
          %mul3A_445 = arith.mulf %get3A_442, %mul3A_444 : vector<16xf32>
          %swap3A_446 = arith.index_cast %mul3A_439 : i32 to index
          %swap3A_447 = tpu.vector_load %arg19[%swap3A_446] {strides = array<i32>} : memref<4096xf32, #tpu.memory_space<vmem>>, vector<16xf32>,
          %swap3A_448 = vector.shape_cast %swap3A_447 : vector<16xf32> to vector<16xf32>
          %swap3A_449 = vector.shape_cast %mul3A_445 : vector<16xf32> to vector<16xf32>
          tpu.vector_store %arg19[%swap3A_446], %swap3A_449 {strides = array<i32>} : memref<4096xf32, #tpu.memory_space<vmem>>, vector<16xf32>,
          %mul3A_450 = arith.constant 8 : i32
          %mul3A_451 = arith.muli %scan3A_403, %mul3A_450 : i32
          %add3A_452 = arith.constant 3 : i32
          %add3A_453 = arith.addi %mul3A_451, %add3A_452 : i32
          %mul3A_454 = arith.constant 16 : i32
          %mul3A_455 = arith.muli %add3A_453, %mul3A_454 : i32
          %get3A_456 = arith.index_cast %mul3A_455 : i32 to index
          %get3A_457 = tpu.vector_load %arg19[%get3A_456] {strides = array<i32>} : memref<4096xf32, #tpu.memory_space<vmem>>, vector<16xf32>,
          %get3A_458 = vector.shape_cast %get3A_457 : vector<16xf32> to vector<16xf32>
          %mul3A_459 = arith.constant 1.250000e-01 : f32
          %mul3A_460 = vector.broadcast %mul3A_459 : f32 to vector<16xf32>
          %mul3A_461 = arith.mulf %get3A_458, %mul3A_460 : vector<16xf32>
          %swap3A_462 = arith.index_cast %mul3A_455 : i32 to index
          %swap3A_463 = tpu.vector_load %arg19[%swap3A_462] {strides = array<i32>} : memref<4096xf32, #tpu.memory_space<vmem>>, vector<16xf32>,
          %swap3A_464 = vector.shape_cast %swap3A_463 : vector<16xf32> to vector<16xf32>
          %swap3A_465 = vector.shape_cast %mul3A_461 : vector<16xf32> to vector<16xf32>
          tpu.vector_store %arg19[%swap3A_462], %swap3A_465 {strides = array<i32>} : memref<4096xf32, #tpu.memory_space<vmem>>, vector<16xf32>,
          %mul3A_466 = arith.constant 8 : i32
          %mul3A_467 = arith.muli %scan3A_403, %mul3A_466 : i32
          %add3A_468 = arith.constant 4 : i32
          %add3A_469 = arith.addi %mul3A_467, %add3A_468 : i32
          %mul3A_470 = arith.constant 16 : i32
          %mul3A_471 = arith.muli %add3A_469, %mul3A_470 : i32
          %get3A_472 = arith.index_cast %mul3A_471 : i32 to index
          %get3A_473 = tpu.vector_load %arg19[%get3A_472] {strides = array<i32>} : memref<4096xf32, #tpu.memory_space<vmem>>, vector<16xf32>,
          %get3A_474 = vector.shape_cast %get3A_473 : vector<16xf32> to vector<16xf32>
          %mul3A_475 = arith.constant 1.250000e-01 : f32
          %mul3A_476 = vector.broadcast %mul3A_475 : f32 to vector<16xf32>
          %mul3A_477 = arith.mulf %get3A_474, %mul3A_476 : vector<16xf32>
          %swap3A_478 = arith.index_cast %mul3A_471 : i32 to index
          %swap3A_479 = tpu.vector_load %arg19[%swap3A_478] {strides = array<i32>} : memref<4096xf32, #tpu.memory_space<vmem>>, vector<16xf32>,
          %swap3A_480 = vector.shape_cast %swap3A_479 : vector<16xf32> to vector<16xf32>
          %swap3A_481 = vector.shape_cast %mul3A_477 : vector<16xf32> to vector<16xf32>
          tpu.vector_store %arg19[%swap3A_478], %swap3A_481 {strides = array<i32>} : memref<4096xf32, #tpu.memory_space<vmem>>, vector<16xf32>,
          %mul3A_482 = arith.constant 8 : i32
          %mul3A_483 = arith.muli %scan3A_403, %mul3A_482 : i32
          %add3A_484 = arith.constant 5 : i32
          %add3A_485 = arith.addi %mul3A_483, %add3A_484 : i32
          %mul3A_486 = arith.constant 16 : i32
          %mul3A_487 = arith.muli %add3A_485, %mul3A_486 : i32
          %get3A_488 = arith.index_cast %mul3A_487 : i32 to index
          %get3A_489 = tpu.vector_load %arg19[%get3A_488] {strides = array<i32>} : memref<4096xf32, #tpu.memory_space<vmem>>, vector<16xf32>,
          %get3A_490 = vector.shape_cast %get3A_489 : vector<16xf32> to vector<16xf32>
          %mul3A_491 = arith.constant 1.250000e-01 : f32
          %mul3A_492 = vector.broadcast %mul3A_491 : f32 to vector<16xf32>
          %mul3A_493 = arith.mulf %get3A_490, %mul3A_492 : vector<16xf32>
          %swap3A_494 = arith.index_cast %mul3A_487 : i32 to index
          %swap3A_495 = tpu.vector_load %arg19[%swap3A_494] {strides = array<i32>} : memref<4096xf32, #tpu.memory_space<vmem>>, vector<16xf32>,
          %swap3A_496 = vector.shape_cast %swap3A_495 : vector<16xf32> to vector<16xf32>
          %swap3A_497 = vector.shape_cast %mul3A_493 : vector<16xf32> to vector<16xf32>
          tpu.vector_store %arg19[%swap3A_494], %swap3A_497 {strides = array<i32>} : memref<4096xf32, #tpu.memory_space<vmem>>, vector<16xf32>,
          %mul3A_498 = arith.constant 8 : i32
          %mul3A_499 = arith.muli %scan3A_403, %mul3A_498 : i32
          %add3A_500 = arith.constant 6 : i32
          %add3A_501 = arith.addi %mul3A_499, %add3A_500 : i32
          %mul3A_502 = arith.constant 16 : i32
          %mul3A_503 = arith.muli %add3A_501, %mul3A_502 : i32
          %get3A_504 = arith.index_cast %mul3A_503 : i32 to index
          %get3A_505 = tpu.vector_load %arg19[%get3A_504] {strides = array<i32>} : memref<4096xf32, #tpu.memory_space<vmem>>, vector<16xf32>,
          %get3A_506 = vector.shape_cast %get3A_505 : vector<16xf32> to vector<16xf32>
          %mul3A_507 = arith.constant 1.250000e-01 : f32
          %mul3A_508 = vector.broadcast %mul3A_507 : f32 to vector<16xf32>
          %mul3A_509 = arith.mulf %get3A_506, %mul3A_508 : vector<16xf32>
          %swap3A_510 = arith.index_cast %mul3A_503 : i32 to index
          %swap3A_511 = tpu.vector_load %arg19[%swap3A_510] {strides = array<i32>} : memref<4096xf32, #tpu.memory_space<vmem>>, vector<16xf32>,
          %swap3A_512 = vector.shape_cast %swap3A_511 : vector<16xf32> to vector<16xf32>
          %swap3A_513 = vector.shape_cast %mul3A_509 : vector<16xf32> to vector<16xf32>
          tpu.vector_store %arg19[%swap3A_510], %swap3A_513 {strides = array<i32>} : memref<4096xf32, #tpu.memory_space<vmem>>, vector<16xf32>,
          %mul3A_514 = arith.constant 8 : i32
          %mul3A_515 = arith.muli %scan3A_403, %mul3A_514 : i32
          %add3A_516 = arith.constant 7 : i32
          %add3A_517 = arith.addi %mul3A_515, %add3A_516 : i32
          %mul3A_518 = arith.constant 16 : i32
          %mul3A_519 = arith.muli %add3A_517, %mul3A_518 : i32
          %get3A_520 = arith.index_cast %mul3A_519 : i32 to index
          %get3A_521 = tpu.vector_load %arg19[%get3A_520] {strides = array<i32>} : memref<4096xf32, #tpu.memory_space<vmem>>, vector<16xf32>,
          %get3A_522 = vector.shape_cast %get3A_521 : vector<16xf32> to vector<16xf32>
          %mul3A_523 = arith.constant 1.250000e-01 : f32
          %mul3A_524 = vector.broadcast %mul3A_523 : f32 to vector<16xf32>
          %mul3A_525 = arith.mulf %get3A_522, %mul3A_524 : vector<16xf32>
          %swap3A_526 = arith.index_cast %mul3A_519 : i32 to index
          %swap3A_527 = tpu.vector_load %arg19[%swap3A_526] {strides = array<i32>} : memref<4096xf32, #tpu.memory_space<vmem>>, vector<16xf32>,
          %swap3A_528 = vector.shape_cast %swap3A_527 : vector<16xf32> to vector<16xf32>
          %swap3A_529 = vector.shape_cast %mul3A_525 : vector<16xf32> to vector<16xf32>
          tpu.vector_store %arg19[%swap3A_526], %swap3A_529 {strides = array<i32>} : memref<4096xf32, #tpu.memory_space<vmem>>, vector<16xf32>,
        }
        %scan3A_366 = arith.constant 32 : i32
        %add3A_367 = arith.constant 10 : i32
        %add3A_368 = arith.addi %select_n3A, %add3A_367 : i32
        %dma_start3A_369 = arith.constant 0 : i32
        %dma_start3A_370 = tpu.memref_slice %arg4[%add3A_368, %add3A_52, %dma_start3A_369] : memref<200x64x4096xf32, #tpu.memory_space<hbm>> -> memref<1x1x4096xf32, #tpu.memory_space<hbm>>
        %dma_start3A_371 = tpu.memref_squeeze %dma_start3A_370 : memref<1x1x4096xf32, #tpu.memory_space<hbm>> -> memref<4096xf32, #tpu.memory_space<hbm>>
        %dma_start3A_372 = arith.constant 0 : i32
        %dma_start3A_373 = tpu.memref_slice %arg4[%add3A_368, %add3A_52, %dma_start3A_372] : memref<200x64x4096xf32, #tpu.memory_space<hbm>> -> memref<1x1x4096xf32, #tpu.memory_space<hbm>>
        %dma_start3A_374 = tpu.memref_squeeze %dma_start3A_373 : memref<1x1x4096xf32, #tpu.memory_space<hbm>> -> memref<4096xf32, #tpu.memory_space<hbm>>
        tpu.enqueue_dma source(%arg19 : memref<4096xf32, #tpu.memory_space<vmem>>) target(%dma_start3A_374 : memref<4096xf32, #tpu.memory_space<hbm>>) target_semaphore(%arg23 : memref<!tpu.dma_semaphore, #tpu.memory_space<semaphore_mem>>)
        %scan3A_375 = arith.constant 0 : i32
        %scan3A_376 = arith.constant 0 : i32
        %scan3A_377 = arith.constant 32 : i32
        %scan3A_378 = arith.addi %scan3A_376, %scan3A_377 : i32
        %scan3A_379 = arith.constant 1 : i32
        scf.for %scan3A_403 = %scan3A_376 to %scan3A_378 step %scan3A_379  : i32 {
          %mul3A_404 = arith.constant 8 : i32
          %mul3A_405 = arith.muli %scan3A_403, %mul3A_404 : i32
          %add3A_406 = arith.constant 0 : i32
          %add3A_407 = arith.addi %mul3A_405, %add3A_406 : i32
          %mul3A_408 = arith.constant 16 : i32
          %mul3A_409 = arith.muli %add3A_407, %mul3A_408 : i32
          %get3A = arith.index_cast %mul3A_409 : i32 to index
          %get3A_410 = tpu.vector_load %arg20[%get3A] {strides = array<i32>} : memref<4096xf32, #tpu.memory_space<vmem>>, vector<16xf32>,
          %get3A_411 = vector.shape_cast %get3A_410 : vector<16xf32> to vector<16xf32>
          %mul3A_412 = arith.constant 1.250000e-01 : f32
          %mul3A_413 = vector.broadcast %mul3A_412 : f32 to vector<16xf32>
          %mul3A_414 = arith.mulf %get3A_411, %mul3A_413 : vector<16xf32>
          %swap3A = arith.index_cast %mul3A_409 : i32 to index
          %swap3A_415 = tpu.vector_load %arg20[%swap3A] {strides = array<i32>} : memref<4096xf32, #tpu.memory_space<vmem>>, vector<16xf32>,
          %swap3A_416 = vector.shape_cast %swap3A_415 : vector<16xf32> to vector<16xf32>
          %swap3A_417 = vector.shape_cast %mul3A_414 : vector<16xf32> to vector<16xf32>
          tpu.vector_store %arg20[%swap3A], %swap3A_417 {strides = array<i32>} : memref<4096xf32, #tpu.memory_space<vmem>>, vector<16xf32>,
          %mul3A_418 = arith.constant 8 : i32
          %mul3A_419 = arith.muli %scan3A_403, %mul3A_418 : i32
          %add3A_420 = arith.constant 1 : i32
          %add3A_421 = arith.addi %mul3A_419, %add3A_420 : i32
          %mul3A_422 = arith.constant 16 : i32
          %mul3A_423 = arith.muli %add3A_421, %mul3A_422 : i32
          %get3A_424 = arith.index_cast %mul3A_423 : i32 to index
          %get3A_425 = tpu.vector_load %arg20[%get3A_424] {strides = array<i32>} : memref<4096xf32, #tpu.memory_space<vmem>>, vector<16xf32>,
          %get3A_426 = vector.shape_cast %get3A_425 : vector<16xf32> to vector<16xf32>
          %mul3A_427 = arith.constant 1.250000e-01 : f32
          %mul3A_428 = vector.broadcast %mul3A_427 : f32 to vector<16xf32>
          %mul3A_429 = arith.mulf %get3A_426, %mul3A_428 : vector<16xf32>
          %swap3A_430 = arith.index_cast %mul3A_423 : i32 to index
          %swap3A_431 = tpu.vector_load %arg20[%swap3A_430] {strides = array<i32>} : memref<4096xf32, #tpu.memory_space<vmem>>, vector<16xf32>,
          %swap3A_432 = vector.shape_cast %swap3A_431 : vector<16xf32> to vector<16xf32>
          %swap3A_433 = vector.shape_cast %mul3A_429 : vector<16xf32> to vector<16xf32>
          tpu.vector_store %arg20[%swap3A_430], %swap3A_433 {strides = array<i32>} : memref<4096xf32, #tpu.memory_space<vmem>>, vector<16xf32>,
          %mul3A_434 = arith.constant 8 : i32
          %mul3A_435 = arith.muli %scan3A_403, %mul3A_434 : i32
          %add3A_436 = arith.constant 2 : i32
          %add3A_437 = arith.addi %mul3A_435, %add3A_436 : i32
          %mul3A_438 = arith.constant 16 : i32
          %mul3A_439 = arith.muli %add3A_437, %mul3A_438 : i32
          %get3A_440 = arith.index_cast %mul3A_439 : i32 to index
          %get3A_441 = tpu.vector_load %arg20[%get3A_440] {strides = array<i32>} : memref<4096xf32, #tpu.memory_space<vmem>>, vector<16xf32>,
          %get3A_442 = vector.shape_cast %get3A_441 : vector<16xf32> to vector<16xf32>
          %mul3A_443 = arith.constant 1.250000e-01 : f32
          %mul3A_444 = vector.broadcast %mul3A_443 : f32 to vector<16xf32>
          %mul3A_445 = arith.mulf %get3A_442, %mul3A_444 : vector<16xf32>
          %swap3A_446 = arith.index_cast %mul3A_439 : i32 to index
          %swap3A_447 = tpu.vector_load %arg20[%swap3A_446] {strides = array<i32>} : memref<4096xf32, #tpu.memory_space<vmem>>, vector<16xf32>,
          %swap3A_448 = vector.shape_cast %swap3A_447 : vector<16xf32> to vector<16xf32>
          %swap3A_449 = vector.shape_cast %mul3A_445 : vector<16xf32> to vector<16xf32>
          tpu.vector_store %arg20[%swap3A_446], %swap3A_449 {strides = array<i32>} : memref<4096xf32, #tpu.memory_space<vmem>>, vector<16xf32>,
          %mul3A_450 = arith.constant 8 : i32
          %mul3A_451 = arith.muli %scan3A_403, %mul3A_450 : i32
          %add3A_452 = arith.constant 3 : i32
          %add3A_453 = arith.addi %mul3A_451, %add3A_452 : i32
          %mul3A_454 = arith.constant 16 : i32
          %mul3A_455 = arith.muli %add3A_453, %mul3A_454 : i32
          %get3A_456 = arith.index_cast %mul3A_455 : i32 to index
          %get3A_457 = tpu.vector_load %arg20[%get3A_456] {strides = array<i32>} : memref<4096xf32, #tpu.memory_space<vmem>>, vector<16xf32>,
          %get3A_458 = vector.shape_cast %get3A_457 : vector<16xf32> to vector<16xf32>
          %mul3A_459 = arith.constant 1.250000e-01 : f32
          %mul3A_460 = vector.broadcast %mul3A_459 : f32 to vector<16xf32>
          %mul3A_461 = arith.mulf %get3A_458, %mul3A_460 : vector<16xf32>
          %swap3A_462 = arith.index_cast %mul3A_455 : i32 to index
          %swap3A_463 = tpu.vector_load %arg20[%swap3A_462] {strides = array<i32>} : memref<4096xf32, #tpu.memory_space<vmem>>, vector<16xf32>,
          %swap3A_464 = vector.shape_cast %swap3A_463 : vector<16xf32> to vector<16xf32>
          %swap3A_465 = vector.shape_cast %mul3A_461 : vector<16xf32> to vector<16xf32>
          tpu.vector_store %arg20[%swap3A_462], %swap3A_465 {strides = array<i32>} : memref<4096xf32, #tpu.memory_space<vmem>>, vector<16xf32>,
          %mul3A_466 = arith.constant 8 : i32
          %mul3A_467 = arith.muli %scan3A_403, %mul3A_466 : i32
          %add3A_468 = arith.constant 4 : i32
          %add3A_469 = arith.addi %mul3A_467, %add3A_468 : i32
          %mul3A_470 = arith.constant 16 : i32
          %mul3A_471 = arith.muli %add3A_469, %mul3A_470 : i32
          %get3A_472 = arith.index_cast %mul3A_471 : i32 to index
          %get3A_473 = tpu.vector_load %arg20[%get3A_472] {strides = array<i32>} : memref<4096xf32, #tpu.memory_space<vmem>>, vector<16xf32>,
          %get3A_474 = vector.shape_cast %get3A_473 : vector<16xf32> to vector<16xf32>
          %mul3A_475 = arith.constant 1.250000e-01 : f32
          %mul3A_476 = vector.broadcast %mul3A_475 : f32 to vector<16xf32>
          %mul3A_477 = arith.mulf %get3A_474, %mul3A_476 : vector<16xf32>
          %swap3A_478 = arith.index_cast %mul3A_471 : i32 to index
          %swap3A_479 = tpu.vector_load %arg20[%swap3A_478] {strides = array<i32>} : memref<4096xf32, #tpu.memory_space<vmem>>, vector<16xf32>,
          %swap3A_480 = vector.shape_cast %swap3A_479 : vector<16xf32> to vector<16xf32>
          %swap3A_481 = vector.shape_cast %mul3A_477 : vector<16xf32> to vector<16xf32>
          tpu.vector_store %arg20[%swap3A_478], %swap3A_481 {strides = array<i32>} : memref<4096xf32, #tpu.memory_space<vmem>>, vector<16xf32>,
          %mul3A_482 = arith.constant 8 : i32
          %mul3A_483 = arith.muli %scan3A_403, %mul3A_482 : i32
          %add3A_484 = arith.constant 5 : i32
          %add3A_485 = arith.addi %mul3A_483, %add3A_484 : i32
          %mul3A_486 = arith.constant 16 : i32
          %mul3A_487 = arith.muli %add3A_485, %mul3A_486 : i32
          %get3A_488 = arith.index_cast %mul3A_487 : i32 to index
          %get3A_489 = tpu.vector_load %arg20[%get3A_488] {strides = array<i32>} : memref<4096xf32, #tpu.memory_space<vmem>>, vector<16xf32>,
          %get3A_490 = vector.shape_cast %get3A_489 : vector<16xf32> to vector<16xf32>
          %mul3A_491 = arith.constant 1.250000e-01 : f32
          %mul3A_492 = vector.broadcast %mul3A_491 : f32 to vector<16xf32>
          %mul3A_493 = arith.mulf %get3A_490, %mul3A_492 : vector<16xf32>
          %swap3A_494 = arith.index_cast %mul3A_487 : i32 to index
          %swap3A_495 = tpu.vector_load %arg20[%swap3A_494] {strides = array<i32>} : memref<4096xf32, #tpu.memory_space<vmem>>, vector<16xf32>,
          %swap3A_496 = vector.shape_cast %swap3A_495 : vector<16xf32> to vector<16xf32>
          %swap3A_497 = vector.shape_cast %mul3A_493 : vector<16xf32> to vector<16xf32>
          tpu.vector_store %arg20[%swap3A_494], %swap3A_497 {strides = array<i32>} : memref<4096xf32, #tpu.memory_space<vmem>>, vector<16xf32>,
          %mul3A_498 = arith.constant 8 : i32
          %mul3A_499 = arith.muli %scan3A_403, %mul3A_498 : i32
          %add3A_500 = arith.constant 6 : i32
          %add3A_501 = arith.addi %mul3A_499, %add3A_500 : i32
          %mul3A_502 = arith.constant 16 : i32
          %mul3A_503 = arith.muli %add3A_501, %mul3A_502 : i32
          %get3A_504 = arith.index_cast %mul3A_503 : i32 to index
          %get3A_505 = tpu.vector_load %arg20[%get3A_504] {strides = array<i32>} : memref<4096xf32, #tpu.memory_space<vmem>>, vector<16xf32>,
          %get3A_506 = vector.shape_cast %get3A_505 : vector<16xf32> to vector<16xf32>
          %mul3A_507 = arith.constant 1.250000e-01 : f32
          %mul3A_508 = vector.broadcast %mul3A_507 : f32 to vector<16xf32>
          %mul3A_509 = arith.mulf %get3A_506, %mul3A_508 : vector<16xf32>
          %swap3A_510 = arith.index_cast %mul3A_503 : i32 to index
          %swap3A_511 = tpu.vector_load %arg20[%swap3A_510] {strides = array<i32>} : memref<4096xf32, #tpu.memory_space<vmem>>, vector<16xf32>,
          %swap3A_512 = vector.shape_cast %swap3A_511 : vector<16xf32> to vector<16xf32>
          %swap3A_513 = vector.shape_cast %mul3A_509 : vector<16xf32> to vector<16xf32>
          tpu.vector_store %arg20[%swap3A_510], %swap3A_513 {strides = array<i32>} : memref<4096xf32, #tpu.memory_space<vmem>>, vector<16xf32>,
          %mul3A_514 = arith.constant 8 : i32
          %mul3A_515 = arith.muli %scan3A_403, %mul3A_514 : i32
          %add3A_516 = arith.constant 7 : i32
          %add3A_517 = arith.addi %mul3A_515, %add3A_516 : i32
          %mul3A_518 = arith.constant 16 : i32
          %mul3A_519 = arith.muli %add3A_517, %mul3A_518 : i32
          %get3A_520 = arith.index_cast %mul3A_519 : i32 to index
          %get3A_521 = tpu.vector_load %arg20[%get3A_520] {strides = array<i32>} : memref<4096xf32, #tpu.memory_space<vmem>>, vector<16xf32>,
          %get3A_522 = vector.shape_cast %get3A_521 : vector<16xf32> to vector<16xf32>
          %mul3A_523 = arith.constant 1.250000e-01 : f32
          %mul3A_524 = vector.broadcast %mul3A_523 : f32 to vector<16xf32>
          %mul3A_525 = arith.mulf %get3A_522, %mul3A_524 : vector<16xf32>
          %swap3A_526 = arith.index_cast %mul3A_519 : i32 to index
          %swap3A_527 = tpu.vector_load %arg20[%swap3A_526] {strides = array<i32>} : memref<4096xf32, #tpu.memory_space<vmem>>, vector<16xf32>,
          %swap3A_528 = vector.shape_cast %swap3A_527 : vector<16xf32> to vector<16xf32>
          %swap3A_529 = vector.shape_cast %mul3A_525 : vector<16xf32> to vector<16xf32>
          tpu.vector_store %arg20[%swap3A_526], %swap3A_529 {strides = array<i32>} : memref<4096xf32, #tpu.memory_space<vmem>>, vector<16xf32>,
        }
        %scan3A_380 = arith.constant 32 : i32
        %add3A_381 = arith.constant 11 : i32
        %add3A_382 = arith.addi %select_n3A, %add3A_381 : i32
        %dma_start3A_383 = arith.constant 0 : i32
        %dma_start3A_384 = tpu.memref_slice %arg4[%add3A_382, %add3A_52, %dma_start3A_383] : memref<200x64x4096xf32, #tpu.memory_space<hbm>> -> memref<1x1x4096xf32, #tpu.memory_space<hbm>>
        %dma_start3A_385 = tpu.memref_squeeze %dma_start3A_384 : memref<1x1x4096xf32, #tpu.memory_space<hbm>> -> memref<4096xf32, #tpu.memory_space<hbm>>
        %dma_start3A_386 = arith.constant 0 : i32
        %dma_start3A_387 = tpu.memref_slice %arg4[%add3A_382, %add3A_52, %dma_start3A_386] : memref<200x64x4096xf32, #tpu.memory_space<hbm>> -> memref<1x1x4096xf32, #tpu.memory_space<hbm>>
        %dma_start3A_388 = tpu.memref_squeeze %dma_start3A_387 : memref<1x1x4096xf32, #tpu.memory_space<hbm>> -> memref<4096xf32, #tpu.memory_space<hbm>>
        tpu.enqueue_dma source(%arg20 : memref<4096xf32, #tpu.memory_space<vmem>>) target(%dma_start3A_388 : memref<4096xf32, #tpu.memory_space<hbm>>) target_semaphore(%arg23 : memref<!tpu.dma_semaphore, #tpu.memory_space<semaphore_mem>>)
        %scan3A_389 = arith.constant 0 : i32
        %scan3A_390 = arith.constant 0 : i32
        %scan3A_391 = arith.constant 32 : i32
        %scan3A_392 = arith.addi %scan3A_390, %scan3A_391 : i32
        %scan3A_393 = arith.constant 1 : i32
        scf.for %scan3A_403 = %scan3A_390 to %scan3A_392 step %scan3A_393  : i32 {
          %mul3A_404 = arith.constant 8 : i32
          %mul3A_405 = arith.muli %scan3A_403, %mul3A_404 : i32
          %add3A_406 = arith.constant 0 : i32
          %add3A_407 = arith.addi %mul3A_405, %add3A_406 : i32
          %mul3A_408 = arith.constant 16 : i32
          %mul3A_409 = arith.muli %add3A_407, %mul3A_408 : i32
          %get3A = arith.index_cast %mul3A_409 : i32 to index
          %get3A_410 = tpu.vector_load %arg18[%get3A] {strides = array<i32>} : memref<4096xf32, #tpu.memory_space<vmem>>, vector<16xf32>,
          %get3A_411 = vector.shape_cast %get3A_410 : vector<16xf32> to vector<16xf32>
          %mul3A_412 = arith.constant 1.250000e-01 : f32
          %mul3A_413 = vector.broadcast %mul3A_412 : f32 to vector<16xf32>
          %mul3A_414 = arith.mulf %get3A_411, %mul3A_413 : vector<16xf32>
          %swap3A = arith.index_cast %mul3A_409 : i32 to index
          %swap3A_415 = tpu.vector_load %arg18[%swap3A] {strides = array<i32>} : memref<4096xf32, #tpu.memory_space<vmem>>, vector<16xf32>,
          %swap3A_416 = vector.shape_cast %swap3A_415 : vector<16xf32> to vector<16xf32>
          %swap3A_417 = vector.shape_cast %mul3A_414 : vector<16xf32> to vector<16xf32>
          tpu.vector_store %arg18[%swap3A], %swap3A_417 {strides = array<i32>} : memref<4096xf32, #tpu.memory_space<vmem>>, vector<16xf32>,
          %mul3A_418 = arith.constant 8 : i32
          %mul3A_419 = arith.muli %scan3A_403, %mul3A_418 : i32
          %add3A_420 = arith.constant 1 : i32
          %add3A_421 = arith.addi %mul3A_419, %add3A_420 : i32
          %mul3A_422 = arith.constant 16 : i32
          %mul3A_423 = arith.muli %add3A_421, %mul3A_422 : i32
          %get3A_424 = arith.index_cast %mul3A_423 : i32 to index
          %get3A_425 = tpu.vector_load %arg18[%get3A_424] {strides = array<i32>} : memref<4096xf32, #tpu.memory_space<vmem>>, vector<16xf32>,
          %get3A_426 = vector.shape_cast %get3A_425 : vector<16xf32> to vector<16xf32>
          %mul3A_427 = arith.constant 1.250000e-01 : f32
          %mul3A_428 = vector.broadcast %mul3A_427 : f32 to vector<16xf32>
          %mul3A_429 = arith.mulf %get3A_426, %mul3A_428 : vector<16xf32>
          %swap3A_430 = arith.index_cast %mul3A_423 : i32 to index
          %swap3A_431 = tpu.vector_load %arg18[%swap3A_430] {strides = array<i32>} : memref<4096xf32, #tpu.memory_space<vmem>>, vector<16xf32>,
          %swap3A_432 = vector.shape_cast %swap3A_431 : vector<16xf32> to vector<16xf32>
          %swap3A_433 = vector.shape_cast %mul3A_429 : vector<16xf32> to vector<16xf32>
          tpu.vector_store %arg18[%swap3A_430], %swap3A_433 {strides = array<i32>} : memref<4096xf32, #tpu.memory_space<vmem>>, vector<16xf32>,
          %mul3A_434 = arith.constant 8 : i32
          %mul3A_435 = arith.muli %scan3A_403, %mul3A_434 : i32
          %add3A_436 = arith.constant 2 : i32
          %add3A_437 = arith.addi %mul3A_435, %add3A_436 : i32
          %mul3A_438 = arith.constant 16 : i32
          %mul3A_439 = arith.muli %add3A_437, %mul3A_438 : i32
          %get3A_440 = arith.index_cast %mul3A_439 : i32 to index
          %get3A_441 = tpu.vector_load %arg18[%get3A_440] {strides = array<i32>} : memref<4096xf32, #tpu.memory_space<vmem>>, vector<16xf32>,
          %get3A_442 = vector.shape_cast %get3A_441 : vector<16xf32> to vector<16xf32>
          %mul3A_443 = arith.constant 1.250000e-01 : f32
          %mul3A_444 = vector.broadcast %mul3A_443 : f32 to vector<16xf32>
          %mul3A_445 = arith.mulf %get3A_442, %mul3A_444 : vector<16xf32>
          %swap3A_446 = arith.index_cast %mul3A_439 : i32 to index
          %swap3A_447 = tpu.vector_load %arg18[%swap3A_446] {strides = array<i32>} : memref<4096xf32, #tpu.memory_space<vmem>>, vector<16xf32>,
          %swap3A_448 = vector.shape_cast %swap3A_447 : vector<16xf32> to vector<16xf32>
          %swap3A_449 = vector.shape_cast %mul3A_445 : vector<16xf32> to vector<16xf32>
          tpu.vector_store %arg18[%swap3A_446], %swap3A_449 {strides = array<i32>} : memref<4096xf32, #tpu.memory_space<vmem>>, vector<16xf32>,
          %mul3A_450 = arith.constant 8 : i32
          %mul3A_451 = arith.muli %scan3A_403, %mul3A_450 : i32
          %add3A_452 = arith.constant 3 : i32
          %add3A_453 = arith.addi %mul3A_451, %add3A_452 : i32
          %mul3A_454 = arith.constant 16 : i32
          %mul3A_455 = arith.muli %add3A_453, %mul3A_454 : i32
          %get3A_456 = arith.index_cast %mul3A_455 : i32 to index
          %get3A_457 = tpu.vector_load %arg18[%get3A_456] {strides = array<i32>} : memref<4096xf32, #tpu.memory_space<vmem>>, vector<16xf32>,
          %get3A_458 = vector.shape_cast %get3A_457 : vector<16xf32> to vector<16xf32>
          %mul3A_459 = arith.constant 1.250000e-01 : f32
          %mul3A_460 = vector.broadcast %mul3A_459 : f32 to vector<16xf32>
          %mul3A_461 = arith.mulf %get3A_458, %mul3A_460 : vector<16xf32>
          %swap3A_462 = arith.index_cast %mul3A_455 : i32 to index
          %swap3A_463 = tpu.vector_load %arg18[%swap3A_462] {strides = array<i32>} : memref<4096xf32, #tpu.memory_space<vmem>>, vector<16xf32>,
          %swap3A_464 = vector.shape_cast %swap3A_463 : vector<16xf32> to vector<16xf32>
          %swap3A_465 = vector.shape_cast %mul3A_461 : vector<16xf32> to vector<16xf32>
          tpu.vector_store %arg18[%swap3A_462], %swap3A_465 {strides = array<i32>} : memref<4096xf32, #tpu.memory_space<vmem>>, vector<16xf32>,
          %mul3A_466 = arith.constant 8 : i32
          %mul3A_467 = arith.muli %scan3A_403, %mul3A_466 : i32
          %add3A_468 = arith.constant 4 : i32
          %add3A_469 = arith.addi %mul3A_467, %add3A_468 : i32
          %mul3A_470 = arith.constant 16 : i32
          %mul3A_471 = arith.muli %add3A_469, %mul3A_470 : i32
          %get3A_472 = arith.index_cast %mul3A_471 : i32 to index
          %get3A_473 = tpu.vector_load %arg18[%get3A_472] {strides = array<i32>} : memref<4096xf32, #tpu.memory_space<vmem>>, vector<16xf32>,
          %get3A_474 = vector.shape_cast %get3A_473 : vector<16xf32> to vector<16xf32>
          %mul3A_475 = arith.constant 1.250000e-01 : f32
          %mul3A_476 = vector.broadcast %mul3A_475 : f32 to vector<16xf32>
          %mul3A_477 = arith.mulf %get3A_474, %mul3A_476 : vector<16xf32>
          %swap3A_478 = arith.index_cast %mul3A_471 : i32 to index
          %swap3A_479 = tpu.vector_load %arg18[%swap3A_478] {strides = array<i32>} : memref<4096xf32, #tpu.memory_space<vmem>>, vector<16xf32>,
          %swap3A_480 = vector.shape_cast %swap3A_479 : vector<16xf32> to vector<16xf32>
          %swap3A_481 = vector.shape_cast %mul3A_477 : vector<16xf32> to vector<16xf32>
          tpu.vector_store %arg18[%swap3A_478], %swap3A_481 {strides = array<i32>} : memref<4096xf32, #tpu.memory_space<vmem>>, vector<16xf32>,
          %mul3A_482 = arith.constant 8 : i32
          %mul3A_483 = arith.muli %scan3A_403, %mul3A_482 : i32
          %add3A_484 = arith.constant 5 : i32
          %add3A_485 = arith.addi %mul3A_483, %add3A_484 : i32
          %mul3A_486 = arith.constant 16 : i32
          %mul3A_487 = arith.muli %add3A_485, %mul3A_486 : i32
          %get3A_488 = arith.index_cast %mul3A_487 : i32 to index
          %get3A_489 = tpu.vector_load %arg18[%get3A_488] {strides = array<i32>} : memref<4096xf32, #tpu.memory_space<vmem>>, vector<16xf32>,
          %get3A_490 = vector.shape_cast %get3A_489 : vector<16xf32> to vector<16xf32>
          %mul3A_491 = arith.constant 1.250000e-01 : f32
          %mul3A_492 = vector.broadcast %mul3A_491 : f32 to vector<16xf32>
          %mul3A_493 = arith.mulf %get3A_490, %mul3A_492 : vector<16xf32>
          %swap3A_494 = arith.index_cast %mul3A_487 : i32 to index
          %swap3A_495 = tpu.vector_load %arg18[%swap3A_494] {strides = array<i32>} : memref<4096xf32, #tpu.memory_space<vmem>>, vector<16xf32>,
          %swap3A_496 = vector.shape_cast %swap3A_495 : vector<16xf32> to vector<16xf32>
          %swap3A_497 = vector.shape_cast %mul3A_493 : vector<16xf32> to vector<16xf32>
          tpu.vector_store %arg18[%swap3A_494], %swap3A_497 {strides = array<i32>} : memref<4096xf32, #tpu.memory_space<vmem>>, vector<16xf32>,
          %mul3A_498 = arith.constant 8 : i32
          %mul3A_499 = arith.muli %scan3A_403, %mul3A_498 : i32
          %add3A_500 = arith.constant 6 : i32
          %add3A_501 = arith.addi %mul3A_499, %add3A_500 : i32
          %mul3A_502 = arith.constant 16 : i32
          %mul3A_503 = arith.muli %add3A_501, %mul3A_502 : i32
          %get3A_504 = arith.index_cast %mul3A_503 : i32 to index
          %get3A_505 = tpu.vector_load %arg18[%get3A_504] {strides = array<i32>} : memref<4096xf32, #tpu.memory_space<vmem>>, vector<16xf32>,
          %get3A_506 = vector.shape_cast %get3A_505 : vector<16xf32> to vector<16xf32>
          %mul3A_507 = arith.constant 1.250000e-01 : f32
          %mul3A_508 = vector.broadcast %mul3A_507 : f32 to vector<16xf32>
          %mul3A_509 = arith.mulf %get3A_506, %mul3A_508 : vector<16xf32>
          %swap3A_510 = arith.index_cast %mul3A_503 : i32 to index
          %swap3A_511 = tpu.vector_load %arg18[%swap3A_510] {strides = array<i32>} : memref<4096xf32, #tpu.memory_space<vmem>>, vector<16xf32>,
          %swap3A_512 = vector.shape_cast %swap3A_511 : vector<16xf32> to vector<16xf32>
          %swap3A_513 = vector.shape_cast %mul3A_509 : vector<16xf32> to vector<16xf32>
          tpu.vector_store %arg18[%swap3A_510], %swap3A_513 {strides = array<i32>} : memref<4096xf32, #tpu.memory_space<vmem>>, vector<16xf32>,
          %mul3A_514 = arith.constant 8 : i32
          %mul3A_515 = arith.muli %scan3A_403, %mul3A_514 : i32
          %add3A_516 = arith.constant 7 : i32
          %add3A_517 = arith.addi %mul3A_515, %add3A_516 : i32
          %mul3A_518 = arith.constant 16 : i32
          %mul3A_519 = arith.muli %add3A_517, %mul3A_518 : i32
          %get3A_520 = arith.index_cast %mul3A_519 : i32 to index
          %get3A_521 = tpu.vector_load %arg18[%get3A_520] {strides = array<i32>} : memref<4096xf32, #tpu.memory_space<vmem>>, vector<16xf32>,
          %get3A_522 = vector.shape_cast %get3A_521 : vector<16xf32> to vector<16xf32>
          %mul3A_523 = arith.constant 1.250000e-01 : f32
          %mul3A_524 = vector.broadcast %mul3A_523 : f32 to vector<16xf32>
          %mul3A_525 = arith.mulf %get3A_522, %mul3A_524 : vector<16xf32>
          %swap3A_526 = arith.index_cast %mul3A_519 : i32 to index
          %swap3A_527 = tpu.vector_load %arg18[%swap3A_526] {strides = array<i32>} : memref<4096xf32, #tpu.memory_space<vmem>>, vector<16xf32>,
          %swap3A_528 = vector.shape_cast %swap3A_527 : vector<16xf32> to vector<16xf32>
          %swap3A_529 = vector.shape_cast %mul3A_525 : vector<16xf32> to vector<16xf32>
          tpu.vector_store %arg18[%swap3A_526], %swap3A_529 {strides = array<i32>} : memref<4096xf32, #tpu.memory_space<vmem>>, vector<16xf32>,
        }
        %scan3A_394 = arith.constant 32 : i32
        %add3A_395 = arith.constant 12 : i32
        %add3A_396 = arith.addi %select_n3A, %add3A_395 : i32
        %dma_start3A_397 = arith.constant 0 : i32
        %dma_start3A_398 = tpu.memref_slice %arg4[%add3A_396, %add3A_52, %dma_start3A_397] : memref<200x64x4096xf32, #tpu.memory_space<hbm>> -> memref<1x1x4096xf32, #tpu.memory_space<hbm>>
        %dma_start3A_399 = tpu.memref_squeeze %dma_start3A_398 : memref<1x1x4096xf32, #tpu.memory_space<hbm>> -> memref<4096xf32, #tpu.memory_space<hbm>>
        %dma_start3A_400 = arith.constant 0 : i32
        %dma_start3A_401 = tpu.memref_slice %arg4[%add3A_396, %add3A_52, %dma_start3A_400] : memref<200x64x4096xf32, #tpu.memory_space<hbm>> -> memref<1x1x4096xf32, #tpu.memory_space<hbm>>
        %dma_start3A_402 = tpu.memref_squeeze %dma_start3A_401 : memref<1x1x4096xf32, #tpu.memory_space<hbm>> -> memref<4096xf32, #tpu.memory_space<hbm>>
        tpu.enqueue_dma source(%arg18 : memref<4096xf32, #tpu.memory_space<vmem>>) target(%dma_start3A_402 : memref<4096xf32, #tpu.memory_space<hbm>>) target_semaphore(%arg23 : memref<!tpu.dma_semaphore, #tpu.memory_space<semaphore_mem>>)
      } else {
      }
      %ge3A = arith.constant 8 : i32
      %ge3A_325 = arith.cmpi sge, %arg1, %ge3A : i32
      %convert_element_type3A_326 = arith.extui %ge3A_325 : i1 to i32
      %cond3A_327 = arith.constant 0 : i32
      %cond3A_328 = arith.cmpi ne, %convert_element_type3A_326, %cond3A_327 : i32
      scf.if %cond3A_328 {
        %scan3A_361 = arith.constant 0 : i32
        %scan3A_362 = arith.constant 0 : i32
        %scan3A_363 = arith.constant 32 : i32
        %scan3A_364 = arith.addi %scan3A_362, %scan3A_363 : i32
        %scan3A_365 = arith.constant 1 : i32
        scf.for %scan3A_403 = %scan3A_362 to %scan3A_364 step %scan3A_365  : i32 {
          %mul3A_404 = arith.constant 8 : i32
          %mul3A_405 = arith.muli %scan3A_403, %mul3A_404 : i32
          %add3A_406 = arith.constant 0 : i32
          %add3A_407 = arith.addi %mul3A_405, %add3A_406 : i32
          %mul3A_408 = arith.constant 16 : i32
          %mul3A_409 = arith.muli %add3A_407, %mul3A_408 : i32
          %get3A = arith.index_cast %mul3A_409 : i32 to index
          %get3A_410 = tpu.vector_load %arg18[%get3A] {strides = array<i32>} : memref<4096xf32, #tpu.memory_space<vmem>>, vector<16xf32>,
          %get3A_411 = vector.shape_cast %get3A_410 : vector<16xf32> to vector<16xf32>
          %mul3A_412 = arith.constant 1.250000e-01 : f32
          %mul3A_413 = vector.broadcast %mul3A_412 : f32 to vector<16xf32>
          %mul3A_414 = arith.mulf %get3A_411, %mul3A_413 : vector<16xf32>
          %swap3A = arith.index_cast %mul3A_409 : i32 to index
          %swap3A_415 = tpu.vector_load %arg18[%swap3A] {strides = array<i32>} : memref<4096xf32, #tpu.memory_space<vmem>>, vector<16xf32>,
          %swap3A_416 = vector.shape_cast %swap3A_415 : vector<16xf32> to vector<16xf32>
          %swap3A_417 = vector.shape_cast %mul3A_414 : vector<16xf32> to vector<16xf32>
          tpu.vector_store %arg18[%swap3A], %swap3A_417 {strides = array<i32>} : memref<4096xf32, #tpu.memory_space<vmem>>, vector<16xf32>,
          %mul3A_418 = arith.constant 8 : i32
          %mul3A_419 = arith.muli %scan3A_403, %mul3A_418 : i32
          %add3A_420 = arith.constant 1 : i32
          %add3A_421 = arith.addi %mul3A_419, %add3A_420 : i32
          %mul3A_422 = arith.constant 16 : i32
          %mul3A_423 = arith.muli %add3A_421, %mul3A_422 : i32
          %get3A_424 = arith.index_cast %mul3A_423 : i32 to index
          %get3A_425 = tpu.vector_load %arg18[%get3A_424] {strides = array<i32>} : memref<4096xf32, #tpu.memory_space<vmem>>, vector<16xf32>,
          %get3A_426 = vector.shape_cast %get3A_425 : vector<16xf32> to vector<16xf32>
          %mul3A_427 = arith.constant 1.250000e-01 : f32
          %mul3A_428 = vector.broadcast %mul3A_427 : f32 to vector<16xf32>
          %mul3A_429 = arith.mulf %get3A_426, %mul3A_428 : vector<16xf32>
          %swap3A_430 = arith.index_cast %mul3A_423 : i32 to index
          %swap3A_431 = tpu.vector_load %arg18[%swap3A_430] {strides = array<i32>} : memref<4096xf32, #tpu.memory_space<vmem>>, vector<16xf32>,
          %swap3A_432 = vector.shape_cast %swap3A_431 : vector<16xf32> to vector<16xf32>
          %swap3A_433 = vector.shape_cast %mul3A_429 : vector<16xf32> to vector<16xf32>
          tpu.vector_store %arg18[%swap3A_430], %swap3A_433 {strides = array<i32>} : memref<4096xf32, #tpu.memory_space<vmem>>, vector<16xf32>,
          %mul3A_434 = arith.constant 8 : i32
          %mul3A_435 = arith.muli %scan3A_403, %mul3A_434 : i32
          %add3A_436 = arith.constant 2 : i32
          %add3A_437 = arith.addi %mul3A_435, %add3A_436 : i32
          %mul3A_438 = arith.constant 16 : i32
          %mul3A_439 = arith.muli %add3A_437, %mul3A_438 : i32
          %get3A_440 = arith.index_cast %mul3A_439 : i32 to index
          %get3A_441 = tpu.vector_load %arg18[%get3A_440] {strides = array<i32>} : memref<4096xf32, #tpu.memory_space<vmem>>, vector<16xf32>,
          %get3A_442 = vector.shape_cast %get3A_441 : vector<16xf32> to vector<16xf32>
          %mul3A_443 = arith.constant 1.250000e-01 : f32
          %mul3A_444 = vector.broadcast %mul3A_443 : f32 to vector<16xf32>
          %mul3A_445 = arith.mulf %get3A_442, %mul3A_444 : vector<16xf32>
          %swap3A_446 = arith.index_cast %mul3A_439 : i32 to index
          %swap3A_447 = tpu.vector_load %arg18[%swap3A_446] {strides = array<i32>} : memref<4096xf32, #tpu.memory_space<vmem>>, vector<16xf32>,
          %swap3A_448 = vector.shape_cast %swap3A_447 : vector<16xf32> to vector<16xf32>
          %swap3A_449 = vector.shape_cast %mul3A_445 : vector<16xf32> to vector<16xf32>
          tpu.vector_store %arg18[%swap3A_446], %swap3A_449 {strides = array<i32>} : memref<4096xf32, #tpu.memory_space<vmem>>, vector<16xf32>,
          %mul3A_450 = arith.constant 8 : i32
          %mul3A_451 = arith.muli %scan3A_403, %mul3A_450 : i32
          %add3A_452 = arith.constant 3 : i32
          %add3A_453 = arith.addi %mul3A_451, %add3A_452 : i32
          %mul3A_454 = arith.constant 16 : i32
          %mul3A_455 = arith.muli %add3A_453, %mul3A_454 : i32
          %get3A_456 = arith.index_cast %mul3A_455 : i32 to index
          %get3A_457 = tpu.vector_load %arg18[%get3A_456] {strides = array<i32>} : memref<4096xf32, #tpu.memory_space<vmem>>, vector<16xf32>,
          %get3A_458 = vector.shape_cast %get3A_457 : vector<16xf32> to vector<16xf32>
          %mul3A_459 = arith.constant 1.250000e-01 : f32
          %mul3A_460 = vector.broadcast %mul3A_459 : f32 to vector<16xf32>
          %mul3A_461 = arith.mulf %get3A_458, %mul3A_460 : vector<16xf32>
          %swap3A_462 = arith.index_cast %mul3A_455 : i32 to index
          %swap3A_463 = tpu.vector_load %arg18[%swap3A_462] {strides = array<i32>} : memref<4096xf32, #tpu.memory_space<vmem>>, vector<16xf32>,
          %swap3A_464 = vector.shape_cast %swap3A_463 : vector<16xf32> to vector<16xf32>
          %swap3A_465 = vector.shape_cast %mul3A_461 : vector<16xf32> to vector<16xf32>
          tpu.vector_store %arg18[%swap3A_462], %swap3A_465 {strides = array<i32>} : memref<4096xf32, #tpu.memory_space<vmem>>, vector<16xf32>,
          %mul3A_466 = arith.constant 8 : i32
          %mul3A_467 = arith.muli %scan3A_403, %mul3A_466 : i32
          %add3A_468 = arith.constant 4 : i32
          %add3A_469 = arith.addi %mul3A_467, %add3A_468 : i32
          %mul3A_470 = arith.constant 16 : i32
          %mul3A_471 = arith.muli %add3A_469, %mul3A_470 : i32
          %get3A_472 = arith.index_cast %mul3A_471 : i32 to index
          %get3A_473 = tpu.vector_load %arg18[%get3A_472] {strides = array<i32>} : memref<4096xf32, #tpu.memory_space<vmem>>, vector<16xf32>,
          %get3A_474 = vector.shape_cast %get3A_473 : vector<16xf32> to vector<16xf32>
          %mul3A_475 = arith.constant 1.250000e-01 : f32
          %mul3A_476 = vector.broadcast %mul3A_475 : f32 to vector<16xf32>
          %mul3A_477 = arith.mulf %get3A_474, %mul3A_476 : vector<16xf32>
          %swap3A_478 = arith.index_cast %mul3A_471 : i32 to index
          %swap3A_479 = tpu.vector_load %arg18[%swap3A_478] {strides = array<i32>} : memref<4096xf32, #tpu.memory_space<vmem>>, vector<16xf32>,
          %swap3A_480 = vector.shape_cast %swap3A_479 : vector<16xf32> to vector<16xf32>
          %swap3A_481 = vector.shape_cast %mul3A_477 : vector<16xf32> to vector<16xf32>
          tpu.vector_store %arg18[%swap3A_478], %swap3A_481 {strides = array<i32>} : memref<4096xf32, #tpu.memory_space<vmem>>, vector<16xf32>,
          %mul3A_482 = arith.constant 8 : i32
          %mul3A_483 = arith.muli %scan3A_403, %mul3A_482 : i32
          %add3A_484 = arith.constant 5 : i32
          %add3A_485 = arith.addi %mul3A_483, %add3A_484 : i32
          %mul3A_486 = arith.constant 16 : i32
          %mul3A_487 = arith.muli %add3A_485, %mul3A_486 : i32
          %get3A_488 = arith.index_cast %mul3A_487 : i32 to index
          %get3A_489 = tpu.vector_load %arg18[%get3A_488] {strides = array<i32>} : memref<4096xf32, #tpu.memory_space<vmem>>, vector<16xf32>,
          %get3A_490 = vector.shape_cast %get3A_489 : vector<16xf32> to vector<16xf32>
          %mul3A_491 = arith.constant 1.250000e-01 : f32
          %mul3A_492 = vector.broadcast %mul3A_491 : f32 to vector<16xf32>
          %mul3A_493 = arith.mulf %get3A_490, %mul3A_492 : vector<16xf32>
          %swap3A_494 = arith.index_cast %mul3A_487 : i32 to index
          %swap3A_495 = tpu.vector_load %arg18[%swap3A_494] {strides = array<i32>} : memref<4096xf32, #tpu.memory_space<vmem>>, vector<16xf32>,
          %swap3A_496 = vector.shape_cast %swap3A_495 : vector<16xf32> to vector<16xf32>
          %swap3A_497 = vector.shape_cast %mul3A_493 : vector<16xf32> to vector<16xf32>
          tpu.vector_store %arg18[%swap3A_494], %swap3A_497 {strides = array<i32>} : memref<4096xf32, #tpu.memory_space<vmem>>, vector<16xf32>,
          %mul3A_498 = arith.constant 8 : i32
          %mul3A_499 = arith.muli %scan3A_403, %mul3A_498 : i32
          %add3A_500 = arith.constant 6 : i32
          %add3A_501 = arith.addi %mul3A_499, %add3A_500 : i32
          %mul3A_502 = arith.constant 16 : i32
          %mul3A_503 = arith.muli %add3A_501, %mul3A_502 : i32
          %get3A_504 = arith.index_cast %mul3A_503 : i32 to index
          %get3A_505 = tpu.vector_load %arg18[%get3A_504] {strides = array<i32>} : memref<4096xf32, #tpu.memory_space<vmem>>, vector<16xf32>,
          %get3A_506 = vector.shape_cast %get3A_505 : vector<16xf32> to vector<16xf32>
          %mul3A_507 = arith.constant 1.250000e-01 : f32
          %mul3A_508 = vector.broadcast %mul3A_507 : f32 to vector<16xf32>
          %mul3A_509 = arith.mulf %get3A_506, %mul3A_508 : vector<16xf32>
          %swap3A_510 = arith.index_cast %mul3A_503 : i32 to index
          %swap3A_511 = tpu.vector_load %arg18[%swap3A_510] {strides = array<i32>} : memref<4096xf32, #tpu.memory_space<vmem>>, vector<16xf32>,
          %swap3A_512 = vector.shape_cast %swap3A_511 : vector<16xf32> to vector<16xf32>
          %swap3A_513 = vector.shape_cast %mul3A_509 : vector<16xf32> to vector<16xf32>
          tpu.vector_store %arg18[%swap3A_510], %swap3A_513 {strides = array<i32>} : memref<4096xf32, #tpu.memory_space<vmem>>, vector<16xf32>,
          %mul3A_514 = arith.constant 8 : i32
          %mul3A_515 = arith.muli %scan3A_403, %mul3A_514 : i32
          %add3A_516 = arith.constant 7 : i32
          %add3A_517 = arith.addi %mul3A_515, %add3A_516 : i32
          %mul3A_518 = arith.constant 16 : i32
          %mul3A_519 = arith.muli %add3A_517, %mul3A_518 : i32
          %get3A_520 = arith.index_cast %mul3A_519 : i32 to index
          %get3A_521 = tpu.vector_load %arg18[%get3A_520] {strides = array<i32>} : memref<4096xf32, #tpu.memory_space<vmem>>, vector<16xf32>,
          %get3A_522 = vector.shape_cast %get3A_521 : vector<16xf32> to vector<16xf32>
          %mul3A_523 = arith.constant 1.250000e-01 : f32
          %mul3A_524 = vector.broadcast %mul3A_523 : f32 to vector<16xf32>
          %mul3A_525 = arith.mulf %get3A_522, %mul3A_524 : vector<16xf32>
          %swap3A_526 = arith.index_cast %mul3A_519 : i32 to index
          %swap3A_527 = tpu.vector_load %arg18[%swap3A_526] {strides = array<i32>} : memref<4096xf32, #tpu.memory_space<vmem>>, vector<16xf32>,
          %swap3A_528 = vector.shape_cast %swap3A_527 : vector<16xf32> to vector<16xf32>
          %swap3A_529 = vector.shape_cast %mul3A_525 : vector<16xf32> to vector<16xf32>
          tpu.vector_store %arg18[%swap3A_526], %swap3A_529 {strides = array<i32>} : memref<4096xf32, #tpu.memory_space<vmem>>, vector<16xf32>,
        }
        %scan3A_366 = arith.constant 32 : i32
        %add3A_367 = arith.constant 9 : i32
        %add3A_368 = arith.addi %select_n3A, %add3A_367 : i32
        %dma_start3A_369 = arith.constant 0 : i32
        %dma_start3A_370 = tpu.memref_slice %arg4[%add3A_368, %add3A_52, %dma_start3A_369] : memref<200x64x4096xf32, #tpu.memory_space<hbm>> -> memref<1x1x4096xf32, #tpu.memory_space<hbm>>
        %dma_start3A_371 = tpu.memref_squeeze %dma_start3A_370 : memref<1x1x4096xf32, #tpu.memory_space<hbm>> -> memref<4096xf32, #tpu.memory_space<hbm>>
        %dma_start3A_372 = arith.constant 0 : i32
        %dma_start3A_373 = tpu.memref_slice %arg4[%add3A_368, %add3A_52, %dma_start3A_372] : memref<200x64x4096xf32, #tpu.memory_space<hbm>> -> memref<1x1x4096xf32, #tpu.memory_space<hbm>>
        %dma_start3A_374 = tpu.memref_squeeze %dma_start3A_373 : memref<1x1x4096xf32, #tpu.memory_space<hbm>> -> memref<4096xf32, #tpu.memory_space<hbm>>
        tpu.enqueue_dma source(%arg18 : memref<4096xf32, #tpu.memory_space<vmem>>) target(%dma_start3A_374 : memref<4096xf32, #tpu.memory_space<hbm>>) target_semaphore(%arg23 : memref<!tpu.dma_semaphore, #tpu.memory_space<semaphore_mem>>)
        %scan3A_375 = arith.constant 0 : i32
        %scan3A_376 = arith.constant 0 : i32
        %scan3A_377 = arith.constant 32 : i32
        %scan3A_378 = arith.addi %scan3A_376, %scan3A_377 : i32
        %scan3A_379 = arith.constant 1 : i32
        scf.for %scan3A_403 = %scan3A_376 to %scan3A_378 step %scan3A_379  : i32 {
          %mul3A_404 = arith.constant 8 : i32
          %mul3A_405 = arith.muli %scan3A_403, %mul3A_404 : i32
          %add3A_406 = arith.constant 0 : i32
          %add3A_407 = arith.addi %mul3A_405, %add3A_406 : i32
          %mul3A_408 = arith.constant 16 : i32
          %mul3A_409 = arith.muli %add3A_407, %mul3A_408 : i32
          %get3A = arith.index_cast %mul3A_409 : i32 to index
          %get3A_410 = tpu.vector_load %arg19[%get3A] {strides = array<i32>} : memref<4096xf32, #tpu.memory_space<vmem>>, vector<16xf32>,
          %get3A_411 = vector.shape_cast %get3A_410 : vector<16xf32> to vector<16xf32>
          %mul3A_412 = arith.constant 1.250000e-01 : f32
          %mul3A_413 = vector.broadcast %mul3A_412 : f32 to vector<16xf32>
          %mul3A_414 = arith.mulf %get3A_411, %mul3A_413 : vector<16xf32>
          %swap3A = arith.index_cast %mul3A_409 : i32 to index
          %swap3A_415 = tpu.vector_load %arg19[%swap3A] {strides = array<i32>} : memref<4096xf32, #tpu.memory_space<vmem>>, vector<16xf32>,
          %swap3A_416 = vector.shape_cast %swap3A_415 : vector<16xf32> to vector<16xf32>
          %swap3A_417 = vector.shape_cast %mul3A_414 : vector<16xf32> to vector<16xf32>
          tpu.vector_store %arg19[%swap3A], %swap3A_417 {strides = array<i32>} : memref<4096xf32, #tpu.memory_space<vmem>>, vector<16xf32>,
          %mul3A_418 = arith.constant 8 : i32
          %mul3A_419 = arith.muli %scan3A_403, %mul3A_418 : i32
          %add3A_420 = arith.constant 1 : i32
          %add3A_421 = arith.addi %mul3A_419, %add3A_420 : i32
          %mul3A_422 = arith.constant 16 : i32
          %mul3A_423 = arith.muli %add3A_421, %mul3A_422 : i32
          %get3A_424 = arith.index_cast %mul3A_423 : i32 to index
          %get3A_425 = tpu.vector_load %arg19[%get3A_424] {strides = array<i32>} : memref<4096xf32, #tpu.memory_space<vmem>>, vector<16xf32>,
          %get3A_426 = vector.shape_cast %get3A_425 : vector<16xf32> to vector<16xf32>
          %mul3A_427 = arith.constant 1.250000e-01 : f32
          %mul3A_428 = vector.broadcast %mul3A_427 : f32 to vector<16xf32>
          %mul3A_429 = arith.mulf %get3A_426, %mul3A_428 : vector<16xf32>
          %swap3A_430 = arith.index_cast %mul3A_423 : i32 to index
          %swap3A_431 = tpu.vector_load %arg19[%swap3A_430] {strides = array<i32>} : memref<4096xf32, #tpu.memory_space<vmem>>, vector<16xf32>,
          %swap3A_432 = vector.shape_cast %swap3A_431 : vector<16xf32> to vector<16xf32>
          %swap3A_433 = vector.shape_cast %mul3A_429 : vector<16xf32> to vector<16xf32>
          tpu.vector_store %arg19[%swap3A_430], %swap3A_433 {strides = array<i32>} : memref<4096xf32, #tpu.memory_space<vmem>>, vector<16xf32>,
          %mul3A_434 = arith.constant 8 : i32
          %mul3A_435 = arith.muli %scan3A_403, %mul3A_434 : i32
          %add3A_436 = arith.constant 2 : i32
          %add3A_437 = arith.addi %mul3A_435, %add3A_436 : i32
          %mul3A_438 = arith.constant 16 : i32
          %mul3A_439 = arith.muli %add3A_437, %mul3A_438 : i32
          %get3A_440 = arith.index_cast %mul3A_439 : i32 to index
          %get3A_441 = tpu.vector_load %arg19[%get3A_440] {strides = array<i32>} : memref<4096xf32, #tpu.memory_space<vmem>>, vector<16xf32>,
          %get3A_442 = vector.shape_cast %get3A_441 : vector<16xf32> to vector<16xf32>
          %mul3A_443 = arith.constant 1.250000e-01 : f32
          %mul3A_444 = vector.broadcast %mul3A_443 : f32 to vector<16xf32>
          %mul3A_445 = arith.mulf %get3A_442, %mul3A_444 : vector<16xf32>
          %swap3A_446 = arith.index_cast %mul3A_439 : i32 to index
          %swap3A_447 = tpu.vector_load %arg19[%swap3A_446] {strides = array<i32>} : memref<4096xf32, #tpu.memory_space<vmem>>, vector<16xf32>,
          %swap3A_448 = vector.shape_cast %swap3A_447 : vector<16xf32> to vector<16xf32>
          %swap3A_449 = vector.shape_cast %mul3A_445 : vector<16xf32> to vector<16xf32>
          tpu.vector_store %arg19[%swap3A_446], %swap3A_449 {strides = array<i32>} : memref<4096xf32, #tpu.memory_space<vmem>>, vector<16xf32>,
          %mul3A_450 = arith.constant 8 : i32
          %mul3A_451 = arith.muli %scan3A_403, %mul3A_450 : i32
          %add3A_452 = arith.constant 3 : i32
          %add3A_453 = arith.addi %mul3A_451, %add3A_452 : i32
          %mul3A_454 = arith.constant 16 : i32
          %mul3A_455 = arith.muli %add3A_453, %mul3A_454 : i32
          %get3A_456 = arith.index_cast %mul3A_455 : i32 to index
          %get3A_457 = tpu.vector_load %arg19[%get3A_456] {strides = array<i32>} : memref<4096xf32, #tpu.memory_space<vmem>>, vector<16xf32>,
          %get3A_458 = vector.shape_cast %get3A_457 : vector<16xf32> to vector<16xf32>
          %mul3A_459 = arith.constant 1.250000e-01 : f32
          %mul3A_460 = vector.broadcast %mul3A_459 : f32 to vector<16xf32>
          %mul3A_461 = arith.mulf %get3A_458, %mul3A_460 : vector<16xf32>
          %swap3A_462 = arith.index_cast %mul3A_455 : i32 to index
          %swap3A_463 = tpu.vector_load %arg19[%swap3A_462] {strides = array<i32>} : memref<4096xf32, #tpu.memory_space<vmem>>, vector<16xf32>,
          %swap3A_464 = vector.shape_cast %swap3A_463 : vector<16xf32> to vector<16xf32>
          %swap3A_465 = vector.shape_cast %mul3A_461 : vector<16xf32> to vector<16xf32>
          tpu.vector_store %arg19[%swap3A_462], %swap3A_465 {strides = array<i32>} : memref<4096xf32, #tpu.memory_space<vmem>>, vector<16xf32>,
          %mul3A_466 = arith.constant 8 : i32
          %mul3A_467 = arith.muli %scan3A_403, %mul3A_466 : i32
          %add3A_468 = arith.constant 4 : i32
          %add3A_469 = arith.addi %mul3A_467, %add3A_468 : i32
          %mul3A_470 = arith.constant 16 : i32
          %mul3A_471 = arith.muli %add3A_469, %mul3A_470 : i32
          %get3A_472 = arith.index_cast %mul3A_471 : i32 to index
          %get3A_473 = tpu.vector_load %arg19[%get3A_472] {strides = array<i32>} : memref<4096xf32, #tpu.memory_space<vmem>>, vector<16xf32>,
          %get3A_474 = vector.shape_cast %get3A_473 : vector<16xf32> to vector<16xf32>
          %mul3A_475 = arith.constant 1.250000e-01 : f32
          %mul3A_476 = vector.broadcast %mul3A_475 : f32 to vector<16xf32>
          %mul3A_477 = arith.mulf %get3A_474, %mul3A_476 : vector<16xf32>
          %swap3A_478 = arith.index_cast %mul3A_471 : i32 to index
          %swap3A_479 = tpu.vector_load %arg19[%swap3A_478] {strides = array<i32>} : memref<4096xf32, #tpu.memory_space<vmem>>, vector<16xf32>,
          %swap3A_480 = vector.shape_cast %swap3A_479 : vector<16xf32> to vector<16xf32>
          %swap3A_481 = vector.shape_cast %mul3A_477 : vector<16xf32> to vector<16xf32>
          tpu.vector_store %arg19[%swap3A_478], %swap3A_481 {strides = array<i32>} : memref<4096xf32, #tpu.memory_space<vmem>>, vector<16xf32>,
          %mul3A_482 = arith.constant 8 : i32
          %mul3A_483 = arith.muli %scan3A_403, %mul3A_482 : i32
          %add3A_484 = arith.constant 5 : i32
          %add3A_485 = arith.addi %mul3A_483, %add3A_484 : i32
          %mul3A_486 = arith.constant 16 : i32
          %mul3A_487 = arith.muli %add3A_485, %mul3A_486 : i32
          %get3A_488 = arith.index_cast %mul3A_487 : i32 to index
          %get3A_489 = tpu.vector_load %arg19[%get3A_488] {strides = array<i32>} : memref<4096xf32, #tpu.memory_space<vmem>>, vector<16xf32>,
          %get3A_490 = vector.shape_cast %get3A_489 : vector<16xf32> to vector<16xf32>
          %mul3A_491 = arith.constant 1.250000e-01 : f32
          %mul3A_492 = vector.broadcast %mul3A_491 : f32 to vector<16xf32>
          %mul3A_493 = arith.mulf %get3A_490, %mul3A_492 : vector<16xf32>
          %swap3A_494 = arith.index_cast %mul3A_487 : i32 to index
          %swap3A_495 = tpu.vector_load %arg19[%swap3A_494] {strides = array<i32>} : memref<4096xf32, #tpu.memory_space<vmem>>, vector<16xf32>,
          %swap3A_496 = vector.shape_cast %swap3A_495 : vector<16xf32> to vector<16xf32>
          %swap3A_497 = vector.shape_cast %mul3A_493 : vector<16xf32> to vector<16xf32>
          tpu.vector_store %arg19[%swap3A_494], %swap3A_497 {strides = array<i32>} : memref<4096xf32, #tpu.memory_space<vmem>>, vector<16xf32>,
          %mul3A_498 = arith.constant 8 : i32
          %mul3A_499 = arith.muli %scan3A_403, %mul3A_498 : i32
          %add3A_500 = arith.constant 6 : i32
          %add3A_501 = arith.addi %mul3A_499, %add3A_500 : i32
          %mul3A_502 = arith.constant 16 : i32
          %mul3A_503 = arith.muli %add3A_501, %mul3A_502 : i32
          %get3A_504 = arith.index_cast %mul3A_503 : i32 to index
          %get3A_505 = tpu.vector_load %arg19[%get3A_504] {strides = array<i32>} : memref<4096xf32, #tpu.memory_space<vmem>>, vector<16xf32>,
          %get3A_506 = vector.shape_cast %get3A_505 : vector<16xf32> to vector<16xf32>
          %mul3A_507 = arith.constant 1.250000e-01 : f32
          %mul3A_508 = vector.broadcast %mul3A_507 : f32 to vector<16xf32>
          %mul3A_509 = arith.mulf %get3A_506, %mul3A_508 : vector<16xf32>
          %swap3A_510 = arith.index_cast %mul3A_503 : i32 to index
          %swap3A_511 = tpu.vector_load %arg19[%swap3A_510] {strides = array<i32>} : memref<4096xf32, #tpu.memory_space<vmem>>, vector<16xf32>,
          %swap3A_512 = vector.shape_cast %swap3A_511 : vector<16xf32> to vector<16xf32>
          %swap3A_513 = vector.shape_cast %mul3A_509 : vector<16xf32> to vector<16xf32>
          tpu.vector_store %arg19[%swap3A_510], %swap3A_513 {strides = array<i32>} : memref<4096xf32, #tpu.memory_space<vmem>>, vector<16xf32>,
          %mul3A_514 = arith.constant 8 : i32
          %mul3A_515 = arith.muli %scan3A_403, %mul3A_514 : i32
          %add3A_516 = arith.constant 7 : i32
          %add3A_517 = arith.addi %mul3A_515, %add3A_516 : i32
          %mul3A_518 = arith.constant 16 : i32
          %mul3A_519 = arith.muli %add3A_517, %mul3A_518 : i32
          %get3A_520 = arith.index_cast %mul3A_519 : i32 to index
          %get3A_521 = tpu.vector_load %arg19[%get3A_520] {strides = array<i32>} : memref<4096xf32, #tpu.memory_space<vmem>>, vector<16xf32>,
          %get3A_522 = vector.shape_cast %get3A_521 : vector<16xf32> to vector<16xf32>
          %mul3A_523 = arith.constant 1.250000e-01 : f32
          %mul3A_524 = vector.broadcast %mul3A_523 : f32 to vector<16xf32>
          %mul3A_525 = arith.mulf %get3A_522, %mul3A_524 : vector<16xf32>
          %swap3A_526 = arith.index_cast %mul3A_519 : i32 to index
          %swap3A_527 = tpu.vector_load %arg19[%swap3A_526] {strides = array<i32>} : memref<4096xf32, #tpu.memory_space<vmem>>, vector<16xf32>,
          %swap3A_528 = vector.shape_cast %swap3A_527 : vector<16xf32> to vector<16xf32>
          %swap3A_529 = vector.shape_cast %mul3A_525 : vector<16xf32> to vector<16xf32>
          tpu.vector_store %arg19[%swap3A_526], %swap3A_529 {strides = array<i32>} : memref<4096xf32, #tpu.memory_space<vmem>>, vector<16xf32>,
        }
        %scan3A_380 = arith.constant 32 : i32
        %add3A_381 = arith.constant 10 : i32
        %add3A_382 = arith.addi %select_n3A, %add3A_381 : i32
        %dma_start3A_383 = arith.constant 0 : i32
        %dma_start3A_384 = tpu.memref_slice %arg4[%add3A_382, %add3A_52, %dma_start3A_383] : memref<200x64x4096xf32, #tpu.memory_space<hbm>> -> memref<1x1x4096xf32, #tpu.memory_space<hbm>>
        %dma_start3A_385 = tpu.memref_squeeze %dma_start3A_384 : memref<1x1x4096xf32, #tpu.memory_space<hbm>> -> memref<4096xf32, #tpu.memory_space<hbm>>
        %dma_start3A_386 = arith.constant 0 : i32
        %dma_start3A_387 = tpu.memref_slice %arg4[%add3A_382, %add3A_52, %dma_start3A_386] : memref<200x64x4096xf32, #tpu.memory_space<hbm>> -> memref<1x1x4096xf32, #tpu.memory_space<hbm>>
        %dma_start3A_388 = tpu.memref_squeeze %dma_start3A_387 : memref<1x1x4096xf32, #tpu.memory_space<hbm>> -> memref<4096xf32, #tpu.memory_space<hbm>>
        tpu.enqueue_dma source(%arg19 : memref<4096xf32, #tpu.memory_space<vmem>>) target(%dma_start3A_388 : memref<4096xf32, #tpu.memory_space<hbm>>) target_semaphore(%arg23 : memref<!tpu.dma_semaphore, #tpu.memory_space<semaphore_mem>>)
        %scan3A_389 = arith.constant 0 : i32
        %scan3A_390 = arith.constant 0 : i32
        %scan3A_391 = arith.constant 32 : i32
        %scan3A_392 = arith.addi %scan3A_390, %scan3A_391 : i32
        %scan3A_393 = arith.constant 1 : i32
        scf.for %scan3A_403 = %scan3A_390 to %scan3A_392 step %scan3A_393  : i32 {
          %mul3A_404 = arith.constant 8 : i32
          %mul3A_405 = arith.muli %scan3A_403, %mul3A_404 : i32
          %add3A_406 = arith.constant 0 : i32
          %add3A_407 = arith.addi %mul3A_405, %add3A_406 : i32
          %mul3A_408 = arith.constant 16 : i32
          %mul3A_409 = arith.muli %add3A_407, %mul3A_408 : i32
          %get3A = arith.index_cast %mul3A_409 : i32 to index
          %get3A_410 = tpu.vector_load %arg20[%get3A] {strides = array<i32>} : memref<4096xf32, #tpu.memory_space<vmem>>, vector<16xf32>,
          %get3A_411 = vector.shape_cast %get3A_410 : vector<16xf32> to vector<16xf32>
          %mul3A_412 = arith.constant 1.250000e-01 : f32
          %mul3A_413 = vector.broadcast %mul3A_412 : f32 to vector<16xf32>
          %mul3A_414 = arith.mulf %get3A_411, %mul3A_413 : vector<16xf32>
          %swap3A = arith.index_cast %mul3A_409 : i32 to index
          %swap3A_415 = tpu.vector_load %arg20[%swap3A] {strides = array<i32>} : memref<4096xf32, #tpu.memory_space<vmem>>, vector<16xf32>,
          %swap3A_416 = vector.shape_cast %swap3A_415 : vector<16xf32> to vector<16xf32>
          %swap3A_417 = vector.shape_cast %mul3A_414 : vector<16xf32> to vector<16xf32>
          tpu.vector_store %arg20[%swap3A], %swap3A_417 {strides = array<i32>} : memref<4096xf32, #tpu.memory_space<vmem>>, vector<16xf32>,
          %mul3A_418 = arith.constant 8 : i32
          %mul3A_419 = arith.muli %scan3A_403, %mul3A_418 : i32
          %add3A_420 = arith.constant 1 : i32
          %add3A_421 = arith.addi %mul3A_419, %add3A_420 : i32
          %mul3A_422 = arith.constant 16 : i32
          %mul3A_423 = arith.muli %add3A_421, %mul3A_422 : i32
          %get3A_424 = arith.index_cast %mul3A_423 : i32 to index
          %get3A_425 = tpu.vector_load %arg20[%get3A_424] {strides = array<i32>} : memref<4096xf32, #tpu.memory_space<vmem>>, vector<16xf32>,
          %get3A_426 = vector.shape_cast %get3A_425 : vector<16xf32> to vector<16xf32>
          %mul3A_427 = arith.constant 1.250000e-01 : f32
          %mul3A_428 = vector.broadcast %mul3A_427 : f32 to vector<16xf32>
          %mul3A_429 = arith.mulf %get3A_426, %mul3A_428 : vector<16xf32>
          %swap3A_430 = arith.index_cast %mul3A_423 : i32 to index
          %swap3A_431 = tpu.vector_load %arg20[%swap3A_430] {strides = array<i32>} : memref<4096xf32, #tpu.memory_space<vmem>>, vector<16xf32>,
          %swap3A_432 = vector.shape_cast %swap3A_431 : vector<16xf32> to vector<16xf32>
          %swap3A_433 = vector.shape_cast %mul3A_429 : vector<16xf32> to vector<16xf32>
          tpu.vector_store %arg20[%swap3A_430], %swap3A_433 {strides = array<i32>} : memref<4096xf32, #tpu.memory_space<vmem>>, vector<16xf32>,
          %mul3A_434 = arith.constant 8 : i32
          %mul3A_435 = arith.muli %scan3A_403, %mul3A_434 : i32
          %add3A_436 = arith.constant 2 : i32
          %add3A_437 = arith.addi %mul3A_435, %add3A_436 : i32
          %mul3A_438 = arith.constant 16 : i32
          %mul3A_439 = arith.muli %add3A_437, %mul3A_438 : i32
          %get3A_440 = arith.index_cast %mul3A_439 : i32 to index
          %get3A_441 = tpu.vector_load %arg20[%get3A_440] {strides = array<i32>} : memref<4096xf32, #tpu.memory_space<vmem>>, vector<16xf32>,
          %get3A_442 = vector.shape_cast %get3A_441 : vector<16xf32> to vector<16xf32>
          %mul3A_443 = arith.constant 1.250000e-01 : f32
          %mul3A_444 = vector.broadcast %mul3A_443 : f32 to vector<16xf32>
          %mul3A_445 = arith.mulf %get3A_442, %mul3A_444 : vector<16xf32>
          %swap3A_446 = arith.index_cast %mul3A_439 : i32 to index
          %swap3A_447 = tpu.vector_load %arg20[%swap3A_446] {strides = array<i32>} : memref<4096xf32, #tpu.memory_space<vmem>>, vector<16xf32>,
          %swap3A_448 = vector.shape_cast %swap3A_447 : vector<16xf32> to vector<16xf32>
          %swap3A_449 = vector.shape_cast %mul3A_445 : vector<16xf32> to vector<16xf32>
          tpu.vector_store %arg20[%swap3A_446], %swap3A_449 {strides = array<i32>} : memref<4096xf32, #tpu.memory_space<vmem>>, vector<16xf32>,
          %mul3A_450 = arith.constant 8 : i32
          %mul3A_451 = arith.muli %scan3A_403, %mul3A_450 : i32
          %add3A_452 = arith.constant 3 : i32
          %add3A_453 = arith.addi %mul3A_451, %add3A_452 : i32
          %mul3A_454 = arith.constant 16 : i32
          %mul3A_455 = arith.muli %add3A_453, %mul3A_454 : i32
          %get3A_456 = arith.index_cast %mul3A_455 : i32 to index
          %get3A_457 = tpu.vector_load %arg20[%get3A_456] {strides = array<i32>} : memref<4096xf32, #tpu.memory_space<vmem>>, vector<16xf32>,
          %get3A_458 = vector.shape_cast %get3A_457 : vector<16xf32> to vector<16xf32>
          %mul3A_459 = arith.constant 1.250000e-01 : f32
          %mul3A_460 = vector.broadcast %mul3A_459 : f32 to vector<16xf32>
          %mul3A_461 = arith.mulf %get3A_458, %mul3A_460 : vector<16xf32>
          %swap3A_462 = arith.index_cast %mul3A_455 : i32 to index
          %swap3A_463 = tpu.vector_load %arg20[%swap3A_462] {strides = array<i32>} : memref<4096xf32, #tpu.memory_space<vmem>>, vector<16xf32>,
          %swap3A_464 = vector.shape_cast %swap3A_463 : vector<16xf32> to vector<16xf32>
          %swap3A_465 = vector.shape_cast %mul3A_461 : vector<16xf32> to vector<16xf32>
          tpu.vector_store %arg20[%swap3A_462], %swap3A_465 {strides = array<i32>} : memref<4096xf32, #tpu.memory_space<vmem>>, vector<16xf32>,
          %mul3A_466 = arith.constant 8 : i32
          %mul3A_467 = arith.muli %scan3A_403, %mul3A_466 : i32
          %add3A_468 = arith.constant 4 : i32
          %add3A_469 = arith.addi %mul3A_467, %add3A_468 : i32
          %mul3A_470 = arith.constant 16 : i32
          %mul3A_471 = arith.muli %add3A_469, %mul3A_470 : i32
          %get3A_472 = arith.index_cast %mul3A_471 : i32 to index
          %get3A_473 = tpu.vector_load %arg20[%get3A_472] {strides = array<i32>} : memref<4096xf32, #tpu.memory_space<vmem>>, vector<16xf32>,
          %get3A_474 = vector.shape_cast %get3A_473 : vector<16xf32> to vector<16xf32>
          %mul3A_475 = arith.constant 1.250000e-01 : f32
          %mul3A_476 = vector.broadcast %mul3A_475 : f32 to vector<16xf32>
          %mul3A_477 = arith.mulf %get3A_474, %mul3A_476 : vector<16xf32>
          %swap3A_478 = arith.index_cast %mul3A_471 : i32 to index
          %swap3A_479 = tpu.vector_load %arg20[%swap3A_478] {strides = array<i32>} : memref<4096xf32, #tpu.memory_space<vmem>>, vector<16xf32>,
          %swap3A_480 = vector.shape_cast %swap3A_479 : vector<16xf32> to vector<16xf32>
          %swap3A_481 = vector.shape_cast %mul3A_477 : vector<16xf32> to vector<16xf32>
          tpu.vector_store %arg20[%swap3A_478], %swap3A_481 {strides = array<i32>} : memref<4096xf32, #tpu.memory_space<vmem>>, vector<16xf32>,
          %mul3A_482 = arith.constant 8 : i32
          %mul3A_483 = arith.muli %scan3A_403, %mul3A_482 : i32
          %add3A_484 = arith.constant 5 : i32
          %add3A_485 = arith.addi %mul3A_483, %add3A_484 : i32
          %mul3A_486 = arith.constant 16 : i32
          %mul3A_487 = arith.muli %add3A_485, %mul3A_486 : i32
          %get3A_488 = arith.index_cast %mul3A_487 : i32 to index
          %get3A_489 = tpu.vector_load %arg20[%get3A_488] {strides = array<i32>} : memref<4096xf32, #tpu.memory_space<vmem>>, vector<16xf32>,
          %get3A_490 = vector.shape_cast %get3A_489 : vector<16xf32> to vector<16xf32>
          %mul3A_491 = arith.constant 1.250000e-01 : f32
          %mul3A_492 = vector.broadcast %mul3A_491 : f32 to vector<16xf32>
          %mul3A_493 = arith.mulf %get3A_490, %mul3A_492 : vector<16xf32>
          %swap3A_494 = arith.index_cast %mul3A_487 : i32 to index
          %swap3A_495 = tpu.vector_load %arg20[%swap3A_494] {strides = array<i32>} : memref<4096xf32, #tpu.memory_space<vmem>>, vector<16xf32>,
          %swap3A_496 = vector.shape_cast %swap3A_495 : vector<16xf32> to vector<16xf32>
          %swap3A_497 = vector.shape_cast %mul3A_493 : vector<16xf32> to vector<16xf32>
          tpu.vector_store %arg20[%swap3A_494], %swap3A_497 {strides = array<i32>} : memref<4096xf32, #tpu.memory_space<vmem>>, vector<16xf32>,
          %mul3A_498 = arith.constant 8 : i32
          %mul3A_499 = arith.muli %scan3A_403, %mul3A_498 : i32
          %add3A_500 = arith.constant 6 : i32
          %add3A_501 = arith.addi %mul3A_499, %add3A_500 : i32
          %mul3A_502 = arith.constant 16 : i32
          %mul3A_503 = arith.muli %add3A_501, %mul3A_502 : i32
          %get3A_504 = arith.index_cast %mul3A_503 : i32 to index
          %get3A_505 = tpu.vector_load %arg20[%get3A_504] {strides = array<i32>} : memref<4096xf32, #tpu.memory_space<vmem>>, vector<16xf32>,
          %get3A_506 = vector.shape_cast %get3A_505 : vector<16xf32> to vector<16xf32>
          %mul3A_507 = arith.constant 1.250000e-01 : f32
          %mul3A_508 = vector.broadcast %mul3A_507 : f32 to vector<16xf32>
          %mul3A_509 = arith.mulf %get3A_506, %mul3A_508 : vector<16xf32>
          %swap3A_510 = arith.index_cast %mul3A_503 : i32 to index
          %swap3A_511 = tpu.vector_load %arg20[%swap3A_510] {strides = array<i32>} : memref<4096xf32, #tpu.memory_space<vmem>>, vector<16xf32>,
          %swap3A_512 = vector.shape_cast %swap3A_511 : vector<16xf32> to vector<16xf32>
          %swap3A_513 = vector.shape_cast %mul3A_509 : vector<16xf32> to vector<16xf32>
          tpu.vector_store %arg20[%swap3A_510], %swap3A_513 {strides = array<i32>} : memref<4096xf32, #tpu.memory_space<vmem>>, vector<16xf32>,
          %mul3A_514 = arith.constant 8 : i32
          %mul3A_515 = arith.muli %scan3A_403, %mul3A_514 : i32
          %add3A_516 = arith.constant 7 : i32
          %add3A_517 = arith.addi %mul3A_515, %add3A_516 : i32
          %mul3A_518 = arith.constant 16 : i32
          %mul3A_519 = arith.muli %add3A_517, %mul3A_518 : i32
          %get3A_520 = arith.index_cast %mul3A_519 : i32 to index
          %get3A_521 = tpu.vector_load %arg20[%get3A_520] {strides = array<i32>} : memref<4096xf32, #tpu.memory_space<vmem>>, vector<16xf32>,
          %get3A_522 = vector.shape_cast %get3A_521 : vector<16xf32> to vector<16xf32>
          %mul3A_523 = arith.constant 1.250000e-01 : f32
          %mul3A_524 = vector.broadcast %mul3A_523 : f32 to vector<16xf32>
          %mul3A_525 = arith.mulf %get3A_522, %mul3A_524 : vector<16xf32>
          %swap3A_526 = arith.index_cast %mul3A_519 : i32 to index
          %swap3A_527 = tpu.vector_load %arg20[%swap3A_526] {strides = array<i32>} : memref<4096xf32, #tpu.memory_space<vmem>>, vector<16xf32>,
          %swap3A_528 = vector.shape_cast %swap3A_527 : vector<16xf32> to vector<16xf32>
          %swap3A_529 = vector.shape_cast %mul3A_525 : vector<16xf32> to vector<16xf32>
          tpu.vector_store %arg20[%swap3A_526], %swap3A_529 {strides = array<i32>} : memref<4096xf32, #tpu.memory_space<vmem>>, vector<16xf32>,
        }
        %scan3A_394 = arith.constant 32 : i32
        %add3A_395 = arith.constant 11 : i32
        %add3A_396 = arith.addi %select_n3A, %add3A_395 : i32
        %dma_start3A_397 = arith.constant 0 : i32
        %dma_start3A_398 = tpu.memref_slice %arg4[%add3A_396, %add3A_52, %dma_start3A_397] : memref<200x64x4096xf32, #tpu.memory_space<hbm>> -> memref<1x1x4096xf32, #tpu.memory_space<hbm>>
        %dma_start3A_399 = tpu.memref_squeeze %dma_start3A_398 : memref<1x1x4096xf32, #tpu.memory_space<hbm>> -> memref<4096xf32, #tpu.memory_space<hbm>>
        %dma_start3A_400 = arith.constant 0 : i32
        %dma_start3A_401 = tpu.memref_slice %arg4[%add3A_396, %add3A_52, %dma_start3A_400] : memref<200x64x4096xf32, #tpu.memory_space<hbm>> -> memref<1x1x4096xf32, #tpu.memory_space<hbm>>
        %dma_start3A_402 = tpu.memref_squeeze %dma_start3A_401 : memref<1x1x4096xf32, #tpu.memory_space<hbm>> -> memref<4096xf32, #tpu.memory_space<hbm>>
        tpu.enqueue_dma source(%arg20 : memref<4096xf32, #tpu.memory_space<vmem>>) target(%dma_start3A_402 : memref<4096xf32, #tpu.memory_space<hbm>>) target_semaphore(%arg23 : memref<!tpu.dma_semaphore, #tpu.memory_space<semaphore_mem>>)
      } else {
      }
      %dma_wait3A_329 = arith.constant 0 : i32
      %dma_wait3A_330 = arith.constant 0 : i32
      %dma_wait3A_331 = arith.constant 0 : i32
      %dma_wait3A_332 = tpu.memref_slice %arg4[%dma_wait3A_329, %dma_wait3A_330, %dma_wait3A_331] : memref<200x64x4096xf32, #tpu.memory_space<hbm>> -> memref<1x1x4096xf32, #tpu.memory_space<hbm>>
      %dma_wait3A_333 = tpu.memref_squeeze %dma_wait3A_332 : memref<1x1x4096xf32, #tpu.memory_space<hbm>> -> memref<4096xf32, #tpu.memory_space<hbm>>
      %dma_wait3A_334 = arith.constant 0 : i32
      %dma_wait3A_335 = tpu.memref_slice %arg4[%dma_wait3A_329, %dma_wait3A_330, %dma_wait3A_334] : memref<200x64x4096xf32, #tpu.memory_space<hbm>> -> memref<1x1x4096xf32, #tpu.memory_space<hbm>>
      %dma_wait3A_336 = tpu.memref_squeeze %dma_wait3A_335 : memref<1x1x4096xf32, #tpu.memory_space<hbm>> -> memref<4096xf32, #tpu.memory_space<hbm>>
      tpu.wait_dma2 semaphore(%arg23 : memref<!tpu.dma_semaphore, #tpu.memory_space<semaphore_mem>>) src(%arg18 : memref<4096xf32, #tpu.memory_space<vmem>>) dst(%dma_wait3A_336 : memref<4096xf32, #tpu.memory_space<hbm>>)
      %dma_wait3A_337 = arith.constant 0 : i32
      %dma_wait3A_338 = arith.constant 0 : i32
      %dma_wait3A_339 = arith.constant 0 : i32
      %dma_wait3A_340 = tpu.memref_slice %arg4[%dma_wait3A_337, %dma_wait3A_338, %dma_wait3A_339] : memref<200x64x4096xf32, #tpu.memory_space<hbm>> -> memref<1x1x4096xf32, #tpu.memory_space<hbm>>
      %dma_wait3A_341 = tpu.memref_squeeze %dma_wait3A_340 : memref<1x1x4096xf32, #tpu.memory_space<hbm>> -> memref<4096xf32, #tpu.memory_space<hbm>>
      %dma_wait3A_342 = arith.constant 0 : i32
      %dma_wait3A_343 = tpu.memref_slice %arg4[%dma_wait3A_337, %dma_wait3A_338, %dma_wait3A_342] : memref<200x64x4096xf32, #tpu.memory_space<hbm>> -> memref<1x1x4096xf32, #tpu.memory_space<hbm>>
      %dma_wait3A_344 = tpu.memref_squeeze %dma_wait3A_343 : memref<1x1x4096xf32, #tpu.memory_space<hbm>> -> memref<4096xf32, #tpu.memory_space<hbm>>
      tpu.wait_dma2 semaphore(%arg23 : memref<!tpu.dma_semaphore, #tpu.memory_space<semaphore_mem>>) src(%arg19 : memref<4096xf32, #tpu.memory_space<vmem>>) dst(%dma_wait3A_344 : memref<4096xf32, #tpu.memory_space<hbm>>)
      %dma_wait3A_345 = arith.constant 0 : i32
      %dma_wait3A_346 = arith.constant 0 : i32
      %dma_wait3A_347 = arith.constant 0 : i32
      %dma_wait3A_348 = tpu.memref_slice %arg4[%dma_wait3A_345, %dma_wait3A_346, %dma_wait3A_347] : memref<200x64x4096xf32, #tpu.memory_space<hbm>> -> memref<1x1x4096xf32, #tpu.memory_space<hbm>>
      %dma_wait3A_349 = tpu.memref_squeeze %dma_wait3A_348 : memref<1x1x4096xf32, #tpu.memory_space<hbm>> -> memref<4096xf32, #tpu.memory_space<hbm>>
      %dma_wait3A_350 = arith.constant 0 : i32
      %dma_wait3A_351 = tpu.memref_slice %arg4[%dma_wait3A_345, %dma_wait3A_346, %dma_wait3A_350] : memref<200x64x4096xf32, #tpu.memory_space<hbm>> -> memref<1x1x4096xf32, #tpu.memory_space<hbm>>
      %dma_wait3A_352 = tpu.memref_squeeze %dma_wait3A_351 : memref<1x1x4096xf32, #tpu.memory_space<hbm>> -> memref<4096xf32, #tpu.memory_space<hbm>>
      tpu.wait_dma2 semaphore(%arg23 : memref<!tpu.dma_semaphore, #tpu.memory_space<semaphore_mem>>) src(%arg20 : memref<4096xf32, #tpu.memory_space<vmem>>) dst(%dma_wait3A_352 : memref<4096xf32, #tpu.memory_space<hbm>>)
      %add3A_353 = arith.constant 1 : i32
      %add3A_354 = arith.addi %scan3A_49, %add3A_353 : i32
      %lt3A_355 = arith.constant 32 : i32
      %lt3A_356 = arith.cmpi slt, %add3A_354, %lt3A_355 : i32
      %convert_element_type3A_357 = arith.extui %lt3A_356 : i1 to i32
      %cond3A_358 = arith.constant 0 : i32
      %cond3A_359 = arith.cmpi ne, %convert_element_type3A_357, %cond3A_358 : i32
      scf.if %cond3A_359 {
        %eq3A_361 = arith.constant 0 : i32
        %eq3A_362 = arith.cmpi eq, %arg1, %eq3A_361 : i32
        %convert_element_type3A_363 = arith.extui %eq3A_362 : i1 to i32
        %cond3A_364 = arith.constant 0 : i32
        %cond3A_365 = arith.cmpi ne, %convert_element_type3A_363, %cond3A_364 : i32
        scf.if %cond3A_365 {
          %dma_wait3A_366 = arith.constant 0 : i32
          %dma_wait3A_367 = arith.constant 0 : i32
          %dma_wait3A_368 = tpu.memref_slice %arg3[%dma_wait3A_366, %dma_wait3A_367] : memref<64x1000000xf32, #tpu.memory_space<hbm>> -> memref<1x1000000xf32, #tpu.memory_space<hbm>>
          %dma_wait3A_369 = tpu.memref_squeeze %dma_wait3A_368 : memref<1x1000000xf32, #tpu.memory_space<hbm>> -> memref<1000000xf32, #tpu.memory_space<hbm>>
          tpu.wait_dma2 semaphore(%arg24 : memref<!tpu.dma_semaphore, #tpu.memory_space<semaphore_mem>>) src(%dma_wait3A_369 : memref<1000000xf32, #tpu.memory_space<hbm>>) dst(%arg21 : memref<1000000xf32, #tpu.memory_space<vmem_shared>>)
        } else {
        }
      } else {
      }
      %barrier3A_360 = arith.constant 0 : index
      tpu.barrier barrier_id(%barrier3A_360)
    }
    %scan3A_48 = arith.constant 32 : i32
    return
  }
}

</mosaic_0001>

<sc_bundles>
// kernel: kernel.3.cloned.1.call-start
scs
__scs_entry_jumppad:
0x0: {  	(pc) =	sbr.rel $0x88, $3  }
0x1: {  	(tag) =	ssettag $0x0;
	lr =	simm.s32 $0x1  }
0x2: {  	[smem:$0x3F9F] =	sst lr;
	_ =	strace $0xD0000000  }
0x3: {  	_ = 	snop  }
0x4: {  	_ = 	snop  }
0x5: {  	_ = 	snop  }
0x6: {  	_ = 	snop  }
0x7: {  	_ = 	snop  }
__scs_overlays_trampoline_lowered:
0x8: {  	[smem:$0x3FAE] =	sst s0  }
0x9: {  	[smem:$0x3FAF] =	sst s1  }
0xa: {  	[smem:$0x3FB0] =	sst s2  }
0xb: {  	[smem:$0x3FB1] =	sst s3  }
0xc: {  	[smem:$0x3FB2] =	sst s4  }
0xd: {  	[smem:$0x3FB3] =	sst s5  }
0xe: {  	[smem:$0x3FB4] =	sst s6  }
0xf: {  	[smem:$0x3FB5] =	sst s7  }
0x10: {  	[smem:$0x3FB6] =	sst s8  }
0x11: {  	[smem:$0x3FB7] =	sst s9;
	s0 =	simm.s32 @!p0 $0x0  }
0x12: {  	s1 =	sld [smem:$0x3F9D];
	s0 =	simm.s32 @p0 $0x1  }
0x13: {  	[smem:$0x3FB8] =	sst s0;
	s0 =	simm.s32 @!p1 $0x0  }
0x14: {  	s2 =	sld [smem:$0x3F9C];
	s0 =	simm.s32 @p1 $0x1  }
0x15: {  	[smem:$0x3FB9] =	sst s0;
	s0 =	simm.s32 @!p2 $0x0  }
0x16: {  	s3 =	sld [smem:$0x3FDB];
	s0 =	simm.s32 @p2 $0x1  }
0x17: {  	s4 =	simm.s32 $0x1BF5;
	[smem:$0x3FBB] =	sst s0  }
0x18: {  	s0 =	sld [smem:$0x3F9E];
	_ =	swait.ge [sflag:s4], $0x0  }
0x19: {  	s7 =	sld [smem:$0x3F9F]  }
0x1a: {  	s8 =	sadd.s32 $0xFFFFE003, lr  }
0x1b: {  	s9 =	sadd.s32 $0xFFFFFEF7, lr;
	s5 =	simm.s32 $0xFFFFFFFF;
	p2 =	slt.u32 s8, $0xFFFFF086  }
0x1c: {  	p1 =	slt.u32 s9, $0xF7A;
	s5 =	simm.s32 @!p2 $0x0  }
0x1d: {  	s5 =	simm.s32 @p1 $0x1;
	p0 =	seq.s32 s7, s2  }
0x1e: {  	s7 =	smul.u32 @!p0 $0xF7A, s2;
	p2 =	seq.s32 @!p0 s5, $0x0  }
0x1f: {  	s9 =	smul.u32 $0xF7A, s1;
	s8 =	simm.s32 @!p0 $0x1BF5;
	p2 =	por !p2, p0  }
0x20: {  	[sflag:s8] =	ssyncset.s32 @!p0 $0xFFFFF086;
	s6 =	sadd.s32 @!p0 s3, s7;
	s7 =	simm.s32 @!p0 $0x108  }
0x21: {  	s3 =	sadd.s32 s3, s9;
	s6 =	sadd.s32 @!p0 $0x88, s6;
	s7 =	simm.s32 @p2 $0x1082  }
0x22: {  	[simem:s7], [sflag:s8] =	dma.local @!p0 [hbm:s6], $0xF7A  }
0x23: {  	s9 =	sor.u32 $0xD0000000, s2;
	s6 =	simm.s32 $0x108;
	_ =	swait.ge @!p0 [sflag:s8], $0x0  }
0x24: {  	s3 =	sadd.s32 $0x88, s3;
	s6 =	simm.s32 @!p1 $0x1082;
	[sflag:s4] =	ssyncset.s32 $0xFFFFF086  }
0x25: {  	[simem:s6], [sflag:s4] =	dma.local [hbm:s3], $0xF7A  }
0x26: {  	[smem:$0x3F9F] =	sst s1;
	(tag) =	ssettag s2;
	_ =	strace s9  }
0x27: {  	s1 =	sld [smem:$0x3FAF]  }
0x28: {  	s2 =	sld [smem:$0x3FB0]  }
0x29: {  	s4 =	sld [smem:$0x3FB2]  }
0x2a: {  	p0 =	seq.s32 s5, $0x0;
	s5 =	sld [smem:$0x3FB3]  }
0x2b: {  	s6 =	sld [smem:$0x3FB4]  }
0x2c: {  	s7 =	sld [smem:$0x3FB5]  }
0x2d: {  	s3 =	simm.s32 $0x108;
	s8 =	sld [smem:$0x3FB6]  }
0x2e: {  	s3 =	simm.s32 @!p0 $0x1082;
	s9 =	sld [smem:$0x3FB7]  }
0x2f: {  	lr =	sadd.s32 s0, s3;
	s0 =	sld [smem:$0x3FAE]  }
0x30: {  	s3 =	sld [smem:$0x3FB1]  }
0x31: {  	[smem:$0x3FBA] =	sst s10  }
0x32: {  	s10 =	sld [smem:$0x3FB8];
	_ =	sdelay $0x3  }
0x33: {  	p0 =	seq.s32 s10, $0x1;
	s10 =	sld [smem:$0x3FBA];
	_ =	sdelay $0x3  }
0x34: {  	[smem:$0x3FBA] =	sst s10  }
0x35: {  	s10 =	sld [smem:$0x3FB9];
	_ =	sdelay $0x3  }
0x36: {  	p1 =	seq.s32 s10, $0x1;
	s10 =	sld [smem:$0x3FBA];
	_ =	sdelay $0x3  }
0x37: {  	[smem:$0x3FBA] =	sst s10  }
0x38: {  	s10 =	sld [smem:$0x3FBB]  }
0x39: {  	_ = 	snop;
	(pc) =	sbr.ind lr, $3  }
0x3a: {  	_ = 	snop  }
0x3b: {  	_ = 	snop  }
0x3c: {  	p2 =	seq.s32 s10, $0x1;
	s10 =	sld [smem:$0x3FBA]  }
0x3d: {  	_ =	shalt  }
0x3e: {  	_ =	shalt  }
0x3f: {  	_ =	shalt  }
0x40: {  	_ =	shalt  }
0x41: {  	_ =	shalt  }
0x42: {  	_ =	shalt  }
0x43: {  	_ =	shalt  }
0x44: {  	_ =	shalt  }
0x45: {  	_ =	shalt  }
0x46: {  	_ =	shalt  }
0x47: {  	_ =	shalt  }
0x48: {  	_ =	shalt  }
0x49: {  	_ =	shalt  }
0x4a: {  	_ =	shalt  }
0x4b: {  	_ =	shalt  }
0x4c: {  	_ =	shalt  }
0x4d: {  	_ =	shalt  }
0x4e: {  	_ =	shalt  }
0x4f: {  	_ =	shalt  }
0x50: {  	_ =	shalt  }
0x51: {  	_ =	shalt  }
0x52: {  	_ =	shalt  }
0x53: {  	_ =	shalt  }
0x54: {  	_ =	shalt  }
0x55: {  	_ =	shalt  }
0x56: {  	_ =	shalt  }
0x57: {  	_ =	shalt  }
0x58: {  	_ =	shalt  }
0x59: {  	_ =	shalt  }
0x5a: {  	_ =	shalt  }
0x5b: {  	_ =	shalt  }
0x5c: {  	_ =	shalt  }
0x5d: {  	_ =	shalt  }
0x5e: {  	_ =	shalt  }
0x5f: {  	_ =	shalt  }
0x60: {  	_ =	shalt  }
0x61: {  	_ =	shalt  }
0x62: {  	_ =	shalt  }
0x63: {  	_ =	shalt  }
0x64: {  	_ =	shalt  }
0x65: {  	_ =	shalt  }
0x66: {  	_ =	shalt  }
0x67: {  	_ =	shalt  }
0x68: {  	_ =	shalt  }
0x69: {  	_ =	shalt  }
0x6a: {  	_ =	shalt  }
0x6b: {  	_ =	shalt  }
0x6c: {  	_ =	shalt  }
0x6d: {  	_ =	shalt  }
0x6e: {  	_ =	shalt  }
0x6f: {  	_ =	shalt  }
0x70: {  	_ =	shalt  }
0x71: {  	_ =	shalt  }
0x72: {  	_ =	shalt  }
0x73: {  	_ =	shalt  }
0x74: {  	_ =	shalt  }
0x75: {  	_ =	shalt  }
0x76: {  	_ =	shalt  }
0x77: {  	_ =	shalt  }
0x78: {  	_ =	shalt  }
0x79: {  	_ =	shalt  }
0x7a: {  	_ =	shalt  }
0x7b: {  	_ =	shalt  }
0x7c: {  	_ =	shalt  }
0x7d: {  	_ =	shalt  }
0x7e: {  	_ =	shalt  }
0x7f: {  	_ =	shalt  }
0x80: {  	_ =	shalt  }
0x81: {  	_ =	shalt  }
0x82: {  	_ =	shalt  }
0x83: {  	_ =	shalt  }
0x84: {  	_ =	shalt  }
0x85: {  	_ =	shalt  }
0x86: {  	_ =	shalt  }
0x87: {  	_ =	shalt  }
.Lfunc_end0:
.L_simem_size_0:
called_computation_lowered:
.L_overlay_start_0:
0x88: {  	s2 =	sld [smem:$0x3FD9]  }
0x89: {  	s3 =	sld [smem:$0x3FFE];
	_ =	sdelay $0x1  }
0x8a: {  	s1 =	srdreg.scid  }
0x8b: {  	s0 =	sand.u32 $0x1, s1  }
0x8c: {  	s18 =	sshll.u32 s0, $0xA;
	s2 =	sadd.s32 s3, s2  }
0x8d: {  	s2 =	sadd.s32 s2, s18  }
0x8e: {  	[smem:$0x3FC6] =	sst s2  }
0x8f: {  	_ = 	snop  }
0x90: {  	s2 =	sld [smem:$0x3FC9]  }
0x91: {  	s19 =	sld [smem:$0x3FC8]  }
0x92: {  	s4 =	sld [smem:$0x3FD0];
	(tm) =	ssettm $0x1  }
0x93: {  	s5 =	sld [smem:$0x3FFB];
	_ =	sdelay $0x3  }
0x94: {  	_ =	strace s5  }
0x95: {  	s5 =	sld [smem:$0x3FFC];
	_ =	sdelay $0x3  }
0x96: {  	_ =	strace s5  }
0x97: {  	s5 =	sld [smem:$0x3FFD];
	_ =	sdelay $0x3  }
0x98: {  	_ =	strace s5  }
0x99: {  	_ =	strace $0x8FFFFFFF  }
0x9a: {  	s20 =	sld [smem:$0x3FDB];
	_ =	sdelay $0x1  }
0x9b: {  	s6 =	simm.s32 $_scs_section_size  }
0x9c: {  	s7 =	simm.s32 $_size__tile_overlayer_lowered;
	s8 =	simm.s32 $_tile_overlayer_lowered  }
0x9d: {  	s23 =	simm.s32 $0x1BFF;
	s22 =	sshll.u32 s8, $0x1;
	s5 =	sadd.s32 s6, s20  }
0x9e: {  	s9 =	simm.s32 $0x0;
	s21 =	sshll.u32 s7, $0x1;
	s7 =	sadd.s32 s22, s5  }
0x9f: {  	[timem:s9], [sflag:s23] =	dma.local [hbm:s7], s21  }
0xa0: {  	_ =	swait.ge [sflag:s23], s21  }
0xa1: {  	s6 =	ssub.s32 $0x0, s21;
	[sflag:s23] =	ssyncset.done $0x0  }
0xa2: {  	[sflag:s23] =	ssyncadd.s32 s6;
	_ =	sdelay $0x1  }
0xa3: {  	s24 =	simm.s32 $0x1B8B  }
0xa4: {  	_ =	swait.ge [sflag:s24], $0x1  }
0xa5: {  	[sflag:s24] =	ssyncset.done $0x0  }
0xa6: {  	s25 =	simm.s32 $0x1B8E;
	[sflag:s24] =	ssyncadd.s32 $0xFFFFFFFF  }
0xa7: {  	s26 =	simm.s32 $execute0_lowered;
	[smem:$0x3FD2] =	sst s25  }
0xa8: {  	s6 =	sshll.u32 s26, $0x1;
	_ =	strace $0x80000046;
	[dreg:$0x1] =	wrdreg $0xFFFFFFFF  }
0xa9: {  	s28 =	simm.s32 $_size_execute0_lowered;
	s5 =	sadd.s32 s5, s6;
	[dreg:$0x0] =	wrdreg $0x0  }
0xaa: {  	s6 =	sshll.u32 s28, $0x1;
	[dreg:$0x2] =	wrdreg s5  }
0xab: {  	[dreg:$0x3] =	wrdreg s6  }
0xac: {  	[dreg:$0x4] =	wrdreg $0xC0  }
0xad: {  	_ =	task [dreg:s9], $0x5FFFF  }
0xae: {  	[dreg:$0x1] =	wrdreg $0xFFFFFFFF  }
0xaf: {  	[dreg:$0x0] =	wrdreg $0x60  }
0xb0: {  	[dreg:$0x2] =	wrdreg s2  }
0xb1: {  	[dreg:$0x3] =	wrdreg s19  }
0xb2: {  	[dreg:$0x4] =	wrdreg s4  }
0xb3: {  	[dreg:$0x5] =	wrdreg $0x100000  }
0xb4: {  	[dreg:$0x6] =	wrdreg $0x9  }
0xb5: {  	_ =	task.clear_ibuf [dreg:s9], $0x7FFFF;
	_ =	strace $0x90000046  }
0xb6: {  	s29 =	simm.s32 $0x9;
	_ =	strace $0x80000048  }
0xb7: {  	_ =	swait.ge [sflag:s29], $0x1  }
0xb8: {  	[sflag:s29] =	ssyncadd.s32 $0xFFFFFFFF  }
0xb9: {  	_ =	strace $0x90000048  }
0xba: {  	_ =	sfence  }
0xbb: {  	s30 =	sld [smem:$0x0];
	_ =	sdelay $0x2  }
0xbc: {  	s31 =	sshll.u32 s1, $0xD;
	s1 =	sshrl.u32 s1, $0x2  }
0xbd: {  	s3 =	sand.u32 $0x4000, s31;
	s1 =	sadd.s32 s1, s30  }
0xbe: {  	s0 =	sor.u32 s3, s0;
	s1 =	sshll.u32 s1, $0x11  }
0xbf: {  	s0 =	sor.u32 s1, s0  }
0xc0: {  	s0 =	sadd.s32 $0x8F2B, s0  }
0xc1: {  	[sflag:s0] =	ssyncadd.remote.s32 $0x1  }
0xc2: {  	_ =	sfence.sel $0xFFFF  }
0xc3: {  	[dreg:$0x0] =	wrdreg $0xFFFFFFFF;
	(pc) =	sbr.abs _section_cstart, $3  }
0xc4: {  	[dreg:$0x1] =	wrdreg $0xFFFFFFFF  }
0xc5: {  	_ =	task.clear_ibuf [dreg:s9], $0x2FFFF;
	_ =	strace $0x9FFFFFFF  }
0xc6: {  	(tm) =	ssettm $0x7FFFFFFF  }
0xc7: {  	_ =	shalt  }
tec
execute0_lowered:
.L_overlay_start_1:
0x0: {  	(tag) =	ssettag $0x1  }
0x1: {  	s2 =	stileid.u32;
	s1 =	srdreg.scid  }
0x2: {  	s0 =	smul.u32 $0xC, s2;
	s1 =	sand.u32 $0x1, s1  }
0x3: {  	s5 =	rddreg [dreg:$0x0];
	s6 =	smul.u32 $0xD, s2;
	s26 =	ssub.s32 $0x2, s1  }
0x4: {  	p0 =	slt.u32 s2, $0x8;
	s2 =	sadd.s32 $0x8, s0;
	s4 =	sshrl.u32 s26, $0x1  }
0x5: {  	s2 =	smov.u32 @p0 s6;
	s0 =	ssub.s32 s26, s4;
	s6 =	sadd.s32 $0xC, s6  }
0x6: {  	s3 =	sshll.u32 s2, $0xC;
	s7 =	sshll.u32 s2, $0x7;
	s4 =	sadd.s32 $0x2, s2  }
0x7: {  	s0 =	smax.u32 s0, $0x1;
	s8 =	sand.u32 $0x1F8000, s3;
	s12 =	sand.u32 $0x380, s7  }
0x8: {  	s3 =	sadd.s32 $0x1, s2;
	s10 =	sshll.u32 s4, $0x9;
	s11 =	sor.u32 s12, s8  }
0x9: {  	s7 =	sshll.u32 s3, $0x4;
	s8 =	sshll.u32 s3, $0x9;
	s14 =	sand.u32 $0x7F000, s10  }
0xa: {  	s9 =	sand.u32 $0x70, s7;
	s7 =	sand.u32 $0x7F000, s8;
	s11 =	sshrl.u32 s11, $0x3  }
0xb: {  	s8 =	sadd.s32 s5, s9;
	s9 =	sshll.u32 s4, $0x4;
	s11 =	sadd.s32 s5, s11  }
0xc: {  	s7 =	sadd.s32 s7, s8;
	s13 =	sand.u32 $0x70, s9;
	[dreg:$0xe] =	wrdreg s11  }
0xd: {  	[dreg:$0x5] =	wrdreg s7;
	s8 =	sadd.s32 s5, s13;
	s7 =	sadd.s32 $0x3, s2  }
0xe: {  	s8 =	sadd.s32 s14, s8;
	s15 =	sshll.u32 s7, $0x9;
	s10 =	sshll.u32 s7, $0x4  }
0xf: {  	[dreg:$0x6] =	wrdreg s8;
	s8 =	sadd.s32 $0x4, s2;
	s9 =	sand.u32 $0x7F000, s15  }
0x10: {  	s10 =	sand.u32 $0x70, s10;
	s13 =	sshll.u32 s8, $0x4;
	s14 =	sshll.u32 s8, $0x9  }
0x11: {  	s10 =	sadd.s32 s5, s10;
	s13 =	sand.u32 $0x70, s13;
	s14 =	sand.u32 $0x7F000, s14  }
0x12: {  	s9 =	sadd.s32 s9, s10;
	s10 =	sadd.s32 $0x6, s2;
	s13 =	sadd.s32 s5, s13  }
0x13: {  	[dreg:$0x7] =	wrdreg s9;
	s9 =	sadd.s32 $0x5, s2;
	s15 =	sshll.u32 s10, $0x4  }
0x14: {  	s28 =	sshll.u32 s10, $0x12;
	s16 =	sadd.s32 s14, s13;
	s17 =	sshll.u32 s9, $0x9  }
0x15: {  	s18 =	sshll.u32 s9, $0x4;
	s15 =	sand.u32 $0x70, s15;
	[dreg:$0x8] =	wrdreg s16  }
0x16: {  	s13 =	sand.u32 $0x7F000, s17;
	s14 =	sand.u32 $0x70, s18;
	s16 =	sshll.u32 s10, $0x9  }
0x17: {  	s15 =	sadd.s32 s5, s15;
	s17 =	sadd.s32 $0x7, s2;
	s18 =	sadd.s32 $0x8, s2  }
0x18: {  	s14 =	sadd.s32 s5, s14;
	s16 =	sand.u32 $0x7F000, s16;
	s20 =	sshll.u32 s17, $0x4  }
0x19: {  	s21 =	sshll.u32 s17, $0x9;
	s22 =	sshll.u32 s18, $0xC;
	s29 =	sshll.u32 s17, $0x12  }
0x1a: {  	s30 =	sshll.u32 s18, $0x12;
	s13 =	sadd.s32 s13, s14;
	s19 =	sadd.s32 s16, s15  }
0x1b: {  	s14 =	sand.u32 $0x7F000, s21;
	s23 =	sand.u32 $0x3F8000, s22;
	[dreg:$0x9] =	wrdreg s13  }
0x1c: {  	s21 =	simm.s32 $0x0;
	[dreg:$0xa] =	wrdreg s19;
	s13 =	sand.u32 $0x70, s20  }
0x1d: {  	s12 =	sor.u32 s12, s23;
	s19 =	sadd.s32 $0xA, s2;
	[smem:$0x7FF] =	sst s21  }
0x1e: {  	s23 =	sshll.u32 s6, $0x4;
	s21 =	rddreg [dreg:$0x1];
	s6 =	sshll.u32 s6, $0x9  }
0x1f: {  	s13 =	sadd.s32 s5, s13;
	s26 =	sshll.u32 s19, $0x4;
	s20 =	sshll.u32 s19, $0x9  }
0x20: {  	s12 =	sshrl.u32 s12, $0x3;
	s6 =	sand.u32 $0x1F000, s6;
	s13 =	sadd.s32 s14, s13  }
0x21: {  	s14 =	sadd.s32 $0x9, s2;
	s16 =	sand.u32 $0x70, s26;
	s20 =	sand.u32 $0x7F000, s20  }
0x22: {  	s12 =	sadd.s32 s5, s12;
	s26 =	smul.u32 $0x3D0A00, s1;
	s1 =	sshll.u32 s1, $0x5  }
0x23: {  	[dreg:$0xb] =	wrdreg s13;
	s24 =	sshll.u32 s14, $0x9;
	s25 =	sshll.u32 s14, $0x4  }
0x24: {  	s16 =	sadd.s32 s5, s16;
	[dreg:$0xf] =	wrdreg s12;
	s31 =	sshll.u32 s14, $0x12  }
0x25: {  	s14 =	sshll.u32 s19, $0x12;
	s13 =	sand.u32 $0x7F000, s24;
	s15 =	sand.u32 $0x70, s25  }
0x26: {  	s20 =	sadd.s32 s20, s16;
	s16 =	rddreg [dreg:$0x3];
	s15 =	sadd.s32 s5, s15  }
0x27: {  	s24 =	sand.u32 $0x70, s23;
	[dreg:$0xd] =	wrdreg s20;
	s13 =	sadd.s32 s13, s15  }
0x28: {  	s23 =	sshll.u32 s4, $0x12;
	[dreg:$0xc] =	wrdreg s13;
	s13 =	sadd.s32 $0xB, s2  }
0x29: {  	s4 =	simm.s32 $0x400;
	s15 =	rddreg [dreg:$0x2];
	s22 =	sshll.u32 s13, $0x4  }
0x2a: {  	s25 =	sshll.u32 s13, $0x9;
	s10 =	sshll.u32 s13, $0x12;
	s13 =	simm.s32 $0xD000  }
0x2b: {  	s11 =	sand.u32 $0x70, s22;
	s12 =	sand.u32 $0x7F000, s25;
	s22 =	sshll.u32 s3, $0x12  }
0x2c: {  	s25 =	sshll.u32 s8, $0x12;
	s3 =	simm.s32 $0x80;
	s8 =	simm.s32 $0xF000  }
0x2d: {  	s11 =	sadd.s32 s5, s11;
	s5 =	sadd.s32 s5, s24;
	s24 =	sshll.u32 s7, $0x12  }
0x2e: {  	s7 =	simm.s32 $0x1;
	s11 =	sadd.s32 s12, s11;
	s5 =	sadd.s32 s6, s5  }
0x2f: {  	s12 =	sadd.s32 s21, s26;
	s21 =	sshll.u32 s2, $0x12;
	[dreg:$0x10] =	wrdreg s11  }
0x30: {  	s26 =	sshll.u32 s9, $0x12;
	s6 =	simm.s32 $0x1000;
	[dreg:$0x11] =	wrdreg s5  }
.Ltmp0:
0x31: {  	_ =	strace $0x80000047;
	[dreg:$0x12] =	wrdreg s12;
	(pc) =	sbr.rel .LBB2_1-.Ltmp0, $4  }
0x32: {  	s2 =	simm.s32 $0xE000;
	[dreg:$0x13] =	wrdreg s1;
	s1 =	stileid.u32  }
0x33: {  	s20 =	sadd.s32 $0x300000, s21;
	[dreg:$0x14] =	wrdreg s0;
	p0 =	sgt.u32 s1, $0x7  }
0x34: {  	s9 =	simm.s32 $0x2;
	[dreg:$0x15] =	wrdreg s20;
	p2 =	sne.s32 @!p0 s1, $0x0  }
0x35: {  	s1 =	simm.s32 $0x0;
	p1 =	por p2, p0;
	p2 =	por !p2, p0  }
.LBB2_41:
0x36: {  	s1 =	rddreg [dreg:$0x16]  }
0x37: {  	s0 =	rddreg [dreg:$0x14];
	s1 =	sadd.s32 $0x1, s1  }
0x38: {  	p3 =	sne.s32 s1, s0  }
.Ltmp1:
0x39: {  	_ = 	snop;
	(pc) =	sbr.rel @!p3 .LBB2_42-.Ltmp1, $1  }
0x3a: {  	_ =	sdelay $0x3  }
.LBB2_1:
0x3b: {  	[dreg:$0x16] =	wrdreg s1  }
0x3c: {  	s0 =	simm.s32 $0x0;
	s18 =	rddreg [dreg:$0xe];
	s1 =	simm.s32 $0x4  }
0x3d: {  	[tilespmem:s0], [sflag:$0x4] =	stream.strided.gather [hbm4b:s18+s3], $0x1000, s4, s3, $0x38;
	[tilespmem:$0x1F428] =	vst v63  }
0x3e: {  	_ =	swait.ge [sflag:s1], $0x1000  }
0x3f: {  	[sflag:s1] =	ssyncset.done $0x0  }
0x40: {  	s19 =	rddreg [dreg:$0x5];
	[sflag:s1] =	ssyncadd.s32 $0xFFFFF000  }
0x41: {  	[tilespmem:s6], [sflag:$0x4] =	stream.strided.gather [hbm4b:s19+s3], $0x1000, s4, s3, $0x38;
	[tilespmem:$0x1F428] =	vst v63  }
0x42: {  	_ =	swait.ge [sflag:s1], $0x1000  }
0x43: {  	[sflag:s1] =	ssyncset.done $0x0  }
0x44: {  	s5 =	simm.s32 $0x2000;
	s20 =	rddreg [dreg:$0x6];
	[sflag:s1] =	ssyncadd.s32 $0xFFFFF000  }
0x45: {  	[tilespmem:s5], [sflag:$0x4] =	stream.strided.gather [hbm4b:s20+s3], $0x1000, s4, s3, $0x38;
	[tilespmem:$0x1F428] =	vst v63  }
0x46: {  	_ =	swait.ge [sflag:s1], $0x1000  }
0x47: {  	[sflag:s1] =	ssyncset.done $0x0  }
0x48: {  	s12 =	simm.s32 $0x3000;
	s11 =	rddreg [dreg:$0x7];
	[sflag:s1] =	ssyncadd.s32 $0xFFFFF000  }
0x49: {  	[tilespmem:s12], [sflag:$0x4] =	stream.strided.gather [hbm4b:s11+s3], $0x1000, s4, s3, $0x38;
	[tilespmem:$0x1F428] =	vst v63  }
0x4a: {  	_ =	swait.ge [sflag:s1], $0x1000  }
0x4b: {  	[sflag:s1] =	ssyncset.done $0x0  }
0x4c: {  	s18 =	simm.s32 $0x4000;
	s17 =	rddreg [dreg:$0x8];
	[sflag:s1] =	ssyncadd.s32 $0xFFFFF000  }
0x4d: {  	[tilespmem:s18], [sflag:$0x4] =	stream.strided.gather [hbm4b:s17+s3], $0x1000, s4, s3, $0x38;
	[tilespmem:$0x1F428] =	vst v63  }
0x4e: {  	_ =	swait.ge [sflag:s1], $0x1000  }
0x4f: {  	[sflag:s1] =	ssyncset.done $0x0  }
0x50: {  	s20 =	simm.s32 $0x5000;
	s19 =	rddreg [dreg:$0x9];
	[sflag:s1] =	ssyncadd.s32 $0xFFFFF000  }
0x51: {  	[tilespmem:s20], [sflag:$0x4] =	stream.strided.gather [hbm4b:s19+s3], $0x1000, s4, s3, $0x38;
	[tilespmem:$0x1F428] =	vst v63  }
0x52: {  	_ =	swait.ge [sflag:s1], $0x1000  }
0x53: {  	[sflag:s1] =	ssyncset.done $0x0  }
0x54: {  	s12 =	simm.s32 $0x6000;
	s11 =	rddreg [dreg:$0xa];
	[sflag:s1] =	ssyncadd.s32 $0xFFFFF000  }
0x55: {  	[tilespmem:s12], [sflag:$0x4] =	stream.strided.gather [hbm4b:s11+s3], $0x1000, s4, s3, $0x38;
	[tilespmem:$0x1F428] =	vst v63  }
0x56: {  	_ =	swait.ge [sflag:s1], $0x1000  }
0x57: {  	[sflag:s1] =	ssyncset.done $0x0  }
0x58: {  	s18 =	simm.s32 $0x7000;
	s17 =	rddreg [dreg:$0xb];
	[sflag:s1] =	ssyncadd.s32 $0xFFFFF000  }
0x59: {  	[tilespmem:s18], [sflag:$0x4] =	stream.strided.gather [hbm4b:s17+s3], $0x1000, s4, s3, $0x38;
	[tilespmem:$0x1F428] =	vst v63  }
0x5a: {  	_ =	swait.ge [sflag:s1], $0x1000  }
0x5b: {  	[sflag:s1] =	ssyncset.done $0x0  }
0x5c: {  	s20 =	simm.s32 $0x8000;
	s19 =	rddreg [dreg:$0xf];
	[sflag:s1] =	ssyncadd.s32 $0xFFFFF000  }
0x5d: {  	[tilespmem:s20], [sflag:$0x4] =	stream.strided.gather [hbm4b:s19+s3], $0x1000, s4, s3, $0x38;
	[tilespmem:$0x1F428] =	vst v63  }
0x5e: {  	_ =	swait.ge [sflag:s1], $0x1000  }
0x5f: {  	[sflag:s1] =	ssyncset.done $0x0  }
0x60: {  	s12 =	simm.s32 $0x9000;
	s11 =	rddreg [dreg:$0xc];
	[sflag:s1] =	ssyncadd.s32 $0xFFFFF000  }
0x61: {  	[tilespmem:s12], [sflag:$0x4] =	stream.strided.gather [hbm4b:s11+s3], $0x1000, s4, s3, $0x38;
	[tilespmem:$0x1F428] =	vst v63  }
0x62: {  	_ =	swait.ge [sflag:s1], $0x1000  }
0x63: {  	[sflag:s1] =	ssyncset.done $0x0  }
0x64: {  	s18 =	simm.s32 $0xA000;
	s17 =	rddreg [dreg:$0xd];
	[sflag:s1] =	ssyncadd.s32 $0xFFFFF000  }
0x65: {  	[tilespmem:s18], [sflag:$0x4] =	stream.strided.gather [hbm4b:s17+s3], $0x1000, s4, s3, $0x38;
	[tilespmem:$0x1F428] =	vst v63  }
0x66: {  	_ =	swait.ge [sflag:s1], $0x1000  }
0x67: {  	[sflag:s1] =	ssyncset.done $0x0  }
0x68: {  	s20 =	simm.s32 $0xB000;
	s19 =	rddreg [dreg:$0x10];
	[sflag:s1] =	ssyncadd.s32 $0xFFFFF000  }
0x69: {  	[tilespmem:s20], [sflag:$0x4] =	stream.strided.gather [hbm4b:s19+s3], $0x1000, s4, s3, $0x38;
	[tilespmem:$0x1F428] =	vst v63  }
0x6a: {  	_ =	swait.ge [sflag:s1], $0x1000  }
0x6b: {  	s11 =	simm.s32 @!p0 $0x400;
	s12 =	simm.s32 @!p0 $0xC000;
	[sflag:s1] =	ssyncset.done $0x0  }
0x6c: {  	s0 =	rddreg [dreg:$0x11];
	[sflag:s1] =	ssyncadd.s32 $0xFFFFF000;
	s1 =	simm.s32 @!p0 $0x80  }
0x6d: {  	[tilespmem:s12], [sflag:$0x4] =	stream.strided.gather @!p0 [hbm4b:s0+s1], $0x1000, s11, s1, $0x38;
	[tilespmem:$0x1F428] =	vst v63  }
0x6e: {  	s1 =	simm.s32 @!p0 $0x4  }
0x6f: {  	s17 =	simm.s32 @!p1 $0x80;
	s18 =	simm.s32 @!p1 $0x1C03;
	_ =	swait.ge @!p0 [sflag:s1], $0x1000  }
0x70: {  	s11 =	simm.s32 @!p1 $0x1;
	s12 =	simm.s32 @!p1 $0x10;
	[sflag:s1] =	ssyncset.done @!p0 $0x0  }
0x71: {  	s0 =	rddreg [dreg:$0x12];
	[sflag:s1] =	ssyncadd.s32 @!p0 $0xFFFFF000;
	s1 =	sshrl.u32 @!p1 s16, $0x3  }
0x72: {  	[spmem:s1@s12], [sflag:s18] =	dma.strided @!p1 [hbm:s0@s17], $0x1E850, s11, $0x10   }
0x73: {  	s1 =	simm.s32 @!p1 $0x3  }
.Ltmp2:
0x74: {  	_ =	swait.ge @!p1 [sflag:s1], $0x1E850;
	(pc) =	sbr.rel .LBB2_2-.Ltmp2, $4  }
0x75: {  	[sflag:s1] =	ssyncset.done @!p1 $0x0  }
0x76: {  	p3 =	por @!p0 $0x0, $0x0;
	p4 =	por @!p1 $0x1, $0x1;
	[sflag:s1] =	ssyncadd.s32 @!p1 $0xFFFE17B0  }
0x77: {  	p4 =	por @!p2 p3, p3;
	p3 =	por $0x0, $0x0;
	[bflag:$0x0] =	sbarrier.arrive $0xFFFF  }
0x78: {  	p3 =	por @!p0 p4, p4;
	s11 =	simm.s32 $0x0  }
.LBB2_32:
0x79: {  	[tilespmem:s18+$0xD000] =	vst v6;
	v4 =	vmul.f32 $1.250000000e-01, v4;
	v60 =	vld [tilespmem:s18+$0xD070]  }
0x7a: {  	[tilespmem:s18+$0xD010] =	vst v5;
	v1 =	vmul.f32 $1.250000000e-01, v1  }
0x7b: {  	v0 =	vmul.f32 $1.250000000e-01, v0;
	[tilespmem:s18+$0xD020] =	vst v4  }
0x7c: {  	v61 =	vmul.f32 $1.250000000e-01, v2;
	[tilespmem:s18+$0xD030] =	vst v1  }
0x7d: {  	v62 =	vmul.f32 $1.250000000e-01, v3;
	[tilespmem:s18+$0xD040] =	vst v0  }
0x7e: {  	[tilespmem:s18+$0xD050] =	vst v61;
	v63 =	vmul.f32 $1.250000000e-01, v60  }
0x7f: {  	[tilespmem:s18+$0xD060] =	vst v62  }
0x80: {  	s1 =	simm.s32 $0xD000;
	[tilespmem:s18+$0xD070] =	vst v63;
	s18 =	rddreg [dreg:$0x15]  }
.LBB2_40:
0x81: {  	s0 =	sor.u32 s18, s12  }
0x82: {  	s0 =	sor.u32 s17, s0  }
0x83: {  	s0 =	sshrl.u32 s0, $0x3  }
0x84: {  	s0 =	sadd.s32 s15, s0  }
0x85: {  	[hbm4b:s0+s3] =	stream.strided.scatter [tilespmem:s1], [sflag:$0x2], $0x1000, s4, s3, $0x38;
	[tilespmem:$0x1F428] =	vst v63  }
0x86: {  	_ =	swait.ge [sflag:s9], $0x1000  }
0x87: {  	[sflag:s9] =	ssyncset.done $0x0  }
0x88: {  	[sflag:s9] =	ssyncadd.s32 $0xFFFFF000  }
0x89: {  	_ =	swait.ge [sflag:s9], $0x1000  }
0x8a: {  	[sflag:s9] =	ssyncset.done $0x0  }
0x8b: {  	[sflag:s9] =	ssyncadd.s32 $0xFFFFF000  }
0x8c: {  	_ =	swait.ge [sflag:s9], $0x1000  }
0x8d: {  	[sflag:s9] =	ssyncset.done $0x0  }
0x8e: {  	s0 =	simm.s32 @p4 $0x3;
	[sflag:s9] =	ssyncadd.s32 $0xFFFFF000  }
0x8f: {  	_ =	swait.ge @p4 [sflag:s0], $0x1E850  }
0x90: {  	s11 =	sadd.s32 $0x1, s11;
	[sflag:s0] =	ssyncset.done @p4 $0x0  }
0x91: {  	[sflag:s0] =	ssyncadd.s32 @p4 $0xFFFE17B0;
	p4 =	sne.s32 s11, $0x20  }
.Ltmp3:
0x92: {  	_ = 	snop;
	(pc) =	sbr.rel @!p4 .LBB2_41-.Ltmp3, $2  }
0x93: {  	_ =	sdelay $0x1  }
0x94: {  	[bflag:$0x0] =	sbarrier.arrive $0xFFFF;
	_ =	sdelay $0x1  }
.LBB2_2:
0x95: {  	s1 =	simm.s32 $0x0  }
0x96: {  	[tilespmem:s13], [sflag:$0x1] =	stream.indirect.gather [spmem:s16], $0x1, s1, s6, $0xb8;
	[tilespmem:$0x1F428] =	vst v63  }
0x97: {  	_ = 	snop  }
0x98: {  	[tilespmem:s2], [sflag:$0x1] =	stream.indirect.gather [spmem:s16], $0x1, s6, s6, $0xb8;
	[tilespmem:$0x1F428] =	vst v63  }
0x99: {  	_ =	swait.ge [sflag:s7], $0x1000  }
0x9a: {  	[sflag:s7] =	ssyncset.done $0x0  }
0x9b: {  	s19 =	simm.s32 $0x0;
	[sflag:s7] =	ssyncadd.s32 $0xFFFFF000  }
0x9c: {  	v0 =	vld [tilespmem:s19+$0xD000]  }
0x9d: {  	v5 =	vld [tilespmem:s19+$0xD010]  }
0x9e: {  	v4 =	vld [tilespmem:s19+$0xD020]  }
0x9f: {  	v3 =	vld [tilespmem:s19+$0xD030]  }
0xa0: {  	v2 =	vld [tilespmem:s19+$0xD040]  }
0xa1: {  	v1 =	vld [tilespmem:s19+$0xD050];
	v6 =	vmul.f32 $1.250000000e-01, v0  }
0xa2: {  	s12 =	simm.s32 $0x200;
	v5 =	vmul.f32 $1.250000000e-01, v5;
	v0 =	vld [tilespmem:s19+$0xD060]  }
.LBB2_3:
0xa3: {  	s1 =	sshra.s32 s12, $0x2;
	p4 =	sne.s32 s12, $0x3E00;
	[tilespmem:s19+$0xD000] =	vst v6;
	v4 =	vmul.f32 $1.250000000e-01, v4;
	v6 =	vld [tilespmem:s19+$0xD070]  }
0xa4: {  	v7 =	vld [tilespmem:s1+$0xD000];
	[tilespmem:s19+$0xD010] =	vst v5;
	v3 =	vmul.f32 $1.250000000e-01, v3  }
0xa5: {  	v5 =	vld [tilespmem:s1+$0xD010];
	[tilespmem:s19+$0xD020] =	vst v4;
	v2 =	vmul.f32 $1.250000000e-01, v2  }
.Ltmp4:
0xa6: {  	v4 =	vld [tilespmem:s1+$0xD020];
	[tilespmem:s19+$0xD030] =	vst v3;
	v1 =	vmul.f32 $1.250000000e-01, v1;
	(pc) =	sbr.rel @p4 .LBB2_3-.Ltmp4, $4  }
0xa7: {  	v3 =	vld [tilespmem:s1+$0xD030];
	[tilespmem:s19+$0xD040] =	vst v2;
	v0 =	vmul.f32 $1.250000000e-01, v0  }
0xa8: {  	v2 =	vld [tilespmem:s1+$0xD040];
	[tilespmem:s19+$0xD050] =	vst v1;
	v8 =	vmul.f32 $1.250000000e-01, v6  }
0xa9: {  	v6 =	vmul.f32 $1.250000000e-01, v7;
	v1 =	vld [tilespmem:s1+$0xD050];
	[tilespmem:s19+$0xD060] =	vst v0  }
0xaa: {  	s12 =	sadd.s32 $0x200, s12;
	v5 =	vmul.f32 $1.250000000e-01, v5;
	v0 =	vld [tilespmem:s1+$0xD060];
	[tilespmem:s19+$0xD070] =	vst v8;
	s19 =	smov.u32 s1  }
0xab: {  	[tilespmem:s19+$0xD000] =	vst v6;
	v4 =	vmul.f32 $1.250000000e-01, v4;
	v6 =	vld [tilespmem:s19+$0xD070];
	s0 =	rddreg [dreg:$0x13]  }
0xac: {  	[tilespmem:s19+$0xD010] =	vst v5;
	v3 =	vmul.f32 $1.250000000e-01, v3;
	s18 =	sadd.s32 s0, s11  }
0xad: {  	s17 =	sshll.u32 s11, $0x7;
	[tilespmem:s19+$0xD020] =	vst v4;
	v2 =	vmul.f32 $1.250000000e-01, v2;
	s1 =	sshll.u32 s18, $0xC  }
0xae: {  	s17 =	sand.u32 $0x380, s17;
	[tilespmem:s19+$0xD030] =	vst v3;
	v1 =	vmul.f32 $1.250000000e-01, v1;
	s12 =	sand.u32 $0x38000, s1  }
0xaf: {  	[tilespmem:s19+$0xD040] =	vst v2;
	v0 =	vmul.f32 $1.250000000e-01, v0;
	s1 =	sor.u32 s17, s12  }
0xb0: {  	[tilespmem:s19+$0xD050] =	vst v1;
	v1 =	vmul.f32 $1.250000000e-01, v6;
	s1 =	sor.u32 s21, s1  }
0xb1: {  	[tilespmem:s19+$0xD060] =	vst v0;
	s1 =	sshrl.u32 s1, $0x3  }
0xb2: {  	[tilespmem:s19+$0xD070] =	vst v1;
	s1 =	sadd.s32 s15, s1  }
0xb3: {  	[hbm4b:s1+s3] =	stream.strided.scatter [tilespmem:s13], [sflag:$0x2], $0x1000, s4, s3, $0x38;
	[tilespmem:$0x1F428] =	vst v63  }
0xb4: {  	s20 =	simm.s32 $0x2000  }
0xb5: {  	[tilespmem:s8], [sflag:$0x1] =	stream.indirect.gather [spmem:s16], $0x1, s20, s6, $0xb8;
	[tilespmem:$0x1F428] =	vst v63  }
0xb6: {  	_ =	swait.ge [sflag:s7], $0x1000  }
0xb7: {  	[sflag:s7] =	ssyncset.done $0x0  }
0xb8: {  	s19 =	simm.s32 $0x0;
	[sflag:s7] =	ssyncadd.s32 $0xFFFFF000  }
0xb9: {  	v3 =	vld [tilespmem:s19+$0xE000]  }
0xba: {  	v5 =	vld [tilespmem:s19+$0xE010]  }
0xbb: {  	v4 =	vld [tilespmem:s19+$0xE020]  }
0xbc: {  	v2 =	vld [tilespmem:s19+$0xE030]  }
0xbd: {  	v0 =	vld [tilespmem:s19+$0xE040]  }
0xbe: {  	v1 =	vld [tilespmem:s19+$0xE050];
	v6 =	vmul.f32 $1.250000000e-01, v3  }
0xbf: {  	s1 =	simm.s32 $0x200;
	v5 =	vmul.f32 $1.250000000e-01, v5;
	v3 =	vld [tilespmem:s19+$0xE060]  }
.LBB2_5:
0xc0: {  	s0 =	sshra.s32 s1, $0x2;
	p4 =	sne.s32 s1, $0x3E00;
	[tilespmem:s19+$0xE000] =	vst v6;
	v4 =	vmul.f32 $1.250000000e-01, v4;
	v6 =	vld [tilespmem:s19+$0xE070]  }
0xc1: {  	v7 =	vld [tilespmem:s0+$0xE000];
	[tilespmem:s19+$0xE010] =	vst v5;
	v2 =	vmul.f32 $1.250000000e-01, v2  }
0xc2: {  	v5 =	vld [tilespmem:s0+$0xE010];
	[tilespmem:s19+$0xE020] =	vst v4;
	v0 =	vmul.f32 $1.250000000e-01, v0  }
.Ltmp5:
0xc3: {  	v4 =	vld [tilespmem:s0+$0xE020];
	[tilespmem:s19+$0xE030] =	vst v2;
	v1 =	vmul.f32 $1.250000000e-01, v1;
	(pc) =	sbr.rel @p4 .LBB2_5-.Ltmp5, $4  }
0xc4: {  	v2 =	vld [tilespmem:s0+$0xE030];
	[tilespmem:s19+$0xE040] =	vst v0;
	v3 =	vmul.f32 $1.250000000e-01, v3  }
0xc5: {  	v0 =	vld [tilespmem:s0+$0xE040];
	[tilespmem:s19+$0xE050] =	vst v1;
	v8 =	vmul.f32 $1.250000000e-01, v6  }
0xc6: {  	v6 =	vmul.f32 $1.250000000e-01, v7;
	v1 =	vld [tilespmem:s0+$0xE050];
	[tilespmem:s19+$0xE060] =	vst v3  }
0xc7: {  	s1 =	sadd.s32 $0x200, s1;
	v5 =	vmul.f32 $1.250000000e-01, v5;
	v3 =	vld [tilespmem:s0+$0xE060];
	[tilespmem:s19+$0xE070] =	vst v8;
	s19 =	smov.u32 s0  }
0xc8: {  	[tilespmem:s19+$0xE000] =	vst v6;
	v4 =	vmul.f32 $1.250000000e-01, v4;
	v6 =	vld [tilespmem:s19+$0xE070]  }
0xc9: {  	[tilespmem:s19+$0xE010] =	vst v5;
	v2 =	vmul.f32 $1.250000000e-01, v2  }
0xca: {  	[tilespmem:s19+$0xE020] =	vst v4;
	v0 =	vmul.f32 $1.250000000e-01, v0  }
0xcb: {  	[tilespmem:s19+$0xE030] =	vst v2;
	v1 =	vmul.f32 $1.250000000e-01, v1  }
0xcc: {  	s0 =	sor.u32 s22, s12;
	[tilespmem:s19+$0xE040] =	vst v0;
	v0 =	vmul.f32 $1.250000000e-01, v3  }
0xcd: {  	s0 =	sor.u32 s17, s0;
	[tilespmem:s19+$0xE050] =	vst v1;
	v1 =	vmul.f32 $1.250000000e-01, v6  }
0xce: {  	s0 =	sshrl.u32 s0, $0x3;
	[tilespmem:s19+$0xE060] =	vst v0  }
0xcf: {  	s0 =	sadd.s32 s15, s0;
	[tilespmem:s19+$0xE070] =	vst v1  }
0xd0: {  	[hbm4b:s0+s3] =	stream.strided.scatter [tilespmem:s2], [sflag:$0x2], $0x1000, s4, s3, $0x38;
	[tilespmem:$0x1F428] =	vst v63  }
0xd1: {  	_ =	swait.ge [sflag:s9], $0x1000  }
0xd2: {  	[sflag:s9] =	ssyncset.done $0x0  }
0xd3: {  	s20 =	simm.s32 $0x3000;
	[sflag:s9] =	ssyncadd.s32 $0xFFFFF000  }
0xd4: {  	[tilespmem:s13], [sflag:$0x1] =	stream.indirect.gather [spmem:s16], $0x1, s20, s6, $0xb8;
	[tilespmem:$0x1F428] =	vst v63  }
0xd5: {  	_ =	swait.ge [sflag:s7], $0x1000  }
0xd6: {  	[sflag:s7] =	ssyncset.done $0x0  }
0xd7: {  	s19 =	simm.s32 $0x0;
	[sflag:s7] =	ssyncadd.s32 $0xFFFFF000  }
0xd8: {  	v3 =	vld [tilespmem:s19+$0xF000]  }
0xd9: {  	v5 =	vld [tilespmem:s19+$0xF010]  }
0xda: {  	v4 =	vld [tilespmem:s19+$0xF020]  }
0xdb: {  	v2 =	vld [tilespmem:s19+$0xF030]  }
0xdc: {  	v0 =	vld [tilespmem:s19+$0xF040]  }
0xdd: {  	v1 =	vld [tilespmem:s19+$0xF050];
	v6 =	vmul.f32 $1.250000000e-01, v3  }
0xde: {  	s1 =	simm.s32 $0x200;
	v5 =	vmul.f32 $1.250000000e-01, v5;
	v3 =	vld [tilespmem:s19+$0xF060]  }
.LBB2_7:
0xdf: {  	s0 =	sshra.s32 s1, $0x2;
	p4 =	sne.s32 s1, $0x3E00;
	[tilespmem:s19+$0xF000] =	vst v6;
	v4 =	vmul.f32 $1.250000000e-01, v4;
	v6 =	vld [tilespmem:s19+$0xF070]  }
0xe0: {  	v7 =	vld [tilespmem:s0+$0xF000];
	[tilespmem:s19+$0xF010] =	vst v5;
	v2 =	vmul.f32 $1.250000000e-01, v2  }
0xe1: {  	v5 =	vld [tilespmem:s0+$0xF010];
	[tilespmem:s19+$0xF020] =	vst v4;
	v0 =	vmul.f32 $1.250000000e-01, v0  }
.Ltmp6:
0xe2: {  	v4 =	vld [tilespmem:s0+$0xF020];
	[tilespmem:s19+$0xF030] =	vst v2;
	v1 =	vmul.f32 $1.250000000e-01, v1;
	(pc) =	sbr.rel @p4 .LBB2_7-.Ltmp6, $4  }
0xe3: {  	v2 =	vld [tilespmem:s0+$0xF030];
	[tilespmem:s19+$0xF040] =	vst v0;
	v3 =	vmul.f32 $1.250000000e-01, v3  }
0xe4: {  	v0 =	vld [tilespmem:s0+$0xF040];
	[tilespmem:s19+$0xF050] =	vst v1;
	v8 =	vmul.f32 $1.250000000e-01, v6  }
0xe5: {  	v6 =	vmul.f32 $1.250000000e-01, v7;
	v1 =	vld [tilespmem:s0+$0xF050];
	[tilespmem:s19+$0xF060] =	vst v3  }
0xe6: {  	s1 =	sadd.s32 $0x200, s1;
	v5 =	vmul.f32 $1.250000000e-01, v5;
	v3 =	vld [tilespmem:s0+$0xF060];
	[tilespmem:s19+$0xF070] =	vst v8;
	s19 =	smov.u32 s0  }
0xe7: {  	[tilespmem:s19+$0xF000] =	vst v6;
	v4 =	vmul.f32 $1.250000000e-01, v4;
	v6 =	vld [tilespmem:s19+$0xF070]  }
0xe8: {  	[tilespmem:s19+$0xF010] =	vst v5;
	v2 =	vmul.f32 $1.250000000e-01, v2  }
0xe9: {  	[tilespmem:s19+$0xF020] =	vst v4;
	v0 =	vmul.f32 $1.250000000e-01, v0  }
0xea: {  	[tilespmem:s19+$0xF030] =	vst v2;
	v1 =	vmul.f32 $1.250000000e-01, v1  }
0xeb: {  	s0 =	sor.u32 s23, s12;
	[tilespmem:s19+$0xF040] =	vst v0;
	v0 =	vmul.f32 $1.250000000e-01, v3  }
0xec: {  	s0 =	sor.u32 s17, s0;
	[tilespmem:s19+$0xF050] =	vst v1;
	v1 =	vmul.f32 $1.250000000e-01, v6  }
0xed: {  	s0 =	sshrl.u32 s0, $0x3;
	[tilespmem:s19+$0xF060] =	vst v0  }
0xee: {  	s0 =	sadd.s32 s15, s0;
	[tilespmem:s19+$0xF070] =	vst v1  }
0xef: {  	[hbm4b:s0+s3] =	stream.strided.scatter [tilespmem:s8], [sflag:$0x2], $0x1000, s4, s3, $0x38;
	[tilespmem:$0x1F428] =	vst v63  }
0xf0: {  	_ =	swait.ge [sflag:s9], $0x1000  }
0xf1: {  	[sflag:s9] =	ssyncset.done $0x0  }
0xf2: {  	s20 =	simm.s32 $0x4000;
	[sflag:s9] =	ssyncadd.s32 $0xFFFFF000  }
0xf3: {  	[tilespmem:s2], [sflag:$0x1] =	stream.indirect.gather [spmem:s16], $0x1, s20, s6, $0xb8;
	[tilespmem:$0x1F428] =	vst v63  }
0xf4: {  	_ =	swait.ge [sflag:s7], $0x1000  }
0xf5: {  	[sflag:s7] =	ssyncset.done $0x0  }
0xf6: {  	s19 =	simm.s32 $0x0;
	[sflag:s7] =	ssyncadd.s32 $0xFFFFF000  }
0xf7: {  	v3 =	vld [tilespmem:s19+$0xD000]  }
0xf8: {  	v5 =	vld [tilespmem:s19+$0xD010]  }
0xf9: {  	v4 =	vld [tilespmem:s19+$0xD020]  }
0xfa: {  	v2 =	vld [tilespmem:s19+$0xD030]  }
0xfb: {  	v0 =	vld [tilespmem:s19+$0xD040]  }
0xfc: {  	v1 =	vld [tilespmem:s19+$0xD050];
	v6 =	vmul.f32 $1.250000000e-01, v3  }
0xfd: {  	s1 =	simm.s32 $0x200;
	v5 =	vmul.f32 $1.250000000e-01, v5;
	v3 =	vld [tilespmem:s19+$0xD060]  }
.LBB2_9:
0xfe: {  	s0 =	sshra.s32 s1, $0x2;
	p4 =	sne.s32 s1, $0x3E00;
	[tilespmem:s19+$0xD000] =	vst v6;
	v4 =	vmul.f32 $1.250000000e-01, v4;
	v6 =	vld [tilespmem:s19+$0xD070]  }
0xff: {  	v7 =	vld [tilespmem:s0+$0xD000];
	[tilespmem:s19+$0xD010] =	vst v5;
	v2 =	vmul.f32 $1.250000000e-01, v2  }
0x100: {  	v5 =	vld [tilespmem:s0+$0xD010];
	[tilespmem:s19+$0xD020] =	vst v4;
	v0 =	vmul.f32 $1.250000000e-01, v0  }
.Ltmp7:
0x101: {  	v4 =	vld [tilespmem:s0+$0xD020];
	[tilespmem:s19+$0xD030] =	vst v2;
	v1 =	vmul.f32 $1.250000000e-01, v1;
	(pc) =	sbr.rel @p4 .LBB2_9-.Ltmp7, $4  }
0x102: {  	v2 =	vld [tilespmem:s0+$0xD030];
	[tilespmem:s19+$0xD040] =	vst v0;
	v3 =	vmul.f32 $1.250000000e-01, v3  }
0x103: {  	v0 =	vld [tilespmem:s0+$0xD040];
	[tilespmem:s19+$0xD050] =	vst v1;
	v8 =	vmul.f32 $1.250000000e-01, v6  }
0x104: {  	v6 =	vmul.f32 $1.250000000e-01, v7;
	v1 =	vld [tilespmem:s0+$0xD050];
	[tilespmem:s19+$0xD060] =	vst v3  }
0x105: {  	s1 =	sadd.s32 $0x200, s1;
	v5 =	vmul.f32 $1.250000000e-01, v5;
	v3 =	vld [tilespmem:s0+$0xD060];
	[tilespmem:s19+$0xD070] =	vst v8;
	s19 =	smov.u32 s0  }
0x106: {  	[tilespmem:s19+$0xD000] =	vst v6;
	v4 =	vmul.f32 $1.250000000e-01, v4;
	v6 =	vld [tilespmem:s19+$0xD070]  }
0x107: {  	[tilespmem:s19+$0xD010] =	vst v5;
	v2 =	vmul.f32 $1.250000000e-01, v2  }
0x108: {  	[tilespmem:s19+$0xD020] =	vst v4;
	v0 =	vmul.f32 $1.250000000e-01, v0  }
0x109: {  	[tilespmem:s19+$0xD030] =	vst v2;
	v1 =	vmul.f32 $1.250000000e-01, v1  }
0x10a: {  	s0 =	sor.u32 s24, s12;
	[tilespmem:s19+$0xD040] =	vst v0;
	v0 =	vmul.f32 $1.250000000e-01, v3  }
0x10b: {  	s0 =	sor.u32 s17, s0;
	[tilespmem:s19+$0xD050] =	vst v1;
	v1 =	vmul.f32 $1.250000000e-01, v6  }
0x10c: {  	s0 =	sshrl.u32 s0, $0x3;
	[tilespmem:s19+$0xD060] =	vst v0  }
0x10d: {  	s0 =	sadd.s32 s15, s0;
	[tilespmem:s19+$0xD070] =	vst v1  }
0x10e: {  	[hbm4b:s0+s3] =	stream.strided.scatter [tilespmem:s13], [sflag:$0x2], $0x1000, s4, s3, $0x38;
	[tilespmem:$0x1F428] =	vst v63  }
0x10f: {  	_ =	swait.ge [sflag:s9], $0x1000  }
0x110: {  	[sflag:s9] =	ssyncset.done $0x0  }
0x111: {  	s20 =	simm.s32 $0x5000;
	[sflag:s9] =	ssyncadd.s32 $0xFFFFF000  }
0x112: {  	[tilespmem:s8], [sflag:$0x1] =	stream.indirect.gather [spmem:s16], $0x1, s20, s6, $0xb8;
	[tilespmem:$0x1F428] =	vst v63  }
0x113: {  	_ =	swait.ge [sflag:s7], $0x1000  }
0x114: {  	[sflag:s7] =	ssyncset.done $0x0  }
0x115: {  	s19 =	simm.s32 $0x0;
	[sflag:s7] =	ssyncadd.s32 $0xFFFFF000  }
0x116: {  	v3 =	vld [tilespmem:s19+$0xE000]  }
0x117: {  	v5 =	vld [tilespmem:s19+$0xE010]  }
0x118: {  	v4 =	vld [tilespmem:s19+$0xE020]  }
0x119: {  	v2 =	vld [tilespmem:s19+$0xE030]  }
0x11a: {  	v0 =	vld [tilespmem:s19+$0xE040]  }
0x11b: {  	v1 =	vld [tilespmem:s19+$0xE050];
	v6 =	vmul.f32 $1.250000000e-01, v3  }
0x11c: {  	s1 =	simm.s32 $0x200;
	v5 =	vmul.f32 $1.250000000e-01, v5;
	v3 =	vld [tilespmem:s19+$0xE060]  }
.LBB2_11:
0x11d: {  	s0 =	sshra.s32 s1, $0x2;
	p4 =	sne.s32 s1, $0x3E00;
	[tilespmem:s19+$0xE000] =	vst v6;
	v4 =	vmul.f32 $1.250000000e-01, v4;
	v6 =	vld [tilespmem:s19+$0xE070]  }
0x11e: {  	v7 =	vld [tilespmem:s0+$0xE000];
	[tilespmem:s19+$0xE010] =	vst v5;
	v2 =	vmul.f32 $1.250000000e-01, v2  }
0x11f: {  	v5 =	vld [tilespmem:s0+$0xE010];
	[tilespmem:s19+$0xE020] =	vst v4;
	v0 =	vmul.f32 $1.250000000e-01, v0  }
.Ltmp8:
0x120: {  	v4 =	vld [tilespmem:s0+$0xE020];
	[tilespmem:s19+$0xE030] =	vst v2;
	v1 =	vmul.f32 $1.250000000e-01, v1;
	(pc) =	sbr.rel @p4 .LBB2_11-.Ltmp8, $4  }
0x121: {  	v2 =	vld [tilespmem:s0+$0xE030];
	[tilespmem:s19+$0xE040] =	vst v0;
	v3 =	vmul.f32 $1.250000000e-01, v3  }
0x122: {  	v0 =	vld [tilespmem:s0+$0xE040];
	[tilespmem:s19+$0xE050] =	vst v1;
	v8 =	vmul.f32 $1.250000000e-01, v6  }
0x123: {  	v6 =	vmul.f32 $1.250000000e-01, v7;
	v1 =	vld [tilespmem:s0+$0xE050];
	[tilespmem:s19+$0xE060] =	vst v3  }
0x124: {  	s1 =	sadd.s32 $0x200, s1;
	v5 =	vmul.f32 $1.250000000e-01, v5;
	v3 =	vld [tilespmem:s0+$0xE060];
	[tilespmem:s19+$0xE070] =	vst v8;
	s19 =	smov.u32 s0  }
0x125: {  	[tilespmem:s19+$0xE000] =	vst v6;
	v4 =	vmul.f32 $1.250000000e-01, v4;
	v6 =	vld [tilespmem:s19+$0xE070]  }
0x126: {  	[tilespmem:s19+$0xE010] =	vst v5;
	v2 =	vmul.f32 $1.250000000e-01, v2  }
0x127: {  	[tilespmem:s19+$0xE020] =	vst v4;
	v0 =	vmul.f32 $1.250000000e-01, v0  }
0x128: {  	[tilespmem:s19+$0xE030] =	vst v2;
	v1 =	vmul.f32 $1.250000000e-01, v1  }
0x129: {  	s0 =	sor.u32 s25, s12;
	[tilespmem:s19+$0xE040] =	vst v0;
	v0 =	vmul.f32 $1.250000000e-01, v3  }
0x12a: {  	s0 =	sor.u32 s17, s0;
	[tilespmem:s19+$0xE050] =	vst v1;
	v1 =	vmul.f32 $1.250000000e-01, v6  }
0x12b: {  	s0 =	sshrl.u32 s0, $0x3;
	[tilespmem:s19+$0xE060] =	vst v0  }
0x12c: {  	s0 =	sadd.s32 s15, s0;
	[tilespmem:s19+$0xE070] =	vst v1  }
0x12d: {  	[hbm4b:s0+s3] =	stream.strided.scatter [tilespmem:s2], [sflag:$0x2], $0x1000, s4, s3, $0x38;
	[tilespmem:$0x1F428] =	vst v63  }
0x12e: {  	_ =	swait.ge [sflag:s9], $0x1000  }
0x12f: {  	[sflag:s9] =	ssyncset.done $0x0  }
0x130: {  	s20 =	simm.s32 $0x6000;
	[sflag:s9] =	ssyncadd.s32 $0xFFFFF000  }
0x131: {  	[tilespmem:s13], [sflag:$0x1] =	stream.indirect.gather [spmem:s16], $0x1, s20, s6, $0xb8;
	[tilespmem:$0x1F428] =	vst v63  }
0x132: {  	_ =	swait.ge [sflag:s7], $0x1000  }
0x133: {  	[sflag:s7] =	ssyncset.done $0x0  }
0x134: {  	s19 =	simm.s32 $0x0;
	[sflag:s7] =	ssyncadd.s32 $0xFFFFF000  }
0x135: {  	v3 =	vld [tilespmem:s19+$0xF000]  }
0x136: {  	v5 =	vld [tilespmem:s19+$0xF010]  }
0x137: {  	v4 =	vld [tilespmem:s19+$0xF020]  }
0x138: {  	v2 =	vld [tilespmem:s19+$0xF030]  }
0x139: {  	v0 =	vld [tilespmem:s19+$0xF040]  }
0x13a: {  	v1 =	vld [tilespmem:s19+$0xF050];
	v6 =	vmul.f32 $1.250000000e-01, v3  }
0x13b: {  	s1 =	simm.s32 $0x200;
	v5 =	vmul.f32 $1.250000000e-01, v5;
	v3 =	vld [tilespmem:s19+$0xF060]  }
.LBB2_13:
0x13c: {  	s0 =	sshra.s32 s1, $0x2;
	p4 =	sne.s32 s1, $0x3E00;
	[tilespmem:s19+$0xF000] =	vst v6;
	v4 =	vmul.f32 $1.250000000e-01, v4;
	v6 =	vld [tilespmem:s19+$0xF070]  }
0x13d: {  	v7 =	vld [tilespmem:s0+$0xF000];
	[tilespmem:s19+$0xF010] =	vst v5;
	v2 =	vmul.f32 $1.250000000e-01, v2  }
0x13e: {  	v5 =	vld [tilespmem:s0+$0xF010];
	[tilespmem:s19+$0xF020] =	vst v4;
	v0 =	vmul.f32 $1.250000000e-01, v0  }
.Ltmp9:
0x13f: {  	v4 =	vld [tilespmem:s0+$0xF020];
	[tilespmem:s19+$0xF030] =	vst v2;
	v1 =	vmul.f32 $1.250000000e-01, v1;
	(pc) =	sbr.rel @p4 .LBB2_13-.Ltmp9, $4  }
0x140: {  	v2 =	vld [tilespmem:s0+$0xF030];
	[tilespmem:s19+$0xF040] =	vst v0;
	v3 =	vmul.f32 $1.250000000e-01, v3  }
0x141: {  	v0 =	vld [tilespmem:s0+$0xF040];
	[tilespmem:s19+$0xF050] =	vst v1;
	v8 =	vmul.f32 $1.250000000e-01, v6  }
0x142: {  	v6 =	vmul.f32 $1.250000000e-01, v7;
	v1 =	vld [tilespmem:s0+$0xF050];
	[tilespmem:s19+$0xF060] =	vst v3  }
0x143: {  	s1 =	sadd.s32 $0x200, s1;
	v5 =	vmul.f32 $1.250000000e-01, v5;
	v3 =	vld [tilespmem:s0+$0xF060];
	[tilespmem:s19+$0xF070] =	vst v8;
	s19 =	smov.u32 s0  }
0x144: {  	[tilespmem:s19+$0xF000] =	vst v6;
	v4 =	vmul.f32 $1.250000000e-01, v4;
	v6 =	vld [tilespmem:s19+$0xF070]  }
0x145: {  	[tilespmem:s19+$0xF010] =	vst v5;
	v2 =	vmul.f32 $1.250000000e-01, v2  }
0x146: {  	[tilespmem:s19+$0xF020] =	vst v4;
	v0 =	vmul.f32 $1.250000000e-01, v0  }
0x147: {  	[tilespmem:s19+$0xF030] =	vst v2;
	v1 =	vmul.f32 $1.250000000e-01, v1  }
0x148: {  	s0 =	sor.u32 s26, s12;
	[tilespmem:s19+$0xF040] =	vst v0;
	v0 =	vmul.f32 $1.250000000e-01, v3  }
0x149: {  	s0 =	sor.u32 s17, s0;
	[tilespmem:s19+$0xF050] =	vst v1;
	v1 =	vmul.f32 $1.250000000e-01, v6  }
0x14a: {  	s0 =	sshrl.u32 s0, $0x3;
	[tilespmem:s19+$0xF060] =	vst v0  }
0x14b: {  	s0 =	sadd.s32 s15, s0;
	[tilespmem:s19+$0xF070] =	vst v1  }
0x14c: {  	[hbm4b:s0+s3] =	stream.strided.scatter [tilespmem:s8], [sflag:$0x2], $0x1000, s4, s3, $0x38;
	[tilespmem:$0x1F428] =	vst v63  }
0x14d: {  	_ =	swait.ge [sflag:s9], $0x1000  }
0x14e: {  	[sflag:s9] =	ssyncset.done $0x0  }
0x14f: {  	s20 =	simm.s32 $0x7000;
	[sflag:s9] =	ssyncadd.s32 $0xFFFFF000  }
0x150: {  	[tilespmem:s2], [sflag:$0x1] =	stream.indirect.gather [spmem:s16], $0x1, s20, s6, $0xb8;
	[tilespmem:$0x1F428] =	vst v63  }
0x151: {  	_ =	swait.ge [sflag:s7], $0x1000  }
0x152: {  	[sflag:s7] =	ssyncset.done $0x0  }
0x153: {  	s19 =	simm.s32 $0x0;
	[sflag:s7] =	ssyncadd.s32 $0xFFFFF000  }
0x154: {  	v3 =	vld [tilespmem:s19+$0xD000]  }
0x155: {  	v5 =	vld [tilespmem:s19+$0xD010]  }
0x156: {  	v4 =	vld [tilespmem:s19+$0xD020]  }
0x157: {  	v2 =	vld [tilespmem:s19+$0xD030]  }
0x158: {  	v0 =	vld [tilespmem:s19+$0xD040]  }
0x159: {  	v1 =	vld [tilespmem:s19+$0xD050];
	v6 =	vmul.f32 $1.250000000e-01, v3  }
0x15a: {  	s1 =	simm.s32 $0x200;
	v5 =	vmul.f32 $1.250000000e-01, v5;
	v3 =	vld [tilespmem:s19+$0xD060]  }
.LBB2_15:
0x15b: {  	s0 =	sshra.s32 s1, $0x2;
	p4 =	sne.s32 s1, $0x3E00;
	[tilespmem:s19+$0xD000] =	vst v6;
	v4 =	vmul.f32 $1.250000000e-01, v4;
	v6 =	vld [tilespmem:s19+$0xD070]  }
0x15c: {  	v7 =	vld [tilespmem:s0+$0xD000];
	[tilespmem:s19+$0xD010] =	vst v5;
	v2 =	vmul.f32 $1.250000000e-01, v2  }
0x15d: {  	v5 =	vld [tilespmem:s0+$0xD010];
	[tilespmem:s19+$0xD020] =	vst v4;
	v0 =	vmul.f32 $1.250000000e-01, v0  }
.Ltmp10:
0x15e: {  	v4 =	vld [tilespmem:s0+$0xD020];
	[tilespmem:s19+$0xD030] =	vst v2;
	v1 =	vmul.f32 $1.250000000e-01, v1;
	(pc) =	sbr.rel @p4 .LBB2_15-.Ltmp10, $4  }
0x15f: {  	v2 =	vld [tilespmem:s0+$0xD030];
	[tilespmem:s19+$0xD040] =	vst v0;
	v3 =	vmul.f32 $1.250000000e-01, v3  }
0x160: {  	v0 =	vld [tilespmem:s0+$0xD040];
	[tilespmem:s19+$0xD050] =	vst v1;
	v8 =	vmul.f32 $1.250000000e-01, v6  }
0x161: {  	v6 =	vmul.f32 $1.250000000e-01, v7;
	v1 =	vld [tilespmem:s0+$0xD050];
	[tilespmem:s19+$0xD060] =	vst v3  }
0x162: {  	s1 =	sadd.s32 $0x200, s1;
	v5 =	vmul.f32 $1.250000000e-01, v5;
	v3 =	vld [tilespmem:s0+$0xD060];
	[tilespmem:s19+$0xD070] =	vst v8;
	s19 =	smov.u32 s0  }
0x163: {  	[tilespmem:s19+$0xD000] =	vst v6;
	v4 =	vmul.f32 $1.250000000e-01, v4;
	v6 =	vld [tilespmem:s19+$0xD070]  }
0x164: {  	[tilespmem:s19+$0xD010] =	vst v5;
	v2 =	vmul.f32 $1.250000000e-01, v2  }
0x165: {  	[tilespmem:s19+$0xD020] =	vst v4;
	v0 =	vmul.f32 $1.250000000e-01, v0  }
0x166: {  	[tilespmem:s19+$0xD030] =	vst v2;
	v1 =	vmul.f32 $1.250000000e-01, v1  }
0x167: {  	s0 =	sor.u32 s28, s12;
	[tilespmem:s19+$0xD040] =	vst v0;
	v0 =	vmul.f32 $1.250000000e-01, v3  }
0x168: {  	s0 =	sor.u32 s17, s0;
	[tilespmem:s19+$0xD050] =	vst v1;
	v1 =	vmul.f32 $1.250000000e-01, v6  }
0x169: {  	s0 =	sshrl.u32 s0, $0x3;
	[tilespmem:s19+$0xD060] =	vst v0  }
0x16a: {  	s0 =	sadd.s32 s15, s0;
	[tilespmem:s19+$0xD070] =	vst v1  }
0x16b: {  	[hbm4b:s0+s3] =	stream.strided.scatter [tilespmem:s13], [sflag:$0x2], $0x1000, s4, s3, $0x38;
	[tilespmem:$0x1F428] =	vst v63  }
0x16c: {  	_ =	swait.ge [sflag:s9], $0x1000  }
0x16d: {  	[sflag:s9] =	ssyncset.done $0x0  }
0x16e: {  	s20 =	simm.s32 $0x8000;
	[sflag:s9] =	ssyncadd.s32 $0xFFFFF000  }
0x16f: {  	[tilespmem:s8], [sflag:$0x1] =	stream.indirect.gather [spmem:s16], $0x1, s20, s6, $0xb8;
	[tilespmem:$0x1F428] =	vst v63  }
0x170: {  	_ =	swait.ge [sflag:s7], $0x1000  }
0x171: {  	[sflag:s7] =	ssyncset.done $0x0  }
0x172: {  	s19 =	simm.s32 $0x0;
	[sflag:s7] =	ssyncadd.s32 $0xFFFFF000  }
0x173: {  	v3 =	vld [tilespmem:s19+$0xE000]  }
0x174: {  	v5 =	vld [tilespmem:s19+$0xE010]  }
0x175: {  	v4 =	vld [tilespmem:s19+$0xE020]  }
0x176: {  	v2 =	vld [tilespmem:s19+$0xE030]  }
0x177: {  	v0 =	vld [tilespmem:s19+$0xE040]  }
0x178: {  	v1 =	vld [tilespmem:s19+$0xE050];
	v6 =	vmul.f32 $1.250000000e-01, v3  }
0x179: {  	s1 =	simm.s32 $0x200;
	v5 =	vmul.f32 $1.250000000e-01, v5;
	v3 =	vld [tilespmem:s19+$0xE060]  }
.LBB2_17:
0x17a: {  	s0 =	sshra.s32 s1, $0x2;
	p4 =	sne.s32 s1, $0x3E00;
	[tilespmem:s19+$0xE000] =	vst v6;
	v4 =	vmul.f32 $1.250000000e-01, v4;
	v6 =	vld [tilespmem:s19+$0xE070]  }
0x17b: {  	v7 =	vld [tilespmem:s0+$0xE000];
	[tilespmem:s19+$0xE010] =	vst v5;
	v2 =	vmul.f32 $1.250000000e-01, v2  }
0x17c: {  	v5 =	vld [tilespmem:s0+$0xE010];
	[tilespmem:s19+$0xE020] =	vst v4;
	v0 =	vmul.f32 $1.250000000e-01, v0  }
.Ltmp11:
0x17d: {  	v4 =	vld [tilespmem:s0+$0xE020];
	[tilespmem:s19+$0xE030] =	vst v2;
	v1 =	vmul.f32 $1.250000000e-01, v1;
	(pc) =	sbr.rel @p4 .LBB2_17-.Ltmp11, $4  }
0x17e: {  	v2 =	vld [tilespmem:s0+$0xE030];
	[tilespmem:s19+$0xE040] =	vst v0;
	v3 =	vmul.f32 $1.250000000e-01, v3  }
0x17f: {  	v0 =	vld [tilespmem:s0+$0xE040];
	[tilespmem:s19+$0xE050] =	vst v1;
	v8 =	vmul.f32 $1.250000000e-01, v6  }
0x180: {  	v6 =	vmul.f32 $1.250000000e-01, v7;
	v1 =	vld [tilespmem:s0+$0xE050];
	[tilespmem:s19+$0xE060] =	vst v3  }
0x181: {  	s1 =	sadd.s32 $0x200, s1;
	v5 =	vmul.f32 $1.250000000e-01, v5;
	v3 =	vld [tilespmem:s0+$0xE060];
	[tilespmem:s19+$0xE070] =	vst v8;
	s19 =	smov.u32 s0  }
0x182: {  	[tilespmem:s19+$0xE000] =	vst v6;
	v4 =	vmul.f32 $1.250000000e-01, v4;
	v6 =	vld [tilespmem:s19+$0xE070]  }
0x183: {  	[tilespmem:s19+$0xE010] =	vst v5;
	v2 =	vmul.f32 $1.250000000e-01, v2  }
0x184: {  	[tilespmem:s19+$0xE020] =	vst v4;
	v0 =	vmul.f32 $1.250000000e-01, v0  }
0x185: {  	[tilespmem:s19+$0xE030] =	vst v2;
	v1 =	vmul.f32 $1.250000000e-01, v1  }
0x186: {  	s0 =	sor.u32 s29, s12;
	[tilespmem:s19+$0xE040] =	vst v0;
	v0 =	vmul.f32 $1.250000000e-01, v3  }
0x187: {  	s0 =	sor.u32 s17, s0;
	[tilespmem:s19+$0xE050] =	vst v1;
	v1 =	vmul.f32 $1.250000000e-01, v6  }
0x188: {  	s0 =	sshrl.u32 s0, $0x3;
	[tilespmem:s19+$0xE060] =	vst v0  }
0x189: {  	s0 =	sadd.s32 s15, s0;
	[tilespmem:s19+$0xE070] =	vst v1  }
0x18a: {  	[hbm4b:s0+s3] =	stream.strided.scatter [tilespmem:s2], [sflag:$0x2], $0x1000, s4, s3, $0x38;
	[tilespmem:$0x1F428] =	vst v63  }
0x18b: {  	_ =	swait.ge [sflag:s9], $0x1000  }
0x18c: {  	[sflag:s9] =	ssyncset.done $0x0  }
0x18d: {  	s20 =	simm.s32 $0x9000;
	[sflag:s9] =	ssyncadd.s32 $0xFFFFF000  }
0x18e: {  	[tilespmem:s13], [sflag:$0x1] =	stream.indirect.gather [spmem:s16], $0x1, s20, s6, $0xb8;
	[tilespmem:$0x1F428] =	vst v63  }
0x18f: {  	_ =	swait.ge [sflag:s7], $0x1000  }
0x190: {  	[sflag:s7] =	ssyncset.done $0x0  }
0x191: {  	s19 =	simm.s32 $0x0;
	[sflag:s7] =	ssyncadd.s32 $0xFFFFF000  }
0x192: {  	v3 =	vld [tilespmem:s19+$0xF000]  }
0x193: {  	v5 =	vld [tilespmem:s19+$0xF010]  }
0x194: {  	v4 =	vld [tilespmem:s19+$0xF020]  }
0x195: {  	v2 =	vld [tilespmem:s19+$0xF030]  }
0x196: {  	v0 =	vld [tilespmem:s19+$0xF040]  }
0x197: {  	v1 =	vld [tilespmem:s19+$0xF050];
	v6 =	vmul.f32 $1.250000000e-01, v3  }
0x198: {  	s1 =	simm.s32 $0x200;
	v5 =	vmul.f32 $1.250000000e-01, v5;
	v3 =	vld [tilespmem:s19+$0xF060]  }
.LBB2_19:
0x199: {  	s0 =	sshra.s32 s1, $0x2;
	p4 =	sne.s32 s1, $0x3E00;
	[tilespmem:s19+$0xF000] =	vst v6;
	v4 =	vmul.f32 $1.250000000e-01, v4;
	v6 =	vld [tilespmem:s19+$0xF070]  }
0x19a: {  	v7 =	vld [tilespmem:s0+$0xF000];
	[tilespmem:s19+$0xF010] =	vst v5;
	v2 =	vmul.f32 $1.250000000e-01, v2  }
0x19b: {  	v5 =	vld [tilespmem:s0+$0xF010];
	[tilespmem:s19+$0xF020] =	vst v4;
	v0 =	vmul.f32 $1.250000000e-01, v0  }
.Ltmp12:
0x19c: {  	v4 =	vld [tilespmem:s0+$0xF020];
	[tilespmem:s19+$0xF030] =	vst v2;
	v1 =	vmul.f32 $1.250000000e-01, v1;
	(pc) =	sbr.rel @p4 .LBB2_19-.Ltmp12, $4  }
0x19d: {  	v2 =	vld [tilespmem:s0+$0xF030];
	[tilespmem:s19+$0xF040] =	vst v0;
	v3 =	vmul.f32 $1.250000000e-01, v3  }
0x19e: {  	v0 =	vld [tilespmem:s0+$0xF040];
	[tilespmem:s19+$0xF050] =	vst v1;
	v8 =	vmul.f32 $1.250000000e-01, v6  }
0x19f: {  	v6 =	vmul.f32 $1.250000000e-01, v7;
	v1 =	vld [tilespmem:s0+$0xF050];
	[tilespmem:s19+$0xF060] =	vst v3  }
0x1a0: {  	s1 =	sadd.s32 $0x200, s1;
	v5 =	vmul.f32 $1.250000000e-01, v5;
	v3 =	vld [tilespmem:s0+$0xF060];
	[tilespmem:s19+$0xF070] =	vst v8;
	s19 =	smov.u32 s0  }
0x1a1: {  	[tilespmem:s19+$0xF000] =	vst v6;
	v4 =	vmul.f32 $1.250000000e-01, v4;
	v61 =	vld [tilespmem:s19+$0xF070]  }
0x1a2: {  	[tilespmem:s19+$0xF010] =	vst v5;
	v2 =	vmul.f32 $1.250000000e-01, v2  }
0x1a3: {  	[tilespmem:s19+$0xF020] =	vst v4;
	v0 =	vmul.f32 $1.250000000e-01, v0  }
0x1a4: {  	[tilespmem:s19+$0xF030] =	vst v2;
	v1 =	vmul.f32 $1.250000000e-01, v1  }
0x1a5: {  	s0 =	sor.u32 s30, s12;
	[tilespmem:s19+$0xF040] =	vst v0;
	v62 =	vmul.f32 $1.250000000e-01, v3  }
0x1a6: {  	s0 =	sor.u32 s17, s0;
	[tilespmem:s19+$0xF050] =	vst v1;
	v63 =	vmul.f32 $1.250000000e-01, v61  }
0x1a7: {  	s0 =	sshrl.u32 s0, $0x3;
	[tilespmem:s19+$0xF060] =	vst v62  }
0x1a8: {  	s0 =	sadd.s32 s15, s0;
	[tilespmem:s19+$0xF070] =	vst v63  }
0x1a9: {  	[hbm4b:s0+s3] =	stream.strided.scatter [tilespmem:s8], [sflag:$0x2], $0x1000, s4, s3, $0x38;
	[tilespmem:$0x1F428] =	vst v63  }
0x1aa: {  	_ =	swait.ge [sflag:s9], $0x1000  }
0x1ab: {  	[sflag:s9] =	ssyncset.done $0x0  }
.Ltmp13:
0x1ac: {  	s20 =	simm.s32 $0xA000;
	[sflag:s9] =	ssyncadd.s32 $0xFFFFF000;
	(pc) =	sbr.rel @p0 .LBB2_24-.Ltmp13, $4  }
0x1ad: {  	[tilespmem:s2], [sflag:$0x1] =	stream.indirect.gather [spmem:s16], $0x1, s20, s6, $0xb8;
	[tilespmem:$0x1F428] =	vst v63  }
0x1ae: {  	_ =	swait.ge [sflag:s7], $0x1000  }
0x1af: {  	[sflag:s7] =	ssyncset.done $0x0  }
0x1b0: {  	[sflag:s7] =	ssyncadd.s32 $0xFFFFF000  }
0x1b1: {  	s19 =	simm.s32 $0x0  }
0x1b2: {  	v3 =	vld [tilespmem:s19+$0xD000]  }
0x1b3: {  	v5 =	vld [tilespmem:s19+$0xD010]  }
0x1b4: {  	v4 =	vld [tilespmem:s19+$0xD020]  }
0x1b5: {  	v2 =	vld [tilespmem:s19+$0xD030]  }
0x1b6: {  	v0 =	vld [tilespmem:s19+$0xD040]  }
0x1b7: {  	v1 =	vld [tilespmem:s19+$0xD050];
	v6 =	vmul.f32 $1.250000000e-01, v3  }
0x1b8: {  	s1 =	simm.s32 $0x200;
	v5 =	vmul.f32 $1.250000000e-01, v5;
	v3 =	vld [tilespmem:s19+$0xD060]  }
.LBB2_22:
0x1b9: {  	s0 =	sshra.s32 s1, $0x2;
	p4 =	sne.s32 s1, $0x3E00;
	[tilespmem:s19+$0xD000] =	vst v6;
	v4 =	vmul.f32 $1.250000000e-01, v4;
	v6 =	vld [tilespmem:s19+$0xD070]  }
0x1ba: {  	v7 =	vld [tilespmem:s0+$0xD000];
	[tilespmem:s19+$0xD010] =	vst v5;
	v2 =	vmul.f32 $1.250000000e-01, v2  }
0x1bb: {  	v5 =	vld [tilespmem:s0+$0xD010];
	[tilespmem:s19+$0xD020] =	vst v4;
	v0 =	vmul.f32 $1.250000000e-01, v0  }
.Ltmp14:
0x1bc: {  	v4 =	vld [tilespmem:s0+$0xD020];
	[tilespmem:s19+$0xD030] =	vst v2;
	v1 =	vmul.f32 $1.250000000e-01, v1;
	(pc) =	sbr.rel @p4 .LBB2_22-.Ltmp14, $4  }
0x1bd: {  	v2 =	vld [tilespmem:s0+$0xD030];
	[tilespmem:s19+$0xD040] =	vst v0;
	v3 =	vmul.f32 $1.250000000e-01, v3  }
0x1be: {  	v0 =	vld [tilespmem:s0+$0xD040];
	[tilespmem:s19+$0xD050] =	vst v1;
	v8 =	vmul.f32 $1.250000000e-01, v6  }
0x1bf: {  	v6 =	vmul.f32 $1.250000000e-01, v7;
	v1 =	vld [tilespmem:s0+$0xD050];
	[tilespmem:s19+$0xD060] =	vst v3  }
0x1c0: {  	s1 =	sadd.s32 $0x200, s1;
	v5 =	vmul.f32 $1.250000000e-01, v5;
	v3 =	vld [tilespmem:s0+$0xD060];
	[tilespmem:s19+$0xD070] =	vst v8;
	s19 =	smov.u32 s0  }
0x1c1: {  	[tilespmem:s19+$0xD000] =	vst v6;
	v4 =	vmul.f32 $1.250000000e-01, v4;
	v61 =	vld [tilespmem:s19+$0xD070]  }
0x1c2: {  	[tilespmem:s19+$0xD010] =	vst v5;
	v2 =	vmul.f32 $1.250000000e-01, v2  }
0x1c3: {  	[tilespmem:s19+$0xD020] =	vst v4;
	v0 =	vmul.f32 $1.250000000e-01, v0  }
0x1c4: {  	[tilespmem:s19+$0xD030] =	vst v2;
	v1 =	vmul.f32 $1.250000000e-01, v1  }
0x1c5: {  	s0 =	sor.u32 s31, s12;
	[tilespmem:s19+$0xD040] =	vst v0;
	v62 =	vmul.f32 $1.250000000e-01, v3  }
0x1c6: {  	s0 =	sor.u32 s17, s0;
	[tilespmem:s19+$0xD050] =	vst v1;
	v63 =	vmul.f32 $1.250000000e-01, v61  }
0x1c7: {  	s0 =	sshrl.u32 s0, $0x3;
	[tilespmem:s19+$0xD060] =	vst v62  }
0x1c8: {  	s0 =	sadd.s32 s15, s0;
	[tilespmem:s19+$0xD070] =	vst v63  }
0x1c9: {  	[hbm4b:s0+s3] =	stream.strided.scatter [tilespmem:s13], [sflag:$0x2], $0x1000, s4, s3, $0x38;
	[tilespmem:$0x1F428] =	vst v63  }
0x1ca: {  	_ =	swait.ge [sflag:s9], $0x1000  }
0x1cb: {  	[sflag:s9] =	ssyncset.done $0x0  }
0x1cc: {  	s19 =	simm.s32 $0xB000;
	[sflag:s9] =	ssyncadd.s32 $0xFFFFF000  }
0x1cd: {  	[tilespmem:s8], [sflag:$0x1] =	stream.indirect.gather [spmem:s16], $0x1, s19, s6, $0xb8;
	[tilespmem:$0x1F428] =	vst v63  }
0x1ce: {  	_ =	swait.ge [sflag:s7], $0x1000  }
0x1cf: {  	[sflag:s7] =	ssyncset.done $0x0  }
.Ltmp15:
0x1d0: {  	[sflag:s7] =	ssyncadd.s32 $0xFFFFF000;
	(pc) =	sbr.rel .LBB2_25-.Ltmp15, $4  }
0x1d1: {  	_ =	swait.ge [sflag:s9], $0x1000  }
0x1d2: {  	[sflag:s9] =	ssyncset.done $0x0  }
0x1d3: {  	s20 =	simm.s32 $0xC000;
	[sflag:s9] =	ssyncadd.s32 $0xFFFFF000  }
0x1d4: {  	[tilespmem:s13], [sflag:$0x1] =	stream.indirect.gather [spmem:s16], $0x1, s20, s6, $0xb8;
	[tilespmem:$0x1F428] =	vst v63  }
.LBB2_24:
0x1d5: {  	_ =	swait.ge [sflag:s9], $0x1000  }
0x1d6: {  	[sflag:s9] =	ssyncset.done $0x0  }
0x1d7: {  	s0 =	simm.s32 $0xB000;
	[sflag:s9] =	ssyncadd.s32 $0xFFFFF000  }
0x1d8: {  	[tilespmem:s8], [sflag:$0x1] =	stream.indirect.gather [spmem:s16], $0x1, s0, s6, $0xb8;
	[tilespmem:$0x1F428] =	vst v63  }
.LBB2_25:
0x1d9: {  	p4 =	sne.s32 s11, $0x1F;
	_ =	swait.ge [sflag:s7], $0x1000  }
0x1da: {  	p4 =	por !p3, !p4;
	[sflag:s7] =	ssyncset.done $0x0  }
0x1db: {  	p4 =	por !p4, !p4;
	[sflag:s7] =	ssyncadd.s32 $0xFFFFF000  }
0x1dc: {  	s0 =	sadd.s32 @p4 $0x1, s18;
	_ =	swait.ge [sflag:s7], $0x1000;
	s18 =	sshrl.u32 @p4 s16, $0x3  }
0x1dd: {  	s19 =	simm.s32 @p4 $0x1;
	s1 =	sshrl.u32 @p4 s0, $0x3;
	[sflag:s7] =	ssyncset.done $0x0  }
0x1de: {  	s0 =	sshll.u32 @p4 s0, $0x7;
	s1 =	smul.u32 @p4 $0x7A1400, s1;
	[sflag:s7] =	ssyncadd.s32 $0xFFFFF000  }
0x1df: {  	s20 =	simm.s32 @p4 $0x80;
	s0 =	sand.u32 @p4 $0x380, s0;
	[bflag:$0x0] =	sbarrier.arrive $0xFFFF  }
.Ltmp16:
0x1e0: {  	s0 =	sor.u32 @p4 s0, s1;
	s1 =	stileid.u32;
	(pc) =	sbr.rel @p0 .LBB2_33-.Ltmp16, $4  }
0x1e1: {  	s5 =	rddreg [dreg:$0x1];
	s0 =	sshrl.u32 @p4 s0, $0x3;
	s1 =	sshll.u32 @p4 s1, $0x6  }
0x1e2: {  	s0 =	sadd.s32 @p4 s5, s0;
	s1 =	sor.u32 @p4 $0x1C03, s1;
	s5 =	simm.s32 @p4 $0x10  }
0x1e3: {  	[spmem:s18@s5], [sflag:s1] =	dma.strided @p4 [hbm:s0@s20], $0x1E850, s19, $0x10   }
0x1e4: {  	s18 =	simm.s32 $0x0  }
0x1e5: {  	v3 =	vld [tilespmem:s18+$0xE000]  }
0x1e6: {  	v5 =	vld [tilespmem:s18+$0xE010]  }
0x1e7: {  	v4 =	vld [tilespmem:s18+$0xE020]  }
0x1e8: {  	v2 =	vld [tilespmem:s18+$0xE030]  }
0x1e9: {  	v0 =	vld [tilespmem:s18+$0xE040]  }
0x1ea: {  	v1 =	vld [tilespmem:s18+$0xE050];
	v6 =	vmul.f32 $1.250000000e-01, v3  }
0x1eb: {  	s1 =	simm.s32 $0x200;
	v5 =	vmul.f32 $1.250000000e-01, v5;
	v3 =	vld [tilespmem:s18+$0xE060]  }
.LBB2_27:
0x1ec: {  	s0 =	sshra.s32 s1, $0x2;
	p5 =	sne.s32 s1, $0x3E00;
	[tilespmem:s18+$0xE000] =	vst v6;
	v4 =	vmul.f32 $1.250000000e-01, v4;
	v6 =	vld [tilespmem:s18+$0xE070]  }
0x1ed: {  	v7 =	vld [tilespmem:s0+$0xE000];
	[tilespmem:s18+$0xE010] =	vst v5;
	v2 =	vmul.f32 $1.250000000e-01, v2  }
0x1ee: {  	v5 =	vld [tilespmem:s0+$0xE010];
	[tilespmem:s18+$0xE020] =	vst v4;
	v0 =	vmul.f32 $1.250000000e-01, v0  }
.Ltmp17:
0x1ef: {  	v4 =	vld [tilespmem:s0+$0xE020];
	[tilespmem:s18+$0xE030] =	vst v2;
	v1 =	vmul.f32 $1.250000000e-01, v1;
	(pc) =	sbr.rel @p5 .LBB2_27-.Ltmp17, $4  }
0x1f0: {  	v2 =	vld [tilespmem:s0+$0xE030];
	[tilespmem:s18+$0xE040] =	vst v0;
	v3 =	vmul.f32 $1.250000000e-01, v3  }
0x1f1: {  	v0 =	vld [tilespmem:s0+$0xE040];
	[tilespmem:s18+$0xE050] =	vst v1;
	v8 =	vmul.f32 $1.250000000e-01, v6  }
0x1f2: {  	v6 =	vmul.f32 $1.250000000e-01, v7;
	v1 =	vld [tilespmem:s0+$0xE050];
	[tilespmem:s18+$0xE060] =	vst v3  }
0x1f3: {  	s1 =	sadd.s32 $0x200, s1;
	v5 =	vmul.f32 $1.250000000e-01, v5;
	v3 =	vld [tilespmem:s0+$0xE060];
	[tilespmem:s18+$0xE070] =	vst v8;
	s18 =	smov.u32 s0  }
0x1f4: {  	[tilespmem:s18+$0xE000] =	vst v6;
	v4 =	vmul.f32 $1.250000000e-01, v4;
	v6 =	vld [tilespmem:s18+$0xE070]  }
0x1f5: {  	[tilespmem:s18+$0xE010] =	vst v5;
	v2 =	vmul.f32 $1.250000000e-01, v2  }
0x1f6: {  	[tilespmem:s18+$0xE020] =	vst v4;
	v0 =	vmul.f32 $1.250000000e-01, v0  }
0x1f7: {  	[tilespmem:s18+$0xE030] =	vst v2;
	v1 =	vmul.f32 $1.250000000e-01, v1  }
0x1f8: {  	s0 =	sor.u32 s14, s12;
	[tilespmem:s18+$0xE040] =	vst v0;
	v0 =	vmul.f32 $1.250000000e-01, v3  }
0x1f9: {  	s0 =	sor.u32 s17, s0;
	[tilespmem:s18+$0xE050] =	vst v1;
	v1 =	vmul.f32 $1.250000000e-01, v6  }
0x1fa: {  	s0 =	sshrl.u32 s0, $0x3;
	[tilespmem:s18+$0xE060] =	vst v0  }
0x1fb: {  	s0 =	sadd.s32 s15, s0;
	[tilespmem:s18+$0xE070] =	vst v1;
	s18 =	simm.s32 $0x0  }
0x1fc: {  	[hbm4b:s0+s3] =	stream.strided.scatter [tilespmem:s2], [sflag:$0x2], $0x1000, s4, s3, $0x38;
	[tilespmem:$0x1F428] =	vst v63  }
0x1fd: {  	v3 =	vld [tilespmem:s18+$0xF000]  }
0x1fe: {  	v5 =	vld [tilespmem:s18+$0xF010]  }
0x1ff: {  	v4 =	vld [tilespmem:s18+$0xF020]  }
0x200: {  	v2 =	vld [tilespmem:s18+$0xF030]  }
0x201: {  	v0 =	vld [tilespmem:s18+$0xF040]  }
0x202: {  	v1 =	vld [tilespmem:s18+$0xF050];
	v6 =	vmul.f32 $1.250000000e-01, v3  }
0x203: {  	s1 =	simm.s32 $0x200;
	v5 =	vmul.f32 $1.250000000e-01, v5;
	v3 =	vld [tilespmem:s18+$0xF060]  }
.LBB2_29:
0x204: {  	s0 =	sshra.s32 s1, $0x2;
	p5 =	sne.s32 s1, $0x3E00;
	[tilespmem:s18+$0xF000] =	vst v6;
	v4 =	vmul.f32 $1.250000000e-01, v4;
	v6 =	vld [tilespmem:s18+$0xF070]  }
0x205: {  	v7 =	vld [tilespmem:s0+$0xF000];
	[tilespmem:s18+$0xF010] =	vst v5;
	v2 =	vmul.f32 $1.250000000e-01, v2  }
0x206: {  	v5 =	vld [tilespmem:s0+$0xF010];
	[tilespmem:s18+$0xF020] =	vst v4;
	v0 =	vmul.f32 $1.250000000e-01, v0  }
.Ltmp18:
0x207: {  	v4 =	vld [tilespmem:s0+$0xF020];
	[tilespmem:s18+$0xF030] =	vst v2;
	v1 =	vmul.f32 $1.250000000e-01, v1;
	(pc) =	sbr.rel @p5 .LBB2_29-.Ltmp18, $4  }
0x208: {  	v2 =	vld [tilespmem:s0+$0xF030];
	[tilespmem:s18+$0xF040] =	vst v0;
	v3 =	vmul.f32 $1.250000000e-01, v3  }
0x209: {  	v0 =	vld [tilespmem:s0+$0xF040];
	[tilespmem:s18+$0xF050] =	vst v1;
	v8 =	vmul.f32 $1.250000000e-01, v6  }
0x20a: {  	v6 =	vmul.f32 $1.250000000e-01, v7;
	v1 =	vld [tilespmem:s0+$0xF050];
	[tilespmem:s18+$0xF060] =	vst v3  }
0x20b: {  	s1 =	sadd.s32 $0x200, s1;
	v5 =	vmul.f32 $1.250000000e-01, v5;
	v3 =	vld [tilespmem:s0+$0xF060];
	[tilespmem:s18+$0xF070] =	vst v8;
	s18 =	smov.u32 s0  }
0x20c: {  	[tilespmem:s18+$0xF000] =	vst v6;
	v4 =	vmul.f32 $1.250000000e-01, v4;
	v6 =	vld [tilespmem:s18+$0xF070]  }
0x20d: {  	[tilespmem:s18+$0xF010] =	vst v5;
	v2 =	vmul.f32 $1.250000000e-01, v2  }
0x20e: {  	[tilespmem:s18+$0xF020] =	vst v4;
	v0 =	vmul.f32 $1.250000000e-01, v0  }
0x20f: {  	[tilespmem:s18+$0xF030] =	vst v2;
	v1 =	vmul.f32 $1.250000000e-01, v1  }
0x210: {  	s0 =	sor.u32 s10, s12;
	[tilespmem:s18+$0xF040] =	vst v0;
	v0 =	vmul.f32 $1.250000000e-01, v3  }
0x211: {  	s0 =	sor.u32 s17, s0;
	[tilespmem:s18+$0xF050] =	vst v1;
	v1 =	vmul.f32 $1.250000000e-01, v6  }
0x212: {  	s0 =	sshrl.u32 s0, $0x3;
	[tilespmem:s18+$0xF060] =	vst v0  }
0x213: {  	s0 =	sadd.s32 s15, s0;
	[tilespmem:s18+$0xF070] =	vst v1;
	s18 =	simm.s32 $0x0  }
0x214: {  	[hbm4b:s0+s3] =	stream.strided.scatter [tilespmem:s8], [sflag:$0x2], $0x1000, s4, s3, $0x38;
	[tilespmem:$0x1F428] =	vst v63  }
0x215: {  	v3 =	vld [tilespmem:s18+$0xD000]  }
0x216: {  	p5 =	por $0x0, $0x0;
	v5 =	vld [tilespmem:s18+$0xD010]  }
.Ltmp19:
0x217: {  	v4 =	vld [tilespmem:s18+$0xD020];
	(pc) =	sbr.rel @p5 .LBB2_32-.Ltmp19, $4  }
0x218: {  	v1 =	vld [tilespmem:s18+$0xD030]  }
0x219: {  	v0 =	vld [tilespmem:s18+$0xD040]  }
0x21a: {  	v2 =	vld [tilespmem:s18+$0xD050];
	v6 =	vmul.f32 $1.250000000e-01, v3  }
0x21b: {  	s19 =	simm.s32 $0x200;
	v5 =	vmul.f32 $1.250000000e-01, v5;
	v3 =	vld [tilespmem:s18+$0xD060]  }
.LBB2_31:
0x21c: {  	s0 =	sshra.s32 s19, $0x2;
	p5 =	seq.s32 s19, $0x3E00;
	[tilespmem:s18+$0xD000] =	vst v6;
	v4 =	vmul.f32 $1.250000000e-01, v4;
	v6 =	vld [tilespmem:s18+$0xD070]  }
0x21d: {  	v1 =	vmul.f32 $1.250000000e-01, v1;
	v7 =	vld [tilespmem:s0+$0xD000];
	[tilespmem:s18+$0xD010] =	vst v5  }
0x21e: {  	v0 =	vmul.f32 $1.250000000e-01, v0;
	v5 =	vld [tilespmem:s0+$0xD010];
	[tilespmem:s18+$0xD020] =	vst v4  }
.Ltmp20:
0x21f: {  	v2 =	vmul.f32 $1.250000000e-01, v2;
	v4 =	vld [tilespmem:s0+$0xD020];
	[tilespmem:s18+$0xD030] =	vst v1;
	(pc) =	sbr.rel @!p5 .LBB2_31-.Ltmp20, $4  }
0x220: {  	v3 =	vmul.f32 $1.250000000e-01, v3;
	v1 =	vld [tilespmem:s0+$0xD030];
	[tilespmem:s18+$0xD040] =	vst v0  }
0x221: {  	v0 =	vld [tilespmem:s0+$0xD040];
	[tilespmem:s18+$0xD050] =	vst v2;
	v8 =	vmul.f32 $1.250000000e-01, v6  }
0x222: {  	v6 =	vmul.f32 $1.250000000e-01, v7;
	v2 =	vld [tilespmem:s0+$0xD050];
	[tilespmem:s18+$0xD060] =	vst v3  }
0x223: {  	s19 =	sadd.s32 $0x200, s19;
	v5 =	vmul.f32 $1.250000000e-01, v5;
	v3 =	vld [tilespmem:s0+$0xD060];
	[tilespmem:s18+$0xD070] =	vst v8;
	s18 =	smov.u32 s0  }
.Ltmp21:
0x224: {  	_ = 	snop;
	(pc) =	sbr.rel .LBB2_32-.Ltmp21, $1  }
0x225: {  	_ =	sdelay $0x3  }
.LBB2_33:
0x226: {  	v3 =	vld [tilespmem:s18+$0xD000]  }
0x227: {  	v5 =	vld [tilespmem:s18+$0xD010]  }
0x228: {  	v4 =	vld [tilespmem:s18+$0xD020]  }
0x229: {  	v2 =	vld [tilespmem:s18+$0xD030]  }
0x22a: {  	v0 =	vld [tilespmem:s18+$0xD040]  }
0x22b: {  	v1 =	vld [tilespmem:s18+$0xD050];
	v6 =	vmul.f32 $1.250000000e-01, v3  }
0x22c: {  	s1 =	simm.s32 $0x200;
	v5 =	vmul.f32 $1.250000000e-01, v5;
	v3 =	vld [tilespmem:s18+$0xD060]  }
.LBB2_34:
0x22d: {  	s0 =	sshra.s32 s1, $0x2;
	p5 =	sne.s32 s1, $0x3E00;
	[tilespmem:s18+$0xD000] =	vst v6;
	v4 =	vmul.f32 $1.250000000e-01, v4;
	v6 =	vld [tilespmem:s18+$0xD070]  }
0x22e: {  	v7 =	vld [tilespmem:s0+$0xD000];
	[tilespmem:s18+$0xD010] =	vst v5;
	v2 =	vmul.f32 $1.250000000e-01, v2  }
0x22f: {  	v5 =	vld [tilespmem:s0+$0xD010];
	[tilespmem:s18+$0xD020] =	vst v4;
	v0 =	vmul.f32 $1.250000000e-01, v0  }
.Ltmp22:
0x230: {  	v4 =	vld [tilespmem:s0+$0xD020];
	[tilespmem:s18+$0xD030] =	vst v2;
	v1 =	vmul.f32 $1.250000000e-01, v1;
	(pc) =	sbr.rel @p5 .LBB2_34-.Ltmp22, $4  }
0x231: {  	v2 =	vld [tilespmem:s0+$0xD030];
	[tilespmem:s18+$0xD040] =	vst v0;
	v3 =	vmul.f32 $1.250000000e-01, v3  }
0x232: {  	v0 =	vld [tilespmem:s0+$0xD040];
	[tilespmem:s18+$0xD050] =	vst v1;
	v8 =	vmul.f32 $1.250000000e-01, v6  }
0x233: {  	v6 =	vmul.f32 $1.250000000e-01, v7;
	v1 =	vld [tilespmem:s0+$0xD050];
	[tilespmem:s18+$0xD060] =	vst v3  }
0x234: {  	s1 =	sadd.s32 $0x200, s1;
	v5 =	vmul.f32 $1.250000000e-01, v5;
	v3 =	vld [tilespmem:s0+$0xD060];
	[tilespmem:s18+$0xD070] =	vst v8;
	s18 =	smov.u32 s0  }
0x235: {  	[tilespmem:s18+$0xD000] =	vst v6;
	v4 =	vmul.f32 $1.250000000e-01, v4;
	v6 =	vld [tilespmem:s18+$0xD070]  }
0x236: {  	[tilespmem:s18+$0xD010] =	vst v5;
	v2 =	vmul.f32 $1.250000000e-01, v2  }
0x237: {  	[tilespmem:s18+$0xD020] =	vst v4;
	v0 =	vmul.f32 $1.250000000e-01, v0  }
0x238: {  	[tilespmem:s18+$0xD030] =	vst v2;
	v1 =	vmul.f32 $1.250000000e-01, v1  }
0x239: {  	s0 =	sor.u32 s31, s12;
	[tilespmem:s18+$0xD040] =	vst v0;
	v0 =	vmul.f32 $1.250000000e-01, v3  }
0x23a: {  	s0 =	sor.u32 s17, s0;
	[tilespmem:s18+$0xD050] =	vst v1;
	v1 =	vmul.f32 $1.250000000e-01, v6  }
0x23b: {  	s0 =	sshrl.u32 s0, $0x3;
	[tilespmem:s18+$0xD060] =	vst v0  }
0x23c: {  	s0 =	sadd.s32 s15, s0;
	[tilespmem:s18+$0xD070] =	vst v1;
	s18 =	simm.s32 $0x0  }
0x23d: {  	[hbm4b:s0+s3] =	stream.strided.scatter [tilespmem:s13], [sflag:$0x2], $0x1000, s4, s3, $0x38;
	[tilespmem:$0x1F428] =	vst v63  }
0x23e: {  	v3 =	vld [tilespmem:s18+$0xE000]  }
0x23f: {  	v5 =	vld [tilespmem:s18+$0xE010]  }
0x240: {  	v4 =	vld [tilespmem:s18+$0xE020]  }
0x241: {  	v2 =	vld [tilespmem:s18+$0xE030]  }
0x242: {  	v0 =	vld [tilespmem:s18+$0xE040]  }
0x243: {  	v1 =	vld [tilespmem:s18+$0xE050];
	v6 =	vmul.f32 $1.250000000e-01, v3  }
0x244: {  	s1 =	simm.s32 $0x200;
	v5 =	vmul.f32 $1.250000000e-01, v5;
	v3 =	vld [tilespmem:s18+$0xE060]  }
.LBB2_36:
0x245: {  	s0 =	sshra.s32 s1, $0x2;
	p5 =	sne.s32 s1, $0x3E00;
	[tilespmem:s18+$0xE000] =	vst v6;
	v4 =	vmul.f32 $1.250000000e-01, v4;
	v6 =	vld [tilespmem:s18+$0xE070]  }
0x246: {  	v7 =	vld [tilespmem:s0+$0xE000];
	[tilespmem:s18+$0xE010] =	vst v5;
	v2 =	vmul.f32 $1.250000000e-01, v2  }
0x247: {  	v5 =	vld [tilespmem:s0+$0xE010];
	[tilespmem:s18+$0xE020] =	vst v4;
	v0 =	vmul.f32 $1.250000000e-01, v0  }
.Ltmp23:
0x248: {  	v4 =	vld [tilespmem:s0+$0xE020];
	[tilespmem:s18+$0xE030] =	vst v2;
	v1 =	vmul.f32 $1.250000000e-01, v1;
	(pc) =	sbr.rel @p5 .LBB2_36-.Ltmp23, $4  }
0x249: {  	v2 =	vld [tilespmem:s0+$0xE030];
	[tilespmem:s18+$0xE040] =	vst v0;
	v3 =	vmul.f32 $1.250000000e-01, v3  }
0x24a: {  	v0 =	vld [tilespmem:s0+$0xE040];
	[tilespmem:s18+$0xE050] =	vst v1;
	v8 =	vmul.f32 $1.250000000e-01, v6  }
0x24b: {  	v6 =	vmul.f32 $1.250000000e-01, v7;
	v1 =	vld [tilespmem:s0+$0xE050];
	[tilespmem:s18+$0xE060] =	vst v3  }
0x24c: {  	s1 =	sadd.s32 $0x200, s1;
	v5 =	vmul.f32 $1.250000000e-01, v5;
	v3 =	vld [tilespmem:s0+$0xE060];
	[tilespmem:s18+$0xE070] =	vst v8;
	s18 =	smov.u32 s0  }
0x24d: {  	[tilespmem:s18+$0xE000] =	vst v6;
	v4 =	vmul.f32 $1.250000000e-01, v4;
	v6 =	vld [tilespmem:s18+$0xE070]  }
0x24e: {  	[tilespmem:s18+$0xE010] =	vst v5;
	v2 =	vmul.f32 $1.250000000e-01, v2  }
0x24f: {  	[tilespmem:s18+$0xE020] =	vst v4;
	v0 =	vmul.f32 $1.250000000e-01, v0  }
0x250: {  	[tilespmem:s18+$0xE030] =	vst v2;
	v1 =	vmul.f32 $1.250000000e-01, v1  }
0x251: {  	s0 =	sor.u32 s14, s12;
	[tilespmem:s18+$0xE040] =	vst v0;
	v0 =	vmul.f32 $1.250000000e-01, v3  }
0x252: {  	s0 =	sor.u32 s17, s0;
	[tilespmem:s18+$0xE050] =	vst v1;
	v1 =	vmul.f32 $1.250000000e-01, v6  }
0x253: {  	s0 =	sshrl.u32 s0, $0x3;
	[tilespmem:s18+$0xE060] =	vst v0  }
0x254: {  	s0 =	sadd.s32 s15, s0;
	[tilespmem:s18+$0xE070] =	vst v1;
	s18 =	simm.s32 $0x0  }
0x255: {  	[hbm4b:s0+s3] =	stream.strided.scatter [tilespmem:s2], [sflag:$0x2], $0x1000, s4, s3, $0x38;
	[tilespmem:$0x1F428] =	vst v63  }
0x256: {  	v3 =	vld [tilespmem:s18+$0xF000]  }
0x257: {  	v5 =	vld [tilespmem:s18+$0xF010]  }
0x258: {  	v4 =	vld [tilespmem:s18+$0xF020]  }
0x259: {  	v2 =	vld [tilespmem:s18+$0xF030]  }
0x25a: {  	v0 =	vld [tilespmem:s18+$0xF040]  }
0x25b: {  	v1 =	vld [tilespmem:s18+$0xF050];
	v6 =	vmul.f32 $1.250000000e-01, v3  }
0x25c: {  	s1 =	simm.s32 $0x200;
	v5 =	vmul.f32 $1.250000000e-01, v5;
	v3 =	vld [tilespmem:s18+$0xF060]  }
.LBB2_38:
0x25d: {  	s0 =	sshra.s32 s1, $0x2;
	p5 =	sne.s32 s1, $0x3E00;
	[tilespmem:s18+$0xF000] =	vst v6;
	v4 =	vmul.f32 $1.250000000e-01, v4;
	v6 =	vld [tilespmem:s18+$0xF070]  }
0x25e: {  	v7 =	vld [tilespmem:s0+$0xF000];
	[tilespmem:s18+$0xF010] =	vst v5;
	v2 =	vmul.f32 $1.250000000e-01, v2  }
0x25f: {  	v5 =	vld [tilespmem:s0+$0xF010];
	[tilespmem:s18+$0xF020] =	vst v4;
	v0 =	vmul.f32 $1.250000000e-01, v0  }
.Ltmp24:
0x260: {  	v4 =	vld [tilespmem:s0+$0xF020];
	[tilespmem:s18+$0xF030] =	vst v2;
	v1 =	vmul.f32 $1.250000000e-01, v1;
	(pc) =	sbr.rel @p5 .LBB2_38-.Ltmp24, $4  }
0x261: {  	v2 =	vld [tilespmem:s0+$0xF030];
	[tilespmem:s18+$0xF040] =	vst v0;
	v3 =	vmul.f32 $1.250000000e-01, v3  }
0x262: {  	v0 =	vld [tilespmem:s0+$0xF040];
	[tilespmem:s18+$0xF050] =	vst v1;
	v8 =	vmul.f32 $1.250000000e-01, v6  }
0x263: {  	v6 =	vmul.f32 $1.250000000e-01, v7;
	v1 =	vld [tilespmem:s0+$0xF050];
	[tilespmem:s18+$0xF060] =	vst v3  }
0x264: {  	s1 =	sadd.s32 $0x200, s1;
	v5 =	vmul.f32 $1.250000000e-01, v5;
	v3 =	vld [tilespmem:s0+$0xF060];
	[tilespmem:s18+$0xF070] =	vst v8;
	s18 =	smov.u32 s0  }
0x265: {  	[tilespmem:s18+$0xF000] =	vst v6;
	v4 =	vmul.f32 $1.250000000e-01, v4;
	v61 =	vld [tilespmem:s18+$0xF070]  }
0x266: {  	[tilespmem:s18+$0xF010] =	vst v5;
	v2 =	vmul.f32 $1.250000000e-01, v2  }
0x267: {  	[tilespmem:s18+$0xF020] =	vst v4;
	v0 =	vmul.f32 $1.250000000e-01, v0  }
.Ltmp25:
0x268: {  	[tilespmem:s18+$0xF030] =	vst v2;
	v1 =	vmul.f32 $1.250000000e-01, v1;
	(pc) =	sbr.rel .LBB2_40-.Ltmp25, $4  }
0x269: {  	[tilespmem:s18+$0xF040] =	vst v0;
	v62 =	vmul.f32 $1.250000000e-01, v3  }
0x26a: {  	[tilespmem:s18+$0xF050] =	vst v1;
	v63 =	vmul.f32 $1.250000000e-01, v61  }
0x26b: {  	[tilespmem:s18+$0xF060] =	vst v62  }
0x26c: {  	s1 =	simm.s32 $0xF000;
	[tilespmem:s18+$0xF070] =	vst v63;
	s18 =	smov.u32 s10  }
.LBB2_42:
0x26d: {  	_ =	sfence.sel $0x180000  }
0x26e: {  	[bflag:$0x0] =	sbarrier.arrive $0xFFFF  }
0x26f: {  	_ =	strace $0x90000047  }
0x270: {  	s0 =	stileid.u32;
	[bflag:$0x2] =	sbarrier.arrive $0xFFFF  }
0x271: {  	p0 =	sne.s32 s0, $0x0;
	s0 =	rddreg [dreg:$0x4]  }
0x272: {  	s0 =	sadd.s32 @!p0 $0x100000, s0  }
0x273: {  	[sflag:s0] =	ssyncadd.tile.s32 @!p0 $0x1;
	_ =	shalt  }
.Lfunc_end2:
_tile_overlayer_lowered:
.L_overlay_start_2:
0x274: {  	(tag) =	ssettag $0x2  }
0x275: {  	s0 =	rddreg [dreg:$0x0];
	s2 =	stileid.u32  }
0x276: {  	s1 =	rddreg [dreg:$0x1];
	p0 =	sne.s32 s2, $0x0  }
0x277: {  	s3 =	rddreg [dreg:$0x2];
	[bflag:$0x3] =	sbarrier.arrive $0xFFFF;
	s2 =	simm.s32 @!p0 $0x1C04  }
0x278: {  	[timem:s3], [sflag:s2] =	dma.local @!p0 [hbm:s0], s1  }
0x279: {  	s0 =	simm.s32 @!p0 $0x4  }
0x27a: {  	_ =	swait.ge @!p0 [sflag:s0], s1  }
0x27b: {  	s1 =	ssub.s32 @!p0 $0x0, s1;
	[sflag:s0] =	ssyncset.done @!p0 $0x0  }
0x27c: {  	[sflag:s0] =	ssyncadd.s32 @!p0 s1  }
0x27d: {  	[bflag:$0x3] =	sbarrier.arrive $0xFFFF  }
0x27e: {  	_ =	shalt  }

</sc_bundles>
